<compile_context>
chip_gen: v7x
topology: tpu7x:2x2x1
jax: 0.10.2.dev20260603
libtpu: 0.0.44.dev20260713+nightly
codegen_flags: <defaults>
</compile_context>

<pallas_src>
import functools
import jax
import jax.numpy as jnp
from jax import lax
from jax.experimental import pallas as pl
from jax.experimental.pallas import tpu as pltpu
from jax.experimental.pallas import tpu_sc as plsc

_N = 62
_F = 5
_H = 64
_C = 3
_E = _N * _N
_EP = 3856
_SP = 3968
_NF = _N * _F
_NH = _N * _H
_NTRIL = _N * (_N + 1) // 2
_NTRILP = 1968


def _sc_edge_body(rows_hbm, cols_hbm, wp_hbm, cflat_hbm, deg_hbm,
                  rows_v, cols_v, wp_v, deg_v, zero_v,
                  didx_v, dval_v, cidx_v, cval_v, deg_sh, c_sh):
    wid = lax.axis_index("s") * 2 + lax.axis_index("c")

    @pl.when(wid == 0)
    def _():
        pltpu.sync_copy(rows_hbm, rows_v)
        pltpu.sync_copy(cols_hbm, cols_v)
        pltpu.sync_copy(wp_hbm, wp_v)
        it = lax.iota(jnp.int32, 16)
        z16 = jnp.zeros((16,), jnp.float32)
        for k in range(4):
            deg_v[pl.ds(k * 16, 16)] = z16
        for k in range(_SP // 16):
            zero_v[pl.ds(k * 16, 16)] = z16

        def p1(i, carry):
            base = i * 16
            r = rows_v[pl.ds(base, 16)]
            c = cols_v[pl.ds(base, 16)]
            e = base + it
            ii = e // _N
            jj = e - ii * _N
            aa = jnp.maximum(ii, jj)
            bb = jnp.minimum(ii, jj)
            t = ((aa * (aa + 1)) >> 1) + bb
            w = plsc.load_gather(wp_v, [t])
            is_self = r == c
            valid = e < _E
            w_ns = jnp.where(is_self | ~valid, 0.0, w)
            row2 = i // 8
            off2 = (i - row2 * 8) * 16
            didx_v[row2, pl.ds(off2, 16)] = r
            dval_v[row2, pl.ds(off2, 16)] = jnp.abs(w_ns)
            cidx_v[row2, pl.ds(off2, 16)] = c * _N + r
            cval_v[row2, pl.ds(off2, 16)] = w_ns
            return carry

        lax.fori_loop(0, 241, p1, 0)
        for k in range(7):
            off = 16 + k * 16
            didx_v[30, pl.ds(off, 16)] = jnp.zeros((16,), jnp.int32)
            dval_v[30, pl.ds(off, 16)] = z16
            cidx_v[30, pl.ds(off, 16)] = jnp.zeros((16,), jnp.int32)
            cval_v[30, pl.ds(off, 16)] = z16

        pltpu.sync_copy(deg_v, deg_sh)
        pltpu.sync_copy(zero_v, c_sh)
        for j in range(31):
            pltpu.sync_copy(dval_v.at[j], deg_sh.at[didx_v.at[j]], add=True)
            pltpu.sync_copy(cval_v.at[j], c_sh.at[cidx_v.at[j]], add=True)

        pltpu.sync_copy(c_sh, cflat_hbm)
        pltpu.sync_copy(deg_sh, deg_v)
        pltpu.sync_copy(deg_v, deg_hbm)


_sc_edge = functools.partial(
    pl.kernel,
    out_type=(jax.ShapeDtypeStruct((_SP,), jnp.float32),
              jax.ShapeDtypeStruct((64,), jnp.float32)),
    mesh=plsc.VectorSubcoreMesh(core_axis_name="c", subcore_axis_name="s"),
    scratch_types=[
        pltpu.VMEM((_EP,), jnp.int32),
        pltpu.VMEM((_EP,), jnp.int32),
        pltpu.VMEM((_NTRILP,), jnp.float32),
        pltpu.VMEM((64,), jnp.float32),
        pltpu.VMEM((_SP,), jnp.float32),
        pltpu.VMEM((31, 128), jnp.int32),
        pltpu.VMEM((31, 128), jnp.float32),
        pltpu.VMEM((31, 128), jnp.int32),
        pltpu.VMEM((31, 128), jnp.float32),
        pltpu.VMEM_SHARED((64,), jnp.float32),
        pltpu.VMEM_SHARED((_SP,), jnp.float32),
    ],
    compiler_params=pltpu.CompilerParams(needs_layout_passes=False),
)(_sc_edge_body)


def _tc_kernel(ei_ref, wp_ref, cm_ref, degp_ref, degl_ref, w1_ref, b1_ref,
               w2_ref, b2_ref, x_ref, out_ref, a12_ref):
    @pl.when(pl.program_id(0) == 0)
    def _build():
        r = ei_ref[0:1, :]
        c = ei_ref[1:2, :]
        zrow = jnp.zeros((1, _N), jnp.float32)
        rows = []
        for i in range(_N):
            lo = i * (i + 1) // 2
            sl = wp_ref[0:1, lo:lo + i + 1]
            rows.append(sl if i == _N - 1
                        else jnp.concatenate([sl, zrow[:, :_N - 1 - i]],
                                             axis=1))
        tril = jnp.concatenate(rows, axis=0)
        eye = (lax.broadcasted_iota(jnp.int32, (_N, _N), 0)
               == lax.broadcasted_iota(jnp.int32, (_N, _N), 1)
               ).astype(jnp.float32)
        wm = tril + tril.T - tril * eye
        w = jnp.concatenate([wm[i:i + 1, :] for i in range(_N)], axis=1)

        nodes = lax.broadcasted_iota(jnp.int32, (_N, _E), 0)
        oh_r = r == nodes
        is_self = r == c
        e_iota = lax.broadcasted_iota(jnp.int32, (_N, _E), 1)
        self_at = oh_r & is_self
        e_sel = jnp.max(jnp.where(self_at, e_iota, -1), axis=1, keepdims=True)
        has_self = e_sel >= 0
        win = (e_iota == e_sel) & self_at
        self_val = jnp.sum(jnp.where(win, w, 0.0), axis=1, keepdims=True)
        loop_w = jnp.where(has_self, self_val, 1.0)

        deg_col = degp_ref[0:_N, 0:1] + jnp.abs(loop_w)
        dis_col = jnp.where(deg_col == 0.0, 0.0, lax.rsqrt(deg_col))
        deg_row = degl_ref[0:1, 0:_N] + jnp.abs(loop_w).T
        dis_row = jnp.where(deg_row == 0.0, 0.0, lax.rsqrt(deg_row))

        m = dis_col * cm_ref[...] * dis_row
        m = m + eye * (dis_col * dis_col * loop_w)
        m2 = jnp.dot(m, m, preferred_element_type=jnp.float32)

        sel_j = (lax.broadcasted_iota(jnp.int32, (_NF, _N), 0) // _F
                 == lax.broadcasted_iota(jnp.int32, (_NF, _N), 1)
                 ).astype(jnp.float32)
        sel_i = (lax.broadcasted_iota(jnp.int32, (_N, _NH), 0)
                 == lax.broadcasted_iota(jnp.int32, (_N, _NH), 1) // _H
                 ).astype(jnp.float32)
        d1 = jnp.dot(jnp.dot(sel_j, m2.T, preferred_element_type=jnp.float32),
                     sel_i, preferred_element_type=jnp.float32)
        sel_f = (lax.broadcasted_iota(jnp.int32, (_NF, _F), 0) % _F
                 == lax.broadcasted_iota(jnp.int32, (_NF, _F), 1)
                 ).astype(jnp.float32)
        sel_h = (lax.broadcasted_iota(jnp.int32, (_H, _NH), 0)
                 == lax.broadcasted_iota(jnp.int32, (_H, _NH), 1) % _H
                 ).astype(jnp.float32)
        d2 = jnp.dot(jnp.dot(sel_f, w1_ref[...],
                             preferred_element_type=jnp.float32),
                     sel_h, preferred_element_type=jnp.float32)
        a12_ref[...] = d1 * d2

    sel_h2 = (lax.broadcasted_iota(jnp.int32, (_NH, _H), 0) % _H
              == lax.broadcasted_iota(jnp.int32, (_NH, _H), 1)
              ).astype(jnp.float32)
    b1t = lax.dot_general(b1_ref[...], sel_h2, (((1,), (1,)), ((), ())),
                          preferred_element_type=jnp.float32)
    a3 = jnp.dot(sel_h2, w2_ref[...], preferred_element_type=jnp.float32)
    h = jnp.dot(x_ref[...], a12_ref[...], preferred_element_type=jnp.float32)
    h = jnp.maximum(h + b1t, 0.0)
    out_ref[...] = (jnp.dot(h, a3, preferred_element_type=jnp.float32)
                    + b2_ref[...])


def kernel(x, edge_index, edge_weight_param, W1, b1, W2, b2):
    B = x.shape[0]
    pad_e = _EP - _E
    rows_p = jnp.concatenate([edge_index[0], jnp.zeros((pad_e,), jnp.int32)])
    cols_p = jnp.concatenate([edge_index[1], jnp.ones((pad_e,), jnp.int32)])
    wp_p = jnp.concatenate([edge_weight_param,
                            jnp.zeros((_NTRILP - _NTRIL,), jnp.float32)])
    cflat, degp = _sc_edge(rows_p, cols_p, wp_p)
    cm = cflat[:_E].reshape(_N, _N)
    x2 = x.reshape(B, _NF)
    G = 1024
    out = pl.pallas_call(
        _tc_kernel,
        grid=(B // G,),
        in_specs=[
            pl.BlockSpec((2, _E), lambda i: (0, 0)),
            pl.BlockSpec((1, _NTRIL), lambda i: (0, 0)),
            pl.BlockSpec((_N, _N), lambda i: (0, 0)),
            pl.BlockSpec((64, 1), lambda i: (0, 0)),
            pl.BlockSpec((1, 64), lambda i: (0, 0)),
            pl.BlockSpec((_F, _H), lambda i: (0, 0)),
            pl.BlockSpec((1, _H), lambda i: (0, 0)),
            pl.BlockSpec((_H, _C), lambda i: (0, 0)),
            pl.BlockSpec((1, _C), lambda i: (0, 0)),
            pl.BlockSpec((G, _NF), lambda i: (i, 0)),
        ],
        out_specs=pl.BlockSpec((G, _C), lambda i: (i, 0)),
        out_shape=jax.ShapeDtypeStruct((B, _C), jnp.float32),
        scratch_shapes=[pltpu.VMEM((_NF, _NH), jnp.float32)],
    )(edge_index, edge_weight_param.reshape(1, _NTRIL), cm,
      degp.reshape(64, 1), degp.reshape(1, 64), W1, b1.reshape(1, _H),
      W2, b2.reshape(1, _C), x2)
    return out

# --- scband reference (transcript-rebuilt; emitter-appended) ---
"""Pipeline reference for scband-sym-sim-gcnnet-15719580303598 (READ-ONLY COPY).

The authoritative reference and input builder live on the scoring server;
editing this copy changes nothing except your own understanding.
"""

import jax, jax.numpy as jnp
import numpy as np

NUM_NODES = 62
NUM_FEATURES = 5
HIDDEN = 64
NUM_CLASSES = 3
K = 2
BATCH = 1024


def setup_inputs(seed: int = 0) -> dict:
    key = jax.random.key(seed)
    k1, k2, k3, k4, k5 = jax.random.split(key, 5)
    x = jax.random.normal(k1, (BATCH, NUM_NODES, NUM_FEATURES), dtype=jnp.float32)
    E = NUM_NODES * NUM_NODES
    edge_index = jax.random.randint(k2, (2, E), 0, NUM_NODES, dtype=jnp.int32)
    xs, ys = np.tril_indices(NUM_NODES)
    n_tril = xs.shape[0]
    edge_weight_param = jax.random.normal(k3, (n_tril,), dtype=jnp.float32) * 0.1
    W1 = jax.random.normal(k4, (NUM_FEATURES, HIDDEN), dtype=jnp.float32) * (1.0 / np.sqrt(NUM_FEATURES))
    b1 = jnp.zeros((HIDDEN,), dtype=jnp.float32)
    W2 = jax.random.normal(k5, (HIDDEN, NUM_CLASSES), dtype=jnp.float32) * (1.0 / np.sqrt(HIDDEN))
    b2 = jnp.zeros((NUM_CLASSES,), dtype=jnp.float32)
    return {"x": x, "edge_index": edge_index, "edge_weight_param": edge_weight_param,
            "W1": W1, "b1": b1, "W2": W2, "b2": b2}


def reference(x, edge_index, edge_weight_param, W1, b1, W2, b2):
    B = x.shape[0]
    N = B * NUM_NODES
    E = edge_index.shape[1]
    xs, ys = np.tril_indices(NUM_NODES)
    xf = x.reshape(-1, x.shape[-1])
    # append(): block-diagonal batched edge_index and graph-id vector
    offsets = (jnp.arange(B, dtype=edge_index.dtype) * NUM_NODES)
    ei = (edge_index[:, None, :] + offsets[None, :, None]).reshape(2, B * E)
    data_batch = jnp.repeat(jnp.arange(B), NUM_NODES)
    # symmetrize learned edge weights
    Wm = jnp.zeros((NUM_NODES, NUM_NODES), dtype=xf.dtype).at[xs, ys].set(edge_weight_param)
    Wm = Wm + Wm.T - jnp.diag(jnp.diag(Wm))
    ew = jnp.tile(Wm.reshape(-1), B)
    row, col = ei[0], ei[1]
    # add_remaining_self_loops (static-shape formulation):
    # existing self-loop edges have their weight moved into loop_weight and zeroed in place
    is_self = row == col
    loop_idx = jnp.arange(N, dtype=row.dtype)
    loop_weight = jnp.ones((N,), dtype=xf.dtype).at[jnp.where(is_self, row, N)].set(ew, mode='drop')
    ew_noself = jnp.where(is_self, jnp.zeros_like(ew), ew)
    rows2 = jnp.concatenate([row, loop_idx])
    cols2 = jnp.concatenate([col, loop_idx])
    w2 = jnp.concatenate([ew_noself, loop_weight])
    # NewSGConv.norm
    deg = jax.ops.segment_sum(jnp.abs(w2), rows2, num_segments=N)
    dis = jnp.where(deg == 0, jnp.zeros_like(deg), deg ** -0.5)
    norm = dis[rows2] * w2 * dis[cols2]
    # K propagation steps: x_i = sum_j norm_ij * x_j (aggregate at target=edge_index[1])
    h = xf
    for _ in range(K):
        h = jax.ops.segment_sum(norm[:, None] * h[rows2], cols2, num_segments=N)
    h = h @ W1 + b1
    h = jax.nn.relu(h)
    pooled = jax.ops.segment_sum(h, data_batch, num_segments=B)
    # dropout is identity in eval mode
    out = pooled @ W2 + b2
    return out

if __name__ == "__main__":
    import jax
    _d = setup_inputs()
    print(jax.jit(kernel)(*tuple(_d.values())))

</pallas_src>

<mosaic_0001>
#map = affine_map<(d0, d1) -> (0)>
module attributes {stable_mosaic.version = 14 : i64} {
  func.func @_sc_edge_body(%arg0: i32, %arg1: i32, %arg2: memref<3856xi32, #tpu.memory_space<hbm>>, %arg3: memref<3856xi32, #tpu.memory_space<hbm>>, %arg4: memref<1968xf32, #tpu.memory_space<hbm>>, %arg5: memref<3968xf32, #tpu.memory_space<hbm>>, %arg6: memref<64xf32, #tpu.memory_space<hbm>>, %arg7: memref<3856xi32, #tpu.memory_space<vmem>>, %arg8: memref<3856xi32, #tpu.memory_space<vmem>>, %arg9: memref<1968xf32, #tpu.memory_space<vmem>>, %arg10: memref<64xf32, #tpu.memory_space<vmem>>, %arg11: memref<3968xf32, #tpu.memory_space<vmem>>, %arg12: memref<31x128xi32, #tpu.memory_space<vmem>>, %arg13: memref<31x128xf32, #tpu.memory_space<vmem>>, %arg14: memref<31x128xi32, #tpu.memory_space<vmem>>, %arg15: memref<31x128xf32, #tpu.memory_space<vmem>>, %arg16: memref<64xf32, #tpu.memory_space<vmem_shared>>, %arg17: memref<3968xf32, #tpu.memory_space<vmem_shared>>) attributes {dimension_semantics = [#tpu.dimension_semantics<core_parallel>, #tpu.dimension_semantics<subcore_parallel>], iteration_bounds = array<i64: 2, 16>, scalar_prefetch = 0 : i64, scratch_operands = 11 : i64, tpu.core_type = #tpu.core_type<sc_vector_subcore>, window_params = [{transform_indices = #map}, {transform_indices = #map}, {transform_indices = #map}, {transform_indices = #map}, {transform_indices = #map}]} {
    %mul3A = arith.constant 2 : i32
    %mul3A_0 = arith.muli %arg1, %mul3A : i32
    %add3A = arith.addi %mul3A_0, %arg0 : i32
    %eq3A = arith.constant 0 : i32
    %eq3A_1 = arith.cmpi eq, %add3A, %eq3A : i32
    %convert_element_type3A = arith.extui %eq3A_1 : i1 to i32
    %cond3A = arith.constant 0 : i32
    %cond3A_2 = arith.cmpi ne, %convert_element_type3A, %cond3A : i32
    scf.if %cond3A_2 {
      "tpu.region"() ({
        %run_scoped3A_775 = tpu.sem_alloc : memref<!tpu.dma_semaphore, #tpu.memory_space<semaphore_mem>>
        tpu.enqueue_dma source(%arg2 : memref<3856xi32, #tpu.memory_space<hbm>>) target(%arg7 : memref<3856xi32, #tpu.memory_space<vmem>>) target_semaphore(%run_scoped3A_775 : memref<!tpu.dma_semaphore, #tpu.memory_space<semaphore_mem>>)
        tpu.wait_dma2 semaphore(%run_scoped3A_775 : memref<!tpu.dma_semaphore, #tpu.memory_space<semaphore_mem>>) src(%arg2 : memref<3856xi32, #tpu.memory_space<hbm>>) dst(%arg7 : memref<3856xi32, #tpu.memory_space<vmem>>)
        tpu.yield
      }) : () -> ()
      "tpu.region"() ({
        %run_scoped3A_775 = tpu.sem_alloc : memref<!tpu.dma_semaphore, #tpu.memory_space<semaphore_mem>>
        tpu.enqueue_dma source(%arg3 : memref<3856xi32, #tpu.memory_space<hbm>>) target(%arg8 : memref<3856xi32, #tpu.memory_space<vmem>>) target_semaphore(%run_scoped3A_775 : memref<!tpu.dma_semaphore, #tpu.memory_space<semaphore_mem>>)
        tpu.wait_dma2 semaphore(%run_scoped3A_775 : memref<!tpu.dma_semaphore, #tpu.memory_space<semaphore_mem>>) src(%arg3 : memref<3856xi32, #tpu.memory_space<hbm>>) dst(%arg8 : memref<3856xi32, #tpu.memory_space<vmem>>)
        tpu.yield
      }) : () -> ()
      "tpu.region"() ({
        %run_scoped3A_775 = tpu.sem_alloc : memref<!tpu.dma_semaphore, #tpu.memory_space<semaphore_mem>>
        tpu.enqueue_dma source(%arg4 : memref<1968xf32, #tpu.memory_space<hbm>>) target(%arg9 : memref<1968xf32, #tpu.memory_space<vmem>>) target_semaphore(%run_scoped3A_775 : memref<!tpu.dma_semaphore, #tpu.memory_space<semaphore_mem>>)
        tpu.wait_dma2 semaphore(%run_scoped3A_775 : memref<!tpu.dma_semaphore, #tpu.memory_space<semaphore_mem>>) src(%arg4 : memref<1968xf32, #tpu.memory_space<hbm>>) dst(%arg9 : memref<1968xf32, #tpu.memory_space<vmem>>)
        tpu.yield
      }) : () -> ()
      %iota3A = tpu.iota {dimensions = array<i32: 0>} : vector<16xi32>
      %broadcast_in_dim3A = arith.constant 0.000000e+00 : f32
      %broadcast_in_dim3A_3 = vector.broadcast %broadcast_in_dim3A : f32 to vector<16xf32>
      %swap3A = arith.constant 0 : index
      %swap3A_4 = tpu.vector_load %arg10[%swap3A] {strides = array<i32>} : memref<64xf32, #tpu.memory_space<vmem>>, vector<16xf32>,
      tpu.vector_store %arg10[%swap3A], %broadcast_in_dim3A_3 {strides = array<i32>} : memref<64xf32, #tpu.memory_space<vmem>>, vector<16xf32>,
      %swap3A_5 = arith.constant 16 : index
      %swap3A_6 = tpu.vector_load %arg10[%swap3A_5] {strides = array<i32>} : memref<64xf32, #tpu.memory_space<vmem>>, vector<16xf32>,
      tpu.vector_store %arg10[%swap3A_5], %broadcast_in_dim3A_3 {strides = array<i32>} : memref<64xf32, #tpu.memory_space<vmem>>, vector<16xf32>,
      %swap3A_7 = arith.constant 32 : index
      %swap3A_8 = tpu.vector_load %arg10[%swap3A_7] {strides = array<i32>} : memref<64xf32, #tpu.memory_space<vmem>>, vector<16xf32>,
      tpu.vector_store %arg10[%swap3A_7], %broadcast_in_dim3A_3 {strides = array<i32>} : memref<64xf32, #tpu.memory_space<vmem>>, vector<16xf32>,
      %swap3A_9 = arith.constant 48 : index
      %swap3A_10 = tpu.vector_load %arg10[%swap3A_9] {strides = array<i32>} : memref<64xf32, #tpu.memory_space<vmem>>, vector<16xf32>,
      tpu.vector_store %arg10[%swap3A_9], %broadcast_in_dim3A_3 {strides = array<i32>} : memref<64xf32, #tpu.memory_space<vmem>>, vector<16xf32>,
      %swap3A_11 = arith.constant 0 : index
      %swap3A_12 = tpu.vector_load %arg11[%swap3A_11] {strides = array<i32>} : memref<3968xf32, #tpu.memory_space<vmem>>, vector<16xf32>,
      tpu.vector_store %arg11[%swap3A_11], %broadcast_in_dim3A_3 {strides = array<i32>} : memref<3968xf32, #tpu.memory_space<vmem>>, vector<16xf32>,
      %swap3A_13 = arith.constant 16 : index
      %swap3A_14 = tpu.vector_load %arg11[%swap3A_13] {strides = array<i32>} : memref<3968xf32, #tpu.memory_space<vmem>>, vector<16xf32>,
      tpu.vector_store %arg11[%swap3A_13], %broadcast_in_dim3A_3 {strides = array<i32>} : memref<3968xf32, #tpu.memory_space<vmem>>, vector<16xf32>,
      %swap3A_15 = arith.constant 32 : index
      %swap3A_16 = tpu.vector_load %arg11[%swap3A_15] {strides = array<i32>} : memref<3968xf32, #tpu.memory_space<vmem>>, vector<16xf32>,
      tpu.vector_store %arg11[%swap3A_15], %broadcast_in_dim3A_3 {strides = array<i32>} : memref<3968xf32, #tpu.memory_space<vmem>>, vector<16xf32>,
      %swap3A_17 = arith.constant 48 : index
      %swap3A_18 = tpu.vector_load %arg11[%swap3A_17] {strides = array<i32>} : memref<3968xf32, #tpu.memory_space<vmem>>, vector<16xf32>,
      tpu.vector_store %arg11[%swap3A_17], %broadcast_in_dim3A_3 {strides = array<i32>} : memref<3968xf32, #tpu.memory_space<vmem>>, vector<16xf32>,
      %swap3A_19 = arith.constant 64 : index
      %swap3A_20 = tpu.vector_load %arg11[%swap3A_19] {strides = array<i32>} : memref<3968xf32, #tpu.memory_space<vmem>>, vector<16xf32>,
      tpu.vector_store %arg11[%swap3A_19], %broadcast_in_dim3A_3 {strides = array<i32>} : memref<3968xf32, #tpu.memory_space<vmem>>, vector<16xf32>,
      %swap3A_21 = arith.constant 80 : index
      %swap3A_22 = tpu.vector_load %arg11[%swap3A_21] {strides = array<i32>} : memref<3968xf32, #tpu.memory_space<vmem>>, vector<16xf32>,
      tpu.vector_store %arg11[%swap3A_21], %broadcast_in_dim3A_3 {strides = array<i32>} : memref<3968xf32, #tpu.memory_space<vmem>>, vector<16xf32>,
      %swap3A_23 = arith.constant 96 : index
      %swap3A_24 = tpu.vector_load %arg11[%swap3A_23] {strides = array<i32>} : memref<3968xf32, #tpu.memory_space<vmem>>, vector<16xf32>,
      tpu.vector_store %arg11[%swap3A_23], %broadcast_in_dim3A_3 {strides = array<i32>} : memref<3968xf32, #tpu.memory_space<vmem>>, vector<16xf32>,
      %swap3A_25 = arith.constant 112 : index
      %swap3A_26 = tpu.vector_load %arg11[%swap3A_25] {strides = array<i32>} : memref<3968xf32, #tpu.memory_space<vmem>>, vector<16xf32>,
      tpu.vector_store %arg11[%swap3A_25], %broadcast_in_dim3A_3 {strides = array<i32>} : memref<3968xf32, #tpu.memory_space<vmem>>, vector<16xf32>,
      %swap3A_27 = arith.constant 128 : index
      %swap3A_28 = tpu.vector_load %arg11[%swap3A_27] {strides = array<i32>} : memref<3968xf32, #tpu.memory_space<vmem>>, vector<16xf32>,
      tpu.vector_store %arg11[%swap3A_27], %broadcast_in_dim3A_3 {strides = array<i32>} : memref<3968xf32, #tpu.memory_space<vmem>>, vector<16xf32>,
      %swap3A_29 = arith.constant 144 : index
      %swap3A_30 = tpu.vector_load %arg11[%swap3A_29] {strides = array<i32>} : memref<3968xf32, #tpu.memory_space<vmem>>, vector<16xf32>,
      tpu.vector_store %arg11[%swap3A_29], %broadcast_in_dim3A_3 {strides = array<i32>} : memref<3968xf32, #tpu.memory_space<vmem>>, vector<16xf32>,
      %swap3A_31 = arith.constant 160 : index
      %swap3A_32 = tpu.vector_load %arg11[%swap3A_31] {strides = array<i32>} : memref<3968xf32, #tpu.memory_space<vmem>>, vector<16xf32>,
      tpu.vector_store %arg11[%swap3A_31], %broadcast_in_dim3A_3 {strides = array<i32>} : memref<3968xf32, #tpu.memory_space<vmem>>, vector<16xf32>,
      %swap3A_33 = arith.constant 176 : index
      %swap3A_34 = tpu.vector_load %arg11[%swap3A_33] {strides = array<i32>} : memref<3968xf32, #tpu.memory_space<vmem>>, vector<16xf32>,
      tpu.vector_store %arg11[%swap3A_33], %broadcast_in_dim3A_3 {strides = array<i32>} : memref<3968xf32, #tpu.memory_space<vmem>>, vector<16xf32>,
      %swap3A_35 = arith.constant 192 : index
      %swap3A_36 = tpu.vector_load %arg11[%swap3A_35] {strides = array<i32>} : memref<3968xf32, #tpu.memory_space<vmem>>, vector<16xf32>,
      tpu.vector_store %arg11[%swap3A_35], %broadcast_in_dim3A_3 {strides = array<i32>} : memref<3968xf32, #tpu.memory_space<vmem>>, vector<16xf32>,
      %swap3A_37 = arith.constant 208 : index
      %swap3A_38 = tpu.vector_load %arg11[%swap3A_37] {strides = array<i32>} : memref<3968xf32, #tpu.memory_space<vmem>>, vector<16xf32>,
      tpu.vector_store %arg11[%swap3A_37], %broadcast_in_dim3A_3 {strides = array<i32>} : memref<3968xf32, #tpu.memory_space<vmem>>, vector<16xf32>,
      %swap3A_39 = arith.constant 224 : index
      %swap3A_40 = tpu.vector_load %arg11[%swap3A_39] {strides = array<i32>} : memref<3968xf32, #tpu.memory_space<vmem>>, vector<16xf32>,
      tpu.vector_store %arg11[%swap3A_39], %broadcast_in_dim3A_3 {strides = array<i32>} : memref<3968xf32, #tpu.memory_space<vmem>>, vector<16xf32>,
      %swap3A_41 = arith.constant 240 : index
      %swap3A_42 = tpu.vector_load %arg11[%swap3A_41] {strides = array<i32>} : memref<3968xf32, #tpu.memory_space<vmem>>, vector<16xf32>,
      tpu.vector_store %arg11[%swap3A_41], %broadcast_in_dim3A_3 {strides = array<i32>} : memref<3968xf32, #tpu.memory_space<vmem>>, vector<16xf32>,
      %swap3A_43 = arith.constant 256 : index
      %swap3A_44 = tpu.vector_load %arg11[%swap3A_43] {strides = array<i32>} : memref<3968xf32, #tpu.memory_space<vmem>>, vector<16xf32>,
      tpu.vector_store %arg11[%swap3A_43], %broadcast_in_dim3A_3 {strides = array<i32>} : memref<3968xf32, #tpu.memory_space<vmem>>, vector<16xf32>,
      %swap3A_45 = arith.constant 272 : index
      %swap3A_46 = tpu.vector_load %arg11[%swap3A_45] {strides = array<i32>} : memref<3968xf32, #tpu.memory_space<vmem>>, vector<16xf32>,
      tpu.vector_store %arg11[%swap3A_45], %broadcast_in_dim3A_3 {strides = array<i32>} : memref<3968xf32, #tpu.memory_space<vmem>>, vector<16xf32>,
      %swap3A_47 = arith.constant 288 : index
      %swap3A_48 = tpu.vector_load %arg11[%swap3A_47] {strides = array<i32>} : memref<3968xf32, #tpu.memory_space<vmem>>, vector<16xf32>,
      tpu.vector_store %arg11[%swap3A_47], %broadcast_in_dim3A_3 {strides = array<i32>} : memref<3968xf32, #tpu.memory_space<vmem>>, vector<16xf32>,
      %swap3A_49 = arith.constant 304 : index
      %swap3A_50 = tpu.vector_load %arg11[%swap3A_49] {strides = array<i32>} : memref<3968xf32, #tpu.memory_space<vmem>>, vector<16xf32>,
      tpu.vector_store %arg11[%swap3A_49], %broadcast_in_dim3A_3 {strides = array<i32>} : memref<3968xf32, #tpu.memory_space<vmem>>, vector<16xf32>,
      %swap3A_51 = arith.constant 320 : index
      %swap3A_52 = tpu.vector_load %arg11[%swap3A_51] {strides = array<i32>} : memref<3968xf32, #tpu.memory_space<vmem>>, vector<16xf32>,
      tpu.vector_store %arg11[%swap3A_51], %broadcast_in_dim3A_3 {strides = array<i32>} : memref<3968xf32, #tpu.memory_space<vmem>>, vector<16xf32>,
      %swap3A_53 = arith.constant 336 : index
      %swap3A_54 = tpu.vector_load %arg11[%swap3A_53] {strides = array<i32>} : memref<3968xf32, #tpu.memory_space<vmem>>, vector<16xf32>,
      tpu.vector_store %arg11[%swap3A_53], %broadcast_in_dim3A_3 {strides = array<i32>} : memref<3968xf32, #tpu.memory_space<vmem>>, vector<16xf32>,
      %swap3A_55 = arith.constant 352 : index
      %swap3A_56 = tpu.vector_load %arg11[%swap3A_55] {strides = array<i32>} : memref<3968xf32, #tpu.memory_space<vmem>>, vector<16xf32>,
      tpu.vector_store %arg11[%swap3A_55], %broadcast_in_dim3A_3 {strides = array<i32>} : memref<3968xf32, #tpu.memory_space<vmem>>, vector<16xf32>,
      %swap3A_57 = arith.constant 368 : index
      %swap3A_58 = tpu.vector_load %arg11[%swap3A_57] {strides = array<i32>} : memref<3968xf32, #tpu.memory_space<vmem>>, vector<16xf32>,
      tpu.vector_store %arg11[%swap3A_57], %broadcast_in_dim3A_3 {strides = array<i32>} : memref<3968xf32, #tpu.memory_space<vmem>>, vector<16xf32>,
      %swap3A_59 = arith.constant 384 : index
      %swap3A_60 = tpu.vector_load %arg11[%swap3A_59] {strides = array<i32>} : memref<3968xf32, #tpu.memory_space<vmem>>, vector<16xf32>,
      tpu.vector_store %arg11[%swap3A_59], %broadcast_in_dim3A_3 {strides = array<i32>} : memref<3968xf32, #tpu.memory_space<vmem>>, vector<16xf32>,
      %swap3A_61 = arith.constant 400 : index
      %swap3A_62 = tpu.vector_load %arg11[%swap3A_61] {strides = array<i32>} : memref<3968xf32, #tpu.memory_space<vmem>>, vector<16xf32>,
      tpu.vector_store %arg11[%swap3A_61], %broadcast_in_dim3A_3 {strides = array<i32>} : memref<3968xf32, #tpu.memory_space<vmem>>, vector<16xf32>,
      %swap3A_63 = arith.constant 416 : index
      %swap3A_64 = tpu.vector_load %arg11[%swap3A_63] {strides = array<i32>} : memref<3968xf32, #tpu.memory_space<vmem>>, vector<16xf32>,
      tpu.vector_store %arg11[%swap3A_63], %broadcast_in_dim3A_3 {strides = array<i32>} : memref<3968xf32, #tpu.memory_space<vmem>>, vector<16xf32>,
      %swap3A_65 = arith.constant 432 : index
      %swap3A_66 = tpu.vector_load %arg11[%swap3A_65] {strides = array<i32>} : memref<3968xf32, #tpu.memory_space<vmem>>, vector<16xf32>,
      tpu.vector_store %arg11[%swap3A_65], %broadcast_in_dim3A_3 {strides = array<i32>} : memref<3968xf32, #tpu.memory_space<vmem>>, vector<16xf32>,
      %swap3A_67 = arith.constant 448 : index
      %swap3A_68 = tpu.vector_load %arg11[%swap3A_67] {strides = array<i32>} : memref<3968xf32, #tpu.memory_space<vmem>>, vector<16xf32>,
      tpu.vector_store %arg11[%swap3A_67], %broadcast_in_dim3A_3 {strides = array<i32>} : memref<3968xf32, #tpu.memory_space<vmem>>, vector<16xf32>,
      %swap3A_69 = arith.constant 464 : index
      %swap3A_70 = tpu.vector_load %arg11[%swap3A_69] {strides = array<i32>} : memref<3968xf32, #tpu.memory_space<vmem>>, vector<16xf32>,
      tpu.vector_store %arg11[%swap3A_69], %broadcast_in_dim3A_3 {strides = array<i32>} : memref<3968xf32, #tpu.memory_space<vmem>>, vector<16xf32>,
      %swap3A_71 = arith.constant 480 : index
      %swap3A_72 = tpu.vector_load %arg11[%swap3A_71] {strides = array<i32>} : memref<3968xf32, #tpu.memory_space<vmem>>, vector<16xf32>,
      tpu.vector_store %arg11[%swap3A_71], %broadcast_in_dim3A_3 {strides = array<i32>} : memref<3968xf32, #tpu.memory_space<vmem>>, vector<16xf32>,
      %swap3A_73 = arith.constant 496 : index
      %swap3A_74 = tpu.vector_load %arg11[%swap3A_73] {strides = array<i32>} : memref<3968xf32, #tpu.memory_space<vmem>>, vector<16xf32>,
      tpu.vector_store %arg11[%swap3A_73], %broadcast_in_dim3A_3 {strides = array<i32>} : memref<3968xf32, #tpu.memory_space<vmem>>, vector<16xf32>,
      %swap3A_75 = arith.constant 512 : index
      %swap3A_76 = tpu.vector_load %arg11[%swap3A_75] {strides = array<i32>} : memref<3968xf32, #tpu.memory_space<vmem>>, vector<16xf32>,
      tpu.vector_store %arg11[%swap3A_75], %broadcast_in_dim3A_3 {strides = array<i32>} : memref<3968xf32, #tpu.memory_space<vmem>>, vector<16xf32>,
      %swap3A_77 = arith.constant 528 : index
      %swap3A_78 = tpu.vector_load %arg11[%swap3A_77] {strides = array<i32>} : memref<3968xf32, #tpu.memory_space<vmem>>, vector<16xf32>,
      tpu.vector_store %arg11[%swap3A_77], %broadcast_in_dim3A_3 {strides = array<i32>} : memref<3968xf32, #tpu.memory_space<vmem>>, vector<16xf32>,
      %swap3A_79 = arith.constant 544 : index
      %swap3A_80 = tpu.vector_load %arg11[%swap3A_79] {strides = array<i32>} : memref<3968xf32, #tpu.memory_space<vmem>>, vector<16xf32>,
      tpu.vector_store %arg11[%swap3A_79], %broadcast_in_dim3A_3 {strides = array<i32>} : memref<3968xf32, #tpu.memory_space<vmem>>, vector<16xf32>,
      %swap3A_81 = arith.constant 560 : index
      %swap3A_82 = tpu.vector_load %arg11[%swap3A_81] {strides = array<i32>} : memref<3968xf32, #tpu.memory_space<vmem>>, vector<16xf32>,
      tpu.vector_store %arg11[%swap3A_81], %broadcast_in_dim3A_3 {strides = array<i32>} : memref<3968xf32, #tpu.memory_space<vmem>>, vector<16xf32>,
      %swap3A_83 = arith.constant 576 : index
      %swap3A_84 = tpu.vector_load %arg11[%swap3A_83] {strides = array<i32>} : memref<3968xf32, #tpu.memory_space<vmem>>, vector<16xf32>,
      tpu.vector_store %arg11[%swap3A_83], %broadcast_in_dim3A_3 {strides = array<i32>} : memref<3968xf32, #tpu.memory_space<vmem>>, vector<16xf32>,
      %swap3A_85 = arith.constant 592 : index
      %swap3A_86 = tpu.vector_load %arg11[%swap3A_85] {strides = array<i32>} : memref<3968xf32, #tpu.memory_space<vmem>>, vector<16xf32>,
      tpu.vector_store %arg11[%swap3A_85], %broadcast_in_dim3A_3 {strides = array<i32>} : memref<3968xf32, #tpu.memory_space<vmem>>, vector<16xf32>,
      %swap3A_87 = arith.constant 608 : index
      %swap3A_88 = tpu.vector_load %arg11[%swap3A_87] {strides = array<i32>} : memref<3968xf32, #tpu.memory_space<vmem>>, vector<16xf32>,
      tpu.vector_store %arg11[%swap3A_87], %broadcast_in_dim3A_3 {strides = array<i32>} : memref<3968xf32, #tpu.memory_space<vmem>>, vector<16xf32>,
      %swap3A_89 = arith.constant 624 : index
      %swap3A_90 = tpu.vector_load %arg11[%swap3A_89] {strides = array<i32>} : memref<3968xf32, #tpu.memory_space<vmem>>, vector<16xf32>,
      tpu.vector_store %arg11[%swap3A_89], %broadcast_in_dim3A_3 {strides = array<i32>} : memref<3968xf32, #tpu.memory_space<vmem>>, vector<16xf32>,
      %swap3A_91 = arith.constant 640 : index
      %swap3A_92 = tpu.vector_load %arg11[%swap3A_91] {strides = array<i32>} : memref<3968xf32, #tpu.memory_space<vmem>>, vector<16xf32>,
      tpu.vector_store %arg11[%swap3A_91], %broadcast_in_dim3A_3 {strides = array<i32>} : memref<3968xf32, #tpu.memory_space<vmem>>, vector<16xf32>,
      %swap3A_93 = arith.constant 656 : index
      %swap3A_94 = tpu.vector_load %arg11[%swap3A_93] {strides = array<i32>} : memref<3968xf32, #tpu.memory_space<vmem>>, vector<16xf32>,
      tpu.vector_store %arg11[%swap3A_93], %broadcast_in_dim3A_3 {strides = array<i32>} : memref<3968xf32, #tpu.memory_space<vmem>>, vector<16xf32>,
      %swap3A_95 = arith.constant 672 : index
      %swap3A_96 = tpu.vector_load %arg11[%swap3A_95] {strides = array<i32>} : memref<3968xf32, #tpu.memory_space<vmem>>, vector<16xf32>,
      tpu.vector_store %arg11[%swap3A_95], %broadcast_in_dim3A_3 {strides = array<i32>} : memref<3968xf32, #tpu.memory_space<vmem>>, vector<16xf32>,
      %swap3A_97 = arith.constant 688 : index
      %swap3A_98 = tpu.vector_load %arg11[%swap3A_97] {strides = array<i32>} : memref<3968xf32, #tpu.memory_space<vmem>>, vector<16xf32>,
      tpu.vector_store %arg11[%swap3A_97], %broadcast_in_dim3A_3 {strides = array<i32>} : memref<3968xf32, #tpu.memory_space<vmem>>, vector<16xf32>,
      %swap3A_99 = arith.constant 704 : index
      %swap3A_100 = tpu.vector_load %arg11[%swap3A_99] {strides = array<i32>} : memref<3968xf32, #tpu.memory_space<vmem>>, vector<16xf32>,
      tpu.vector_store %arg11[%swap3A_99], %broadcast_in_dim3A_3 {strides = array<i32>} : memref<3968xf32, #tpu.memory_space<vmem>>, vector<16xf32>,
      %swap3A_101 = arith.constant 720 : index
      %swap3A_102 = tpu.vector_load %arg11[%swap3A_101] {strides = array<i32>} : memref<3968xf32, #tpu.memory_space<vmem>>, vector<16xf32>,
      tpu.vector_store %arg11[%swap3A_101], %broadcast_in_dim3A_3 {strides = array<i32>} : memref<3968xf32, #tpu.memory_space<vmem>>, vector<16xf32>,
      %swap3A_103 = arith.constant 736 : index
      %swap3A_104 = tpu.vector_load %arg11[%swap3A_103] {strides = array<i32>} : memref<3968xf32, #tpu.memory_space<vmem>>, vector<16xf32>,
      tpu.vector_store %arg11[%swap3A_103], %broadcast_in_dim3A_3 {strides = array<i32>} : memref<3968xf32, #tpu.memory_space<vmem>>, vector<16xf32>,
      %swap3A_105 = arith.constant 752 : index
      %swap3A_106 = tpu.vector_load %arg11[%swap3A_105] {strides = array<i32>} : memref<3968xf32, #tpu.memory_space<vmem>>, vector<16xf32>,
      tpu.vector_store %arg11[%swap3A_105], %broadcast_in_dim3A_3 {strides = array<i32>} : memref<3968xf32, #tpu.memory_space<vmem>>, vector<16xf32>,
      %swap3A_107 = arith.constant 768 : index
      %swap3A_108 = tpu.vector_load %arg11[%swap3A_107] {strides = array<i32>} : memref<3968xf32, #tpu.memory_space<vmem>>, vector<16xf32>,
      tpu.vector_store %arg11[%swap3A_107], %broadcast_in_dim3A_3 {strides = array<i32>} : memref<3968xf32, #tpu.memory_space<vmem>>, vector<16xf32>,
      %swap3A_109 = arith.constant 784 : index
      %swap3A_110 = tpu.vector_load %arg11[%swap3A_109] {strides = array<i32>} : memref<3968xf32, #tpu.memory_space<vmem>>, vector<16xf32>,
      tpu.vector_store %arg11[%swap3A_109], %broadcast_in_dim3A_3 {strides = array<i32>} : memref<3968xf32, #tpu.memory_space<vmem>>, vector<16xf32>,
      %swap3A_111 = arith.constant 800 : index
      %swap3A_112 = tpu.vector_load %arg11[%swap3A_111] {strides = array<i32>} : memref<3968xf32, #tpu.memory_space<vmem>>, vector<16xf32>,
      tpu.vector_store %arg11[%swap3A_111], %broadcast_in_dim3A_3 {strides = array<i32>} : memref<3968xf32, #tpu.memory_space<vmem>>, vector<16xf32>,
      %swap3A_113 = arith.constant 816 : index
      %swap3A_114 = tpu.vector_load %arg11[%swap3A_113] {strides = array<i32>} : memref<3968xf32, #tpu.memory_space<vmem>>, vector<16xf32>,
      tpu.vector_store %arg11[%swap3A_113], %broadcast_in_dim3A_3 {strides = array<i32>} : memref<3968xf32, #tpu.memory_space<vmem>>, vector<16xf32>,
      %swap3A_115 = arith.constant 832 : index
      %swap3A_116 = tpu.vector_load %arg11[%swap3A_115] {strides = array<i32>} : memref<3968xf32, #tpu.memory_space<vmem>>, vector<16xf32>,
      tpu.vector_store %arg11[%swap3A_115], %broadcast_in_dim3A_3 {strides = array<i32>} : memref<3968xf32, #tpu.memory_space<vmem>>, vector<16xf32>,
      %swap3A_117 = arith.constant 848 : index
      %swap3A_118 = tpu.vector_load %arg11[%swap3A_117] {strides = array<i32>} : memref<3968xf32, #tpu.memory_space<vmem>>, vector<16xf32>,
      tpu.vector_store %arg11[%swap3A_117], %broadcast_in_dim3A_3 {strides = array<i32>} : memref<3968xf32, #tpu.memory_space<vmem>>, vector<16xf32>,
      %swap3A_119 = arith.constant 864 : index
      %swap3A_120 = tpu.vector_load %arg11[%swap3A_119] {strides = array<i32>} : memref<3968xf32, #tpu.memory_space<vmem>>, vector<16xf32>,
      tpu.vector_store %arg11[%swap3A_119], %broadcast_in_dim3A_3 {strides = array<i32>} : memref<3968xf32, #tpu.memory_space<vmem>>, vector<16xf32>,
      %swap3A_121 = arith.constant 880 : index
      %swap3A_122 = tpu.vector_load %arg11[%swap3A_121] {strides = array<i32>} : memref<3968xf32, #tpu.memory_space<vmem>>, vector<16xf32>,
      tpu.vector_store %arg11[%swap3A_121], %broadcast_in_dim3A_3 {strides = array<i32>} : memref<3968xf32, #tpu.memory_space<vmem>>, vector<16xf32>,
      %swap3A_123 = arith.constant 896 : index
      %swap3A_124 = tpu.vector_load %arg11[%swap3A_123] {strides = array<i32>} : memref<3968xf32, #tpu.memory_space<vmem>>, vector<16xf32>,
      tpu.vector_store %arg11[%swap3A_123], %broadcast_in_dim3A_3 {strides = array<i32>} : memref<3968xf32, #tpu.memory_space<vmem>>, vector<16xf32>,
      %swap3A_125 = arith.constant 912 : index
      %swap3A_126 = tpu.vector_load %arg11[%swap3A_125] {strides = array<i32>} : memref<3968xf32, #tpu.memory_space<vmem>>, vector<16xf32>,
      tpu.vector_store %arg11[%swap3A_125], %broadcast_in_dim3A_3 {strides = array<i32>} : memref<3968xf32, #tpu.memory_space<vmem>>, vector<16xf32>,
      %swap3A_127 = arith.constant 928 : index
      %swap3A_128 = tpu.vector_load %arg11[%swap3A_127] {strides = array<i32>} : memref<3968xf32, #tpu.memory_space<vmem>>, vector<16xf32>,
      tpu.vector_store %arg11[%swap3A_127], %broadcast_in_dim3A_3 {strides = array<i32>} : memref<3968xf32, #tpu.memory_space<vmem>>, vector<16xf32>,
      %swap3A_129 = arith.constant 944 : index
      %swap3A_130 = tpu.vector_load %arg11[%swap3A_129] {strides = array<i32>} : memref<3968xf32, #tpu.memory_space<vmem>>, vector<16xf32>,
      tpu.vector_store %arg11[%swap3A_129], %broadcast_in_dim3A_3 {strides = array<i32>} : memref<3968xf32, #tpu.memory_space<vmem>>, vector<16xf32>,
      %swap3A_131 = arith.constant 960 : index
      %swap3A_132 = tpu.vector_load %arg11[%swap3A_131] {strides = array<i32>} : memref<3968xf32, #tpu.memory_space<vmem>>, vector<16xf32>,
      tpu.vector_store %arg11[%swap3A_131], %broadcast_in_dim3A_3 {strides = array<i32>} : memref<3968xf32, #tpu.memory_space<vmem>>, vector<16xf32>,
      %swap3A_133 = arith.constant 976 : index
      %swap3A_134 = tpu.vector_load %arg11[%swap3A_133] {strides = array<i32>} : memref<3968xf32, #tpu.memory_space<vmem>>, vector<16xf32>,
      tpu.vector_store %arg11[%swap3A_133], %broadcast_in_dim3A_3 {strides = array<i32>} : memref<3968xf32, #tpu.memory_space<vmem>>, vector<16xf32>,
      %swap3A_135 = arith.constant 992 : index
      %swap3A_136 = tpu.vector_load %arg11[%swap3A_135] {strides = array<i32>} : memref<3968xf32, #tpu.memory_space<vmem>>, vector<16xf32>,
      tpu.vector_store %arg11[%swap3A_135], %broadcast_in_dim3A_3 {strides = array<i32>} : memref<3968xf32, #tpu.memory_space<vmem>>, vector<16xf32>,
      %swap3A_137 = arith.constant 1008 : index
      %swap3A_138 = tpu.vector_load %arg11[%swap3A_137] {strides = array<i32>} : memref<3968xf32, #tpu.memory_space<vmem>>, vector<16xf32>,
      tpu.vector_store %arg11[%swap3A_137], %broadcast_in_dim3A_3 {strides = array<i32>} : memref<3968xf32, #tpu.memory_space<vmem>>, vector<16xf32>,
      %swap3A_139 = arith.constant 1024 : index
      %swap3A_140 = tpu.vector_load %arg11[%swap3A_139] {strides = array<i32>} : memref<3968xf32, #tpu.memory_space<vmem>>, vector<16xf32>,
      tpu.vector_store %arg11[%swap3A_139], %broadcast_in_dim3A_3 {strides = array<i32>} : memref<3968xf32, #tpu.memory_space<vmem>>, vector<16xf32>,
      %swap3A_141 = arith.constant 1040 : index
      %swap3A_142 = tpu.vector_load %arg11[%swap3A_141] {strides = array<i32>} : memref<3968xf32, #tpu.memory_space<vmem>>, vector<16xf32>,
      tpu.vector_store %arg11[%swap3A_141], %broadcast_in_dim3A_3 {strides = array<i32>} : memref<3968xf32, #tpu.memory_space<vmem>>, vector<16xf32>,
      %swap3A_143 = arith.constant 1056 : index
      %swap3A_144 = tpu.vector_load %arg11[%swap3A_143] {strides = array<i32>} : memref<3968xf32, #tpu.memory_space<vmem>>, vector<16xf32>,
      tpu.vector_store %arg11[%swap3A_143], %broadcast_in_dim3A_3 {strides = array<i32>} : memref<3968xf32, #tpu.memory_space<vmem>>, vector<16xf32>,
      %swap3A_145 = arith.constant 1072 : index
      %swap3A_146 = tpu.vector_load %arg11[%swap3A_145] {strides = array<i32>} : memref<3968xf32, #tpu.memory_space<vmem>>, vector<16xf32>,
      tpu.vector_store %arg11[%swap3A_145], %broadcast_in_dim3A_3 {strides = array<i32>} : memref<3968xf32, #tpu.memory_space<vmem>>, vector<16xf32>,
      %swap3A_147 = arith.constant 1088 : index
      %swap3A_148 = tpu.vector_load %arg11[%swap3A_147] {strides = array<i32>} : memref<3968xf32, #tpu.memory_space<vmem>>, vector<16xf32>,
      tpu.vector_store %arg11[%swap3A_147], %broadcast_in_dim3A_3 {strides = array<i32>} : memref<3968xf32, #tpu.memory_space<vmem>>, vector<16xf32>,
      %swap3A_149 = arith.constant 1104 : index
      %swap3A_150 = tpu.vector_load %arg11[%swap3A_149] {strides = array<i32>} : memref<3968xf32, #tpu.memory_space<vmem>>, vector<16xf32>,
      tpu.vector_store %arg11[%swap3A_149], %broadcast_in_dim3A_3 {strides = array<i32>} : memref<3968xf32, #tpu.memory_space<vmem>>, vector<16xf32>,
      %swap3A_151 = arith.constant 1120 : index
      %swap3A_152 = tpu.vector_load %arg11[%swap3A_151] {strides = array<i32>} : memref<3968xf32, #tpu.memory_space<vmem>>, vector<16xf32>,
      tpu.vector_store %arg11[%swap3A_151], %broadcast_in_dim3A_3 {strides = array<i32>} : memref<3968xf32, #tpu.memory_space<vmem>>, vector<16xf32>,
      %swap3A_153 = arith.constant 1136 : index
      %swap3A_154 = tpu.vector_load %arg11[%swap3A_153] {strides = array<i32>} : memref<3968xf32, #tpu.memory_space<vmem>>, vector<16xf32>,
      tpu.vector_store %arg11[%swap3A_153], %broadcast_in_dim3A_3 {strides = array<i32>} : memref<3968xf32, #tpu.memory_space<vmem>>, vector<16xf32>,
      %swap3A_155 = arith.constant 1152 : index
      %swap3A_156 = tpu.vector_load %arg11[%swap3A_155] {strides = array<i32>} : memref<3968xf32, #tpu.memory_space<vmem>>, vector<16xf32>,
      tpu.vector_store %arg11[%swap3A_155], %broadcast_in_dim3A_3 {strides = array<i32>} : memref<3968xf32, #tpu.memory_space<vmem>>, vector<16xf32>,
      %swap3A_157 = arith.constant 1168 : index
      %swap3A_158 = tpu.vector_load %arg11[%swap3A_157] {strides = array<i32>} : memref<3968xf32, #tpu.memory_space<vmem>>, vector<16xf32>,
      tpu.vector_store %arg11[%swap3A_157], %broadcast_in_dim3A_3 {strides = array<i32>} : memref<3968xf32, #tpu.memory_space<vmem>>, vector<16xf32>,
      %swap3A_159 = arith.constant 1184 : index
      %swap3A_160 = tpu.vector_load %arg11[%swap3A_159] {strides = array<i32>} : memref<3968xf32, #tpu.memory_space<vmem>>, vector<16xf32>,
      tpu.vector_store %arg11[%swap3A_159], %broadcast_in_dim3A_3 {strides = array<i32>} : memref<3968xf32, #tpu.memory_space<vmem>>, vector<16xf32>,
      %swap3A_161 = arith.constant 1200 : index
      %swap3A_162 = tpu.vector_load %arg11[%swap3A_161] {strides = array<i32>} : memref<3968xf32, #tpu.memory_space<vmem>>, vector<16xf32>,
      tpu.vector_store %arg11[%swap3A_161], %broadcast_in_dim3A_3 {strides = array<i32>} : memref<3968xf32, #tpu.memory_space<vmem>>, vector<16xf32>,
      %swap3A_163 = arith.constant 1216 : index
      %swap3A_164 = tpu.vector_load %arg11[%swap3A_163] {strides = array<i32>} : memref<3968xf32, #tpu.memory_space<vmem>>, vector<16xf32>,
      tpu.vector_store %arg11[%swap3A_163], %broadcast_in_dim3A_3 {strides = array<i32>} : memref<3968xf32, #tpu.memory_space<vmem>>, vector<16xf32>,
      %swap3A_165 = arith.constant 1232 : index
      %swap3A_166 = tpu.vector_load %arg11[%swap3A_165] {strides = array<i32>} : memref<3968xf32, #tpu.memory_space<vmem>>, vector<16xf32>,
      tpu.vector_store %arg11[%swap3A_165], %broadcast_in_dim3A_3 {strides = array<i32>} : memref<3968xf32, #tpu.memory_space<vmem>>, vector<16xf32>,
      %swap3A_167 = arith.constant 1248 : index
      %swap3A_168 = tpu.vector_load %arg11[%swap3A_167] {strides = array<i32>} : memref<3968xf32, #tpu.memory_space<vmem>>, vector<16xf32>,
      tpu.vector_store %arg11[%swap3A_167], %broadcast_in_dim3A_3 {strides = array<i32>} : memref<3968xf32, #tpu.memory_space<vmem>>, vector<16xf32>,
      %swap3A_169 = arith.constant 1264 : index
      %swap3A_170 = tpu.vector_load %arg11[%swap3A_169] {strides = array<i32>} : memref<3968xf32, #tpu.memory_space<vmem>>, vector<16xf32>,
      tpu.vector_store %arg11[%swap3A_169], %broadcast_in_dim3A_3 {strides = array<i32>} : memref<3968xf32, #tpu.memory_space<vmem>>, vector<16xf32>,
      %swap3A_171 = arith.constant 1280 : index
      %swap3A_172 = tpu.vector_load %arg11[%swap3A_171] {strides = array<i32>} : memref<3968xf32, #tpu.memory_space<vmem>>, vector<16xf32>,
      tpu.vector_store %arg11[%swap3A_171], %broadcast_in_dim3A_3 {strides = array<i32>} : memref<3968xf32, #tpu.memory_space<vmem>>, vector<16xf32>,
      %swap3A_173 = arith.constant 1296 : index
      %swap3A_174 = tpu.vector_load %arg11[%swap3A_173] {strides = array<i32>} : memref<3968xf32, #tpu.memory_space<vmem>>, vector<16xf32>,
      tpu.vector_store %arg11[%swap3A_173], %broadcast_in_dim3A_3 {strides = array<i32>} : memref<3968xf32, #tpu.memory_space<vmem>>, vector<16xf32>,
      %swap3A_175 = arith.constant 1312 : index
      %swap3A_176 = tpu.vector_load %arg11[%swap3A_175] {strides = array<i32>} : memref<3968xf32, #tpu.memory_space<vmem>>, vector<16xf32>,
      tpu.vector_store %arg11[%swap3A_175], %broadcast_in_dim3A_3 {strides = array<i32>} : memref<3968xf32, #tpu.memory_space<vmem>>, vector<16xf32>,
      %swap3A_177 = arith.constant 1328 : index
      %swap3A_178 = tpu.vector_load %arg11[%swap3A_177] {strides = array<i32>} : memref<3968xf32, #tpu.memory_space<vmem>>, vector<16xf32>,
      tpu.vector_store %arg11[%swap3A_177], %broadcast_in_dim3A_3 {strides = array<i32>} : memref<3968xf32, #tpu.memory_space<vmem>>, vector<16xf32>,
      %swap3A_179 = arith.constant 1344 : index
      %swap3A_180 = tpu.vector_load %arg11[%swap3A_179] {strides = array<i32>} : memref<3968xf32, #tpu.memory_space<vmem>>, vector<16xf32>,
      tpu.vector_store %arg11[%swap3A_179], %broadcast_in_dim3A_3 {strides = array<i32>} : memref<3968xf32, #tpu.memory_space<vmem>>, vector<16xf32>,
      %swap3A_181 = arith.constant 1360 : index
      %swap3A_182 = tpu.vector_load %arg11[%swap3A_181] {strides = array<i32>} : memref<3968xf32, #tpu.memory_space<vmem>>, vector<16xf32>,
      tpu.vector_store %arg11[%swap3A_181], %broadcast_in_dim3A_3 {strides = array<i32>} : memref<3968xf32, #tpu.memory_space<vmem>>, vector<16xf32>,
      %swap3A_183 = arith.constant 1376 : index
      %swap3A_184 = tpu.vector_load %arg11[%swap3A_183] {strides = array<i32>} : memref<3968xf32, #tpu.memory_space<vmem>>, vector<16xf32>,
      tpu.vector_store %arg11[%swap3A_183], %broadcast_in_dim3A_3 {strides = array<i32>} : memref<3968xf32, #tpu.memory_space<vmem>>, vector<16xf32>,
      %swap3A_185 = arith.constant 1392 : index
      %swap3A_186 = tpu.vector_load %arg11[%swap3A_185] {strides = array<i32>} : memref<3968xf32, #tpu.memory_space<vmem>>, vector<16xf32>,
      tpu.vector_store %arg11[%swap3A_185], %broadcast_in_dim3A_3 {strides = array<i32>} : memref<3968xf32, #tpu.memory_space<vmem>>, vector<16xf32>,
      %swap3A_187 = arith.constant 1408 : index
      %swap3A_188 = tpu.vector_load %arg11[%swap3A_187] {strides = array<i32>} : memref<3968xf32, #tpu.memory_space<vmem>>, vector<16xf32>,
      tpu.vector_store %arg11[%swap3A_187], %broadcast_in_dim3A_3 {strides = array<i32>} : memref<3968xf32, #tpu.memory_space<vmem>>, vector<16xf32>,
      %swap3A_189 = arith.constant 1424 : index
      %swap3A_190 = tpu.vector_load %arg11[%swap3A_189] {strides = array<i32>} : memref<3968xf32, #tpu.memory_space<vmem>>, vector<16xf32>,
      tpu.vector_store %arg11[%swap3A_189], %broadcast_in_dim3A_3 {strides = array<i32>} : memref<3968xf32, #tpu.memory_space<vmem>>, vector<16xf32>,
      %swap3A_191 = arith.constant 1440 : index
      %swap3A_192 = tpu.vector_load %arg11[%swap3A_191] {strides = array<i32>} : memref<3968xf32, #tpu.memory_space<vmem>>, vector<16xf32>,
      tpu.vector_store %arg11[%swap3A_191], %broadcast_in_dim3A_3 {strides = array<i32>} : memref<3968xf32, #tpu.memory_space<vmem>>, vector<16xf32>,
      %swap3A_193 = arith.constant 1456 : index
      %swap3A_194 = tpu.vector_load %arg11[%swap3A_193] {strides = array<i32>} : memref<3968xf32, #tpu.memory_space<vmem>>, vector<16xf32>,
      tpu.vector_store %arg11[%swap3A_193], %broadcast_in_dim3A_3 {strides = array<i32>} : memref<3968xf32, #tpu.memory_space<vmem>>, vector<16xf32>,
      %swap3A_195 = arith.constant 1472 : index
      %swap3A_196 = tpu.vector_load %arg11[%swap3A_195] {strides = array<i32>} : memref<3968xf32, #tpu.memory_space<vmem>>, vector<16xf32>,
      tpu.vector_store %arg11[%swap3A_195], %broadcast_in_dim3A_3 {strides = array<i32>} : memref<3968xf32, #tpu.memory_space<vmem>>, vector<16xf32>,
      %swap3A_197 = arith.constant 1488 : index
      %swap3A_198 = tpu.vector_load %arg11[%swap3A_197] {strides = array<i32>} : memref<3968xf32, #tpu.memory_space<vmem>>, vector<16xf32>,
      tpu.vector_store %arg11[%swap3A_197], %broadcast_in_dim3A_3 {strides = array<i32>} : memref<3968xf32, #tpu.memory_space<vmem>>, vector<16xf32>,
      %swap3A_199 = arith.constant 1504 : index
      %swap3A_200 = tpu.vector_load %arg11[%swap3A_199] {strides = array<i32>} : memref<3968xf32, #tpu.memory_space<vmem>>, vector<16xf32>,
      tpu.vector_store %arg11[%swap3A_199], %broadcast_in_dim3A_3 {strides = array<i32>} : memref<3968xf32, #tpu.memory_space<vmem>>, vector<16xf32>,
      %swap3A_201 = arith.constant 1520 : index
      %swap3A_202 = tpu.vector_load %arg11[%swap3A_201] {strides = array<i32>} : memref<3968xf32, #tpu.memory_space<vmem>>, vector<16xf32>,
      tpu.vector_store %arg11[%swap3A_201], %broadcast_in_dim3A_3 {strides = array<i32>} : memref<3968xf32, #tpu.memory_space<vmem>>, vector<16xf32>,
      %swap3A_203 = arith.constant 1536 : index
      %swap3A_204 = tpu.vector_load %arg11[%swap3A_203] {strides = array<i32>} : memref<3968xf32, #tpu.memory_space<vmem>>, vector<16xf32>,
      tpu.vector_store %arg11[%swap3A_203], %broadcast_in_dim3A_3 {strides = array<i32>} : memref<3968xf32, #tpu.memory_space<vmem>>, vector<16xf32>,
      %swap3A_205 = arith.constant 1552 : index
      %swap3A_206 = tpu.vector_load %arg11[%swap3A_205] {strides = array<i32>} : memref<3968xf32, #tpu.memory_space<vmem>>, vector<16xf32>,
      tpu.vector_store %arg11[%swap3A_205], %broadcast_in_dim3A_3 {strides = array<i32>} : memref<3968xf32, #tpu.memory_space<vmem>>, vector<16xf32>,
      %swap3A_207 = arith.constant 1568 : index
      %swap3A_208 = tpu.vector_load %arg11[%swap3A_207] {strides = array<i32>} : memref<3968xf32, #tpu.memory_space<vmem>>, vector<16xf32>,
      tpu.vector_store %arg11[%swap3A_207], %broadcast_in_dim3A_3 {strides = array<i32>} : memref<3968xf32, #tpu.memory_space<vmem>>, vector<16xf32>,
      %swap3A_209 = arith.constant 1584 : index
      %swap3A_210 = tpu.vector_load %arg11[%swap3A_209] {strides = array<i32>} : memref<3968xf32, #tpu.memory_space<vmem>>, vector<16xf32>,
      tpu.vector_store %arg11[%swap3A_209], %broadcast_in_dim3A_3 {strides = array<i32>} : memref<3968xf32, #tpu.memory_space<vmem>>, vector<16xf32>,
      %swap3A_211 = arith.constant 1600 : index
      %swap3A_212 = tpu.vector_load %arg11[%swap3A_211] {strides = array<i32>} : memref<3968xf32, #tpu.memory_space<vmem>>, vector<16xf32>,
      tpu.vector_store %arg11[%swap3A_211], %broadcast_in_dim3A_3 {strides = array<i32>} : memref<3968xf32, #tpu.memory_space<vmem>>, vector<16xf32>,
      %swap3A_213 = arith.constant 1616 : index
      %swap3A_214 = tpu.vector_load %arg11[%swap3A_213] {strides = array<i32>} : memref<3968xf32, #tpu.memory_space<vmem>>, vector<16xf32>,
      tpu.vector_store %arg11[%swap3A_213], %broadcast_in_dim3A_3 {strides = array<i32>} : memref<3968xf32, #tpu.memory_space<vmem>>, vector<16xf32>,
      %swap3A_215 = arith.constant 1632 : index
      %swap3A_216 = tpu.vector_load %arg11[%swap3A_215] {strides = array<i32>} : memref<3968xf32, #tpu.memory_space<vmem>>, vector<16xf32>,
      tpu.vector_store %arg11[%swap3A_215], %broadcast_in_dim3A_3 {strides = array<i32>} : memref<3968xf32, #tpu.memory_space<vmem>>, vector<16xf32>,
      %swap3A_217 = arith.constant 1648 : index
      %swap3A_218 = tpu.vector_load %arg11[%swap3A_217] {strides = array<i32>} : memref<3968xf32, #tpu.memory_space<vmem>>, vector<16xf32>,
      tpu.vector_store %arg11[%swap3A_217], %broadcast_in_dim3A_3 {strides = array<i32>} : memref<3968xf32, #tpu.memory_space<vmem>>, vector<16xf32>,
      %swap3A_219 = arith.constant 1664 : index
      %swap3A_220 = tpu.vector_load %arg11[%swap3A_219] {strides = array<i32>} : memref<3968xf32, #tpu.memory_space<vmem>>, vector<16xf32>,
      tpu.vector_store %arg11[%swap3A_219], %broadcast_in_dim3A_3 {strides = array<i32>} : memref<3968xf32, #tpu.memory_space<vmem>>, vector<16xf32>,
      %swap3A_221 = arith.constant 1680 : index
      %swap3A_222 = tpu.vector_load %arg11[%swap3A_221] {strides = array<i32>} : memref<3968xf32, #tpu.memory_space<vmem>>, vector<16xf32>,
      tpu.vector_store %arg11[%swap3A_221], %broadcast_in_dim3A_3 {strides = array<i32>} : memref<3968xf32, #tpu.memory_space<vmem>>, vector<16xf32>,
      %swap3A_223 = arith.constant 1696 : index
      %swap3A_224 = tpu.vector_load %arg11[%swap3A_223] {strides = array<i32>} : memref<3968xf32, #tpu.memory_space<vmem>>, vector<16xf32>,
      tpu.vector_store %arg11[%swap3A_223], %broadcast_in_dim3A_3 {strides = array<i32>} : memref<3968xf32, #tpu.memory_space<vmem>>, vector<16xf32>,
      %swap3A_225 = arith.constant 1712 : index
      %swap3A_226 = tpu.vector_load %arg11[%swap3A_225] {strides = array<i32>} : memref<3968xf32, #tpu.memory_space<vmem>>, vector<16xf32>,
      tpu.vector_store %arg11[%swap3A_225], %broadcast_in_dim3A_3 {strides = array<i32>} : memref<3968xf32, #tpu.memory_space<vmem>>, vector<16xf32>,
      %swap3A_227 = arith.constant 1728 : index
      %swap3A_228 = tpu.vector_load %arg11[%swap3A_227] {strides = array<i32>} : memref<3968xf32, #tpu.memory_space<vmem>>, vector<16xf32>,
      tpu.vector_store %arg11[%swap3A_227], %broadcast_in_dim3A_3 {strides = array<i32>} : memref<3968xf32, #tpu.memory_space<vmem>>, vector<16xf32>,
      %swap3A_229 = arith.constant 1744 : index
      %swap3A_230 = tpu.vector_load %arg11[%swap3A_229] {strides = array<i32>} : memref<3968xf32, #tpu.memory_space<vmem>>, vector<16xf32>,
      tpu.vector_store %arg11[%swap3A_229], %broadcast_in_dim3A_3 {strides = array<i32>} : memref<3968xf32, #tpu.memory_space<vmem>>, vector<16xf32>,
      %swap3A_231 = arith.constant 1760 : index
      %swap3A_232 = tpu.vector_load %arg11[%swap3A_231] {strides = array<i32>} : memref<3968xf32, #tpu.memory_space<vmem>>, vector<16xf32>,
      tpu.vector_store %arg11[%swap3A_231], %broadcast_in_dim3A_3 {strides = array<i32>} : memref<3968xf32, #tpu.memory_space<vmem>>, vector<16xf32>,
      %swap3A_233 = arith.constant 1776 : index
      %swap3A_234 = tpu.vector_load %arg11[%swap3A_233] {strides = array<i32>} : memref<3968xf32, #tpu.memory_space<vmem>>, vector<16xf32>,
      tpu.vector_store %arg11[%swap3A_233], %broadcast_in_dim3A_3 {strides = array<i32>} : memref<3968xf32, #tpu.memory_space<vmem>>, vector<16xf32>,
      %swap3A_235 = arith.constant 1792 : index
      %swap3A_236 = tpu.vector_load %arg11[%swap3A_235] {strides = array<i32>} : memref<3968xf32, #tpu.memory_space<vmem>>, vector<16xf32>,
      tpu.vector_store %arg11[%swap3A_235], %broadcast_in_dim3A_3 {strides = array<i32>} : memref<3968xf32, #tpu.memory_space<vmem>>, vector<16xf32>,
      %swap3A_237 = arith.constant 1808 : index
      %swap3A_238 = tpu.vector_load %arg11[%swap3A_237] {strides = array<i32>} : memref<3968xf32, #tpu.memory_space<vmem>>, vector<16xf32>,
      tpu.vector_store %arg11[%swap3A_237], %broadcast_in_dim3A_3 {strides = array<i32>} : memref<3968xf32, #tpu.memory_space<vmem>>, vector<16xf32>,
      %swap3A_239 = arith.constant 1824 : index
      %swap3A_240 = tpu.vector_load %arg11[%swap3A_239] {strides = array<i32>} : memref<3968xf32, #tpu.memory_space<vmem>>, vector<16xf32>,
      tpu.vector_store %arg11[%swap3A_239], %broadcast_in_dim3A_3 {strides = array<i32>} : memref<3968xf32, #tpu.memory_space<vmem>>, vector<16xf32>,
      %swap3A_241 = arith.constant 1840 : index
      %swap3A_242 = tpu.vector_load %arg11[%swap3A_241] {strides = array<i32>} : memref<3968xf32, #tpu.memory_space<vmem>>, vector<16xf32>,
      tpu.vector_store %arg11[%swap3A_241], %broadcast_in_dim3A_3 {strides = array<i32>} : memref<3968xf32, #tpu.memory_space<vmem>>, vector<16xf32>,
      %swap3A_243 = arith.constant 1856 : index
      %swap3A_244 = tpu.vector_load %arg11[%swap3A_243] {strides = array<i32>} : memref<3968xf32, #tpu.memory_space<vmem>>, vector<16xf32>,
      tpu.vector_store %arg11[%swap3A_243], %broadcast_in_dim3A_3 {strides = array<i32>} : memref<3968xf32, #tpu.memory_space<vmem>>, vector<16xf32>,
      %swap3A_245 = arith.constant 1872 : index
      %swap3A_246 = tpu.vector_load %arg11[%swap3A_245] {strides = array<i32>} : memref<3968xf32, #tpu.memory_space<vmem>>, vector<16xf32>,
      tpu.vector_store %arg11[%swap3A_245], %broadcast_in_dim3A_3 {strides = array<i32>} : memref<3968xf32, #tpu.memory_space<vmem>>, vector<16xf32>,
      %swap3A_247 = arith.constant 1888 : index
      %swap3A_248 = tpu.vector_load %arg11[%swap3A_247] {strides = array<i32>} : memref<3968xf32, #tpu.memory_space<vmem>>, vector<16xf32>,
      tpu.vector_store %arg11[%swap3A_247], %broadcast_in_dim3A_3 {strides = array<i32>} : memref<3968xf32, #tpu.memory_space<vmem>>, vector<16xf32>,
      %swap3A_249 = arith.constant 1904 : index
      %swap3A_250 = tpu.vector_load %arg11[%swap3A_249] {strides = array<i32>} : memref<3968xf32, #tpu.memory_space<vmem>>, vector<16xf32>,
      tpu.vector_store %arg11[%swap3A_249], %broadcast_in_dim3A_3 {strides = array<i32>} : memref<3968xf32, #tpu.memory_space<vmem>>, vector<16xf32>,
      %swap3A_251 = arith.constant 1920 : index
      %swap3A_252 = tpu.vector_load %arg11[%swap3A_251] {strides = array<i32>} : memref<3968xf32, #tpu.memory_space<vmem>>, vector<16xf32>,
      tpu.vector_store %arg11[%swap3A_251], %broadcast_in_dim3A_3 {strides = array<i32>} : memref<3968xf32, #tpu.memory_space<vmem>>, vector<16xf32>,
      %swap3A_253 = arith.constant 1936 : index
      %swap3A_254 = tpu.vector_load %arg11[%swap3A_253] {strides = array<i32>} : memref<3968xf32, #tpu.memory_space<vmem>>, vector<16xf32>,
      tpu.vector_store %arg11[%swap3A_253], %broadcast_in_dim3A_3 {strides = array<i32>} : memref<3968xf32, #tpu.memory_space<vmem>>, vector<16xf32>,
      %swap3A_255 = arith.constant 1952 : index
      %swap3A_256 = tpu.vector_load %arg11[%swap3A_255] {strides = array<i32>} : memref<3968xf32, #tpu.memory_space<vmem>>, vector<16xf32>,
      tpu.vector_store %arg11[%swap3A_255], %broadcast_in_dim3A_3 {strides = array<i32>} : memref<3968xf32, #tpu.memory_space<vmem>>, vector<16xf32>,
      %swap3A_257 = arith.constant 1968 : index
      %swap3A_258 = tpu.vector_load %arg11[%swap3A_257] {strides = array<i32>} : memref<3968xf32, #tpu.memory_space<vmem>>, vector<16xf32>,
      tpu.vector_store %arg11[%swap3A_257], %broadcast_in_dim3A_3 {strides = array<i32>} : memref<3968xf32, #tpu.memory_space<vmem>>, vector<16xf32>,
      %swap3A_259 = arith.constant 1984 : index
      %swap3A_260 = tpu.vector_load %arg11[%swap3A_259] {strides = array<i32>} : memref<3968xf32, #tpu.memory_space<vmem>>, vector<16xf32>,
      tpu.vector_store %arg11[%swap3A_259], %broadcast_in_dim3A_3 {strides = array<i32>} : memref<3968xf32, #tpu.memory_space<vmem>>, vector<16xf32>,
      %swap3A_261 = arith.constant 2000 : index
      %swap3A_262 = tpu.vector_load %arg11[%swap3A_261] {strides = array<i32>} : memref<3968xf32, #tpu.memory_space<vmem>>, vector<16xf32>,
      tpu.vector_store %arg11[%swap3A_261], %broadcast_in_dim3A_3 {strides = array<i32>} : memref<3968xf32, #tpu.memory_space<vmem>>, vector<16xf32>,
      %swap3A_263 = arith.constant 2016 : index
      %swap3A_264 = tpu.vector_load %arg11[%swap3A_263] {strides = array<i32>} : memref<3968xf32, #tpu.memory_space<vmem>>, vector<16xf32>,
      tpu.vector_store %arg11[%swap3A_263], %broadcast_in_dim3A_3 {strides = array<i32>} : memref<3968xf32, #tpu.memory_space<vmem>>, vector<16xf32>,
      %swap3A_265 = arith.constant 2032 : index
      %swap3A_266 = tpu.vector_load %arg11[%swap3A_265] {strides = array<i32>} : memref<3968xf32, #tpu.memory_space<vmem>>, vector<16xf32>,
      tpu.vector_store %arg11[%swap3A_265], %broadcast_in_dim3A_3 {strides = array<i32>} : memref<3968xf32, #tpu.memory_space<vmem>>, vector<16xf32>,
      %swap3A_267 = arith.constant 2048 : index
      %swap3A_268 = tpu.vector_load %arg11[%swap3A_267] {strides = array<i32>} : memref<3968xf32, #tpu.memory_space<vmem>>, vector<16xf32>,
      tpu.vector_store %arg11[%swap3A_267], %broadcast_in_dim3A_3 {strides = array<i32>} : memref<3968xf32, #tpu.memory_space<vmem>>, vector<16xf32>,
      %swap3A_269 = arith.constant 2064 : index
      %swap3A_270 = tpu.vector_load %arg11[%swap3A_269] {strides = array<i32>} : memref<3968xf32, #tpu.memory_space<vmem>>, vector<16xf32>,
      tpu.vector_store %arg11[%swap3A_269], %broadcast_in_dim3A_3 {strides = array<i32>} : memref<3968xf32, #tpu.memory_space<vmem>>, vector<16xf32>,
      %swap3A_271 = arith.constant 2080 : index
      %swap3A_272 = tpu.vector_load %arg11[%swap3A_271] {strides = array<i32>} : memref<3968xf32, #tpu.memory_space<vmem>>, vector<16xf32>,
      tpu.vector_store %arg11[%swap3A_271], %broadcast_in_dim3A_3 {strides = array<i32>} : memref<3968xf32, #tpu.memory_space<vmem>>, vector<16xf32>,
      %swap3A_273 = arith.constant 2096 : index
      %swap3A_274 = tpu.vector_load %arg11[%swap3A_273] {strides = array<i32>} : memref<3968xf32, #tpu.memory_space<vmem>>, vector<16xf32>,
      tpu.vector_store %arg11[%swap3A_273], %broadcast_in_dim3A_3 {strides = array<i32>} : memref<3968xf32, #tpu.memory_space<vmem>>, vector<16xf32>,
      %swap3A_275 = arith.constant 2112 : index
      %swap3A_276 = tpu.vector_load %arg11[%swap3A_275] {strides = array<i32>} : memref<3968xf32, #tpu.memory_space<vmem>>, vector<16xf32>,
      tpu.vector_store %arg11[%swap3A_275], %broadcast_in_dim3A_3 {strides = array<i32>} : memref<3968xf32, #tpu.memory_space<vmem>>, vector<16xf32>,
      %swap3A_277 = arith.constant 2128 : index
      %swap3A_278 = tpu.vector_load %arg11[%swap3A_277] {strides = array<i32>} : memref<3968xf32, #tpu.memory_space<vmem>>, vector<16xf32>,
      tpu.vector_store %arg11[%swap3A_277], %broadcast_in_dim3A_3 {strides = array<i32>} : memref<3968xf32, #tpu.memory_space<vmem>>, vector<16xf32>,
      %swap3A_279 = arith.constant 2144 : index
      %swap3A_280 = tpu.vector_load %arg11[%swap3A_279] {strides = array<i32>} : memref<3968xf32, #tpu.memory_space<vmem>>, vector<16xf32>,
      tpu.vector_store %arg11[%swap3A_279], %broadcast_in_dim3A_3 {strides = array<i32>} : memref<3968xf32, #tpu.memory_space<vmem>>, vector<16xf32>,
      %swap3A_281 = arith.constant 2160 : index
      %swap3A_282 = tpu.vector_load %arg11[%swap3A_281] {strides = array<i32>} : memref<3968xf32, #tpu.memory_space<vmem>>, vector<16xf32>,
      tpu.vector_store %arg11[%swap3A_281], %broadcast_in_dim3A_3 {strides = array<i32>} : memref<3968xf32, #tpu.memory_space<vmem>>, vector<16xf32>,
      %swap3A_283 = arith.constant 2176 : index
      %swap3A_284 = tpu.vector_load %arg11[%swap3A_283] {strides = array<i32>} : memref<3968xf32, #tpu.memory_space<vmem>>, vector<16xf32>,
      tpu.vector_store %arg11[%swap3A_283], %broadcast_in_dim3A_3 {strides = array<i32>} : memref<3968xf32, #tpu.memory_space<vmem>>, vector<16xf32>,
      %swap3A_285 = arith.constant 2192 : index
      %swap3A_286 = tpu.vector_load %arg11[%swap3A_285] {strides = array<i32>} : memref<3968xf32, #tpu.memory_space<vmem>>, vector<16xf32>,
      tpu.vector_store %arg11[%swap3A_285], %broadcast_in_dim3A_3 {strides = array<i32>} : memref<3968xf32, #tpu.memory_space<vmem>>, vector<16xf32>,
      %swap3A_287 = arith.constant 2208 : index
      %swap3A_288 = tpu.vector_load %arg11[%swap3A_287] {strides = array<i32>} : memref<3968xf32, #tpu.memory_space<vmem>>, vector<16xf32>,
      tpu.vector_store %arg11[%swap3A_287], %broadcast_in_dim3A_3 {strides = array<i32>} : memref<3968xf32, #tpu.memory_space<vmem>>, vector<16xf32>,
      %swap3A_289 = arith.constant 2224 : index
      %swap3A_290 = tpu.vector_load %arg11[%swap3A_289] {strides = array<i32>} : memref<3968xf32, #tpu.memory_space<vmem>>, vector<16xf32>,
      tpu.vector_store %arg11[%swap3A_289], %broadcast_in_dim3A_3 {strides = array<i32>} : memref<3968xf32, #tpu.memory_space<vmem>>, vector<16xf32>,
      %swap3A_291 = arith.constant 2240 : index
      %swap3A_292 = tpu.vector_load %arg11[%swap3A_291] {strides = array<i32>} : memref<3968xf32, #tpu.memory_space<vmem>>, vector<16xf32>,
      tpu.vector_store %arg11[%swap3A_291], %broadcast_in_dim3A_3 {strides = array<i32>} : memref<3968xf32, #tpu.memory_space<vmem>>, vector<16xf32>,
      %swap3A_293 = arith.constant 2256 : index
      %swap3A_294 = tpu.vector_load %arg11[%swap3A_293] {strides = array<i32>} : memref<3968xf32, #tpu.memory_space<vmem>>, vector<16xf32>,
      tpu.vector_store %arg11[%swap3A_293], %broadcast_in_dim3A_3 {strides = array<i32>} : memref<3968xf32, #tpu.memory_space<vmem>>, vector<16xf32>,
      %swap3A_295 = arith.constant 2272 : index
      %swap3A_296 = tpu.vector_load %arg11[%swap3A_295] {strides = array<i32>} : memref<3968xf32, #tpu.memory_space<vmem>>, vector<16xf32>,
      tpu.vector_store %arg11[%swap3A_295], %broadcast_in_dim3A_3 {strides = array<i32>} : memref<3968xf32, #tpu.memory_space<vmem>>, vector<16xf32>,
      %swap3A_297 = arith.constant 2288 : index
      %swap3A_298 = tpu.vector_load %arg11[%swap3A_297] {strides = array<i32>} : memref<3968xf32, #tpu.memory_space<vmem>>, vector<16xf32>,
      tpu.vector_store %arg11[%swap3A_297], %broadcast_in_dim3A_3 {strides = array<i32>} : memref<3968xf32, #tpu.memory_space<vmem>>, vector<16xf32>,
      %swap3A_299 = arith.constant 2304 : index
      %swap3A_300 = tpu.vector_load %arg11[%swap3A_299] {strides = array<i32>} : memref<3968xf32, #tpu.memory_space<vmem>>, vector<16xf32>,
      tpu.vector_store %arg11[%swap3A_299], %broadcast_in_dim3A_3 {strides = array<i32>} : memref<3968xf32, #tpu.memory_space<vmem>>, vector<16xf32>,
      %swap3A_301 = arith.constant 2320 : index
      %swap3A_302 = tpu.vector_load %arg11[%swap3A_301] {strides = array<i32>} : memref<3968xf32, #tpu.memory_space<vmem>>, vector<16xf32>,
      tpu.vector_store %arg11[%swap3A_301], %broadcast_in_dim3A_3 {strides = array<i32>} : memref<3968xf32, #tpu.memory_space<vmem>>, vector<16xf32>,
      %swap3A_303 = arith.constant 2336 : index
      %swap3A_304 = tpu.vector_load %arg11[%swap3A_303] {strides = array<i32>} : memref<3968xf32, #tpu.memory_space<vmem>>, vector<16xf32>,
      tpu.vector_store %arg11[%swap3A_303], %broadcast_in_dim3A_3 {strides = array<i32>} : memref<3968xf32, #tpu.memory_space<vmem>>, vector<16xf32>,
      %swap3A_305 = arith.constant 2352 : index
      %swap3A_306 = tpu.vector_load %arg11[%swap3A_305] {strides = array<i32>} : memref<3968xf32, #tpu.memory_space<vmem>>, vector<16xf32>,
      tpu.vector_store %arg11[%swap3A_305], %broadcast_in_dim3A_3 {strides = array<i32>} : memref<3968xf32, #tpu.memory_space<vmem>>, vector<16xf32>,
      %swap3A_307 = arith.constant 2368 : index
      %swap3A_308 = tpu.vector_load %arg11[%swap3A_307] {strides = array<i32>} : memref<3968xf32, #tpu.memory_space<vmem>>, vector<16xf32>,
      tpu.vector_store %arg11[%swap3A_307], %broadcast_in_dim3A_3 {strides = array<i32>} : memref<3968xf32, #tpu.memory_space<vmem>>, vector<16xf32>,
      %swap3A_309 = arith.constant 2384 : index
      %swap3A_310 = tpu.vector_load %arg11[%swap3A_309] {strides = array<i32>} : memref<3968xf32, #tpu.memory_space<vmem>>, vector<16xf32>,
      tpu.vector_store %arg11[%swap3A_309], %broadcast_in_dim3A_3 {strides = array<i32>} : memref<3968xf32, #tpu.memory_space<vmem>>, vector<16xf32>,
      %swap3A_311 = arith.constant 2400 : index
      %swap3A_312 = tpu.vector_load %arg11[%swap3A_311] {strides = array<i32>} : memref<3968xf32, #tpu.memory_space<vmem>>, vector<16xf32>,
      tpu.vector_store %arg11[%swap3A_311], %broadcast_in_dim3A_3 {strides = array<i32>} : memref<3968xf32, #tpu.memory_space<vmem>>, vector<16xf32>,
      %swap3A_313 = arith.constant 2416 : index
      %swap3A_314 = tpu.vector_load %arg11[%swap3A_313] {strides = array<i32>} : memref<3968xf32, #tpu.memory_space<vmem>>, vector<16xf32>,
      tpu.vector_store %arg11[%swap3A_313], %broadcast_in_dim3A_3 {strides = array<i32>} : memref<3968xf32, #tpu.memory_space<vmem>>, vector<16xf32>,
      %swap3A_315 = arith.constant 2432 : index
      %swap3A_316 = tpu.vector_load %arg11[%swap3A_315] {strides = array<i32>} : memref<3968xf32, #tpu.memory_space<vmem>>, vector<16xf32>,
      tpu.vector_store %arg11[%swap3A_315], %broadcast_in_dim3A_3 {strides = array<i32>} : memref<3968xf32, #tpu.memory_space<vmem>>, vector<16xf32>,
      %swap3A_317 = arith.constant 2448 : index
      %swap3A_318 = tpu.vector_load %arg11[%swap3A_317] {strides = array<i32>} : memref<3968xf32, #tpu.memory_space<vmem>>, vector<16xf32>,
      tpu.vector_store %arg11[%swap3A_317], %broadcast_in_dim3A_3 {strides = array<i32>} : memref<3968xf32, #tpu.memory_space<vmem>>, vector<16xf32>,
      %swap3A_319 = arith.constant 2464 : index
      %swap3A_320 = tpu.vector_load %arg11[%swap3A_319] {strides = array<i32>} : memref<3968xf32, #tpu.memory_space<vmem>>, vector<16xf32>,
      tpu.vector_store %arg11[%swap3A_319], %broadcast_in_dim3A_3 {strides = array<i32>} : memref<3968xf32, #tpu.memory_space<vmem>>, vector<16xf32>,
      %swap3A_321 = arith.constant 2480 : index
      %swap3A_322 = tpu.vector_load %arg11[%swap3A_321] {strides = array<i32>} : memref<3968xf32, #tpu.memory_space<vmem>>, vector<16xf32>,
      tpu.vector_store %arg11[%swap3A_321], %broadcast_in_dim3A_3 {strides = array<i32>} : memref<3968xf32, #tpu.memory_space<vmem>>, vector<16xf32>,
      %swap3A_323 = arith.constant 2496 : index
      %swap3A_324 = tpu.vector_load %arg11[%swap3A_323] {strides = array<i32>} : memref<3968xf32, #tpu.memory_space<vmem>>, vector<16xf32>,
      tpu.vector_store %arg11[%swap3A_323], %broadcast_in_dim3A_3 {strides = array<i32>} : memref<3968xf32, #tpu.memory_space<vmem>>, vector<16xf32>,
      %swap3A_325 = arith.constant 2512 : index
      %swap3A_326 = tpu.vector_load %arg11[%swap3A_325] {strides = array<i32>} : memref<3968xf32, #tpu.memory_space<vmem>>, vector<16xf32>,
      tpu.vector_store %arg11[%swap3A_325], %broadcast_in_dim3A_3 {strides = array<i32>} : memref<3968xf32, #tpu.memory_space<vmem>>, vector<16xf32>,
      %swap3A_327 = arith.constant 2528 : index
      %swap3A_328 = tpu.vector_load %arg11[%swap3A_327] {strides = array<i32>} : memref<3968xf32, #tpu.memory_space<vmem>>, vector<16xf32>,
      tpu.vector_store %arg11[%swap3A_327], %broadcast_in_dim3A_3 {strides = array<i32>} : memref<3968xf32, #tpu.memory_space<vmem>>, vector<16xf32>,
      %swap3A_329 = arith.constant 2544 : index
      %swap3A_330 = tpu.vector_load %arg11[%swap3A_329] {strides = array<i32>} : memref<3968xf32, #tpu.memory_space<vmem>>, vector<16xf32>,
      tpu.vector_store %arg11[%swap3A_329], %broadcast_in_dim3A_3 {strides = array<i32>} : memref<3968xf32, #tpu.memory_space<vmem>>, vector<16xf32>,
      %swap3A_331 = arith.constant 2560 : index
      %swap3A_332 = tpu.vector_load %arg11[%swap3A_331] {strides = array<i32>} : memref<3968xf32, #tpu.memory_space<vmem>>, vector<16xf32>,
      tpu.vector_store %arg11[%swap3A_331], %broadcast_in_dim3A_3 {strides = array<i32>} : memref<3968xf32, #tpu.memory_space<vmem>>, vector<16xf32>,
      %swap3A_333 = arith.constant 2576 : index
      %swap3A_334 = tpu.vector_load %arg11[%swap3A_333] {strides = array<i32>} : memref<3968xf32, #tpu.memory_space<vmem>>, vector<16xf32>,
      tpu.vector_store %arg11[%swap3A_333], %broadcast_in_dim3A_3 {strides = array<i32>} : memref<3968xf32, #tpu.memory_space<vmem>>, vector<16xf32>,
      %swap3A_335 = arith.constant 2592 : index
      %swap3A_336 = tpu.vector_load %arg11[%swap3A_335] {strides = array<i32>} : memref<3968xf32, #tpu.memory_space<vmem>>, vector<16xf32>,
      tpu.vector_store %arg11[%swap3A_335], %broadcast_in_dim3A_3 {strides = array<i32>} : memref<3968xf32, #tpu.memory_space<vmem>>, vector<16xf32>,
      %swap3A_337 = arith.constant 2608 : index
      %swap3A_338 = tpu.vector_load %arg11[%swap3A_337] {strides = array<i32>} : memref<3968xf32, #tpu.memory_space<vmem>>, vector<16xf32>,
      tpu.vector_store %arg11[%swap3A_337], %broadcast_in_dim3A_3 {strides = array<i32>} : memref<3968xf32, #tpu.memory_space<vmem>>, vector<16xf32>,
      %swap3A_339 = arith.constant 2624 : index
      %swap3A_340 = tpu.vector_load %arg11[%swap3A_339] {strides = array<i32>} : memref<3968xf32, #tpu.memory_space<vmem>>, vector<16xf32>,
      tpu.vector_store %arg11[%swap3A_339], %broadcast_in_dim3A_3 {strides = array<i32>} : memref<3968xf32, #tpu.memory_space<vmem>>, vector<16xf32>,
      %swap3A_341 = arith.constant 2640 : index
      %swap3A_342 = tpu.vector_load %arg11[%swap3A_341] {strides = array<i32>} : memref<3968xf32, #tpu.memory_space<vmem>>, vector<16xf32>,
      tpu.vector_store %arg11[%swap3A_341], %broadcast_in_dim3A_3 {strides = array<i32>} : memref<3968xf32, #tpu.memory_space<vmem>>, vector<16xf32>,
      %swap3A_343 = arith.constant 2656 : index
      %swap3A_344 = tpu.vector_load %arg11[%swap3A_343] {strides = array<i32>} : memref<3968xf32, #tpu.memory_space<vmem>>, vector<16xf32>,
      tpu.vector_store %arg11[%swap3A_343], %broadcast_in_dim3A_3 {strides = array<i32>} : memref<3968xf32, #tpu.memory_space<vmem>>, vector<16xf32>,
      %swap3A_345 = arith.constant 2672 : index
      %swap3A_346 = tpu.vector_load %arg11[%swap3A_345] {strides = array<i32>} : memref<3968xf32, #tpu.memory_space<vmem>>, vector<16xf32>,
      tpu.vector_store %arg11[%swap3A_345], %broadcast_in_dim3A_3 {strides = array<i32>} : memref<3968xf32, #tpu.memory_space<vmem>>, vector<16xf32>,
      %swap3A_347 = arith.constant 2688 : index
      %swap3A_348 = tpu.vector_load %arg11[%swap3A_347] {strides = array<i32>} : memref<3968xf32, #tpu.memory_space<vmem>>, vector<16xf32>,
      tpu.vector_store %arg11[%swap3A_347], %broadcast_in_dim3A_3 {strides = array<i32>} : memref<3968xf32, #tpu.memory_space<vmem>>, vector<16xf32>,
      %swap3A_349 = arith.constant 2704 : index
      %swap3A_350 = tpu.vector_load %arg11[%swap3A_349] {strides = array<i32>} : memref<3968xf32, #tpu.memory_space<vmem>>, vector<16xf32>,
      tpu.vector_store %arg11[%swap3A_349], %broadcast_in_dim3A_3 {strides = array<i32>} : memref<3968xf32, #tpu.memory_space<vmem>>, vector<16xf32>,
      %swap3A_351 = arith.constant 2720 : index
      %swap3A_352 = tpu.vector_load %arg11[%swap3A_351] {strides = array<i32>} : memref<3968xf32, #tpu.memory_space<vmem>>, vector<16xf32>,
      tpu.vector_store %arg11[%swap3A_351], %broadcast_in_dim3A_3 {strides = array<i32>} : memref<3968xf32, #tpu.memory_space<vmem>>, vector<16xf32>,
      %swap3A_353 = arith.constant 2736 : index
      %swap3A_354 = tpu.vector_load %arg11[%swap3A_353] {strides = array<i32>} : memref<3968xf32, #tpu.memory_space<vmem>>, vector<16xf32>,
      tpu.vector_store %arg11[%swap3A_353], %broadcast_in_dim3A_3 {strides = array<i32>} : memref<3968xf32, #tpu.memory_space<vmem>>, vector<16xf32>,
      %swap3A_355 = arith.constant 2752 : index
      %swap3A_356 = tpu.vector_load %arg11[%swap3A_355] {strides = array<i32>} : memref<3968xf32, #tpu.memory_space<vmem>>, vector<16xf32>,
      tpu.vector_store %arg11[%swap3A_355], %broadcast_in_dim3A_3 {strides = array<i32>} : memref<3968xf32, #tpu.memory_space<vmem>>, vector<16xf32>,
      %swap3A_357 = arith.constant 2768 : index
      %swap3A_358 = tpu.vector_load %arg11[%swap3A_357] {strides = array<i32>} : memref<3968xf32, #tpu.memory_space<vmem>>, vector<16xf32>,
      tpu.vector_store %arg11[%swap3A_357], %broadcast_in_dim3A_3 {strides = array<i32>} : memref<3968xf32, #tpu.memory_space<vmem>>, vector<16xf32>,
      %swap3A_359 = arith.constant 2784 : index
      %swap3A_360 = tpu.vector_load %arg11[%swap3A_359] {strides = array<i32>} : memref<3968xf32, #tpu.memory_space<vmem>>, vector<16xf32>,
      tpu.vector_store %arg11[%swap3A_359], %broadcast_in_dim3A_3 {strides = array<i32>} : memref<3968xf32, #tpu.memory_space<vmem>>, vector<16xf32>,
      %swap3A_361 = arith.constant 2800 : index
      %swap3A_362 = tpu.vector_load %arg11[%swap3A_361] {strides = array<i32>} : memref<3968xf32, #tpu.memory_space<vmem>>, vector<16xf32>,
      tpu.vector_store %arg11[%swap3A_361], %broadcast_in_dim3A_3 {strides = array<i32>} : memref<3968xf32, #tpu.memory_space<vmem>>, vector<16xf32>,
      %swap3A_363 = arith.constant 2816 : index
      %swap3A_364 = tpu.vector_load %arg11[%swap3A_363] {strides = array<i32>} : memref<3968xf32, #tpu.memory_space<vmem>>, vector<16xf32>,
      tpu.vector_store %arg11[%swap3A_363], %broadcast_in_dim3A_3 {strides = array<i32>} : memref<3968xf32, #tpu.memory_space<vmem>>, vector<16xf32>,
      %swap3A_365 = arith.constant 2832 : index
      %swap3A_366 = tpu.vector_load %arg11[%swap3A_365] {strides = array<i32>} : memref<3968xf32, #tpu.memory_space<vmem>>, vector<16xf32>,
      tpu.vector_store %arg11[%swap3A_365], %broadcast_in_dim3A_3 {strides = array<i32>} : memref<3968xf32, #tpu.memory_space<vmem>>, vector<16xf32>,
      %swap3A_367 = arith.constant 2848 : index
      %swap3A_368 = tpu.vector_load %arg11[%swap3A_367] {strides = array<i32>} : memref<3968xf32, #tpu.memory_space<vmem>>, vector<16xf32>,
      tpu.vector_store %arg11[%swap3A_367], %broadcast_in_dim3A_3 {strides = array<i32>} : memref<3968xf32, #tpu.memory_space<vmem>>, vector<16xf32>,
      %swap3A_369 = arith.constant 2864 : index
      %swap3A_370 = tpu.vector_load %arg11[%swap3A_369] {strides = array<i32>} : memref<3968xf32, #tpu.memory_space<vmem>>, vector<16xf32>,
      tpu.vector_store %arg11[%swap3A_369], %broadcast_in_dim3A_3 {strides = array<i32>} : memref<3968xf32, #tpu.memory_space<vmem>>, vector<16xf32>,
      %swap3A_371 = arith.constant 2880 : index
      %swap3A_372 = tpu.vector_load %arg11[%swap3A_371] {strides = array<i32>} : memref<3968xf32, #tpu.memory_space<vmem>>, vector<16xf32>,
      tpu.vector_store %arg11[%swap3A_371], %broadcast_in_dim3A_3 {strides = array<i32>} : memref<3968xf32, #tpu.memory_space<vmem>>, vector<16xf32>,
      %swap3A_373 = arith.constant 2896 : index
      %swap3A_374 = tpu.vector_load %arg11[%swap3A_373] {strides = array<i32>} : memref<3968xf32, #tpu.memory_space<vmem>>, vector<16xf32>,
      tpu.vector_store %arg11[%swap3A_373], %broadcast_in_dim3A_3 {strides = array<i32>} : memref<3968xf32, #tpu.memory_space<vmem>>, vector<16xf32>,
      %swap3A_375 = arith.constant 2912 : index
      %swap3A_376 = tpu.vector_load %arg11[%swap3A_375] {strides = array<i32>} : memref<3968xf32, #tpu.memory_space<vmem>>, vector<16xf32>,
      tpu.vector_store %arg11[%swap3A_375], %broadcast_in_dim3A_3 {strides = array<i32>} : memref<3968xf32, #tpu.memory_space<vmem>>, vector<16xf32>,
      %swap3A_377 = arith.constant 2928 : index
      %swap3A_378 = tpu.vector_load %arg11[%swap3A_377] {strides = array<i32>} : memref<3968xf32, #tpu.memory_space<vmem>>, vector<16xf32>,
      tpu.vector_store %arg11[%swap3A_377], %broadcast_in_dim3A_3 {strides = array<i32>} : memref<3968xf32, #tpu.memory_space<vmem>>, vector<16xf32>,
      %swap3A_379 = arith.constant 2944 : index
      %swap3A_380 = tpu.vector_load %arg11[%swap3A_379] {strides = array<i32>} : memref<3968xf32, #tpu.memory_space<vmem>>, vector<16xf32>,
      tpu.vector_store %arg11[%swap3A_379], %broadcast_in_dim3A_3 {strides = array<i32>} : memref<3968xf32, #tpu.memory_space<vmem>>, vector<16xf32>,
      %swap3A_381 = arith.constant 2960 : index
      %swap3A_382 = tpu.vector_load %arg11[%swap3A_381] {strides = array<i32>} : memref<3968xf32, #tpu.memory_space<vmem>>, vector<16xf32>,
      tpu.vector_store %arg11[%swap3A_381], %broadcast_in_dim3A_3 {strides = array<i32>} : memref<3968xf32, #tpu.memory_space<vmem>>, vector<16xf32>,
      %swap3A_383 = arith.constant 2976 : index
      %swap3A_384 = tpu.vector_load %arg11[%swap3A_383] {strides = array<i32>} : memref<3968xf32, #tpu.memory_space<vmem>>, vector<16xf32>,
      tpu.vector_store %arg11[%swap3A_383], %broadcast_in_dim3A_3 {strides = array<i32>} : memref<3968xf32, #tpu.memory_space<vmem>>, vector<16xf32>,
      %swap3A_385 = arith.constant 2992 : index
      %swap3A_386 = tpu.vector_load %arg11[%swap3A_385] {strides = array<i32>} : memref<3968xf32, #tpu.memory_space<vmem>>, vector<16xf32>,
      tpu.vector_store %arg11[%swap3A_385], %broadcast_in_dim3A_3 {strides = array<i32>} : memref<3968xf32, #tpu.memory_space<vmem>>, vector<16xf32>,
      %swap3A_387 = arith.constant 3008 : index
      %swap3A_388 = tpu.vector_load %arg11[%swap3A_387] {strides = array<i32>} : memref<3968xf32, #tpu.memory_space<vmem>>, vector<16xf32>,
      tpu.vector_store %arg11[%swap3A_387], %broadcast_in_dim3A_3 {strides = array<i32>} : memref<3968xf32, #tpu.memory_space<vmem>>, vector<16xf32>,
      %swap3A_389 = arith.constant 3024 : index
      %swap3A_390 = tpu.vector_load %arg11[%swap3A_389] {strides = array<i32>} : memref<3968xf32, #tpu.memory_space<vmem>>, vector<16xf32>,
      tpu.vector_store %arg11[%swap3A_389], %broadcast_in_dim3A_3 {strides = array<i32>} : memref<3968xf32, #tpu.memory_space<vmem>>, vector<16xf32>,
      %swap3A_391 = arith.constant 3040 : index
      %swap3A_392 = tpu.vector_load %arg11[%swap3A_391] {strides = array<i32>} : memref<3968xf32, #tpu.memory_space<vmem>>, vector<16xf32>,
      tpu.vector_store %arg11[%swap3A_391], %broadcast_in_dim3A_3 {strides = array<i32>} : memref<3968xf32, #tpu.memory_space<vmem>>, vector<16xf32>,
      %swap3A_393 = arith.constant 3056 : index
      %swap3A_394 = tpu.vector_load %arg11[%swap3A_393] {strides = array<i32>} : memref<3968xf32, #tpu.memory_space<vmem>>, vector<16xf32>,
      tpu.vector_store %arg11[%swap3A_393], %broadcast_in_dim3A_3 {strides = array<i32>} : memref<3968xf32, #tpu.memory_space<vmem>>, vector<16xf32>,
      %swap3A_395 = arith.constant 3072 : index
      %swap3A_396 = tpu.vector_load %arg11[%swap3A_395] {strides = array<i32>} : memref<3968xf32, #tpu.memory_space<vmem>>, vector<16xf32>,
      tpu.vector_store %arg11[%swap3A_395], %broadcast_in_dim3A_3 {strides = array<i32>} : memref<3968xf32, #tpu.memory_space<vmem>>, vector<16xf32>,
      %swap3A_397 = arith.constant 3088 : index
      %swap3A_398 = tpu.vector_load %arg11[%swap3A_397] {strides = array<i32>} : memref<3968xf32, #tpu.memory_space<vmem>>, vector<16xf32>,
      tpu.vector_store %arg11[%swap3A_397], %broadcast_in_dim3A_3 {strides = array<i32>} : memref<3968xf32, #tpu.memory_space<vmem>>, vector<16xf32>,
      %swap3A_399 = arith.constant 3104 : index
      %swap3A_400 = tpu.vector_load %arg11[%swap3A_399] {strides = array<i32>} : memref<3968xf32, #tpu.memory_space<vmem>>, vector<16xf32>,
      tpu.vector_store %arg11[%swap3A_399], %broadcast_in_dim3A_3 {strides = array<i32>} : memref<3968xf32, #tpu.memory_space<vmem>>, vector<16xf32>,
      %swap3A_401 = arith.constant 3120 : index
      %swap3A_402 = tpu.vector_load %arg11[%swap3A_401] {strides = array<i32>} : memref<3968xf32, #tpu.memory_space<vmem>>, vector<16xf32>,
      tpu.vector_store %arg11[%swap3A_401], %broadcast_in_dim3A_3 {strides = array<i32>} : memref<3968xf32, #tpu.memory_space<vmem>>, vector<16xf32>,
      %swap3A_403 = arith.constant 3136 : index
      %swap3A_404 = tpu.vector_load %arg11[%swap3A_403] {strides = array<i32>} : memref<3968xf32, #tpu.memory_space<vmem>>, vector<16xf32>,
      tpu.vector_store %arg11[%swap3A_403], %broadcast_in_dim3A_3 {strides = array<i32>} : memref<3968xf32, #tpu.memory_space<vmem>>, vector<16xf32>,
      %swap3A_405 = arith.constant 3152 : index
      %swap3A_406 = tpu.vector_load %arg11[%swap3A_405] {strides = array<i32>} : memref<3968xf32, #tpu.memory_space<vmem>>, vector<16xf32>,
      tpu.vector_store %arg11[%swap3A_405], %broadcast_in_dim3A_3 {strides = array<i32>} : memref<3968xf32, #tpu.memory_space<vmem>>, vector<16xf32>,
      %swap3A_407 = arith.constant 3168 : index
      %swap3A_408 = tpu.vector_load %arg11[%swap3A_407] {strides = array<i32>} : memref<3968xf32, #tpu.memory_space<vmem>>, vector<16xf32>,
      tpu.vector_store %arg11[%swap3A_407], %broadcast_in_dim3A_3 {strides = array<i32>} : memref<3968xf32, #tpu.memory_space<vmem>>, vector<16xf32>,
      %swap3A_409 = arith.constant 3184 : index
      %swap3A_410 = tpu.vector_load %arg11[%swap3A_409] {strides = array<i32>} : memref<3968xf32, #tpu.memory_space<vmem>>, vector<16xf32>,
      tpu.vector_store %arg11[%swap3A_409], %broadcast_in_dim3A_3 {strides = array<i32>} : memref<3968xf32, #tpu.memory_space<vmem>>, vector<16xf32>,
      %swap3A_411 = arith.constant 3200 : index
      %swap3A_412 = tpu.vector_load %arg11[%swap3A_411] {strides = array<i32>} : memref<3968xf32, #tpu.memory_space<vmem>>, vector<16xf32>,
      tpu.vector_store %arg11[%swap3A_411], %broadcast_in_dim3A_3 {strides = array<i32>} : memref<3968xf32, #tpu.memory_space<vmem>>, vector<16xf32>,
      %swap3A_413 = arith.constant 3216 : index
      %swap3A_414 = tpu.vector_load %arg11[%swap3A_413] {strides = array<i32>} : memref<3968xf32, #tpu.memory_space<vmem>>, vector<16xf32>,
      tpu.vector_store %arg11[%swap3A_413], %broadcast_in_dim3A_3 {strides = array<i32>} : memref<3968xf32, #tpu.memory_space<vmem>>, vector<16xf32>,
      %swap3A_415 = arith.constant 3232 : index
      %swap3A_416 = tpu.vector_load %arg11[%swap3A_415] {strides = array<i32>} : memref<3968xf32, #tpu.memory_space<vmem>>, vector<16xf32>,
      tpu.vector_store %arg11[%swap3A_415], %broadcast_in_dim3A_3 {strides = array<i32>} : memref<3968xf32, #tpu.memory_space<vmem>>, vector<16xf32>,
      %swap3A_417 = arith.constant 3248 : index
      %swap3A_418 = tpu.vector_load %arg11[%swap3A_417] {strides = array<i32>} : memref<3968xf32, #tpu.memory_space<vmem>>, vector<16xf32>,
      tpu.vector_store %arg11[%swap3A_417], %broadcast_in_dim3A_3 {strides = array<i32>} : memref<3968xf32, #tpu.memory_space<vmem>>, vector<16xf32>,
      %swap3A_419 = arith.constant 3264 : index
      %swap3A_420 = tpu.vector_load %arg11[%swap3A_419] {strides = array<i32>} : memref<3968xf32, #tpu.memory_space<vmem>>, vector<16xf32>,
      tpu.vector_store %arg11[%swap3A_419], %broadcast_in_dim3A_3 {strides = array<i32>} : memref<3968xf32, #tpu.memory_space<vmem>>, vector<16xf32>,
      %swap3A_421 = arith.constant 3280 : index
      %swap3A_422 = tpu.vector_load %arg11[%swap3A_421] {strides = array<i32>} : memref<3968xf32, #tpu.memory_space<vmem>>, vector<16xf32>,
      tpu.vector_store %arg11[%swap3A_421], %broadcast_in_dim3A_3 {strides = array<i32>} : memref<3968xf32, #tpu.memory_space<vmem>>, vector<16xf32>,
      %swap3A_423 = arith.constant 3296 : index
      %swap3A_424 = tpu.vector_load %arg11[%swap3A_423] {strides = array<i32>} : memref<3968xf32, #tpu.memory_space<vmem>>, vector<16xf32>,
      tpu.vector_store %arg11[%swap3A_423], %broadcast_in_dim3A_3 {strides = array<i32>} : memref<3968xf32, #tpu.memory_space<vmem>>, vector<16xf32>,
      %swap3A_425 = arith.constant 3312 : index
      %swap3A_426 = tpu.vector_load %arg11[%swap3A_425] {strides = array<i32>} : memref<3968xf32, #tpu.memory_space<vmem>>, vector<16xf32>,
      tpu.vector_store %arg11[%swap3A_425], %broadcast_in_dim3A_3 {strides = array<i32>} : memref<3968xf32, #tpu.memory_space<vmem>>, vector<16xf32>,
      %swap3A_427 = arith.constant 3328 : index
      %swap3A_428 = tpu.vector_load %arg11[%swap3A_427] {strides = array<i32>} : memref<3968xf32, #tpu.memory_space<vmem>>, vector<16xf32>,
      tpu.vector_store %arg11[%swap3A_427], %broadcast_in_dim3A_3 {strides = array<i32>} : memref<3968xf32, #tpu.memory_space<vmem>>, vector<16xf32>,
      %swap3A_429 = arith.constant 3344 : index
      %swap3A_430 = tpu.vector_load %arg11[%swap3A_429] {strides = array<i32>} : memref<3968xf32, #tpu.memory_space<vmem>>, vector<16xf32>,
      tpu.vector_store %arg11[%swap3A_429], %broadcast_in_dim3A_3 {strides = array<i32>} : memref<3968xf32, #tpu.memory_space<vmem>>, vector<16xf32>,
      %swap3A_431 = arith.constant 3360 : index
      %swap3A_432 = tpu.vector_load %arg11[%swap3A_431] {strides = array<i32>} : memref<3968xf32, #tpu.memory_space<vmem>>, vector<16xf32>,
      tpu.vector_store %arg11[%swap3A_431], %broadcast_in_dim3A_3 {strides = array<i32>} : memref<3968xf32, #tpu.memory_space<vmem>>, vector<16xf32>,
      %swap3A_433 = arith.constant 3376 : index
      %swap3A_434 = tpu.vector_load %arg11[%swap3A_433] {strides = array<i32>} : memref<3968xf32, #tpu.memory_space<vmem>>, vector<16xf32>,
      tpu.vector_store %arg11[%swap3A_433], %broadcast_in_dim3A_3 {strides = array<i32>} : memref<3968xf32, #tpu.memory_space<vmem>>, vector<16xf32>,
      %swap3A_435 = arith.constant 3392 : index
      %swap3A_436 = tpu.vector_load %arg11[%swap3A_435] {strides = array<i32>} : memref<3968xf32, #tpu.memory_space<vmem>>, vector<16xf32>,
      tpu.vector_store %arg11[%swap3A_435], %broadcast_in_dim3A_3 {strides = array<i32>} : memref<3968xf32, #tpu.memory_space<vmem>>, vector<16xf32>,
      %swap3A_437 = arith.constant 3408 : index
      %swap3A_438 = tpu.vector_load %arg11[%swap3A_437] {strides = array<i32>} : memref<3968xf32, #tpu.memory_space<vmem>>, vector<16xf32>,
      tpu.vector_store %arg11[%swap3A_437], %broadcast_in_dim3A_3 {strides = array<i32>} : memref<3968xf32, #tpu.memory_space<vmem>>, vector<16xf32>,
      %swap3A_439 = arith.constant 3424 : index
      %swap3A_440 = tpu.vector_load %arg11[%swap3A_439] {strides = array<i32>} : memref<3968xf32, #tpu.memory_space<vmem>>, vector<16xf32>,
      tpu.vector_store %arg11[%swap3A_439], %broadcast_in_dim3A_3 {strides = array<i32>} : memref<3968xf32, #tpu.memory_space<vmem>>, vector<16xf32>,
      %swap3A_441 = arith.constant 3440 : index
      %swap3A_442 = tpu.vector_load %arg11[%swap3A_441] {strides = array<i32>} : memref<3968xf32, #tpu.memory_space<vmem>>, vector<16xf32>,
      tpu.vector_store %arg11[%swap3A_441], %broadcast_in_dim3A_3 {strides = array<i32>} : memref<3968xf32, #tpu.memory_space<vmem>>, vector<16xf32>,
      %swap3A_443 = arith.constant 3456 : index
      %swap3A_444 = tpu.vector_load %arg11[%swap3A_443] {strides = array<i32>} : memref<3968xf32, #tpu.memory_space<vmem>>, vector<16xf32>,
      tpu.vector_store %arg11[%swap3A_443], %broadcast_in_dim3A_3 {strides = array<i32>} : memref<3968xf32, #tpu.memory_space<vmem>>, vector<16xf32>,
      %swap3A_445 = arith.constant 3472 : index
      %swap3A_446 = tpu.vector_load %arg11[%swap3A_445] {strides = array<i32>} : memref<3968xf32, #tpu.memory_space<vmem>>, vector<16xf32>,
      tpu.vector_store %arg11[%swap3A_445], %broadcast_in_dim3A_3 {strides = array<i32>} : memref<3968xf32, #tpu.memory_space<vmem>>, vector<16xf32>,
      %swap3A_447 = arith.constant 3488 : index
      %swap3A_448 = tpu.vector_load %arg11[%swap3A_447] {strides = array<i32>} : memref<3968xf32, #tpu.memory_space<vmem>>, vector<16xf32>,
      tpu.vector_store %arg11[%swap3A_447], %broadcast_in_dim3A_3 {strides = array<i32>} : memref<3968xf32, #tpu.memory_space<vmem>>, vector<16xf32>,
      %swap3A_449 = arith.constant 3504 : index
      %swap3A_450 = tpu.vector_load %arg11[%swap3A_449] {strides = array<i32>} : memref<3968xf32, #tpu.memory_space<vmem>>, vector<16xf32>,
      tpu.vector_store %arg11[%swap3A_449], %broadcast_in_dim3A_3 {strides = array<i32>} : memref<3968xf32, #tpu.memory_space<vmem>>, vector<16xf32>,
      %swap3A_451 = arith.constant 3520 : index
      %swap3A_452 = tpu.vector_load %arg11[%swap3A_451] {strides = array<i32>} : memref<3968xf32, #tpu.memory_space<vmem>>, vector<16xf32>,
      tpu.vector_store %arg11[%swap3A_451], %broadcast_in_dim3A_3 {strides = array<i32>} : memref<3968xf32, #tpu.memory_space<vmem>>, vector<16xf32>,
      %swap3A_453 = arith.constant 3536 : index
      %swap3A_454 = tpu.vector_load %arg11[%swap3A_453] {strides = array<i32>} : memref<3968xf32, #tpu.memory_space<vmem>>, vector<16xf32>,
      tpu.vector_store %arg11[%swap3A_453], %broadcast_in_dim3A_3 {strides = array<i32>} : memref<3968xf32, #tpu.memory_space<vmem>>, vector<16xf32>,
      %swap3A_455 = arith.constant 3552 : index
      %swap3A_456 = tpu.vector_load %arg11[%swap3A_455] {strides = array<i32>} : memref<3968xf32, #tpu.memory_space<vmem>>, vector<16xf32>,
      tpu.vector_store %arg11[%swap3A_455], %broadcast_in_dim3A_3 {strides = array<i32>} : memref<3968xf32, #tpu.memory_space<vmem>>, vector<16xf32>,
      %swap3A_457 = arith.constant 3568 : index
      %swap3A_458 = tpu.vector_load %arg11[%swap3A_457] {strides = array<i32>} : memref<3968xf32, #tpu.memory_space<vmem>>, vector<16xf32>,
      tpu.vector_store %arg11[%swap3A_457], %broadcast_in_dim3A_3 {strides = array<i32>} : memref<3968xf32, #tpu.memory_space<vmem>>, vector<16xf32>,
      %swap3A_459 = arith.constant 3584 : index
      %swap3A_460 = tpu.vector_load %arg11[%swap3A_459] {strides = array<i32>} : memref<3968xf32, #tpu.memory_space<vmem>>, vector<16xf32>,
      tpu.vector_store %arg11[%swap3A_459], %broadcast_in_dim3A_3 {strides = array<i32>} : memref<3968xf32, #tpu.memory_space<vmem>>, vector<16xf32>,
      %swap3A_461 = arith.constant 3600 : index
      %swap3A_462 = tpu.vector_load %arg11[%swap3A_461] {strides = array<i32>} : memref<3968xf32, #tpu.memory_space<vmem>>, vector<16xf32>,
      tpu.vector_store %arg11[%swap3A_461], %broadcast_in_dim3A_3 {strides = array<i32>} : memref<3968xf32, #tpu.memory_space<vmem>>, vector<16xf32>,
      %swap3A_463 = arith.constant 3616 : index
      %swap3A_464 = tpu.vector_load %arg11[%swap3A_463] {strides = array<i32>} : memref<3968xf32, #tpu.memory_space<vmem>>, vector<16xf32>,
      tpu.vector_store %arg11[%swap3A_463], %broadcast_in_dim3A_3 {strides = array<i32>} : memref<3968xf32, #tpu.memory_space<vmem>>, vector<16xf32>,
      %swap3A_465 = arith.constant 3632 : index
      %swap3A_466 = tpu.vector_load %arg11[%swap3A_465] {strides = array<i32>} : memref<3968xf32, #tpu.memory_space<vmem>>, vector<16xf32>,
      tpu.vector_store %arg11[%swap3A_465], %broadcast_in_dim3A_3 {strides = array<i32>} : memref<3968xf32, #tpu.memory_space<vmem>>, vector<16xf32>,
      %swap3A_467 = arith.constant 3648 : index
      %swap3A_468 = tpu.vector_load %arg11[%swap3A_467] {strides = array<i32>} : memref<3968xf32, #tpu.memory_space<vmem>>, vector<16xf32>,
      tpu.vector_store %arg11[%swap3A_467], %broadcast_in_dim3A_3 {strides = array<i32>} : memref<3968xf32, #tpu.memory_space<vmem>>, vector<16xf32>,
      %swap3A_469 = arith.constant 3664 : index
      %swap3A_470 = tpu.vector_load %arg11[%swap3A_469] {strides = array<i32>} : memref<3968xf32, #tpu.memory_space<vmem>>, vector<16xf32>,
      tpu.vector_store %arg11[%swap3A_469], %broadcast_in_dim3A_3 {strides = array<i32>} : memref<3968xf32, #tpu.memory_space<vmem>>, vector<16xf32>,
      %swap3A_471 = arith.constant 3680 : index
      %swap3A_472 = tpu.vector_load %arg11[%swap3A_471] {strides = array<i32>} : memref<3968xf32, #tpu.memory_space<vmem>>, vector<16xf32>,
      tpu.vector_store %arg11[%swap3A_471], %broadcast_in_dim3A_3 {strides = array<i32>} : memref<3968xf32, #tpu.memory_space<vmem>>, vector<16xf32>,
      %swap3A_473 = arith.constant 3696 : index
      %swap3A_474 = tpu.vector_load %arg11[%swap3A_473] {strides = array<i32>} : memref<3968xf32, #tpu.memory_space<vmem>>, vector<16xf32>,
      tpu.vector_store %arg11[%swap3A_473], %broadcast_in_dim3A_3 {strides = array<i32>} : memref<3968xf32, #tpu.memory_space<vmem>>, vector<16xf32>,
      %swap3A_475 = arith.constant 3712 : index
      %swap3A_476 = tpu.vector_load %arg11[%swap3A_475] {strides = array<i32>} : memref<3968xf32, #tpu.memory_space<vmem>>, vector<16xf32>,
      tpu.vector_store %arg11[%swap3A_475], %broadcast_in_dim3A_3 {strides = array<i32>} : memref<3968xf32, #tpu.memory_space<vmem>>, vector<16xf32>,
      %swap3A_477 = arith.constant 3728 : index
      %swap3A_478 = tpu.vector_load %arg11[%swap3A_477] {strides = array<i32>} : memref<3968xf32, #tpu.memory_space<vmem>>, vector<16xf32>,
      tpu.vector_store %arg11[%swap3A_477], %broadcast_in_dim3A_3 {strides = array<i32>} : memref<3968xf32, #tpu.memory_space<vmem>>, vector<16xf32>,
      %swap3A_479 = arith.constant 3744 : index
      %swap3A_480 = tpu.vector_load %arg11[%swap3A_479] {strides = array<i32>} : memref<3968xf32, #tpu.memory_space<vmem>>, vector<16xf32>,
      tpu.vector_store %arg11[%swap3A_479], %broadcast_in_dim3A_3 {strides = array<i32>} : memref<3968xf32, #tpu.memory_space<vmem>>, vector<16xf32>,
      %swap3A_481 = arith.constant 3760 : index
      %swap3A_482 = tpu.vector_load %arg11[%swap3A_481] {strides = array<i32>} : memref<3968xf32, #tpu.memory_space<vmem>>, vector<16xf32>,
      tpu.vector_store %arg11[%swap3A_481], %broadcast_in_dim3A_3 {strides = array<i32>} : memref<3968xf32, #tpu.memory_space<vmem>>, vector<16xf32>,
      %swap3A_483 = arith.constant 3776 : index
      %swap3A_484 = tpu.vector_load %arg11[%swap3A_483] {strides = array<i32>} : memref<3968xf32, #tpu.memory_space<vmem>>, vector<16xf32>,
      tpu.vector_store %arg11[%swap3A_483], %broadcast_in_dim3A_3 {strides = array<i32>} : memref<3968xf32, #tpu.memory_space<vmem>>, vector<16xf32>,
      %swap3A_485 = arith.constant 3792 : index
      %swap3A_486 = tpu.vector_load %arg11[%swap3A_485] {strides = array<i32>} : memref<3968xf32, #tpu.memory_space<vmem>>, vector<16xf32>,
      tpu.vector_store %arg11[%swap3A_485], %broadcast_in_dim3A_3 {strides = array<i32>} : memref<3968xf32, #tpu.memory_space<vmem>>, vector<16xf32>,
      %swap3A_487 = arith.constant 3808 : index
      %swap3A_488 = tpu.vector_load %arg11[%swap3A_487] {strides = array<i32>} : memref<3968xf32, #tpu.memory_space<vmem>>, vector<16xf32>,
      tpu.vector_store %arg11[%swap3A_487], %broadcast_in_dim3A_3 {strides = array<i32>} : memref<3968xf32, #tpu.memory_space<vmem>>, vector<16xf32>,
      %swap3A_489 = arith.constant 3824 : index
      %swap3A_490 = tpu.vector_load %arg11[%swap3A_489] {strides = array<i32>} : memref<3968xf32, #tpu.memory_space<vmem>>, vector<16xf32>,
      tpu.vector_store %arg11[%swap3A_489], %broadcast_in_dim3A_3 {strides = array<i32>} : memref<3968xf32, #tpu.memory_space<vmem>>, vector<16xf32>,
      %swap3A_491 = arith.constant 3840 : index
      %swap3A_492 = tpu.vector_load %arg11[%swap3A_491] {strides = array<i32>} : memref<3968xf32, #tpu.memory_space<vmem>>, vector<16xf32>,
      tpu.vector_store %arg11[%swap3A_491], %broadcast_in_dim3A_3 {strides = array<i32>} : memref<3968xf32, #tpu.memory_space<vmem>>, vector<16xf32>,
      %swap3A_493 = arith.constant 3856 : index
      %swap3A_494 = tpu.vector_load %arg11[%swap3A_493] {strides = array<i32>} : memref<3968xf32, #tpu.memory_space<vmem>>, vector<16xf32>,
      tpu.vector_store %arg11[%swap3A_493], %broadcast_in_dim3A_3 {strides = array<i32>} : memref<3968xf32, #tpu.memory_space<vmem>>, vector<16xf32>,
      %swap3A_495 = arith.constant 3872 : index
      %swap3A_496 = tpu.vector_load %arg11[%swap3A_495] {strides = array<i32>} : memref<3968xf32, #tpu.memory_space<vmem>>, vector<16xf32>,
      tpu.vector_store %arg11[%swap3A_495], %broadcast_in_dim3A_3 {strides = array<i32>} : memref<3968xf32, #tpu.memory_space<vmem>>, vector<16xf32>,
      %swap3A_497 = arith.constant 3888 : index
      %swap3A_498 = tpu.vector_load %arg11[%swap3A_497] {strides = array<i32>} : memref<3968xf32, #tpu.memory_space<vmem>>, vector<16xf32>,
      tpu.vector_store %arg11[%swap3A_497], %broadcast_in_dim3A_3 {strides = array<i32>} : memref<3968xf32, #tpu.memory_space<vmem>>, vector<16xf32>,
      %swap3A_499 = arith.constant 3904 : index
      %swap3A_500 = tpu.vector_load %arg11[%swap3A_499] {strides = array<i32>} : memref<3968xf32, #tpu.memory_space<vmem>>, vector<16xf32>,
      tpu.vector_store %arg11[%swap3A_499], %broadcast_in_dim3A_3 {strides = array<i32>} : memref<3968xf32, #tpu.memory_space<vmem>>, vector<16xf32>,
      %swap3A_501 = arith.constant 3920 : index
      %swap3A_502 = tpu.vector_load %arg11[%swap3A_501] {strides = array<i32>} : memref<3968xf32, #tpu.memory_space<vmem>>, vector<16xf32>,
      tpu.vector_store %arg11[%swap3A_501], %broadcast_in_dim3A_3 {strides = array<i32>} : memref<3968xf32, #tpu.memory_space<vmem>>, vector<16xf32>,
      %swap3A_503 = arith.constant 3936 : index
      %swap3A_504 = tpu.vector_load %arg11[%swap3A_503] {strides = array<i32>} : memref<3968xf32, #tpu.memory_space<vmem>>, vector<16xf32>,
      tpu.vector_store %arg11[%swap3A_503], %broadcast_in_dim3A_3 {strides = array<i32>} : memref<3968xf32, #tpu.memory_space<vmem>>, vector<16xf32>,
      %swap3A_505 = arith.constant 3952 : index
      %swap3A_506 = tpu.vector_load %arg11[%swap3A_505] {strides = array<i32>} : memref<3968xf32, #tpu.memory_space<vmem>>, vector<16xf32>,
      tpu.vector_store %arg11[%swap3A_505], %broadcast_in_dim3A_3 {strides = array<i32>} : memref<3968xf32, #tpu.memory_space<vmem>>, vector<16xf32>,
      %scan3A = arith.constant 0 : i32
      %scan3A_507 = arith.constant 0 : i32
      %scan3A_508 = arith.constant 241 : i32
      %scan3A_509 = arith.addi %scan3A_507, %scan3A_508 : i32
      %scan3A_510 = arith.constant 1 : i32
      scf.for %scan3A_775 = %scan3A_507 to %scan3A_509 step %scan3A_510  : i32 {
        %mul3A_776 = arith.constant 16 : i32
        %mul3A_777 = arith.muli %scan3A_775, %mul3A_776 : i32
        %get3A = arith.index_cast %mul3A_777 : i32 to index
        %get3A_778 = tpu.vector_load %arg7[%get3A] {strides = array<i32>} : memref<3856xi32, #tpu.memory_space<vmem>>, vector<16xi32>,
        %get3A_779 = arith.index_cast %mul3A_777 : i32 to index
        %get3A_780 = tpu.vector_load %arg8[%get3A_779] {strides = array<i32>} : memref<3856xi32, #tpu.memory_space<vmem>>, vector<16xi32>,
        %add3A_781 = vector.broadcast %mul3A_777 : i32 to vector<16xi32>
        %add3A_782 = arith.addi %add3A_781, %iota3A : vector<16xi32>
        %jit3A = arith.constant 62 : i32
        %div3A = vector.broadcast %jit3A : i32 to vector<16xi32>
        %div3A_783 = arith.divsi %add3A_782, %div3A : vector<16xi32>
        %sign3A = arith.constant 0 : i32
        %sign3A_784 = vector.broadcast %sign3A : i32 to vector<16xi32>
        %sign3A_785 = arith.cmpi sgt, %add3A_782, %sign3A_784 : vector<16xi32>
        %sign3A_786 = arith.extui %sign3A_785 : vector<16xi1> to vector<16xi32>
        %sign3A_787 = arith.constant 0 : i32
        %sign3A_788 = vector.broadcast %sign3A_787 : i32 to vector<16xi32>
        %sign3A_789 = arith.cmpi slt, %add3A_782, %sign3A_788 : vector<16xi32>
        %sign3A_790 = arith.extui %sign3A_789 : vector<16xi1> to vector<16xi32>
        %sign3A_791 = arith.subi %sign3A_786, %sign3A_790 : vector<16xi32>
        %sign3A_792 = arith.constant 0 : i32
        %sign3A_793 = arith.cmpi sgt, %jit3A, %sign3A_792 : i32
        %sign3A_794 = arith.extui %sign3A_793 : i1 to i32
        %sign3A_795 = arith.constant 0 : i32
        %sign3A_796 = arith.cmpi slt, %jit3A, %sign3A_795 : i32
        %sign3A_797 = arith.extui %sign3A_796 : i1 to i32
        %sign3A_798 = arith.subi %sign3A_794, %sign3A_797 : i32
        %ne3A = vector.broadcast %sign3A_798 : i32 to vector<16xi32>
        %ne3A_799 = arith.cmpi ne, %sign3A_791, %ne3A : vector<16xi32>
        %rem3A = vector.broadcast %jit3A : i32 to vector<16xi32>
        %rem3A_800 = arith.remsi %add3A_782, %rem3A : vector<16xi32>
        %ne3A_801 = arith.constant 0 : i32
        %ne3A_802 = vector.broadcast %ne3A_801 : i32 to vector<16xi32>
        %ne3A_803 = arith.cmpi ne, %rem3A_800, %ne3A_802 : vector<16xi32>
        %and3A = arith.andi %ne3A_799, %ne3A_803 : vector<16xi1>
        %sub3A = arith.constant 1 : i32
        %sub3A_804 = vector.broadcast %sub3A : i32 to vector<16xi32>
        %sub3A_805 = arith.subi %div3A_783, %sub3A_804 : vector<16xi32>
        %select_n3A = arith.select %and3A, %sub3A_805, %div3A_783 : vector<16xi1>, vector<16xi32>
        %mul3A_806 = arith.constant 62 : i32
        %mul3A_807 = vector.broadcast %mul3A_806 : i32 to vector<16xi32>
        %mul3A_808 = arith.muli %select_n3A, %mul3A_807 : vector<16xi32>
        %sub3A_809 = arith.subi %add3A_782, %mul3A_808 : vector<16xi32>
        %max3A = arith.maxsi %select_n3A, %sub3A_809 : vector<16xi32>
        %min3A = arith.minsi %select_n3A, %sub3A_809 : vector<16xi32>
        %add3A_810 = arith.constant 1 : i32
        %add3A_811 = vector.broadcast %add3A_810 : i32 to vector<16xi32>
        %add3A_812 = arith.addi %max3A, %add3A_811 : vector<16xi32>
        %mul3A_813 = arith.muli %max3A, %add3A_812 : vector<16xi32>
        %shift_right_arithmetic3A = arith.constant 1 : i32
        %shift_right_arithmetic3A_814 = vector.broadcast %shift_right_arithmetic3A : i32 to vector<16xi32>
        %shift_right_arithmetic3A_815 = arith.shrsi %mul3A_813, %shift_right_arithmetic3A_814 : vector<16xi32>
        %add3A_816 = arith.addi %shift_right_arithmetic3A_815, %min3A : vector<16xi32>
        %gather3A = tpu.vector_load_idx %arg9[%add3A_816] : memref<1968xf32, #tpu.memory_space<vmem>>[vector<16xi32>], vector<16xf32>,
        %eq3A_817 = arith.cmpi eq, %get3A_778, %get3A_780 : vector<16xi32>
        %lt3A = arith.constant 3844 : i32
        %lt3A_818 = vector.broadcast %lt3A : i32 to vector<16xi32>
        %lt3A_819 = arith.cmpi slt, %add3A_782, %lt3A_818 : vector<16xi32>
        %not3A = arith.constant dense<true> : vector<16xi1>
        %not3A_820 = arith.xori %lt3A_819, %not3A : vector<16xi1>
        %or3A = arith.ori %eq3A_817, %not3A_820 : vector<16xi1>
        %jit3A_821 = arith.constant 0.000000e+00 : f32
        %broadcast_in_dim3A_822 = vector.broadcast %jit3A_821 : f32 to vector<16xf32>
        %select_n3A_823 = arith.select %or3A, %broadcast_in_dim3A_822, %gather3A : vector<16xi1>, vector<16xf32>
        %jit3A_824 = arith.constant 8 : i32
        %div3A_825 = arith.divsi %scan3A_775, %jit3A_824 : i32
        %sign3A_826 = arith.constant 0 : i32
        %sign3A_827 = arith.cmpi sgt, %scan3A_775, %sign3A_826 : i32
        %sign3A_828 = arith.extui %sign3A_827 : i1 to i32
        %sign3A_829 = arith.constant 0 : i32
        %sign3A_830 = arith.cmpi slt, %scan3A_775, %sign3A_829 : i32
        %sign3A_831 = arith.extui %sign3A_830 : i1 to i32
        %sign3A_832 = arith.subi %sign3A_828, %sign3A_831 : i32
        %sign3A_833 = arith.constant 0 : i32
        %sign3A_834 = arith.cmpi sgt, %jit3A_824, %sign3A_833 : i32
        %sign3A_835 = arith.extui %sign3A_834 : i1 to i32
        %sign3A_836 = arith.constant 0 : i32
        %sign3A_837 = arith.cmpi slt, %jit3A_824, %sign3A_836 : i32
        %sign3A_838 = arith.extui %sign3A_837 : i1 to i32
        %sign3A_839 = arith.subi %sign3A_835, %sign3A_838 : i32
        %ne3A_840 = arith.cmpi ne, %sign3A_832, %sign3A_839 : i32
        %rem3A_841 = arith.remsi %scan3A_775, %jit3A_824 : i32
        %ne3A_842 = arith.constant 0 : i32
        %ne3A_843 = arith.cmpi ne, %rem3A_841, %ne3A_842 : i32
        %and3A_844 = arith.andi %ne3A_840, %ne3A_843 : i1
        %sub3A_845 = arith.constant 1 : i32
        %sub3A_846 = arith.subi %div3A_825, %sub3A_845 : i32
        %select_n3A_847 = arith.select %and3A_844, %sub3A_846, %div3A_825 : i32
        %mul3A_848 = arith.constant 8 : i32
        %mul3A_849 = arith.muli %select_n3A_847, %mul3A_848 : i32
        %sub3A_850 = arith.subi %scan3A_775, %mul3A_849 : i32
        %mul3A_851 = arith.constant 16 : i32
        %mul3A_852 = arith.muli %sub3A_850, %mul3A_851 : i32
        %swap3A_853 = arith.index_cast %select_n3A_847 : i32 to index
        %swap3A_854 = arith.index_cast %mul3A_852 : i32 to index
        %swap3A_855 = tpu.vector_load %arg12[%swap3A_853, %swap3A_854] {strides = array<i32>} : memref<31x128xi32, #tpu.memory_space<vmem>>, vector<16xi32>,
        tpu.vector_store %arg12[%swap3A_853, %swap3A_854], %get3A_778 {strides = array<i32>} : memref<31x128xi32, #tpu.memory_space<vmem>>, vector<16xi32>,
        %abs3A = math.absf %select_n3A_823 : vector<16xf32>
        %swap3A_856 = arith.index_cast %select_n3A_847 : i32 to index
        %swap3A_857 = arith.index_cast %mul3A_852 : i32 to index
        %swap3A_858 = tpu.vector_load %arg13[%swap3A_856, %swap3A_857] {strides = array<i32>} : memref<31x128xf32, #tpu.memory_space<vmem>>, vector<16xf32>,
        tpu.vector_store %arg13[%swap3A_856, %swap3A_857], %abs3A {strides = array<i32>} : memref<31x128xf32, #tpu.memory_space<vmem>>, vector<16xf32>,
        %mul3A_859 = arith.constant 62 : i32
        %mul3A_860 = vector.broadcast %mul3A_859 : i32 to vector<16xi32>
        %mul3A_861 = arith.muli %get3A_780, %mul3A_860 : vector<16xi32>
        %add3A_862 = arith.addi %mul3A_861, %get3A_778 : vector<16xi32>
        %swap3A_863 = arith.index_cast %select_n3A_847 : i32 to index
        %swap3A_864 = arith.index_cast %mul3A_852 : i32 to index
        %swap3A_865 = tpu.vector_load %arg14[%swap3A_863, %swap3A_864] {strides = array<i32>} : memref<31x128xi32, #tpu.memory_space<vmem>>, vector<16xi32>,
        tpu.vector_store %arg14[%swap3A_863, %swap3A_864], %add3A_862 {strides = array<i32>} : memref<31x128xi32, #tpu.memory_space<vmem>>, vector<16xi32>,
        %swap3A_866 = arith.index_cast %select_n3A_847 : i32 to index
        %swap3A_867 = arith.index_cast %mul3A_852 : i32 to index
        %swap3A_868 = tpu.vector_load %arg15[%swap3A_866, %swap3A_867] {strides = array<i32>} : memref<31x128xf32, #tpu.memory_space<vmem>>, vector<16xf32>,
        tpu.vector_store %arg15[%swap3A_866, %swap3A_867], %select_n3A_823 {strides = array<i32>} : memref<31x128xf32, #tpu.memory_space<vmem>>, vector<16xf32>,
      }
      %scan3A_511 = arith.constant 241 : i32
      %broadcast_in_dim3A_512 = arith.constant 0 : i32
      %broadcast_in_dim3A_513 = vector.broadcast %broadcast_in_dim3A_512 : i32 to vector<16xi32>
      %swap3A_514 = arith.constant 30 : i32
      %swap3A_515 = arith.index_cast %swap3A_514 : i32 to index
      %swap3A_516 = arith.constant 16 : index
      %swap3A_517 = tpu.vector_load %arg12[%swap3A_515, %swap3A_516] {strides = array<i32>} : memref<31x128xi32, #tpu.memory_space<vmem>>, vector<16xi32>,
      tpu.vector_store %arg12[%swap3A_515, %swap3A_516], %broadcast_in_dim3A_513 {strides = array<i32>} : memref<31x128xi32, #tpu.memory_space<vmem>>, vector<16xi32>,
      %swap3A_518 = arith.constant 30 : i32
      %swap3A_519 = arith.index_cast %swap3A_518 : i32 to index
      %swap3A_520 = arith.constant 16 : index
      %swap3A_521 = tpu.vector_load %arg13[%swap3A_519, %swap3A_520] {strides = array<i32>} : memref<31x128xf32, #tpu.memory_space<vmem>>, vector<16xf32>,
      tpu.vector_store %arg13[%swap3A_519, %swap3A_520], %broadcast_in_dim3A_3 {strides = array<i32>} : memref<31x128xf32, #tpu.memory_space<vmem>>, vector<16xf32>,
      %broadcast_in_dim3A_522 = arith.constant 0 : i32
      %broadcast_in_dim3A_523 = vector.broadcast %broadcast_in_dim3A_522 : i32 to vector<16xi32>
      %swap3A_524 = arith.constant 30 : i32
      %swap3A_525 = arith.index_cast %swap3A_524 : i32 to index
      %swap3A_526 = arith.constant 16 : index
      %swap3A_527 = tpu.vector_load %arg14[%swap3A_525, %swap3A_526] {strides = array<i32>} : memref<31x128xi32, #tpu.memory_space<vmem>>, vector<16xi32>,
      tpu.vector_store %arg14[%swap3A_525, %swap3A_526], %broadcast_in_dim3A_523 {strides = array<i32>} : memref<31x128xi32, #tpu.memory_space<vmem>>, vector<16xi32>,
      %swap3A_528 = arith.constant 30 : i32
      %swap3A_529 = arith.index_cast %swap3A_528 : i32 to index
      %swap3A_530 = arith.constant 16 : index
      %swap3A_531 = tpu.vector_load %arg15[%swap3A_529, %swap3A_530] {strides = array<i32>} : memref<31x128xf32, #tpu.memory_space<vmem>>, vector<16xf32>,
      tpu.vector_store %arg15[%swap3A_529, %swap3A_530], %broadcast_in_dim3A_3 {strides = array<i32>} : memref<31x128xf32, #tpu.memory_space<vmem>>, vector<16xf32>,
      %broadcast_in_dim3A_532 = arith.constant 0 : i32
      %broadcast_in_dim3A_533 = vector.broadcast %broadcast_in_dim3A_532 : i32 to vector<16xi32>
      %swap3A_534 = arith.constant 30 : i32
      %swap3A_535 = arith.index_cast %swap3A_534 : i32 to index
      %swap3A_536 = arith.constant 32 : index
      %swap3A_537 = tpu.vector_load %arg12[%swap3A_535, %swap3A_536] {strides = array<i32>} : memref<31x128xi32, #tpu.memory_space<vmem>>, vector<16xi32>,
      tpu.vector_store %arg12[%swap3A_535, %swap3A_536], %broadcast_in_dim3A_533 {strides = array<i32>} : memref<31x128xi32, #tpu.memory_space<vmem>>, vector<16xi32>,
      %swap3A_538 = arith.constant 30 : i32
      %swap3A_539 = arith.index_cast %swap3A_538 : i32 to index
      %swap3A_540 = arith.constant 32 : index
      %swap3A_541 = tpu.vector_load %arg13[%swap3A_539, %swap3A_540] {strides = array<i32>} : memref<31x128xf32, #tpu.memory_space<vmem>>, vector<16xf32>,
      tpu.vector_store %arg13[%swap3A_539, %swap3A_540], %broadcast_in_dim3A_3 {strides = array<i32>} : memref<31x128xf32, #tpu.memory_space<vmem>>, vector<16xf32>,
      %broadcast_in_dim3A_542 = arith.constant 0 : i32
      %broadcast_in_dim3A_543 = vector.broadcast %broadcast_in_dim3A_542 : i32 to vector<16xi32>
      %swap3A_544 = arith.constant 30 : i32
      %swap3A_545 = arith.index_cast %swap3A_544 : i32 to index
      %swap3A_546 = arith.constant 32 : index
      %swap3A_547 = tpu.vector_load %arg14[%swap3A_545, %swap3A_546] {strides = array<i32>} : memref<31x128xi32, #tpu.memory_space<vmem>>, vector<16xi32>,
      tpu.vector_store %arg14[%swap3A_545, %swap3A_546], %broadcast_in_dim3A_543 {strides = array<i32>} : memref<31x128xi32, #tpu.memory_space<vmem>>, vector<16xi32>,
      %swap3A_548 = arith.constant 30 : i32
      %swap3A_549 = arith.index_cast %swap3A_548 : i32 to index
      %swap3A_550 = arith.constant 32 : index
      %swap3A_551 = tpu.vector_load %arg15[%swap3A_549, %swap3A_550] {strides = array<i32>} : memref<31x128xf32, #tpu.memory_space<vmem>>, vector<16xf32>,
      tpu.vector_store %arg15[%swap3A_549, %swap3A_550], %broadcast_in_dim3A_3 {strides = array<i32>} : memref<31x128xf32, #tpu.memory_space<vmem>>, vector<16xf32>,
      %broadcast_in_dim3A_552 = arith.constant 0 : i32
      %broadcast_in_dim3A_553 = vector.broadcast %broadcast_in_dim3A_552 : i32 to vector<16xi32>
      %swap3A_554 = arith.constant 30 : i32
      %swap3A_555 = arith.index_cast %swap3A_554 : i32 to index
      %swap3A_556 = arith.constant 48 : index
      %swap3A_557 = tpu.vector_load %arg12[%swap3A_555, %swap3A_556] {strides = array<i32>} : memref<31x128xi32, #tpu.memory_space<vmem>>, vector<16xi32>,
      tpu.vector_store %arg12[%swap3A_555, %swap3A_556], %broadcast_in_dim3A_553 {strides = array<i32>} : memref<31x128xi32, #tpu.memory_space<vmem>>, vector<16xi32>,
      %swap3A_558 = arith.constant 30 : i32
      %swap3A_559 = arith.index_cast %swap3A_558 : i32 to index
      %swap3A_560 = arith.constant 48 : index
      %swap3A_561 = tpu.vector_load %arg13[%swap3A_559, %swap3A_560] {strides = array<i32>} : memref<31x128xf32, #tpu.memory_space<vmem>>, vector<16xf32>,
      tpu.vector_store %arg13[%swap3A_559, %swap3A_560], %broadcast_in_dim3A_3 {strides = array<i32>} : memref<31x128xf32, #tpu.memory_space<vmem>>, vector<16xf32>,
      %broadcast_in_dim3A_562 = arith.constant 0 : i32
      %broadcast_in_dim3A_563 = vector.broadcast %broadcast_in_dim3A_562 : i32 to vector<16xi32>
      %swap3A_564 = arith.constant 30 : i32
      %swap3A_565 = arith.index_cast %swap3A_564 : i32 to index
      %swap3A_566 = arith.constant 48 : index
      %swap3A_567 = tpu.vector_load %arg14[%swap3A_565, %swap3A_566] {strides = array<i32>} : memref<31x128xi32, #tpu.memory_space<vmem>>, vector<16xi32>,
      tpu.vector_store %arg14[%swap3A_565, %swap3A_566], %broadcast_in_dim3A_563 {strides = array<i32>} : memref<31x128xi32, #tpu.memory_space<vmem>>, vector<16xi32>,
      %swap3A_568 = arith.constant 30 : i32
      %swap3A_569 = arith.index_cast %swap3A_568 : i32 to index
      %swap3A_570 = arith.constant 48 : index
      %swap3A_571 = tpu.vector_load %arg15[%swap3A_569, %swap3A_570] {strides = array<i32>} : memref<31x128xf32, #tpu.memory_space<vmem>>, vector<16xf32>,
      tpu.vector_store %arg15[%swap3A_569, %swap3A_570], %broadcast_in_dim3A_3 {strides = array<i32>} : memref<31x128xf32, #tpu.memory_space<vmem>>, vector<16xf32>,
      %broadcast_in_dim3A_572 = arith.constant 0 : i32
      %broadcast_in_dim3A_573 = vector.broadcast %broadcast_in_dim3A_572 : i32 to vector<16xi32>
      %swap3A_574 = arith.constant 30 : i32
      %swap3A_575 = arith.index_cast %swap3A_574 : i32 to index
      %swap3A_576 = arith.constant 64 : index
      %swap3A_577 = tpu.vector_load %arg12[%swap3A_575, %swap3A_576] {strides = array<i32>} : memref<31x128xi32, #tpu.memory_space<vmem>>, vector<16xi32>,
      tpu.vector_store %arg12[%swap3A_575, %swap3A_576], %broadcast_in_dim3A_573 {strides = array<i32>} : memref<31x128xi32, #tpu.memory_space<vmem>>, vector<16xi32>,
      %swap3A_578 = arith.constant 30 : i32
      %swap3A_579 = arith.index_cast %swap3A_578 : i32 to index
      %swap3A_580 = arith.constant 64 : index
      %swap3A_581 = tpu.vector_load %arg13[%swap3A_579, %swap3A_580] {strides = array<i32>} : memref<31x128xf32, #tpu.memory_space<vmem>>, vector<16xf32>,
      tpu.vector_store %arg13[%swap3A_579, %swap3A_580], %broadcast_in_dim3A_3 {strides = array<i32>} : memref<31x128xf32, #tpu.memory_space<vmem>>, vector<16xf32>,
      %broadcast_in_dim3A_582 = arith.constant 0 : i32
      %broadcast_in_dim3A_583 = vector.broadcast %broadcast_in_dim3A_582 : i32 to vector<16xi32>
      %swap3A_584 = arith.constant 30 : i32
      %swap3A_585 = arith.index_cast %swap3A_584 : i32 to index
      %swap3A_586 = arith.constant 64 : index
      %swap3A_587 = tpu.vector_load %arg14[%swap3A_585, %swap3A_586] {strides = array<i32>} : memref<31x128xi32, #tpu.memory_space<vmem>>, vector<16xi32>,
      tpu.vector_store %arg14[%swap3A_585, %swap3A_586], %broadcast_in_dim3A_583 {strides = array<i32>} : memref<31x128xi32, #tpu.memory_space<vmem>>, vector<16xi32>,
      %swap3A_588 = arith.constant 30 : i32
      %swap3A_589 = arith.index_cast %swap3A_588 : i32 to index
      %swap3A_590 = arith.constant 64 : index
      %swap3A_591 = tpu.vector_load %arg15[%swap3A_589, %swap3A_590] {strides = array<i32>} : memref<31x128xf32, #tpu.memory_space<vmem>>, vector<16xf32>,
      tpu.vector_store %arg15[%swap3A_589, %swap3A_590], %broadcast_in_dim3A_3 {strides = array<i32>} : memref<31x128xf32, #tpu.memory_space<vmem>>, vector<16xf32>,
      %broadcast_in_dim3A_592 = arith.constant 0 : i32
      %broadcast_in_dim3A_593 = vector.broadcast %broadcast_in_dim3A_592 : i32 to vector<16xi32>
      %swap3A_594 = arith.constant 30 : i32
      %swap3A_595 = arith.index_cast %swap3A_594 : i32 to index
      %swap3A_596 = arith.constant 80 : index
      %swap3A_597 = tpu.vector_load %arg12[%swap3A_595, %swap3A_596] {strides = array<i32>} : memref<31x128xi32, #tpu.memory_space<vmem>>, vector<16xi32>,
      tpu.vector_store %arg12[%swap3A_595, %swap3A_596], %broadcast_in_dim3A_593 {strides = array<i32>} : memref<31x128xi32, #tpu.memory_space<vmem>>, vector<16xi32>,
      %swap3A_598 = arith.constant 30 : i32
      %swap3A_599 = arith.index_cast %swap3A_598 : i32 to index
      %swap3A_600 = arith.constant 80 : index
      %swap3A_601 = tpu.vector_load %arg13[%swap3A_599, %swap3A_600] {strides = array<i32>} : memref<31x128xf32, #tpu.memory_space<vmem>>, vector<16xf32>,
      tpu.vector_store %arg13[%swap3A_599, %swap3A_600], %broadcast_in_dim3A_3 {strides = array<i32>} : memref<31x128xf32, #tpu.memory_space<vmem>>, vector<16xf32>,
      %broadcast_in_dim3A_602 = arith.constant 0 : i32
      %broadcast_in_dim3A_603 = vector.broadcast %broadcast_in_dim3A_602 : i32 to vector<16xi32>
      %swap3A_604 = arith.constant 30 : i32
      %swap3A_605 = arith.index_cast %swap3A_604 : i32 to index
      %swap3A_606 = arith.constant 80 : index
      %swap3A_607 = tpu.vector_load %arg14[%swap3A_605, %swap3A_606] {strides = array<i32>} : memref<31x128xi32, #tpu.memory_space<vmem>>, vector<16xi32>,
      tpu.vector_store %arg14[%swap3A_605, %swap3A_606], %broadcast_in_dim3A_603 {strides = array<i32>} : memref<31x128xi32, #tpu.memory_space<vmem>>, vector<16xi32>,
      %swap3A_608 = arith.constant 30 : i32
      %swap3A_609 = arith.index_cast %swap3A_608 : i32 to index
      %swap3A_610 = arith.constant 80 : index
      %swap3A_611 = tpu.vector_load %arg15[%swap3A_609, %swap3A_610] {strides = array<i32>} : memref<31x128xf32, #tpu.memory_space<vmem>>, vector<16xf32>,
      tpu.vector_store %arg15[%swap3A_609, %swap3A_610], %broadcast_in_dim3A_3 {strides = array<i32>} : memref<31x128xf32, #tpu.memory_space<vmem>>, vector<16xf32>,
      %broadcast_in_dim3A_612 = arith.constant 0 : i32
      %broadcast_in_dim3A_613 = vector.broadcast %broadcast_in_dim3A_612 : i32 to vector<16xi32>
      %swap3A_614 = arith.constant 30 : i32
      %swap3A_615 = arith.index_cast %swap3A_614 : i32 to index
      %swap3A_616 = arith.constant 96 : index
      %swap3A_617 = tpu.vector_load %arg12[%swap3A_615, %swap3A_616] {strides = array<i32>} : memref<31x128xi32, #tpu.memory_space<vmem>>, vector<16xi32>,
      tpu.vector_store %arg12[%swap3A_615, %swap3A_616], %broadcast_in_dim3A_613 {strides = array<i32>} : memref<31x128xi32, #tpu.memory_space<vmem>>, vector<16xi32>,
      %swap3A_618 = arith.constant 30 : i32
      %swap3A_619 = arith.index_cast %swap3A_618 : i32 to index
      %swap3A_620 = arith.constant 96 : index
      %swap3A_621 = tpu.vector_load %arg13[%swap3A_619, %swap3A_620] {strides = array<i32>} : memref<31x128xf32, #tpu.memory_space<vmem>>, vector<16xf32>,
      tpu.vector_store %arg13[%swap3A_619, %swap3A_620], %broadcast_in_dim3A_3 {strides = array<i32>} : memref<31x128xf32, #tpu.memory_space<vmem>>, vector<16xf32>,
      %broadcast_in_dim3A_622 = arith.constant 0 : i32
      %broadcast_in_dim3A_623 = vector.broadcast %broadcast_in_dim3A_622 : i32 to vector<16xi32>
      %swap3A_624 = arith.constant 30 : i32
      %swap3A_625 = arith.index_cast %swap3A_624 : i32 to index
      %swap3A_626 = arith.constant 96 : index
      %swap3A_627 = tpu.vector_load %arg14[%swap3A_625, %swap3A_626] {strides = array<i32>} : memref<31x128xi32, #tpu.memory_space<vmem>>, vector<16xi32>,
      tpu.vector_store %arg14[%swap3A_625, %swap3A_626], %broadcast_in_dim3A_623 {strides = array<i32>} : memref<31x128xi32, #tpu.memory_space<vmem>>, vector<16xi32>,
      %swap3A_628 = arith.constant 30 : i32
      %swap3A_629 = arith.index_cast %swap3A_628 : i32 to index
      %swap3A_630 = arith.constant 96 : index
      %swap3A_631 = tpu.vector_load %arg15[%swap3A_629, %swap3A_630] {strides = array<i32>} : memref<31x128xf32, #tpu.memory_space<vmem>>, vector<16xf32>,
      tpu.vector_store %arg15[%swap3A_629, %swap3A_630], %broadcast_in_dim3A_3 {strides = array<i32>} : memref<31x128xf32, #tpu.memory_space<vmem>>, vector<16xf32>,
      %broadcast_in_dim3A_632 = arith.constant 0 : i32
      %broadcast_in_dim3A_633 = vector.broadcast %broadcast_in_dim3A_632 : i32 to vector<16xi32>
      %swap3A_634 = arith.constant 30 : i32
      %swap3A_635 = arith.index_cast %swap3A_634 : i32 to index
      %swap3A_636 = arith.constant 112 : index
      %swap3A_637 = tpu.vector_load %arg12[%swap3A_635, %swap3A_636] {strides = array<i32>} : memref<31x128xi32, #tpu.memory_space<vmem>>, vector<16xi32>,
      tpu.vector_store %arg12[%swap3A_635, %swap3A_636], %broadcast_in_dim3A_633 {strides = array<i32>} : memref<31x128xi32, #tpu.memory_space<vmem>>, vector<16xi32>,
      %swap3A_638 = arith.constant 30 : i32
      %swap3A_639 = arith.index_cast %swap3A_638 : i32 to index
      %swap3A_640 = arith.constant 112 : index
      %swap3A_641 = tpu.vector_load %arg13[%swap3A_639, %swap3A_640] {strides = array<i32>} : memref<31x128xf32, #tpu.memory_space<vmem>>, vector<16xf32>,
      tpu.vector_store %arg13[%swap3A_639, %swap3A_640], %broadcast_in_dim3A_3 {strides = array<i32>} : memref<31x128xf32, #tpu.memory_space<vmem>>, vector<16xf32>,
      %broadcast_in_dim3A_642 = arith.constant 0 : i32
      %broadcast_in_dim3A_643 = vector.broadcast %broadcast_in_dim3A_642 : i32 to vector<16xi32>
      %swap3A_644 = arith.constant 30 : i32
      %swap3A_645 = arith.index_cast %swap3A_644 : i32 to index
      %swap3A_646 = arith.constant 112 : index
      %swap3A_647 = tpu.vector_load %arg14[%swap3A_645, %swap3A_646] {strides = array<i32>} : memref<31x128xi32, #tpu.memory_space<vmem>>, vector<16xi32>,
      tpu.vector_store %arg14[%swap3A_645, %swap3A_646], %broadcast_in_dim3A_643 {strides = array<i32>} : memref<31x128xi32, #tpu.memory_space<vmem>>, vector<16xi32>,
      %swap3A_648 = arith.constant 30 : i32
      %swap3A_649 = arith.index_cast %swap3A_648 : i32 to index
      %swap3A_650 = arith.constant 112 : index
      %swap3A_651 = tpu.vector_load %arg15[%swap3A_649, %swap3A_650] {strides = array<i32>} : memref<31x128xf32, #tpu.memory_space<vmem>>, vector<16xf32>,
      tpu.vector_store %arg15[%swap3A_649, %swap3A_650], %broadcast_in_dim3A_3 {strides = array<i32>} : memref<31x128xf32, #tpu.memory_space<vmem>>, vector<16xf32>,
      "tpu.region"() ({
        %run_scoped3A_775 = tpu.sem_alloc : memref<!tpu.dma_semaphore, #tpu.memory_space<semaphore_mem>>
        tpu.enqueue_dma source(%arg10 : memref<64xf32, #tpu.memory_space<vmem>>) target(%arg16 : memref<64xf32, #tpu.memory_space<vmem_shared>>) target_semaphore(%run_scoped3A_775 : memref<!tpu.dma_semaphore, #tpu.memory_space<semaphore_mem>>)
        tpu.wait_dma2 semaphore(%run_scoped3A_775 : memref<!tpu.dma_semaphore, #tpu.memory_space<semaphore_mem>>) src(%arg10 : memref<64xf32, #tpu.memory_space<vmem>>) dst(%arg16 : memref<64xf32, #tpu.memory_space<vmem_shared>>)
        tpu.yield
      }) : () -> ()
      "tpu.region"() ({
        %run_scoped3A_775 = tpu.sem_alloc : memref<!tpu.dma_semaphore, #tpu.memory_space<semaphore_mem>>
        tpu.enqueue_dma source(%arg11 : memref<3968xf32, #tpu.memory_space<vmem>>) target(%arg17 : memref<3968xf32, #tpu.memory_space<vmem_shared>>) target_semaphore(%run_scoped3A_775 : memref<!tpu.dma_semaphore, #tpu.memory_space<semaphore_mem>>)
        tpu.wait_dma2 semaphore(%run_scoped3A_775 : memref<!tpu.dma_semaphore, #tpu.memory_space<semaphore_mem>>) src(%arg11 : memref<3968xf32, #tpu.memory_space<vmem>>) dst(%arg17 : memref<3968xf32, #tpu.memory_space<vmem_shared>>)
        tpu.yield
      }) : () -> ()
      %run_scoped3A = arith.constant 0 : i32
      %run_scoped3A_652 = arith.constant 0 : i32
      "tpu.region"() ({
        %run_scoped3A_775 = tpu.sem_alloc : memref<!tpu.dma_semaphore, #tpu.memory_space<semaphore_mem>>
        %dma_start3A = arith.constant 0 : i32
        %dma_start3A_776 = tpu.memref_slice %arg13[%run_scoped3A, %dma_start3A] : memref<31x128xf32, #tpu.memory_space<vmem>> -> memref<1x128xf32, #tpu.memory_space<vmem>>
        %dma_start3A_777 = tpu.memref_squeeze %dma_start3A_776 : memref<1x128xf32, #tpu.memory_space<vmem>> -> memref<128xf32, #tpu.memory_space<vmem>>
        %dma_start3A_778 = arith.constant 0 : i32
        %dma_start3A_779 = tpu.memref_slice %arg12[%run_scoped3A_652, %dma_start3A_778] : memref<31x128xi32, #tpu.memory_space<vmem>> -> memref<1x128xi32, #tpu.memory_space<vmem>>
        %dma_start3A_780 = tpu.memref_squeeze %dma_start3A_779 : memref<1x128xi32, #tpu.memory_space<vmem>> -> memref<128xi32, #tpu.memory_space<vmem>>
        %dma_start3A_781 = arith.constant 0 : i32
        %dma_start3A_782 = tpu.memref_slice %arg16[%dma_start3A_781] : memref<64xf32, #tpu.memory_space<vmem_shared>> -> memref<64xf32, #tpu.memory_space<vmem_shared>>
        tpu.enqueue_indirect_dma source(%dma_start3A_777 : memref<128xf32, #tpu.memory_space<vmem>>) target(%dma_start3A_782 : memref<64xf32, #tpu.memory_space<vmem_shared>>) offsets(%dma_start3A_780 : memref<128xi32, #tpu.memory_space<vmem>>) semaphore(%run_scoped3A_775 : memref<!tpu.dma_semaphore, #tpu.memory_space<semaphore_mem>>) {add = true}
        %dma_wait3A = arith.constant 0 : i32
        %dma_wait3A_783 = tpu.memref_slice %arg13[%run_scoped3A, %dma_wait3A] : memref<31x128xf32, #tpu.memory_space<vmem>> -> memref<1x128xf32, #tpu.memory_space<vmem>>
        %dma_wait3A_784 = tpu.memref_squeeze %dma_wait3A_783 : memref<1x128xf32, #tpu.memory_space<vmem>> -> memref<128xf32, #tpu.memory_space<vmem>>
        %dma_wait3A_785 = arith.constant 0 : i32
        %dma_wait3A_786 = tpu.memref_slice %arg12[%run_scoped3A_652, %dma_wait3A_785] : memref<31x128xi32, #tpu.memory_space<vmem>> -> memref<1x128xi32, #tpu.memory_space<vmem>>
        %dma_wait3A_787 = tpu.memref_squeeze %dma_wait3A_786 : memref<1x128xi32, #tpu.memory_space<vmem>> -> memref<128xi32, #tpu.memory_space<vmem>>
        %dma_wait3A_788 = arith.constant 0 : i32
        %dma_wait3A_789 = tpu.memref_slice %arg16[%dma_wait3A_788] : memref<64xf32, #tpu.memory_space<vmem_shared>> -> memref<64xf32, #tpu.memory_space<vmem_shared>>
        tpu.wait_indirect_dma semaphore(%run_scoped3A_775 : memref<!tpu.dma_semaphore, #tpu.memory_space<semaphore_mem>>) src(%dma_wait3A_784 : memref<128xf32, #tpu.memory_space<vmem>>) dst(%dma_wait3A_789 : memref<64xf32, #tpu.memory_space<vmem_shared>>)
        tpu.yield
      }) : () -> ()
      %run_scoped3A_653 = arith.constant 0 : i32
      %run_scoped3A_654 = arith.constant 0 : i32
      "tpu.region"() ({
        %run_scoped3A_775 = tpu.sem_alloc : memref<!tpu.dma_semaphore, #tpu.memory_space<semaphore_mem>>
        %dma_start3A = arith.constant 0 : i32
        %dma_start3A_776 = tpu.memref_slice %arg15[%run_scoped3A_653, %dma_start3A] : memref<31x128xf32, #tpu.memory_space<vmem>> -> memref<1x128xf32, #tpu.memory_space<vmem>>
        %dma_start3A_777 = tpu.memref_squeeze %dma_start3A_776 : memref<1x128xf32, #tpu.memory_space<vmem>> -> memref<128xf32, #tpu.memory_space<vmem>>
        %dma_start3A_778 = arith.constant 0 : i32
        %dma_start3A_779 = tpu.memref_slice %arg14[%run_scoped3A_654, %dma_start3A_778] : memref<31x128xi32, #tpu.memory_space<vmem>> -> memref<1x128xi32, #tpu.memory_space<vmem>>
        %dma_start3A_780 = tpu.memref_squeeze %dma_start3A_779 : memref<1x128xi32, #tpu.memory_space<vmem>> -> memref<128xi32, #tpu.memory_space<vmem>>
        %dma_start3A_781 = arith.constant 0 : i32
        %dma_start3A_782 = tpu.memref_slice %arg17[%dma_start3A_781] : memref<3968xf32, #tpu.memory_space<vmem_shared>> -> memref<3968xf32, #tpu.memory_space<vmem_shared>>
        tpu.enqueue_indirect_dma source(%dma_start3A_777 : memref<128xf32, #tpu.memory_space<vmem>>) target(%dma_start3A_782 : memref<3968xf32, #tpu.memory_space<vmem_shared>>) offsets(%dma_start3A_780 : memref<128xi32, #tpu.memory_space<vmem>>) semaphore(%run_scoped3A_775 : memref<!tpu.dma_semaphore, #tpu.memory_space<semaphore_mem>>) {add = true}
        %dma_wait3A = arith.constant 0 : i32
        %dma_wait3A_783 = tpu.memref_slice %arg15[%run_scoped3A_653, %dma_wait3A] : memref<31x128xf32, #tpu.memory_space<vmem>> -> memref<1x128xf32, #tpu.memory_space<vmem>>
        %dma_wait3A_784 = tpu.memref_squeeze %dma_wait3A_783 : memref<1x128xf32, #tpu.memory_space<vmem>> -> memref<128xf32, #tpu.memory_space<vmem>>
        %dma_wait3A_785 = arith.constant 0 : i32
        %dma_wait3A_786 = tpu.memref_slice %arg14[%run_scoped3A_654, %dma_wait3A_785] : memref<31x128xi32, #tpu.memory_space<vmem>> -> memref<1x128xi32, #tpu.memory_space<vmem>>
        %dma_wait3A_787 = tpu.memref_squeeze %dma_wait3A_786 : memref<1x128xi32, #tpu.memory_space<vmem>> -> memref<128xi32, #tpu.memory_space<vmem>>
        %dma_wait3A_788 = arith.constant 0 : i32
        %dma_wait3A_789 = tpu.memref_slice %arg17[%dma_wait3A_788] : memref<3968xf32, #tpu.memory_space<vmem_shared>> -> memref<3968xf32, #tpu.memory_space<vmem_shared>>
        tpu.wait_indirect_dma semaphore(%run_scoped3A_775 : memref<!tpu.dma_semaphore, #tpu.memory_space<semaphore_mem>>) src(%dma_wait3A_784 : memref<128xf32, #tpu.memory_space<vmem>>) dst(%dma_wait3A_789 : memref<3968xf32, #tpu.memory_space<vmem_shared>>)
        tpu.yield
      }) : () -> ()
      %run_scoped3A_655 = arith.constant 1 : i32
      %run_scoped3A_656 = arith.constant 1 : i32
      "tpu.region"() ({
        %run_scoped3A_775 = tpu.sem_alloc : memref<!tpu.dma_semaphore, #tpu.memory_space<semaphore_mem>>
        %dma_start3A = arith.constant 0 : i32
        %dma_start3A_776 = tpu.memref_slice %arg13[%run_scoped3A_655, %dma_start3A] : memref<31x128xf32, #tpu.memory_space<vmem>> -> memref<1x128xf32, #tpu.memory_space<vmem>>
        %dma_start3A_777 = tpu.memref_squeeze %dma_start3A_776 : memref<1x128xf32, #tpu.memory_space<vmem>> -> memref<128xf32, #tpu.memory_space<vmem>>
        %dma_start3A_778 = arith.constant 0 : i32
        %dma_start3A_779 = tpu.memref_slice %arg12[%run_scoped3A_656, %dma_start3A_778] : memref<31x128xi32, #tpu.memory_space<vmem>> -> memref<1x128xi32, #tpu.memory_space<vmem>>
        %dma_start3A_780 = tpu.memref_squeeze %dma_start3A_779 : memref<1x128xi32, #tpu.memory_space<vmem>> -> memref<128xi32, #tpu.memory_space<vmem>>
        %dma_start3A_781 = arith.constant 0 : i32
        %dma_start3A_782 = tpu.memref_slice %arg16[%dma_start3A_781] : memref<64xf32, #tpu.memory_space<vmem_shared>> -> memref<64xf32, #tpu.memory_space<vmem_shared>>
        tpu.enqueue_indirect_dma source(%dma_start3A_777 : memref<128xf32, #tpu.memory_space<vmem>>) target(%dma_start3A_782 : memref<64xf32, #tpu.memory_space<vmem_shared>>) offsets(%dma_start3A_780 : memref<128xi32, #tpu.memory_space<vmem>>) semaphore(%run_scoped3A_775 : memref<!tpu.dma_semaphore, #tpu.memory_space<semaphore_mem>>) {add = true}
        %dma_wait3A = arith.constant 0 : i32
        %dma_wait3A_783 = tpu.memref_slice %arg13[%run_scoped3A_655, %dma_wait3A] : memref<31x128xf32, #tpu.memory_space<vmem>> -> memref<1x128xf32, #tpu.memory_space<vmem>>
        %dma_wait3A_784 = tpu.memref_squeeze %dma_wait3A_783 : memref<1x128xf32, #tpu.memory_space<vmem>> -> memref<128xf32, #tpu.memory_space<vmem>>
        %dma_wait3A_785 = arith.constant 0 : i32
        %dma_wait3A_786 = tpu.memref_slice %arg12[%run_scoped3A_656, %dma_wait3A_785] : memref<31x128xi32, #tpu.memory_space<vmem>> -> memref<1x128xi32, #tpu.memory_space<vmem>>
        %dma_wait3A_787 = tpu.memref_squeeze %dma_wait3A_786 : memref<1x128xi32, #tpu.memory_space<vmem>> -> memref<128xi32, #tpu.memory_space<vmem>>
        %dma_wait3A_788 = arith.constant 0 : i32
        %dma_wait3A_789 = tpu.memref_slice %arg16[%dma_wait3A_788] : memref<64xf32, #tpu.memory_space<vmem_shared>> -> memref<64xf32, #tpu.memory_space<vmem_shared>>
        tpu.wait_indirect_dma semaphore(%run_scoped3A_775 : memref<!tpu.dma_semaphore, #tpu.memory_space<semaphore_mem>>) src(%dma_wait3A_784 : memref<128xf32, #tpu.memory_space<vmem>>) dst(%dma_wait3A_789 : memref<64xf32, #tpu.memory_space<vmem_shared>>)
        tpu.yield
      }) : () -> ()
      %run_scoped3A_657 = arith.constant 1 : i32
      %run_scoped3A_658 = arith.constant 1 : i32
      "tpu.region"() ({
        %run_scoped3A_775 = tpu.sem_alloc : memref<!tpu.dma_semaphore, #tpu.memory_space<semaphore_mem>>
        %dma_start3A = arith.constant 0 : i32
        %dma_start3A_776 = tpu.memref_slice %arg15[%run_scoped3A_657, %dma_start3A] : memref<31x128xf32, #tpu.memory_space<vmem>> -> memref<1x128xf32, #tpu.memory_space<vmem>>
        %dma_start3A_777 = tpu.memref_squeeze %dma_start3A_776 : memref<1x128xf32, #tpu.memory_space<vmem>> -> memref<128xf32, #tpu.memory_space<vmem>>
        %dma_start3A_778 = arith.constant 0 : i32
        %dma_start3A_779 = tpu.memref_slice %arg14[%run_scoped3A_658, %dma_start3A_778] : memref<31x128xi32, #tpu.memory_space<vmem>> -> memref<1x128xi32, #tpu.memory_space<vmem>>
        %dma_start3A_780 = tpu.memref_squeeze %dma_start3A_779 : memref<1x128xi32, #tpu.memory_space<vmem>> -> memref<128xi32, #tpu.memory_space<vmem>>
        %dma_start3A_781 = arith.constant 0 : i32
        %dma_start3A_782 = tpu.memref_slice %arg17[%dma_start3A_781] : memref<3968xf32, #tpu.memory_space<vmem_shared>> -> memref<3968xf32, #tpu.memory_space<vmem_shared>>
        tpu.enqueue_indirect_dma source(%dma_start3A_777 : memref<128xf32, #tpu.memory_space<vmem>>) target(%dma_start3A_782 : memref<3968xf32, #tpu.memory_space<vmem_shared>>) offsets(%dma_start3A_780 : memref<128xi32, #tpu.memory_space<vmem>>) semaphore(%run_scoped3A_775 : memref<!tpu.dma_semaphore, #tpu.memory_space<semaphore_mem>>) {add = true}
        %dma_wait3A = arith.constant 0 : i32
        %dma_wait3A_783 = tpu.memref_slice %arg15[%run_scoped3A_657, %dma_wait3A] : memref<31x128xf32, #tpu.memory_space<vmem>> -> memref<1x128xf32, #tpu.memory_space<vmem>>
        %dma_wait3A_784 = tpu.memref_squeeze %dma_wait3A_783 : memref<1x128xf32, #tpu.memory_space<vmem>> -> memref<128xf32, #tpu.memory_space<vmem>>
        %dma_wait3A_785 = arith.constant 0 : i32
        %dma_wait3A_786 = tpu.memref_slice %arg14[%run_scoped3A_658, %dma_wait3A_785] : memref<31x128xi32, #tpu.memory_space<vmem>> -> memref<1x128xi32, #tpu.memory_space<vmem>>
        %dma_wait3A_787 = tpu.memref_squeeze %dma_wait3A_786 : memref<1x128xi32, #tpu.memory_space<vmem>> -> memref<128xi32, #tpu.memory_space<vmem>>
        %dma_wait3A_788 = arith.constant 0 : i32
        %dma_wait3A_789 = tpu.memref_slice %arg17[%dma_wait3A_788] : memref<3968xf32, #tpu.memory_space<vmem_shared>> -> memref<3968xf32, #tpu.memory_space<vmem_shared>>
        tpu.wait_indirect_dma semaphore(%run_scoped3A_775 : memref<!tpu.dma_semaphore, #tpu.memory_space<semaphore_mem>>) src(%dma_wait3A_784 : memref<128xf32, #tpu.memory_space<vmem>>) dst(%dma_wait3A_789 : memref<3968xf32, #tpu.memory_space<vmem_shared>>)
        tpu.yield
      }) : () -> ()
      %run_scoped3A_659 = arith.constant 2 : i32
      %run_scoped3A_660 = arith.constant 2 : i32
      "tpu.region"() ({
        %run_scoped3A_775 = tpu.sem_alloc : memref<!tpu.dma_semaphore, #tpu.memory_space<semaphore_mem>>
        %dma_start3A = arith.constant 0 : i32
        %dma_start3A_776 = tpu.memref_slice %arg13[%run_scoped3A_659, %dma_start3A] : memref<31x128xf32, #tpu.memory_space<vmem>> -> memref<1x128xf32, #tpu.memory_space<vmem>>
        %dma_start3A_777 = tpu.memref_squeeze %dma_start3A_776 : memref<1x128xf32, #tpu.memory_space<vmem>> -> memref<128xf32, #tpu.memory_space<vmem>>
        %dma_start3A_778 = arith.constant 0 : i32
        %dma_start3A_779 = tpu.memref_slice %arg12[%run_scoped3A_660, %dma_start3A_778] : memref<31x128xi32, #tpu.memory_space<vmem>> -> memref<1x128xi32, #tpu.memory_space<vmem>>
        %dma_start3A_780 = tpu.memref_squeeze %dma_start3A_779 : memref<1x128xi32, #tpu.memory_space<vmem>> -> memref<128xi32, #tpu.memory_space<vmem>>
        %dma_start3A_781 = arith.constant 0 : i32
        %dma_start3A_782 = tpu.memref_slice %arg16[%dma_start3A_781] : memref<64xf32, #tpu.memory_space<vmem_shared>> -> memref<64xf32, #tpu.memory_space<vmem_shared>>
        tpu.enqueue_indirect_dma source(%dma_start3A_777 : memref<128xf32, #tpu.memory_space<vmem>>) target(%dma_start3A_782 : memref<64xf32, #tpu.memory_space<vmem_shared>>) offsets(%dma_start3A_780 : memref<128xi32, #tpu.memory_space<vmem>>) semaphore(%run_scoped3A_775 : memref<!tpu.dma_semaphore, #tpu.memory_space<semaphore_mem>>) {add = true}
        %dma_wait3A = arith.constant 0 : i32
        %dma_wait3A_783 = tpu.memref_slice %arg13[%run_scoped3A_659, %dma_wait3A] : memref<31x128xf32, #tpu.memory_space<vmem>> -> memref<1x128xf32, #tpu.memory_space<vmem>>
        %dma_wait3A_784 = tpu.memref_squeeze %dma_wait3A_783 : memref<1x128xf32, #tpu.memory_space<vmem>> -> memref<128xf32, #tpu.memory_space<vmem>>
        %dma_wait3A_785 = arith.constant 0 : i32
        %dma_wait3A_786 = tpu.memref_slice %arg12[%run_scoped3A_660, %dma_wait3A_785] : memref<31x128xi32, #tpu.memory_space<vmem>> -> memref<1x128xi32, #tpu.memory_space<vmem>>
        %dma_wait3A_787 = tpu.memref_squeeze %dma_wait3A_786 : memref<1x128xi32, #tpu.memory_space<vmem>> -> memref<128xi32, #tpu.memory_space<vmem>>
        %dma_wait3A_788 = arith.constant 0 : i32
        %dma_wait3A_789 = tpu.memref_slice %arg16[%dma_wait3A_788] : memref<64xf32, #tpu.memory_space<vmem_shared>> -> memref<64xf32, #tpu.memory_space<vmem_shared>>
        tpu.wait_indirect_dma semaphore(%run_scoped3A_775 : memref<!tpu.dma_semaphore, #tpu.memory_space<semaphore_mem>>) src(%dma_wait3A_784 : memref<128xf32, #tpu.memory_space<vmem>>) dst(%dma_wait3A_789 : memref<64xf32, #tpu.memory_space<vmem_shared>>)
        tpu.yield
      }) : () -> ()
      %run_scoped3A_661 = arith.constant 2 : i32
      %run_scoped3A_662 = arith.constant 2 : i32
      "tpu.region"() ({
        %run_scoped3A_775 = tpu.sem_alloc : memref<!tpu.dma_semaphore, #tpu.memory_space<semaphore_mem>>
        %dma_start3A = arith.constant 0 : i32
        %dma_start3A_776 = tpu.memref_slice %arg15[%run_scoped3A_661, %dma_start3A] : memref<31x128xf32, #tpu.memory_space<vmem>> -> memref<1x128xf32, #tpu.memory_space<vmem>>
        %dma_start3A_777 = tpu.memref_squeeze %dma_start3A_776 : memref<1x128xf32, #tpu.memory_space<vmem>> -> memref<128xf32, #tpu.memory_space<vmem>>
        %dma_start3A_778 = arith.constant 0 : i32
        %dma_start3A_779 = tpu.memref_slice %arg14[%run_scoped3A_662, %dma_start3A_778] : memref<31x128xi32, #tpu.memory_space<vmem>> -> memref<1x128xi32, #tpu.memory_space<vmem>>
        %dma_start3A_780 = tpu.memref_squeeze %dma_start3A_779 : memref<1x128xi32, #tpu.memory_space<vmem>> -> memref<128xi32, #tpu.memory_space<vmem>>
        %dma_start3A_781 = arith.constant 0 : i32
        %dma_start3A_782 = tpu.memref_slice %arg17[%dma_start3A_781] : memref<3968xf32, #tpu.memory_space<vmem_shared>> -> memref<3968xf32, #tpu.memory_space<vmem_shared>>
        tpu.enqueue_indirect_dma source(%dma_start3A_777 : memref<128xf32, #tpu.memory_space<vmem>>) target(%dma_start3A_782 : memref<3968xf32, #tpu.memory_space<vmem_shared>>) offsets(%dma_start3A_780 : memref<128xi32, #tpu.memory_space<vmem>>) semaphore(%run_scoped3A_775 : memref<!tpu.dma_semaphore, #tpu.memory_space<semaphore_mem>>) {add = true}
        %dma_wait3A = arith.constant 0 : i32
        %dma_wait3A_783 = tpu.memref_slice %arg15[%run_scoped3A_661, %dma_wait3A] : memref<31x128xf32, #tpu.memory_space<vmem>> -> memref<1x128xf32, #tpu.memory_space<vmem>>
        %dma_wait3A_784 = tpu.memref_squeeze %dma_wait3A_783 : memref<1x128xf32, #tpu.memory_space<vmem>> -> memref<128xf32, #tpu.memory_space<vmem>>
        %dma_wait3A_785 = arith.constant 0 : i32
        %dma_wait3A_786 = tpu.memref_slice %arg14[%run_scoped3A_662, %dma_wait3A_785] : memref<31x128xi32, #tpu.memory_space<vmem>> -> memref<1x128xi32, #tpu.memory_space<vmem>>
        %dma_wait3A_787 = tpu.memref_squeeze %dma_wait3A_786 : memref<1x128xi32, #tpu.memory_space<vmem>> -> memref<128xi32, #tpu.memory_space<vmem>>
        %dma_wait3A_788 = arith.constant 0 : i32
        %dma_wait3A_789 = tpu.memref_slice %arg17[%dma_wait3A_788] : memref<3968xf32, #tpu.memory_space<vmem_shared>> -> memref<3968xf32, #tpu.memory_space<vmem_shared>>
        tpu.wait_indirect_dma semaphore(%run_scoped3A_775 : memref<!tpu.dma_semaphore, #tpu.memory_space<semaphore_mem>>) src(%dma_wait3A_784 : memref<128xf32, #tpu.memory_space<vmem>>) dst(%dma_wait3A_789 : memref<3968xf32, #tpu.memory_space<vmem_shared>>)
        tpu.yield
      }) : () -> ()
      %run_scoped3A_663 = arith.constant 3 : i32
      %run_scoped3A_664 = arith.constant 3 : i32
      "tpu.region"() ({
        %run_scoped3A_775 = tpu.sem_alloc : memref<!tpu.dma_semaphore, #tpu.memory_space<semaphore_mem>>
        %dma_start3A = arith.constant 0 : i32
        %dma_start3A_776 = tpu.memref_slice %arg13[%run_scoped3A_663, %dma_start3A] : memref<31x128xf32, #tpu.memory_space<vmem>> -> memref<1x128xf32, #tpu.memory_space<vmem>>
        %dma_start3A_777 = tpu.memref_squeeze %dma_start3A_776 : memref<1x128xf32, #tpu.memory_space<vmem>> -> memref<128xf32, #tpu.memory_space<vmem>>
        %dma_start3A_778 = arith.constant 0 : i32
        %dma_start3A_779 = tpu.memref_slice %arg12[%run_scoped3A_664, %dma_start3A_778] : memref<31x128xi32, #tpu.memory_space<vmem>> -> memref<1x128xi32, #tpu.memory_space<vmem>>
        %dma_start3A_780 = tpu.memref_squeeze %dma_start3A_779 : memref<1x128xi32, #tpu.memory_space<vmem>> -> memref<128xi32, #tpu.memory_space<vmem>>
        %dma_start3A_781 = arith.constant 0 : i32
        %dma_start3A_782 = tpu.memref_slice %arg16[%dma_start3A_781] : memref<64xf32, #tpu.memory_space<vmem_shared>> -> memref<64xf32, #tpu.memory_space<vmem_shared>>
        tpu.enqueue_indirect_dma source(%dma_start3A_777 : memref<128xf32, #tpu.memory_space<vmem>>) target(%dma_start3A_782 : memref<64xf32, #tpu.memory_space<vmem_shared>>) offsets(%dma_start3A_780 : memref<128xi32, #tpu.memory_space<vmem>>) semaphore(%run_scoped3A_775 : memref<!tpu.dma_semaphore, #tpu.memory_space<semaphore_mem>>) {add = true}
        %dma_wait3A = arith.constant 0 : i32
        %dma_wait3A_783 = tpu.memref_slice %arg13[%run_scoped3A_663, %dma_wait3A] : memref<31x128xf32, #tpu.memory_space<vmem>> -> memref<1x128xf32, #tpu.memory_space<vmem>>
        %dma_wait3A_784 = tpu.memref_squeeze %dma_wait3A_783 : memref<1x128xf32, #tpu.memory_space<vmem>> -> memref<128xf32, #tpu.memory_space<vmem>>
        %dma_wait3A_785 = arith.constant 0 : i32
        %dma_wait3A_786 = tpu.memref_slice %arg12[%run_scoped3A_664, %dma_wait3A_785] : memref<31x128xi32, #tpu.memory_space<vmem>> -> memref<1x128xi32, #tpu.memory_space<vmem>>
        %dma_wait3A_787 = tpu.memref_squeeze %dma_wait3A_786 : memref<1x128xi32, #tpu.memory_space<vmem>> -> memref<128xi32, #tpu.memory_space<vmem>>
        %dma_wait3A_788 = arith.constant 0 : i32
        %dma_wait3A_789 = tpu.memref_slice %arg16[%dma_wait3A_788] : memref<64xf32, #tpu.memory_space<vmem_shared>> -> memref<64xf32, #tpu.memory_space<vmem_shared>>
        tpu.wait_indirect_dma semaphore(%run_scoped3A_775 : memref<!tpu.dma_semaphore, #tpu.memory_space<semaphore_mem>>) src(%dma_wait3A_784 : memref<128xf32, #tpu.memory_space<vmem>>) dst(%dma_wait3A_789 : memref<64xf32, #tpu.memory_space<vmem_shared>>)
        tpu.yield
      }) : () -> ()
      %run_scoped3A_665 = arith.constant 3 : i32
      %run_scoped3A_666 = arith.constant 3 : i32
      "tpu.region"() ({
        %run_scoped3A_775 = tpu.sem_alloc : memref<!tpu.dma_semaphore, #tpu.memory_space<semaphore_mem>>
        %dma_start3A = arith.constant 0 : i32
        %dma_start3A_776 = tpu.memref_slice %arg15[%run_scoped3A_665, %dma_start3A] : memref<31x128xf32, #tpu.memory_space<vmem>> -> memref<1x128xf32, #tpu.memory_space<vmem>>
        %dma_start3A_777 = tpu.memref_squeeze %dma_start3A_776 : memref<1x128xf32, #tpu.memory_space<vmem>> -> memref<128xf32, #tpu.memory_space<vmem>>
        %dma_start3A_778 = arith.constant 0 : i32
        %dma_start3A_779 = tpu.memref_slice %arg14[%run_scoped3A_666, %dma_start3A_778] : memref<31x128xi32, #tpu.memory_space<vmem>> -> memref<1x128xi32, #tpu.memory_space<vmem>>
        %dma_start3A_780 = tpu.memref_squeeze %dma_start3A_779 : memref<1x128xi32, #tpu.memory_space<vmem>> -> memref<128xi32, #tpu.memory_space<vmem>>
        %dma_start3A_781 = arith.constant 0 : i32
        %dma_start3A_782 = tpu.memref_slice %arg17[%dma_start3A_781] : memref<3968xf32, #tpu.memory_space<vmem_shared>> -> memref<3968xf32, #tpu.memory_space<vmem_shared>>
        tpu.enqueue_indirect_dma source(%dma_start3A_777 : memref<128xf32, #tpu.memory_space<vmem>>) target(%dma_start3A_782 : memref<3968xf32, #tpu.memory_space<vmem_shared>>) offsets(%dma_start3A_780 : memref<128xi32, #tpu.memory_space<vmem>>) semaphore(%run_scoped3A_775 : memref<!tpu.dma_semaphore, #tpu.memory_space<semaphore_mem>>) {add = true}
        %dma_wait3A = arith.constant 0 : i32
        %dma_wait3A_783 = tpu.memref_slice %arg15[%run_scoped3A_665, %dma_wait3A] : memref<31x128xf32, #tpu.memory_space<vmem>> -> memref<1x128xf32, #tpu.memory_space<vmem>>
        %dma_wait3A_784 = tpu.memref_squeeze %dma_wait3A_783 : memref<1x128xf32, #tpu.memory_space<vmem>> -> memref<128xf32, #tpu.memory_space<vmem>>
        %dma_wait3A_785 = arith.constant 0 : i32
        %dma_wait3A_786 = tpu.memref_slice %arg14[%run_scoped3A_666, %dma_wait3A_785] : memref<31x128xi32, #tpu.memory_space<vmem>> -> memref<1x128xi32, #tpu.memory_space<vmem>>
        %dma_wait3A_787 = tpu.memref_squeeze %dma_wait3A_786 : memref<1x128xi32, #tpu.memory_space<vmem>> -> memref<128xi32, #tpu.memory_space<vmem>>
        %dma_wait3A_788 = arith.constant 0 : i32
        %dma_wait3A_789 = tpu.memref_slice %arg17[%dma_wait3A_788] : memref<3968xf32, #tpu.memory_space<vmem_shared>> -> memref<3968xf32, #tpu.memory_space<vmem_shared>>
        tpu.wait_indirect_dma semaphore(%run_scoped3A_775 : memref<!tpu.dma_semaphore, #tpu.memory_space<semaphore_mem>>) src(%dma_wait3A_784 : memref<128xf32, #tpu.memory_space<vmem>>) dst(%dma_wait3A_789 : memref<3968xf32, #tpu.memory_space<vmem_shared>>)
        tpu.yield
      }) : () -> ()
      %run_scoped3A_667 = arith.constant 4 : i32
      %run_scoped3A_668 = arith.constant 4 : i32
      "tpu.region"() ({
        %run_scoped3A_775 = tpu.sem_alloc : memref<!tpu.dma_semaphore, #tpu.memory_space<semaphore_mem>>
        %dma_start3A = arith.constant 0 : i32
        %dma_start3A_776 = tpu.memref_slice %arg13[%run_scoped3A_667, %dma_start3A] : memref<31x128xf32, #tpu.memory_space<vmem>> -> memref<1x128xf32, #tpu.memory_space<vmem>>
        %dma_start3A_777 = tpu.memref_squeeze %dma_start3A_776 : memref<1x128xf32, #tpu.memory_space<vmem>> -> memref<128xf32, #tpu.memory_space<vmem>>
        %dma_start3A_778 = arith.constant 0 : i32
        %dma_start3A_779 = tpu.memref_slice %arg12[%run_scoped3A_668, %dma_start3A_778] : memref<31x128xi32, #tpu.memory_space<vmem>> -> memref<1x128xi32, #tpu.memory_space<vmem>>
        %dma_start3A_780 = tpu.memref_squeeze %dma_start3A_779 : memref<1x128xi32, #tpu.memory_space<vmem>> -> memref<128xi32, #tpu.memory_space<vmem>>
        %dma_start3A_781 = arith.constant 0 : i32
        %dma_start3A_782 = tpu.memref_slice %arg16[%dma_start3A_781] : memref<64xf32, #tpu.memory_space<vmem_shared>> -> memref<64xf32, #tpu.memory_space<vmem_shared>>
        tpu.enqueue_indirect_dma source(%dma_start3A_777 : memref<128xf32, #tpu.memory_space<vmem>>) target(%dma_start3A_782 : memref<64xf32, #tpu.memory_space<vmem_shared>>) offsets(%dma_start3A_780 : memref<128xi32, #tpu.memory_space<vmem>>) semaphore(%run_scoped3A_775 : memref<!tpu.dma_semaphore, #tpu.memory_space<semaphore_mem>>) {add = true}
        %dma_wait3A = arith.constant 0 : i32
        %dma_wait3A_783 = tpu.memref_slice %arg13[%run_scoped3A_667, %dma_wait3A] : memref<31x128xf32, #tpu.memory_space<vmem>> -> memref<1x128xf32, #tpu.memory_space<vmem>>
        %dma_wait3A_784 = tpu.memref_squeeze %dma_wait3A_783 : memref<1x128xf32, #tpu.memory_space<vmem>> -> memref<128xf32, #tpu.memory_space<vmem>>
        %dma_wait3A_785 = arith.constant 0 : i32
        %dma_wait3A_786 = tpu.memref_slice %arg12[%run_scoped3A_668, %dma_wait3A_785] : memref<31x128xi32, #tpu.memory_space<vmem>> -> memref<1x128xi32, #tpu.memory_space<vmem>>
        %dma_wait3A_787 = tpu.memref_squeeze %dma_wait3A_786 : memref<1x128xi32, #tpu.memory_space<vmem>> -> memref<128xi32, #tpu.memory_space<vmem>>
        %dma_wait3A_788 = arith.constant 0 : i32
        %dma_wait3A_789 = tpu.memref_slice %arg16[%dma_wait3A_788] : memref<64xf32, #tpu.memory_space<vmem_shared>> -> memref<64xf32, #tpu.memory_space<vmem_shared>>
        tpu.wait_indirect_dma semaphore(%run_scoped3A_775 : memref<!tpu.dma_semaphore, #tpu.memory_space<semaphore_mem>>) src(%dma_wait3A_784 : memref<128xf32, #tpu.memory_space<vmem>>) dst(%dma_wait3A_789 : memref<64xf32, #tpu.memory_space<vmem_shared>>)
        tpu.yield
      }) : () -> ()
      %run_scoped3A_669 = arith.constant 4 : i32
      %run_scoped3A_670 = arith.constant 4 : i32
      "tpu.region"() ({
        %run_scoped3A_775 = tpu.sem_alloc : memref<!tpu.dma_semaphore, #tpu.memory_space<semaphore_mem>>
        %dma_start3A = arith.constant 0 : i32
        %dma_start3A_776 = tpu.memref_slice %arg15[%run_scoped3A_669, %dma_start3A] : memref<31x128xf32, #tpu.memory_space<vmem>> -> memref<1x128xf32, #tpu.memory_space<vmem>>
        %dma_start3A_777 = tpu.memref_squeeze %dma_start3A_776 : memref<1x128xf32, #tpu.memory_space<vmem>> -> memref<128xf32, #tpu.memory_space<vmem>>
        %dma_start3A_778 = arith.constant 0 : i32
        %dma_start3A_779 = tpu.memref_slice %arg14[%run_scoped3A_670, %dma_start3A_778] : memref<31x128xi32, #tpu.memory_space<vmem>> -> memref<1x128xi32, #tpu.memory_space<vmem>>
        %dma_start3A_780 = tpu.memref_squeeze %dma_start3A_779 : memref<1x128xi32, #tpu.memory_space<vmem>> -> memref<128xi32, #tpu.memory_space<vmem>>
        %dma_start3A_781 = arith.constant 0 : i32
        %dma_start3A_782 = tpu.memref_slice %arg17[%dma_start3A_781] : memref<3968xf32, #tpu.memory_space<vmem_shared>> -> memref<3968xf32, #tpu.memory_space<vmem_shared>>
        tpu.enqueue_indirect_dma source(%dma_start3A_777 : memref<128xf32, #tpu.memory_space<vmem>>) target(%dma_start3A_782 : memref<3968xf32, #tpu.memory_space<vmem_shared>>) offsets(%dma_start3A_780 : memref<128xi32, #tpu.memory_space<vmem>>) semaphore(%run_scoped3A_775 : memref<!tpu.dma_semaphore, #tpu.memory_space<semaphore_mem>>) {add = true}
        %dma_wait3A = arith.constant 0 : i32
        %dma_wait3A_783 = tpu.memref_slice %arg15[%run_scoped3A_669, %dma_wait3A] : memref<31x128xf32, #tpu.memory_space<vmem>> -> memref<1x128xf32, #tpu.memory_space<vmem>>
        %dma_wait3A_784 = tpu.memref_squeeze %dma_wait3A_783 : memref<1x128xf32, #tpu.memory_space<vmem>> -> memref<128xf32, #tpu.memory_space<vmem>>
        %dma_wait3A_785 = arith.constant 0 : i32
        %dma_wait3A_786 = tpu.memref_slice %arg14[%run_scoped3A_670, %dma_wait3A_785] : memref<31x128xi32, #tpu.memory_space<vmem>> -> memref<1x128xi32, #tpu.memory_space<vmem>>
        %dma_wait3A_787 = tpu.memref_squeeze %dma_wait3A_786 : memref<1x128xi32, #tpu.memory_space<vmem>> -> memref<128xi32, #tpu.memory_space<vmem>>
        %dma_wait3A_788 = arith.constant 0 : i32
        %dma_wait3A_789 = tpu.memref_slice %arg17[%dma_wait3A_788] : memref<3968xf32, #tpu.memory_space<vmem_shared>> -> memref<3968xf32, #tpu.memory_space<vmem_shared>>
        tpu.wait_indirect_dma semaphore(%run_scoped3A_775 : memref<!tpu.dma_semaphore, #tpu.memory_space<semaphore_mem>>) src(%dma_wait3A_784 : memref<128xf32, #tpu.memory_space<vmem>>) dst(%dma_wait3A_789 : memref<3968xf32, #tpu.memory_space<vmem_shared>>)
        tpu.yield
      }) : () -> ()
      %run_scoped3A_671 = arith.constant 5 : i32
      %run_scoped3A_672 = arith.constant 5 : i32
      "tpu.region"() ({
        %run_scoped3A_775 = tpu.sem_alloc : memref<!tpu.dma_semaphore, #tpu.memory_space<semaphore_mem>>
        %dma_start3A = arith.constant 0 : i32
        %dma_start3A_776 = tpu.memref_slice %arg13[%run_scoped3A_671, %dma_start3A] : memref<31x128xf32, #tpu.memory_space<vmem>> -> memref<1x128xf32, #tpu.memory_space<vmem>>
        %dma_start3A_777 = tpu.memref_squeeze %dma_start3A_776 : memref<1x128xf32, #tpu.memory_space<vmem>> -> memref<128xf32, #tpu.memory_space<vmem>>
        %dma_start3A_778 = arith.constant 0 : i32
        %dma_start3A_779 = tpu.memref_slice %arg12[%run_scoped3A_672, %dma_start3A_778] : memref<31x128xi32, #tpu.memory_space<vmem>> -> memref<1x128xi32, #tpu.memory_space<vmem>>
        %dma_start3A_780 = tpu.memref_squeeze %dma_start3A_779 : memref<1x128xi32, #tpu.memory_space<vmem>> -> memref<128xi32, #tpu.memory_space<vmem>>
        %dma_start3A_781 = arith.constant 0 : i32
        %dma_start3A_782 = tpu.memref_slice %arg16[%dma_start3A_781] : memref<64xf32, #tpu.memory_space<vmem_shared>> -> memref<64xf32, #tpu.memory_space<vmem_shared>>
        tpu.enqueue_indirect_dma source(%dma_start3A_777 : memref<128xf32, #tpu.memory_space<vmem>>) target(%dma_start3A_782 : memref<64xf32, #tpu.memory_space<vmem_shared>>) offsets(%dma_start3A_780 : memref<128xi32, #tpu.memory_space<vmem>>) semaphore(%run_scoped3A_775 : memref<!tpu.dma_semaphore, #tpu.memory_space<semaphore_mem>>) {add = true}
        %dma_wait3A = arith.constant 0 : i32
        %dma_wait3A_783 = tpu.memref_slice %arg13[%run_scoped3A_671, %dma_wait3A] : memref<31x128xf32, #tpu.memory_space<vmem>> -> memref<1x128xf32, #tpu.memory_space<vmem>>
        %dma_wait3A_784 = tpu.memref_squeeze %dma_wait3A_783 : memref<1x128xf32, #tpu.memory_space<vmem>> -> memref<128xf32, #tpu.memory_space<vmem>>
        %dma_wait3A_785 = arith.constant 0 : i32
        %dma_wait3A_786 = tpu.memref_slice %arg12[%run_scoped3A_672, %dma_wait3A_785] : memref<31x128xi32, #tpu.memory_space<vmem>> -> memref<1x128xi32, #tpu.memory_space<vmem>>
        %dma_wait3A_787 = tpu.memref_squeeze %dma_wait3A_786 : memref<1x128xi32, #tpu.memory_space<vmem>> -> memref<128xi32, #tpu.memory_space<vmem>>
        %dma_wait3A_788 = arith.constant 0 : i32
        %dma_wait3A_789 = tpu.memref_slice %arg16[%dma_wait3A_788] : memref<64xf32, #tpu.memory_space<vmem_shared>> -> memref<64xf32, #tpu.memory_space<vmem_shared>>
        tpu.wait_indirect_dma semaphore(%run_scoped3A_775 : memref<!tpu.dma_semaphore, #tpu.memory_space<semaphore_mem>>) src(%dma_wait3A_784 : memref<128xf32, #tpu.memory_space<vmem>>) dst(%dma_wait3A_789 : memref<64xf32, #tpu.memory_space<vmem_shared>>)
        tpu.yield
      }) : () -> ()
      %run_scoped3A_673 = arith.constant 5 : i32
      %run_scoped3A_674 = arith.constant 5 : i32
      "tpu.region"() ({
        %run_scoped3A_775 = tpu.sem_alloc : memref<!tpu.dma_semaphore, #tpu.memory_space<semaphore_mem>>
        %dma_start3A = arith.constant 0 : i32
        %dma_start3A_776 = tpu.memref_slice %arg15[%run_scoped3A_673, %dma_start3A] : memref<31x128xf32, #tpu.memory_space<vmem>> -> memref<1x128xf32, #tpu.memory_space<vmem>>
        %dma_start3A_777 = tpu.memref_squeeze %dma_start3A_776 : memref<1x128xf32, #tpu.memory_space<vmem>> -> memref<128xf32, #tpu.memory_space<vmem>>
        %dma_start3A_778 = arith.constant 0 : i32
        %dma_start3A_779 = tpu.memref_slice %arg14[%run_scoped3A_674, %dma_start3A_778] : memref<31x128xi32, #tpu.memory_space<vmem>> -> memref<1x128xi32, #tpu.memory_space<vmem>>
        %dma_start3A_780 = tpu.memref_squeeze %dma_start3A_779 : memref<1x128xi32, #tpu.memory_space<vmem>> -> memref<128xi32, #tpu.memory_space<vmem>>
        %dma_start3A_781 = arith.constant 0 : i32
        %dma_start3A_782 = tpu.memref_slice %arg17[%dma_start3A_781] : memref<3968xf32, #tpu.memory_space<vmem_shared>> -> memref<3968xf32, #tpu.memory_space<vmem_shared>>
        tpu.enqueue_indirect_dma source(%dma_start3A_777 : memref<128xf32, #tpu.memory_space<vmem>>) target(%dma_start3A_782 : memref<3968xf32, #tpu.memory_space<vmem_shared>>) offsets(%dma_start3A_780 : memref<128xi32, #tpu.memory_space<vmem>>) semaphore(%run_scoped3A_775 : memref<!tpu.dma_semaphore, #tpu.memory_space<semaphore_mem>>) {add = true}
        %dma_wait3A = arith.constant 0 : i32
        %dma_wait3A_783 = tpu.memref_slice %arg15[%run_scoped3A_673, %dma_wait3A] : memref<31x128xf32, #tpu.memory_space<vmem>> -> memref<1x128xf32, #tpu.memory_space<vmem>>
        %dma_wait3A_784 = tpu.memref_squeeze %dma_wait3A_783 : memref<1x128xf32, #tpu.memory_space<vmem>> -> memref<128xf32, #tpu.memory_space<vmem>>
        %dma_wait3A_785 = arith.constant 0 : i32
        %dma_wait3A_786 = tpu.memref_slice %arg14[%run_scoped3A_674, %dma_wait3A_785] : memref<31x128xi32, #tpu.memory_space<vmem>> -> memref<1x128xi32, #tpu.memory_space<vmem>>
        %dma_wait3A_787 = tpu.memref_squeeze %dma_wait3A_786 : memref<1x128xi32, #tpu.memory_space<vmem>> -> memref<128xi32, #tpu.memory_space<vmem>>
        %dma_wait3A_788 = arith.constant 0 : i32
        %dma_wait3A_789 = tpu.memref_slice %arg17[%dma_wait3A_788] : memref<3968xf32, #tpu.memory_space<vmem_shared>> -> memref<3968xf32, #tpu.memory_space<vmem_shared>>
        tpu.wait_indirect_dma semaphore(%run_scoped3A_775 : memref<!tpu.dma_semaphore, #tpu.memory_space<semaphore_mem>>) src(%dma_wait3A_784 : memref<128xf32, #tpu.memory_space<vmem>>) dst(%dma_wait3A_789 : memref<3968xf32, #tpu.memory_space<vmem_shared>>)
        tpu.yield
      }) : () -> ()
      %run_scoped3A_675 = arith.constant 6 : i32
      %run_scoped3A_676 = arith.constant 6 : i32
      "tpu.region"() ({
        %run_scoped3A_775 = tpu.sem_alloc : memref<!tpu.dma_semaphore, #tpu.memory_space<semaphore_mem>>
        %dma_start3A = arith.constant 0 : i32
        %dma_start3A_776 = tpu.memref_slice %arg13[%run_scoped3A_675, %dma_start3A] : memref<31x128xf32, #tpu.memory_space<vmem>> -> memref<1x128xf32, #tpu.memory_space<vmem>>
        %dma_start3A_777 = tpu.memref_squeeze %dma_start3A_776 : memref<1x128xf32, #tpu.memory_space<vmem>> -> memref<128xf32, #tpu.memory_space<vmem>>
        %dma_start3A_778 = arith.constant 0 : i32
        %dma_start3A_779 = tpu.memref_slice %arg12[%run_scoped3A_676, %dma_start3A_778] : memref<31x128xi32, #tpu.memory_space<vmem>> -> memref<1x128xi32, #tpu.memory_space<vmem>>
        %dma_start3A_780 = tpu.memref_squeeze %dma_start3A_779 : memref<1x128xi32, #tpu.memory_space<vmem>> -> memref<128xi32, #tpu.memory_space<vmem>>
        %dma_start3A_781 = arith.constant 0 : i32
        %dma_start3A_782 = tpu.memref_slice %arg16[%dma_start3A_781] : memref<64xf32, #tpu.memory_space<vmem_shared>> -> memref<64xf32, #tpu.memory_space<vmem_shared>>
        tpu.enqueue_indirect_dma source(%dma_start3A_777 : memref<128xf32, #tpu.memory_space<vmem>>) target(%dma_start3A_782 : memref<64xf32, #tpu.memory_space<vmem_shared>>) offsets(%dma_start3A_780 : memref<128xi32, #tpu.memory_space<vmem>>) semaphore(%run_scoped3A_775 : memref<!tpu.dma_semaphore, #tpu.memory_space<semaphore_mem>>) {add = true}
        %dma_wait3A = arith.constant 0 : i32
        %dma_wait3A_783 = tpu.memref_slice %arg13[%run_scoped3A_675, %dma_wait3A] : memref<31x128xf32, #tpu.memory_space<vmem>> -> memref<1x128xf32, #tpu.memory_space<vmem>>
        %dma_wait3A_784 = tpu.memref_squeeze %dma_wait3A_783 : memref<1x128xf32, #tpu.memory_space<vmem>> -> memref<128xf32, #tpu.memory_space<vmem>>
        %dma_wait3A_785 = arith.constant 0 : i32
        %dma_wait3A_786 = tpu.memref_slice %arg12[%run_scoped3A_676, %dma_wait3A_785] : memref<31x128xi32, #tpu.memory_space<vmem>> -> memref<1x128xi32, #tpu.memory_space<vmem>>
        %dma_wait3A_787 = tpu.memref_squeeze %dma_wait3A_786 : memref<1x128xi32, #tpu.memory_space<vmem>> -> memref<128xi32, #tpu.memory_space<vmem>>
        %dma_wait3A_788 = arith.constant 0 : i32
        %dma_wait3A_789 = tpu.memref_slice %arg16[%dma_wait3A_788] : memref<64xf32, #tpu.memory_space<vmem_shared>> -> memref<64xf32, #tpu.memory_space<vmem_shared>>
        tpu.wait_indirect_dma semaphore(%run_scoped3A_775 : memref<!tpu.dma_semaphore, #tpu.memory_space<semaphore_mem>>) src(%dma_wait3A_784 : memref<128xf32, #tpu.memory_space<vmem>>) dst(%dma_wait3A_789 : memref<64xf32, #tpu.memory_space<vmem_shared>>)
        tpu.yield
      }) : () -> ()
      %run_scoped3A_677 = arith.constant 6 : i32
      %run_scoped3A_678 = arith.constant 6 : i32
      "tpu.region"() ({
        %run_scoped3A_775 = tpu.sem_alloc : memref<!tpu.dma_semaphore, #tpu.memory_space<semaphore_mem>>
        %dma_start3A = arith.constant 0 : i32
        %dma_start3A_776 = tpu.memref_slice %arg15[%run_scoped3A_677, %dma_start3A] : memref<31x128xf32, #tpu.memory_space<vmem>> -> memref<1x128xf32, #tpu.memory_space<vmem>>
        %dma_start3A_777 = tpu.memref_squeeze %dma_start3A_776 : memref<1x128xf32, #tpu.memory_space<vmem>> -> memref<128xf32, #tpu.memory_space<vmem>>
        %dma_start3A_778 = arith.constant 0 : i32
        %dma_start3A_779 = tpu.memref_slice %arg14[%run_scoped3A_678, %dma_start3A_778] : memref<31x128xi32, #tpu.memory_space<vmem>> -> memref<1x128xi32, #tpu.memory_space<vmem>>
        %dma_start3A_780 = tpu.memref_squeeze %dma_start3A_779 : memref<1x128xi32, #tpu.memory_space<vmem>> -> memref<128xi32, #tpu.memory_space<vmem>>
        %dma_start3A_781 = arith.constant 0 : i32
        %dma_start3A_782 = tpu.memref_slice %arg17[%dma_start3A_781] : memref<3968xf32, #tpu.memory_space<vmem_shared>> -> memref<3968xf32, #tpu.memory_space<vmem_shared>>
        tpu.enqueue_indirect_dma source(%dma_start3A_777 : memref<128xf32, #tpu.memory_space<vmem>>) target(%dma_start3A_782 : memref<3968xf32, #tpu.memory_space<vmem_shared>>) offsets(%dma_start3A_780 : memref<128xi32, #tpu.memory_space<vmem>>) semaphore(%run_scoped3A_775 : memref<!tpu.dma_semaphore, #tpu.memory_space<semaphore_mem>>) {add = true}
        %dma_wait3A = arith.constant 0 : i32
        %dma_wait3A_783 = tpu.memref_slice %arg15[%run_scoped3A_677, %dma_wait3A] : memref<31x128xf32, #tpu.memory_space<vmem>> -> memref<1x128xf32, #tpu.memory_space<vmem>>
        %dma_wait3A_784 = tpu.memref_squeeze %dma_wait3A_783 : memref<1x128xf32, #tpu.memory_space<vmem>> -> memref<128xf32, #tpu.memory_space<vmem>>
        %dma_wait3A_785 = arith.constant 0 : i32
        %dma_wait3A_786 = tpu.memref_slice %arg14[%run_scoped3A_678, %dma_wait3A_785] : memref<31x128xi32, #tpu.memory_space<vmem>> -> memref<1x128xi32, #tpu.memory_space<vmem>>
        %dma_wait3A_787 = tpu.memref_squeeze %dma_wait3A_786 : memref<1x128xi32, #tpu.memory_space<vmem>> -> memref<128xi32, #tpu.memory_space<vmem>>
        %dma_wait3A_788 = arith.constant 0 : i32
        %dma_wait3A_789 = tpu.memref_slice %arg17[%dma_wait3A_788] : memref<3968xf32, #tpu.memory_space<vmem_shared>> -> memref<3968xf32, #tpu.memory_space<vmem_shared>>
        tpu.wait_indirect_dma semaphore(%run_scoped3A_775 : memref<!tpu.dma_semaphore, #tpu.memory_space<semaphore_mem>>) src(%dma_wait3A_784 : memref<128xf32, #tpu.memory_space<vmem>>) dst(%dma_wait3A_789 : memref<3968xf32, #tpu.memory_space<vmem_shared>>)
        tpu.yield
      }) : () -> ()
      %run_scoped3A_679 = arith.constant 7 : i32
      %run_scoped3A_680 = arith.constant 7 : i32
      "tpu.region"() ({
        %run_scoped3A_775 = tpu.sem_alloc : memref<!tpu.dma_semaphore, #tpu.memory_space<semaphore_mem>>
        %dma_start3A = arith.constant 0 : i32
        %dma_start3A_776 = tpu.memref_slice %arg13[%run_scoped3A_679, %dma_start3A] : memref<31x128xf32, #tpu.memory_space<vmem>> -> memref<1x128xf32, #tpu.memory_space<vmem>>
        %dma_start3A_777 = tpu.memref_squeeze %dma_start3A_776 : memref<1x128xf32, #tpu.memory_space<vmem>> -> memref<128xf32, #tpu.memory_space<vmem>>
        %dma_start3A_778 = arith.constant 0 : i32
        %dma_start3A_779 = tpu.memref_slice %arg12[%run_scoped3A_680, %dma_start3A_778] : memref<31x128xi32, #tpu.memory_space<vmem>> -> memref<1x128xi32, #tpu.memory_space<vmem>>
        %dma_start3A_780 = tpu.memref_squeeze %dma_start3A_779 : memref<1x128xi32, #tpu.memory_space<vmem>> -> memref<128xi32, #tpu.memory_space<vmem>>
        %dma_start3A_781 = arith.constant 0 : i32
        %dma_start3A_782 = tpu.memref_slice %arg16[%dma_start3A_781] : memref<64xf32, #tpu.memory_space<vmem_shared>> -> memref<64xf32, #tpu.memory_space<vmem_shared>>
        tpu.enqueue_indirect_dma source(%dma_start3A_777 : memref<128xf32, #tpu.memory_space<vmem>>) target(%dma_start3A_782 : memref<64xf32, #tpu.memory_space<vmem_shared>>) offsets(%dma_start3A_780 : memref<128xi32, #tpu.memory_space<vmem>>) semaphore(%run_scoped3A_775 : memref<!tpu.dma_semaphore, #tpu.memory_space<semaphore_mem>>) {add = true}
        %dma_wait3A = arith.constant 0 : i32
        %dma_wait3A_783 = tpu.memref_slice %arg13[%run_scoped3A_679, %dma_wait3A] : memref<31x128xf32, #tpu.memory_space<vmem>> -> memref<1x128xf32, #tpu.memory_space<vmem>>
        %dma_wait3A_784 = tpu.memref_squeeze %dma_wait3A_783 : memref<1x128xf32, #tpu.memory_space<vmem>> -> memref<128xf32, #tpu.memory_space<vmem>>
        %dma_wait3A_785 = arith.constant 0 : i32
        %dma_wait3A_786 = tpu.memref_slice %arg12[%run_scoped3A_680, %dma_wait3A_785] : memref<31x128xi32, #tpu.memory_space<vmem>> -> memref<1x128xi32, #tpu.memory_space<vmem>>
        %dma_wait3A_787 = tpu.memref_squeeze %dma_wait3A_786 : memref<1x128xi32, #tpu.memory_space<vmem>> -> memref<128xi32, #tpu.memory_space<vmem>>
        %dma_wait3A_788 = arith.constant 0 : i32
        %dma_wait3A_789 = tpu.memref_slice %arg16[%dma_wait3A_788] : memref<64xf32, #tpu.memory_space<vmem_shared>> -> memref<64xf32, #tpu.memory_space<vmem_shared>>
        tpu.wait_indirect_dma semaphore(%run_scoped3A_775 : memref<!tpu.dma_semaphore, #tpu.memory_space<semaphore_mem>>) src(%dma_wait3A_784 : memref<128xf32, #tpu.memory_space<vmem>>) dst(%dma_wait3A_789 : memref<64xf32, #tpu.memory_space<vmem_shared>>)
        tpu.yield
      }) : () -> ()
      %run_scoped3A_681 = arith.constant 7 : i32
      %run_scoped3A_682 = arith.constant 7 : i32
      "tpu.region"() ({
        %run_scoped3A_775 = tpu.sem_alloc : memref<!tpu.dma_semaphore, #tpu.memory_space<semaphore_mem>>
        %dma_start3A = arith.constant 0 : i32
        %dma_start3A_776 = tpu.memref_slice %arg15[%run_scoped3A_681, %dma_start3A] : memref<31x128xf32, #tpu.memory_space<vmem>> -> memref<1x128xf32, #tpu.memory_space<vmem>>
        %dma_start3A_777 = tpu.memref_squeeze %dma_start3A_776 : memref<1x128xf32, #tpu.memory_space<vmem>> -> memref<128xf32, #tpu.memory_space<vmem>>
        %dma_start3A_778 = arith.constant 0 : i32
        %dma_start3A_779 = tpu.memref_slice %arg14[%run_scoped3A_682, %dma_start3A_778] : memref<31x128xi32, #tpu.memory_space<vmem>> -> memref<1x128xi32, #tpu.memory_space<vmem>>
        %dma_start3A_780 = tpu.memref_squeeze %dma_start3A_779 : memref<1x128xi32, #tpu.memory_space<vmem>> -> memref<128xi32, #tpu.memory_space<vmem>>
        %dma_start3A_781 = arith.constant 0 : i32
        %dma_start3A_782 = tpu.memref_slice %arg17[%dma_start3A_781] : memref<3968xf32, #tpu.memory_space<vmem_shared>> -> memref<3968xf32, #tpu.memory_space<vmem_shared>>
        tpu.enqueue_indirect_dma source(%dma_start3A_777 : memref<128xf32, #tpu.memory_space<vmem>>) target(%dma_start3A_782 : memref<3968xf32, #tpu.memory_space<vmem_shared>>) offsets(%dma_start3A_780 : memref<128xi32, #tpu.memory_space<vmem>>) semaphore(%run_scoped3A_775 : memref<!tpu.dma_semaphore, #tpu.memory_space<semaphore_mem>>) {add = true}
        %dma_wait3A = arith.constant 0 : i32
        %dma_wait3A_783 = tpu.memref_slice %arg15[%run_scoped3A_681, %dma_wait3A] : memref<31x128xf32, #tpu.memory_space<vmem>> -> memref<1x128xf32, #tpu.memory_space<vmem>>
        %dma_wait3A_784 = tpu.memref_squeeze %dma_wait3A_783 : memref<1x128xf32, #tpu.memory_space<vmem>> -> memref<128xf32, #tpu.memory_space<vmem>>
        %dma_wait3A_785 = arith.constant 0 : i32
        %dma_wait3A_786 = tpu.memref_slice %arg14[%run_scoped3A_682, %dma_wait3A_785] : memref<31x128xi32, #tpu.memory_space<vmem>> -> memref<1x128xi32, #tpu.memory_space<vmem>>
        %dma_wait3A_787 = tpu.memref_squeeze %dma_wait3A_786 : memref<1x128xi32, #tpu.memory_space<vmem>> -> memref<128xi32, #tpu.memory_space<vmem>>
        %dma_wait3A_788 = arith.constant 0 : i32
        %dma_wait3A_789 = tpu.memref_slice %arg17[%dma_wait3A_788] : memref<3968xf32, #tpu.memory_space<vmem_shared>> -> memref<3968xf32, #tpu.memory_space<vmem_shared>>
        tpu.wait_indirect_dma semaphore(%run_scoped3A_775 : memref<!tpu.dma_semaphore, #tpu.memory_space<semaphore_mem>>) src(%dma_wait3A_784 : memref<128xf32, #tpu.memory_space<vmem>>) dst(%dma_wait3A_789 : memref<3968xf32, #tpu.memory_space<vmem_shared>>)
        tpu.yield
      }) : () -> ()
      %run_scoped3A_683 = arith.constant 8 : i32
      %run_scoped3A_684 = arith.constant 8 : i32
      "tpu.region"() ({
        %run_scoped3A_775 = tpu.sem_alloc : memref<!tpu.dma_semaphore, #tpu.memory_space<semaphore_mem>>
        %dma_start3A = arith.constant 0 : i32
        %dma_start3A_776 = tpu.memref_slice %arg13[%run_scoped3A_683, %dma_start3A] : memref<31x128xf32, #tpu.memory_space<vmem>> -> memref<1x128xf32, #tpu.memory_space<vmem>>
        %dma_start3A_777 = tpu.memref_squeeze %dma_start3A_776 : memref<1x128xf32, #tpu.memory_space<vmem>> -> memref<128xf32, #tpu.memory_space<vmem>>
        %dma_start3A_778 = arith.constant 0 : i32
        %dma_start3A_779 = tpu.memref_slice %arg12[%run_scoped3A_684, %dma_start3A_778] : memref<31x128xi32, #tpu.memory_space<vmem>> -> memref<1x128xi32, #tpu.memory_space<vmem>>
        %dma_start3A_780 = tpu.memref_squeeze %dma_start3A_779 : memref<1x128xi32, #tpu.memory_space<vmem>> -> memref<128xi32, #tpu.memory_space<vmem>>
        %dma_start3A_781 = arith.constant 0 : i32
        %dma_start3A_782 = tpu.memref_slice %arg16[%dma_start3A_781] : memref<64xf32, #tpu.memory_space<vmem_shared>> -> memref<64xf32, #tpu.memory_space<vmem_shared>>
        tpu.enqueue_indirect_dma source(%dma_start3A_777 : memref<128xf32, #tpu.memory_space<vmem>>) target(%dma_start3A_782 : memref<64xf32, #tpu.memory_space<vmem_shared>>) offsets(%dma_start3A_780 : memref<128xi32, #tpu.memory_space<vmem>>) semaphore(%run_scoped3A_775 : memref<!tpu.dma_semaphore, #tpu.memory_space<semaphore_mem>>) {add = true}
        %dma_wait3A = arith.constant 0 : i32
        %dma_wait3A_783 = tpu.memref_slice %arg13[%run_scoped3A_683, %dma_wait3A] : memref<31x128xf32, #tpu.memory_space<vmem>> -> memref<1x128xf32, #tpu.memory_space<vmem>>
        %dma_wait3A_784 = tpu.memref_squeeze %dma_wait3A_783 : memref<1x128xf32, #tpu.memory_space<vmem>> -> memref<128xf32, #tpu.memory_space<vmem>>
        %dma_wait3A_785 = arith.constant 0 : i32
        %dma_wait3A_786 = tpu.memref_slice %arg12[%run_scoped3A_684, %dma_wait3A_785] : memref<31x128xi32, #tpu.memory_space<vmem>> -> memref<1x128xi32, #tpu.memory_space<vmem>>
        %dma_wait3A_787 = tpu.memref_squeeze %dma_wait3A_786 : memref<1x128xi32, #tpu.memory_space<vmem>> -> memref<128xi32, #tpu.memory_space<vmem>>
        %dma_wait3A_788 = arith.constant 0 : i32
        %dma_wait3A_789 = tpu.memref_slice %arg16[%dma_wait3A_788] : memref<64xf32, #tpu.memory_space<vmem_shared>> -> memref<64xf32, #tpu.memory_space<vmem_shared>>
        tpu.wait_indirect_dma semaphore(%run_scoped3A_775 : memref<!tpu.dma_semaphore, #tpu.memory_space<semaphore_mem>>) src(%dma_wait3A_784 : memref<128xf32, #tpu.memory_space<vmem>>) dst(%dma_wait3A_789 : memref<64xf32, #tpu.memory_space<vmem_shared>>)
        tpu.yield
      }) : () -> ()
      %run_scoped3A_685 = arith.constant 8 : i32
      %run_scoped3A_686 = arith.constant 8 : i32
      "tpu.region"() ({
        %run_scoped3A_775 = tpu.sem_alloc : memref<!tpu.dma_semaphore, #tpu.memory_space<semaphore_mem>>
        %dma_start3A = arith.constant 0 : i32
        %dma_start3A_776 = tpu.memref_slice %arg15[%run_scoped3A_685, %dma_start3A] : memref<31x128xf32, #tpu.memory_space<vmem>> -> memref<1x128xf32, #tpu.memory_space<vmem>>
        %dma_start3A_777 = tpu.memref_squeeze %dma_start3A_776 : memref<1x128xf32, #tpu.memory_space<vmem>> -> memref<128xf32, #tpu.memory_space<vmem>>
        %dma_start3A_778 = arith.constant 0 : i32
        %dma_start3A_779 = tpu.memref_slice %arg14[%run_scoped3A_686, %dma_start3A_778] : memref<31x128xi32, #tpu.memory_space<vmem>> -> memref<1x128xi32, #tpu.memory_space<vmem>>
        %dma_start3A_780 = tpu.memref_squeeze %dma_start3A_779 : memref<1x128xi32, #tpu.memory_space<vmem>> -> memref<128xi32, #tpu.memory_space<vmem>>
        %dma_start3A_781 = arith.constant 0 : i32
        %dma_start3A_782 = tpu.memref_slice %arg17[%dma_start3A_781] : memref<3968xf32, #tpu.memory_space<vmem_shared>> -> memref<3968xf32, #tpu.memory_space<vmem_shared>>
        tpu.enqueue_indirect_dma source(%dma_start3A_777 : memref<128xf32, #tpu.memory_space<vmem>>) target(%dma_start3A_782 : memref<3968xf32, #tpu.memory_space<vmem_shared>>) offsets(%dma_start3A_780 : memref<128xi32, #tpu.memory_space<vmem>>) semaphore(%run_scoped3A_775 : memref<!tpu.dma_semaphore, #tpu.memory_space<semaphore_mem>>) {add = true}
        %dma_wait3A = arith.constant 0 : i32
        %dma_wait3A_783 = tpu.memref_slice %arg15[%run_scoped3A_685, %dma_wait3A] : memref<31x128xf32, #tpu.memory_space<vmem>> -> memref<1x128xf32, #tpu.memory_space<vmem>>
        %dma_wait3A_784 = tpu.memref_squeeze %dma_wait3A_783 : memref<1x128xf32, #tpu.memory_space<vmem>> -> memref<128xf32, #tpu.memory_space<vmem>>
        %dma_wait3A_785 = arith.constant 0 : i32
        %dma_wait3A_786 = tpu.memref_slice %arg14[%run_scoped3A_686, %dma_wait3A_785] : memref<31x128xi32, #tpu.memory_space<vmem>> -> memref<1x128xi32, #tpu.memory_space<vmem>>
        %dma_wait3A_787 = tpu.memref_squeeze %dma_wait3A_786 : memref<1x128xi32, #tpu.memory_space<vmem>> -> memref<128xi32, #tpu.memory_space<vmem>>
        %dma_wait3A_788 = arith.constant 0 : i32
        %dma_wait3A_789 = tpu.memref_slice %arg17[%dma_wait3A_788] : memref<3968xf32, #tpu.memory_space<vmem_shared>> -> memref<3968xf32, #tpu.memory_space<vmem_shared>>
        tpu.wait_indirect_dma semaphore(%run_scoped3A_775 : memref<!tpu.dma_semaphore, #tpu.memory_space<semaphore_mem>>) src(%dma_wait3A_784 : memref<128xf32, #tpu.memory_space<vmem>>) dst(%dma_wait3A_789 : memref<3968xf32, #tpu.memory_space<vmem_shared>>)
        tpu.yield
      }) : () -> ()
      %run_scoped3A_687 = arith.constant 9 : i32
      %run_scoped3A_688 = arith.constant 9 : i32
      "tpu.region"() ({
        %run_scoped3A_775 = tpu.sem_alloc : memref<!tpu.dma_semaphore, #tpu.memory_space<semaphore_mem>>
        %dma_start3A = arith.constant 0 : i32
        %dma_start3A_776 = tpu.memref_slice %arg13[%run_scoped3A_687, %dma_start3A] : memref<31x128xf32, #tpu.memory_space<vmem>> -> memref<1x128xf32, #tpu.memory_space<vmem>>
        %dma_start3A_777 = tpu.memref_squeeze %dma_start3A_776 : memref<1x128xf32, #tpu.memory_space<vmem>> -> memref<128xf32, #tpu.memory_space<vmem>>
        %dma_start3A_778 = arith.constant 0 : i32
        %dma_start3A_779 = tpu.memref_slice %arg12[%run_scoped3A_688, %dma_start3A_778] : memref<31x128xi32, #tpu.memory_space<vmem>> -> memref<1x128xi32, #tpu.memory_space<vmem>>
        %dma_start3A_780 = tpu.memref_squeeze %dma_start3A_779 : memref<1x128xi32, #tpu.memory_space<vmem>> -> memref<128xi32, #tpu.memory_space<vmem>>
        %dma_start3A_781 = arith.constant 0 : i32
        %dma_start3A_782 = tpu.memref_slice %arg16[%dma_start3A_781] : memref<64xf32, #tpu.memory_space<vmem_shared>> -> memref<64xf32, #tpu.memory_space<vmem_shared>>
        tpu.enqueue_indirect_dma source(%dma_start3A_777 : memref<128xf32, #tpu.memory_space<vmem>>) target(%dma_start3A_782 : memref<64xf32, #tpu.memory_space<vmem_shared>>) offsets(%dma_start3A_780 : memref<128xi32, #tpu.memory_space<vmem>>) semaphore(%run_scoped3A_775 : memref<!tpu.dma_semaphore, #tpu.memory_space<semaphore_mem>>) {add = true}
        %dma_wait3A = arith.constant 0 : i32
        %dma_wait3A_783 = tpu.memref_slice %arg13[%run_scoped3A_687, %dma_wait3A] : memref<31x128xf32, #tpu.memory_space<vmem>> -> memref<1x128xf32, #tpu.memory_space<vmem>>
        %dma_wait3A_784 = tpu.memref_squeeze %dma_wait3A_783 : memref<1x128xf32, #tpu.memory_space<vmem>> -> memref<128xf32, #tpu.memory_space<vmem>>
        %dma_wait3A_785 = arith.constant 0 : i32
        %dma_wait3A_786 = tpu.memref_slice %arg12[%run_scoped3A_688, %dma_wait3A_785] : memref<31x128xi32, #tpu.memory_space<vmem>> -> memref<1x128xi32, #tpu.memory_space<vmem>>
        %dma_wait3A_787 = tpu.memref_squeeze %dma_wait3A_786 : memref<1x128xi32, #tpu.memory_space<vmem>> -> memref<128xi32, #tpu.memory_space<vmem>>
        %dma_wait3A_788 = arith.constant 0 : i32
        %dma_wait3A_789 = tpu.memref_slice %arg16[%dma_wait3A_788] : memref<64xf32, #tpu.memory_space<vmem_shared>> -> memref<64xf32, #tpu.memory_space<vmem_shared>>
        tpu.wait_indirect_dma semaphore(%run_scoped3A_775 : memref<!tpu.dma_semaphore, #tpu.memory_space<semaphore_mem>>) src(%dma_wait3A_784 : memref<128xf32, #tpu.memory_space<vmem>>) dst(%dma_wait3A_789 : memref<64xf32, #tpu.memory_space<vmem_shared>>)
        tpu.yield
      }) : () -> ()
      %run_scoped3A_689 = arith.constant 9 : i32
      %run_scoped3A_690 = arith.constant 9 : i32
      "tpu.region"() ({
        %run_scoped3A_775 = tpu.sem_alloc : memref<!tpu.dma_semaphore, #tpu.memory_space<semaphore_mem>>
        %dma_start3A = arith.constant 0 : i32
        %dma_start3A_776 = tpu.memref_slice %arg15[%run_scoped3A_689, %dma_start3A] : memref<31x128xf32, #tpu.memory_space<vmem>> -> memref<1x128xf32, #tpu.memory_space<vmem>>
        %dma_start3A_777 = tpu.memref_squeeze %dma_start3A_776 : memref<1x128xf32, #tpu.memory_space<vmem>> -> memref<128xf32, #tpu.memory_space<vmem>>
        %dma_start3A_778 = arith.constant 0 : i32
        %dma_start3A_779 = tpu.memref_slice %arg14[%run_scoped3A_690, %dma_start3A_778] : memref<31x128xi32, #tpu.memory_space<vmem>> -> memref<1x128xi32, #tpu.memory_space<vmem>>
        %dma_start3A_780 = tpu.memref_squeeze %dma_start3A_779 : memref<1x128xi32, #tpu.memory_space<vmem>> -> memref<128xi32, #tpu.memory_space<vmem>>
        %dma_start3A_781 = arith.constant 0 : i32
        %dma_start3A_782 = tpu.memref_slice %arg17[%dma_start3A_781] : memref<3968xf32, #tpu.memory_space<vmem_shared>> -> memref<3968xf32, #tpu.memory_space<vmem_shared>>
        tpu.enqueue_indirect_dma source(%dma_start3A_777 : memref<128xf32, #tpu.memory_space<vmem>>) target(%dma_start3A_782 : memref<3968xf32, #tpu.memory_space<vmem_shared>>) offsets(%dma_start3A_780 : memref<128xi32, #tpu.memory_space<vmem>>) semaphore(%run_scoped3A_775 : memref<!tpu.dma_semaphore, #tpu.memory_space<semaphore_mem>>) {add = true}
        %dma_wait3A = arith.constant 0 : i32
        %dma_wait3A_783 = tpu.memref_slice %arg15[%run_scoped3A_689, %dma_wait3A] : memref<31x128xf32, #tpu.memory_space<vmem>> -> memref<1x128xf32, #tpu.memory_space<vmem>>
        %dma_wait3A_784 = tpu.memref_squeeze %dma_wait3A_783 : memref<1x128xf32, #tpu.memory_space<vmem>> -> memref<128xf32, #tpu.memory_space<vmem>>
        %dma_wait3A_785 = arith.constant 0 : i32
        %dma_wait3A_786 = tpu.memref_slice %arg14[%run_scoped3A_690, %dma_wait3A_785] : memref<31x128xi32, #tpu.memory_space<vmem>> -> memref<1x128xi32, #tpu.memory_space<vmem>>
        %dma_wait3A_787 = tpu.memref_squeeze %dma_wait3A_786 : memref<1x128xi32, #tpu.memory_space<vmem>> -> memref<128xi32, #tpu.memory_space<vmem>>
        %dma_wait3A_788 = arith.constant 0 : i32
        %dma_wait3A_789 = tpu.memref_slice %arg17[%dma_wait3A_788] : memref<3968xf32, #tpu.memory_space<vmem_shared>> -> memref<3968xf32, #tpu.memory_space<vmem_shared>>
        tpu.wait_indirect_dma semaphore(%run_scoped3A_775 : memref<!tpu.dma_semaphore, #tpu.memory_space<semaphore_mem>>) src(%dma_wait3A_784 : memref<128xf32, #tpu.memory_space<vmem>>) dst(%dma_wait3A_789 : memref<3968xf32, #tpu.memory_space<vmem_shared>>)
        tpu.yield
      }) : () -> ()
      %run_scoped3A_691 = arith.constant 10 : i32
      %run_scoped3A_692 = arith.constant 10 : i32
      "tpu.region"() ({
        %run_scoped3A_775 = tpu.sem_alloc : memref<!tpu.dma_semaphore, #tpu.memory_space<semaphore_mem>>
        %dma_start3A = arith.constant 0 : i32
        %dma_start3A_776 = tpu.memref_slice %arg13[%run_scoped3A_691, %dma_start3A] : memref<31x128xf32, #tpu.memory_space<vmem>> -> memref<1x128xf32, #tpu.memory_space<vmem>>
        %dma_start3A_777 = tpu.memref_squeeze %dma_start3A_776 : memref<1x128xf32, #tpu.memory_space<vmem>> -> memref<128xf32, #tpu.memory_space<vmem>>
        %dma_start3A_778 = arith.constant 0 : i32
        %dma_start3A_779 = tpu.memref_slice %arg12[%run_scoped3A_692, %dma_start3A_778] : memref<31x128xi32, #tpu.memory_space<vmem>> -> memref<1x128xi32, #tpu.memory_space<vmem>>
        %dma_start3A_780 = tpu.memref_squeeze %dma_start3A_779 : memref<1x128xi32, #tpu.memory_space<vmem>> -> memref<128xi32, #tpu.memory_space<vmem>>
        %dma_start3A_781 = arith.constant 0 : i32
        %dma_start3A_782 = tpu.memref_slice %arg16[%dma_start3A_781] : memref<64xf32, #tpu.memory_space<vmem_shared>> -> memref<64xf32, #tpu.memory_space<vmem_shared>>
        tpu.enqueue_indirect_dma source(%dma_start3A_777 : memref<128xf32, #tpu.memory_space<vmem>>) target(%dma_start3A_782 : memref<64xf32, #tpu.memory_space<vmem_shared>>) offsets(%dma_start3A_780 : memref<128xi32, #tpu.memory_space<vmem>>) semaphore(%run_scoped3A_775 : memref<!tpu.dma_semaphore, #tpu.memory_space<semaphore_mem>>) {add = true}
        %dma_wait3A = arith.constant 0 : i32
        %dma_wait3A_783 = tpu.memref_slice %arg13[%run_scoped3A_691, %dma_wait3A] : memref<31x128xf32, #tpu.memory_space<vmem>> -> memref<1x128xf32, #tpu.memory_space<vmem>>
        %dma_wait3A_784 = tpu.memref_squeeze %dma_wait3A_783 : memref<1x128xf32, #tpu.memory_space<vmem>> -> memref<128xf32, #tpu.memory_space<vmem>>
        %dma_wait3A_785 = arith.constant 0 : i32
        %dma_wait3A_786 = tpu.memref_slice %arg12[%run_scoped3A_692, %dma_wait3A_785] : memref<31x128xi32, #tpu.memory_space<vmem>> -> memref<1x128xi32, #tpu.memory_space<vmem>>
        %dma_wait3A_787 = tpu.memref_squeeze %dma_wait3A_786 : memref<1x128xi32, #tpu.memory_space<vmem>> -> memref<128xi32, #tpu.memory_space<vmem>>
        %dma_wait3A_788 = arith.constant 0 : i32
        %dma_wait3A_789 = tpu.memref_slice %arg16[%dma_wait3A_788] : memref<64xf32, #tpu.memory_space<vmem_shared>> -> memref<64xf32, #tpu.memory_space<vmem_shared>>
        tpu.wait_indirect_dma semaphore(%run_scoped3A_775 : memref<!tpu.dma_semaphore, #tpu.memory_space<semaphore_mem>>) src(%dma_wait3A_784 : memref<128xf32, #tpu.memory_space<vmem>>) dst(%dma_wait3A_789 : memref<64xf32, #tpu.memory_space<vmem_shared>>)
        tpu.yield
      }) : () -> ()
      %run_scoped3A_693 = arith.constant 10 : i32
      %run_scoped3A_694 = arith.constant 10 : i32
      "tpu.region"() ({
        %run_scoped3A_775 = tpu.sem_alloc : memref<!tpu.dma_semaphore, #tpu.memory_space<semaphore_mem>>
        %dma_start3A = arith.constant 0 : i32
        %dma_start3A_776 = tpu.memref_slice %arg15[%run_scoped3A_693, %dma_start3A] : memref<31x128xf32, #tpu.memory_space<vmem>> -> memref<1x128xf32, #tpu.memory_space<vmem>>
        %dma_start3A_777 = tpu.memref_squeeze %dma_start3A_776 : memref<1x128xf32, #tpu.memory_space<vmem>> -> memref<128xf32, #tpu.memory_space<vmem>>
        %dma_start3A_778 = arith.constant 0 : i32
        %dma_start3A_779 = tpu.memref_slice %arg14[%run_scoped3A_694, %dma_start3A_778] : memref<31x128xi32, #tpu.memory_space<vmem>> -> memref<1x128xi32, #tpu.memory_space<vmem>>
        %dma_start3A_780 = tpu.memref_squeeze %dma_start3A_779 : memref<1x128xi32, #tpu.memory_space<vmem>> -> memref<128xi32, #tpu.memory_space<vmem>>
        %dma_start3A_781 = arith.constant 0 : i32
        %dma_start3A_782 = tpu.memref_slice %arg17[%dma_start3A_781] : memref<3968xf32, #tpu.memory_space<vmem_shared>> -> memref<3968xf32, #tpu.memory_space<vmem_shared>>
        tpu.enqueue_indirect_dma source(%dma_start3A_777 : memref<128xf32, #tpu.memory_space<vmem>>) target(%dma_start3A_782 : memref<3968xf32, #tpu.memory_space<vmem_shared>>) offsets(%dma_start3A_780 : memref<128xi32, #tpu.memory_space<vmem>>) semaphore(%run_scoped3A_775 : memref<!tpu.dma_semaphore, #tpu.memory_space<semaphore_mem>>) {add = true}
        %dma_wait3A = arith.constant 0 : i32
        %dma_wait3A_783 = tpu.memref_slice %arg15[%run_scoped3A_693, %dma_wait3A] : memref<31x128xf32, #tpu.memory_space<vmem>> -> memref<1x128xf32, #tpu.memory_space<vmem>>
        %dma_wait3A_784 = tpu.memref_squeeze %dma_wait3A_783 : memref<1x128xf32, #tpu.memory_space<vmem>> -> memref<128xf32, #tpu.memory_space<vmem>>
        %dma_wait3A_785 = arith.constant 0 : i32
        %dma_wait3A_786 = tpu.memref_slice %arg14[%run_scoped3A_694, %dma_wait3A_785] : memref<31x128xi32, #tpu.memory_space<vmem>> -> memref<1x128xi32, #tpu.memory_space<vmem>>
        %dma_wait3A_787 = tpu.memref_squeeze %dma_wait3A_786 : memref<1x128xi32, #tpu.memory_space<vmem>> -> memref<128xi32, #tpu.memory_space<vmem>>
        %dma_wait3A_788 = arith.constant 0 : i32
        %dma_wait3A_789 = tpu.memref_slice %arg17[%dma_wait3A_788] : memref<3968xf32, #tpu.memory_space<vmem_shared>> -> memref<3968xf32, #tpu.memory_space<vmem_shared>>
        tpu.wait_indirect_dma semaphore(%run_scoped3A_775 : memref<!tpu.dma_semaphore, #tpu.memory_space<semaphore_mem>>) src(%dma_wait3A_784 : memref<128xf32, #tpu.memory_space<vmem>>) dst(%dma_wait3A_789 : memref<3968xf32, #tpu.memory_space<vmem_shared>>)
        tpu.yield
      }) : () -> ()
      %run_scoped3A_695 = arith.constant 11 : i32
      %run_scoped3A_696 = arith.constant 11 : i32
      "tpu.region"() ({
        %run_scoped3A_775 = tpu.sem_alloc : memref<!tpu.dma_semaphore, #tpu.memory_space<semaphore_mem>>
        %dma_start3A = arith.constant 0 : i32
        %dma_start3A_776 = tpu.memref_slice %arg13[%run_scoped3A_695, %dma_start3A] : memref<31x128xf32, #tpu.memory_space<vmem>> -> memref<1x128xf32, #tpu.memory_space<vmem>>
        %dma_start3A_777 = tpu.memref_squeeze %dma_start3A_776 : memref<1x128xf32, #tpu.memory_space<vmem>> -> memref<128xf32, #tpu.memory_space<vmem>>
        %dma_start3A_778 = arith.constant 0 : i32
        %dma_start3A_779 = tpu.memref_slice %arg12[%run_scoped3A_696, %dma_start3A_778] : memref<31x128xi32, #tpu.memory_space<vmem>> -> memref<1x128xi32, #tpu.memory_space<vmem>>
        %dma_start3A_780 = tpu.memref_squeeze %dma_start3A_779 : memref<1x128xi32, #tpu.memory_space<vmem>> -> memref<128xi32, #tpu.memory_space<vmem>>
        %dma_start3A_781 = arith.constant 0 : i32
        %dma_start3A_782 = tpu.memref_slice %arg16[%dma_start3A_781] : memref<64xf32, #tpu.memory_space<vmem_shared>> -> memref<64xf32, #tpu.memory_space<vmem_shared>>
        tpu.enqueue_indirect_dma source(%dma_start3A_777 : memref<128xf32, #tpu.memory_space<vmem>>) target(%dma_start3A_782 : memref<64xf32, #tpu.memory_space<vmem_shared>>) offsets(%dma_start3A_780 : memref<128xi32, #tpu.memory_space<vmem>>) semaphore(%run_scoped3A_775 : memref<!tpu.dma_semaphore, #tpu.memory_space<semaphore_mem>>) {add = true}
        %dma_wait3A = arith.constant 0 : i32
        %dma_wait3A_783 = tpu.memref_slice %arg13[%run_scoped3A_695, %dma_wait3A] : memref<31x128xf32, #tpu.memory_space<vmem>> -> memref<1x128xf32, #tpu.memory_space<vmem>>
        %dma_wait3A_784 = tpu.memref_squeeze %dma_wait3A_783 : memref<1x128xf32, #tpu.memory_space<vmem>> -> memref<128xf32, #tpu.memory_space<vmem>>
        %dma_wait3A_785 = arith.constant 0 : i32
        %dma_wait3A_786 = tpu.memref_slice %arg12[%run_scoped3A_696, %dma_wait3A_785] : memref<31x128xi32, #tpu.memory_space<vmem>> -> memref<1x128xi32, #tpu.memory_space<vmem>>
        %dma_wait3A_787 = tpu.memref_squeeze %dma_wait3A_786 : memref<1x128xi32, #tpu.memory_space<vmem>> -> memref<128xi32, #tpu.memory_space<vmem>>
        %dma_wait3A_788 = arith.constant 0 : i32
        %dma_wait3A_789 = tpu.memref_slice %arg16[%dma_wait3A_788] : memref<64xf32, #tpu.memory_space<vmem_shared>> -> memref<64xf32, #tpu.memory_space<vmem_shared>>
        tpu.wait_indirect_dma semaphore(%run_scoped3A_775 : memref<!tpu.dma_semaphore, #tpu.memory_space<semaphore_mem>>) src(%dma_wait3A_784 : memref<128xf32, #tpu.memory_space<vmem>>) dst(%dma_wait3A_789 : memref<64xf32, #tpu.memory_space<vmem_shared>>)
        tpu.yield
      }) : () -> ()
      %run_scoped3A_697 = arith.constant 11 : i32
      %run_scoped3A_698 = arith.constant 11 : i32
      "tpu.region"() ({
        %run_scoped3A_775 = tpu.sem_alloc : memref<!tpu.dma_semaphore, #tpu.memory_space<semaphore_mem>>
        %dma_start3A = arith.constant 0 : i32
        %dma_start3A_776 = tpu.memref_slice %arg15[%run_scoped3A_697, %dma_start3A] : memref<31x128xf32, #tpu.memory_space<vmem>> -> memref<1x128xf32, #tpu.memory_space<vmem>>
        %dma_start3A_777 = tpu.memref_squeeze %dma_start3A_776 : memref<1x128xf32, #tpu.memory_space<vmem>> -> memref<128xf32, #tpu.memory_space<vmem>>
        %dma_start3A_778 = arith.constant 0 : i32
        %dma_start3A_779 = tpu.memref_slice %arg14[%run_scoped3A_698, %dma_start3A_778] : memref<31x128xi32, #tpu.memory_space<vmem>> -> memref<1x128xi32, #tpu.memory_space<vmem>>
        %dma_start3A_780 = tpu.memref_squeeze %dma_start3A_779 : memref<1x128xi32, #tpu.memory_space<vmem>> -> memref<128xi32, #tpu.memory_space<vmem>>
        %dma_start3A_781 = arith.constant 0 : i32
        %dma_start3A_782 = tpu.memref_slice %arg17[%dma_start3A_781] : memref<3968xf32, #tpu.memory_space<vmem_shared>> -> memref<3968xf32, #tpu.memory_space<vmem_shared>>
        tpu.enqueue_indirect_dma source(%dma_start3A_777 : memref<128xf32, #tpu.memory_space<vmem>>) target(%dma_start3A_782 : memref<3968xf32, #tpu.memory_space<vmem_shared>>) offsets(%dma_start3A_780 : memref<128xi32, #tpu.memory_space<vmem>>) semaphore(%run_scoped3A_775 : memref<!tpu.dma_semaphore, #tpu.memory_space<semaphore_mem>>) {add = true}
        %dma_wait3A = arith.constant 0 : i32
        %dma_wait3A_783 = tpu.memref_slice %arg15[%run_scoped3A_697, %dma_wait3A] : memref<31x128xf32, #tpu.memory_space<vmem>> -> memref<1x128xf32, #tpu.memory_space<vmem>>
        %dma_wait3A_784 = tpu.memref_squeeze %dma_wait3A_783 : memref<1x128xf32, #tpu.memory_space<vmem>> -> memref<128xf32, #tpu.memory_space<vmem>>
        %dma_wait3A_785 = arith.constant 0 : i32
        %dma_wait3A_786 = tpu.memref_slice %arg14[%run_scoped3A_698, %dma_wait3A_785] : memref<31x128xi32, #tpu.memory_space<vmem>> -> memref<1x128xi32, #tpu.memory_space<vmem>>
        %dma_wait3A_787 = tpu.memref_squeeze %dma_wait3A_786 : memref<1x128xi32, #tpu.memory_space<vmem>> -> memref<128xi32, #tpu.memory_space<vmem>>
        %dma_wait3A_788 = arith.constant 0 : i32
        %dma_wait3A_789 = tpu.memref_slice %arg17[%dma_wait3A_788] : memref<3968xf32, #tpu.memory_space<vmem_shared>> -> memref<3968xf32, #tpu.memory_space<vmem_shared>>
        tpu.wait_indirect_dma semaphore(%run_scoped3A_775 : memref<!tpu.dma_semaphore, #tpu.memory_space<semaphore_mem>>) src(%dma_wait3A_784 : memref<128xf32, #tpu.memory_space<vmem>>) dst(%dma_wait3A_789 : memref<3968xf32, #tpu.memory_space<vmem_shared>>)
        tpu.yield
      }) : () -> ()
      %run_scoped3A_699 = arith.constant 12 : i32
      %run_scoped3A_700 = arith.constant 12 : i32
      "tpu.region"() ({
        %run_scoped3A_775 = tpu.sem_alloc : memref<!tpu.dma_semaphore, #tpu.memory_space<semaphore_mem>>
        %dma_start3A = arith.constant 0 : i32
        %dma_start3A_776 = tpu.memref_slice %arg13[%run_scoped3A_699, %dma_start3A] : memref<31x128xf32, #tpu.memory_space<vmem>> -> memref<1x128xf32, #tpu.memory_space<vmem>>
        %dma_start3A_777 = tpu.memref_squeeze %dma_start3A_776 : memref<1x128xf32, #tpu.memory_space<vmem>> -> memref<128xf32, #tpu.memory_space<vmem>>
        %dma_start3A_778 = arith.constant 0 : i32
        %dma_start3A_779 = tpu.memref_slice %arg12[%run_scoped3A_700, %dma_start3A_778] : memref<31x128xi32, #tpu.memory_space<vmem>> -> memref<1x128xi32, #tpu.memory_space<vmem>>
        %dma_start3A_780 = tpu.memref_squeeze %dma_start3A_779 : memref<1x128xi32, #tpu.memory_space<vmem>> -> memref<128xi32, #tpu.memory_space<vmem>>
        %dma_start3A_781 = arith.constant 0 : i32
        %dma_start3A_782 = tpu.memref_slice %arg16[%dma_start3A_781] : memref<64xf32, #tpu.memory_space<vmem_shared>> -> memref<64xf32, #tpu.memory_space<vmem_shared>>
        tpu.enqueue_indirect_dma source(%dma_start3A_777 : memref<128xf32, #tpu.memory_space<vmem>>) target(%dma_start3A_782 : memref<64xf32, #tpu.memory_space<vmem_shared>>) offsets(%dma_start3A_780 : memref<128xi32, #tpu.memory_space<vmem>>) semaphore(%run_scoped3A_775 : memref<!tpu.dma_semaphore, #tpu.memory_space<semaphore_mem>>) {add = true}
        %dma_wait3A = arith.constant 0 : i32
        %dma_wait3A_783 = tpu.memref_slice %arg13[%run_scoped3A_699, %dma_wait3A] : memref<31x128xf32, #tpu.memory_space<vmem>> -> memref<1x128xf32, #tpu.memory_space<vmem>>
        %dma_wait3A_784 = tpu.memref_squeeze %dma_wait3A_783 : memref<1x128xf32, #tpu.memory_space<vmem>> -> memref<128xf32, #tpu.memory_space<vmem>>
        %dma_wait3A_785 = arith.constant 0 : i32
        %dma_wait3A_786 = tpu.memref_slice %arg12[%run_scoped3A_700, %dma_wait3A_785] : memref<31x128xi32, #tpu.memory_space<vmem>> -> memref<1x128xi32, #tpu.memory_space<vmem>>
        %dma_wait3A_787 = tpu.memref_squeeze %dma_wait3A_786 : memref<1x128xi32, #tpu.memory_space<vmem>> -> memref<128xi32, #tpu.memory_space<vmem>>
        %dma_wait3A_788 = arith.constant 0 : i32
        %dma_wait3A_789 = tpu.memref_slice %arg16[%dma_wait3A_788] : memref<64xf32, #tpu.memory_space<vmem_shared>> -> memref<64xf32, #tpu.memory_space<vmem_shared>>
        tpu.wait_indirect_dma semaphore(%run_scoped3A_775 : memref<!tpu.dma_semaphore, #tpu.memory_space<semaphore_mem>>) src(%dma_wait3A_784 : memref<128xf32, #tpu.memory_space<vmem>>) dst(%dma_wait3A_789 : memref<64xf32, #tpu.memory_space<vmem_shared>>)
        tpu.yield
      }) : () -> ()
      %run_scoped3A_701 = arith.constant 12 : i32
      %run_scoped3A_702 = arith.constant 12 : i32
      "tpu.region"() ({
        %run_scoped3A_775 = tpu.sem_alloc : memref<!tpu.dma_semaphore, #tpu.memory_space<semaphore_mem>>
        %dma_start3A = arith.constant 0 : i32
        %dma_start3A_776 = tpu.memref_slice %arg15[%run_scoped3A_701, %dma_start3A] : memref<31x128xf32, #tpu.memory_space<vmem>> -> memref<1x128xf32, #tpu.memory_space<vmem>>
        %dma_start3A_777 = tpu.memref_squeeze %dma_start3A_776 : memref<1x128xf32, #tpu.memory_space<vmem>> -> memref<128xf32, #tpu.memory_space<vmem>>
        %dma_start3A_778 = arith.constant 0 : i32
        %dma_start3A_779 = tpu.memref_slice %arg14[%run_scoped3A_702, %dma_start3A_778] : memref<31x128xi32, #tpu.memory_space<vmem>> -> memref<1x128xi32, #tpu.memory_space<vmem>>
        %dma_start3A_780 = tpu.memref_squeeze %dma_start3A_779 : memref<1x128xi32, #tpu.memory_space<vmem>> -> memref<128xi32, #tpu.memory_space<vmem>>
        %dma_start3A_781 = arith.constant 0 : i32
        %dma_start3A_782 = tpu.memref_slice %arg17[%dma_start3A_781] : memref<3968xf32, #tpu.memory_space<vmem_shared>> -> memref<3968xf32, #tpu.memory_space<vmem_shared>>
        tpu.enqueue_indirect_dma source(%dma_start3A_777 : memref<128xf32, #tpu.memory_space<vmem>>) target(%dma_start3A_782 : memref<3968xf32, #tpu.memory_space<vmem_shared>>) offsets(%dma_start3A_780 : memref<128xi32, #tpu.memory_space<vmem>>) semaphore(%run_scoped3A_775 : memref<!tpu.dma_semaphore, #tpu.memory_space<semaphore_mem>>) {add = true}
        %dma_wait3A = arith.constant 0 : i32
        %dma_wait3A_783 = tpu.memref_slice %arg15[%run_scoped3A_701, %dma_wait3A] : memref<31x128xf32, #tpu.memory_space<vmem>> -> memref<1x128xf32, #tpu.memory_space<vmem>>
        %dma_wait3A_784 = tpu.memref_squeeze %dma_wait3A_783 : memref<1x128xf32, #tpu.memory_space<vmem>> -> memref<128xf32, #tpu.memory_space<vmem>>
        %dma_wait3A_785 = arith.constant 0 : i32
        %dma_wait3A_786 = tpu.memref_slice %arg14[%run_scoped3A_702, %dma_wait3A_785] : memref<31x128xi32, #tpu.memory_space<vmem>> -> memref<1x128xi32, #tpu.memory_space<vmem>>
        %dma_wait3A_787 = tpu.memref_squeeze %dma_wait3A_786 : memref<1x128xi32, #tpu.memory_space<vmem>> -> memref<128xi32, #tpu.memory_space<vmem>>
        %dma_wait3A_788 = arith.constant 0 : i32
        %dma_wait3A_789 = tpu.memref_slice %arg17[%dma_wait3A_788] : memref<3968xf32, #tpu.memory_space<vmem_shared>> -> memref<3968xf32, #tpu.memory_space<vmem_shared>>
        tpu.wait_indirect_dma semaphore(%run_scoped3A_775 : memref<!tpu.dma_semaphore, #tpu.memory_space<semaphore_mem>>) src(%dma_wait3A_784 : memref<128xf32, #tpu.memory_space<vmem>>) dst(%dma_wait3A_789 : memref<3968xf32, #tpu.memory_space<vmem_shared>>)
        tpu.yield
      }) : () -> ()
      %run_scoped3A_703 = arith.constant 13 : i32
      %run_scoped3A_704 = arith.constant 13 : i32
      "tpu.region"() ({
        %run_scoped3A_775 = tpu.sem_alloc : memref<!tpu.dma_semaphore, #tpu.memory_space<semaphore_mem>>
        %dma_start3A = arith.constant 0 : i32
        %dma_start3A_776 = tpu.memref_slice %arg13[%run_scoped3A_703, %dma_start3A] : memref<31x128xf32, #tpu.memory_space<vmem>> -> memref<1x128xf32, #tpu.memory_space<vmem>>
        %dma_start3A_777 = tpu.memref_squeeze %dma_start3A_776 : memref<1x128xf32, #tpu.memory_space<vmem>> -> memref<128xf32, #tpu.memory_space<vmem>>
        %dma_start3A_778 = arith.constant 0 : i32
        %dma_start3A_779 = tpu.memref_slice %arg12[%run_scoped3A_704, %dma_start3A_778] : memref<31x128xi32, #tpu.memory_space<vmem>> -> memref<1x128xi32, #tpu.memory_space<vmem>>
        %dma_start3A_780 = tpu.memref_squeeze %dma_start3A_779 : memref<1x128xi32, #tpu.memory_space<vmem>> -> memref<128xi32, #tpu.memory_space<vmem>>
        %dma_start3A_781 = arith.constant 0 : i32
        %dma_start3A_782 = tpu.memref_slice %arg16[%dma_start3A_781] : memref<64xf32, #tpu.memory_space<vmem_shared>> -> memref<64xf32, #tpu.memory_space<vmem_shared>>
        tpu.enqueue_indirect_dma source(%dma_start3A_777 : memref<128xf32, #tpu.memory_space<vmem>>) target(%dma_start3A_782 : memref<64xf32, #tpu.memory_space<vmem_shared>>) offsets(%dma_start3A_780 : memref<128xi32, #tpu.memory_space<vmem>>) semaphore(%run_scoped3A_775 : memref<!tpu.dma_semaphore, #tpu.memory_space<semaphore_mem>>) {add = true}
        %dma_wait3A = arith.constant 0 : i32
        %dma_wait3A_783 = tpu.memref_slice %arg13[%run_scoped3A_703, %dma_wait3A] : memref<31x128xf32, #tpu.memory_space<vmem>> -> memref<1x128xf32, #tpu.memory_space<vmem>>
        %dma_wait3A_784 = tpu.memref_squeeze %dma_wait3A_783 : memref<1x128xf32, #tpu.memory_space<vmem>> -> memref<128xf32, #tpu.memory_space<vmem>>
        %dma_wait3A_785 = arith.constant 0 : i32
        %dma_wait3A_786 = tpu.memref_slice %arg12[%run_scoped3A_704, %dma_wait3A_785] : memref<31x128xi32, #tpu.memory_space<vmem>> -> memref<1x128xi32, #tpu.memory_space<vmem>>
        %dma_wait3A_787 = tpu.memref_squeeze %dma_wait3A_786 : memref<1x128xi32, #tpu.memory_space<vmem>> -> memref<128xi32, #tpu.memory_space<vmem>>
        %dma_wait3A_788 = arith.constant 0 : i32
        %dma_wait3A_789 = tpu.memref_slice %arg16[%dma_wait3A_788] : memref<64xf32, #tpu.memory_space<vmem_shared>> -> memref<64xf32, #tpu.memory_space<vmem_shared>>
        tpu.wait_indirect_dma semaphore(%run_scoped3A_775 : memref<!tpu.dma_semaphore, #tpu.memory_space<semaphore_mem>>) src(%dma_wait3A_784 : memref<128xf32, #tpu.memory_space<vmem>>) dst(%dma_wait3A_789 : memref<64xf32, #tpu.memory_space<vmem_shared>>)
        tpu.yield
      }) : () -> ()
      %run_scoped3A_705 = arith.constant 13 : i32
      %run_scoped3A_706 = arith.constant 13 : i32
      "tpu.region"() ({
        %run_scoped3A_775 = tpu.sem_alloc : memref<!tpu.dma_semaphore, #tpu.memory_space<semaphore_mem>>
        %dma_start3A = arith.constant 0 : i32
        %dma_start3A_776 = tpu.memref_slice %arg15[%run_scoped3A_705, %dma_start3A] : memref<31x128xf32, #tpu.memory_space<vmem>> -> memref<1x128xf32, #tpu.memory_space<vmem>>
        %dma_start3A_777 = tpu.memref_squeeze %dma_start3A_776 : memref<1x128xf32, #tpu.memory_space<vmem>> -> memref<128xf32, #tpu.memory_space<vmem>>
        %dma_start3A_778 = arith.constant 0 : i32
        %dma_start3A_779 = tpu.memref_slice %arg14[%run_scoped3A_706, %dma_start3A_778] : memref<31x128xi32, #tpu.memory_space<vmem>> -> memref<1x128xi32, #tpu.memory_space<vmem>>
        %dma_start3A_780 = tpu.memref_squeeze %dma_start3A_779 : memref<1x128xi32, #tpu.memory_space<vmem>> -> memref<128xi32, #tpu.memory_space<vmem>>
        %dma_start3A_781 = arith.constant 0 : i32
        %dma_start3A_782 = tpu.memref_slice %arg17[%dma_start3A_781] : memref<3968xf32, #tpu.memory_space<vmem_shared>> -> memref<3968xf32, #tpu.memory_space<vmem_shared>>
        tpu.enqueue_indirect_dma source(%dma_start3A_777 : memref<128xf32, #tpu.memory_space<vmem>>) target(%dma_start3A_782 : memref<3968xf32, #tpu.memory_space<vmem_shared>>) offsets(%dma_start3A_780 : memref<128xi32, #tpu.memory_space<vmem>>) semaphore(%run_scoped3A_775 : memref<!tpu.dma_semaphore, #tpu.memory_space<semaphore_mem>>) {add = true}
        %dma_wait3A = arith.constant 0 : i32
        %dma_wait3A_783 = tpu.memref_slice %arg15[%run_scoped3A_705, %dma_wait3A] : memref<31x128xf32, #tpu.memory_space<vmem>> -> memref<1x128xf32, #tpu.memory_space<vmem>>
        %dma_wait3A_784 = tpu.memref_squeeze %dma_wait3A_783 : memref<1x128xf32, #tpu.memory_space<vmem>> -> memref<128xf32, #tpu.memory_space<vmem>>
        %dma_wait3A_785 = arith.constant 0 : i32
        %dma_wait3A_786 = tpu.memref_slice %arg14[%run_scoped3A_706, %dma_wait3A_785] : memref<31x128xi32, #tpu.memory_space<vmem>> -> memref<1x128xi32, #tpu.memory_space<vmem>>
        %dma_wait3A_787 = tpu.memref_squeeze %dma_wait3A_786 : memref<1x128xi32, #tpu.memory_space<vmem>> -> memref<128xi32, #tpu.memory_space<vmem>>
        %dma_wait3A_788 = arith.constant 0 : i32
        %dma_wait3A_789 = tpu.memref_slice %arg17[%dma_wait3A_788] : memref<3968xf32, #tpu.memory_space<vmem_shared>> -> memref<3968xf32, #tpu.memory_space<vmem_shared>>
        tpu.wait_indirect_dma semaphore(%run_scoped3A_775 : memref<!tpu.dma_semaphore, #tpu.memory_space<semaphore_mem>>) src(%dma_wait3A_784 : memref<128xf32, #tpu.memory_space<vmem>>) dst(%dma_wait3A_789 : memref<3968xf32, #tpu.memory_space<vmem_shared>>)
        tpu.yield
      }) : () -> ()
      %run_scoped3A_707 = arith.constant 14 : i32
      %run_scoped3A_708 = arith.constant 14 : i32
      "tpu.region"() ({
        %run_scoped3A_775 = tpu.sem_alloc : memref<!tpu.dma_semaphore, #tpu.memory_space<semaphore_mem>>
        %dma_start3A = arith.constant 0 : i32
        %dma_start3A_776 = tpu.memref_slice %arg13[%run_scoped3A_707, %dma_start3A] : memref<31x128xf32, #tpu.memory_space<vmem>> -> memref<1x128xf32, #tpu.memory_space<vmem>>
        %dma_start3A_777 = tpu.memref_squeeze %dma_start3A_776 : memref<1x128xf32, #tpu.memory_space<vmem>> -> memref<128xf32, #tpu.memory_space<vmem>>
        %dma_start3A_778 = arith.constant 0 : i32
        %dma_start3A_779 = tpu.memref_slice %arg12[%run_scoped3A_708, %dma_start3A_778] : memref<31x128xi32, #tpu.memory_space<vmem>> -> memref<1x128xi32, #tpu.memory_space<vmem>>
        %dma_start3A_780 = tpu.memref_squeeze %dma_start3A_779 : memref<1x128xi32, #tpu.memory_space<vmem>> -> memref<128xi32, #tpu.memory_space<vmem>>
        %dma_start3A_781 = arith.constant 0 : i32
        %dma_start3A_782 = tpu.memref_slice %arg16[%dma_start3A_781] : memref<64xf32, #tpu.memory_space<vmem_shared>> -> memref<64xf32, #tpu.memory_space<vmem_shared>>
        tpu.enqueue_indirect_dma source(%dma_start3A_777 : memref<128xf32, #tpu.memory_space<vmem>>) target(%dma_start3A_782 : memref<64xf32, #tpu.memory_space<vmem_shared>>) offsets(%dma_start3A_780 : memref<128xi32, #tpu.memory_space<vmem>>) semaphore(%run_scoped3A_775 : memref<!tpu.dma_semaphore, #tpu.memory_space<semaphore_mem>>) {add = true}
        %dma_wait3A = arith.constant 0 : i32
        %dma_wait3A_783 = tpu.memref_slice %arg13[%run_scoped3A_707, %dma_wait3A] : memref<31x128xf32, #tpu.memory_space<vmem>> -> memref<1x128xf32, #tpu.memory_space<vmem>>
        %dma_wait3A_784 = tpu.memref_squeeze %dma_wait3A_783 : memref<1x128xf32, #tpu.memory_space<vmem>> -> memref<128xf32, #tpu.memory_space<vmem>>
        %dma_wait3A_785 = arith.constant 0 : i32
        %dma_wait3A_786 = tpu.memref_slice %arg12[%run_scoped3A_708, %dma_wait3A_785] : memref<31x128xi32, #tpu.memory_space<vmem>> -> memref<1x128xi32, #tpu.memory_space<vmem>>
        %dma_wait3A_787 = tpu.memref_squeeze %dma_wait3A_786 : memref<1x128xi32, #tpu.memory_space<vmem>> -> memref<128xi32, #tpu.memory_space<vmem>>
        %dma_wait3A_788 = arith.constant 0 : i32
        %dma_wait3A_789 = tpu.memref_slice %arg16[%dma_wait3A_788] : memref<64xf32, #tpu.memory_space<vmem_shared>> -> memref<64xf32, #tpu.memory_space<vmem_shared>>
        tpu.wait_indirect_dma semaphore(%run_scoped3A_775 : memref<!tpu.dma_semaphore, #tpu.memory_space<semaphore_mem>>) src(%dma_wait3A_784 : memref<128xf32, #tpu.memory_space<vmem>>) dst(%dma_wait3A_789 : memref<64xf32, #tpu.memory_space<vmem_shared>>)
        tpu.yield
      }) : () -> ()
      %run_scoped3A_709 = arith.constant 14 : i32
      %run_scoped3A_710 = arith.constant 14 : i32
      "tpu.region"() ({
        %run_scoped3A_775 = tpu.sem_alloc : memref<!tpu.dma_semaphore, #tpu.memory_space<semaphore_mem>>
        %dma_start3A = arith.constant 0 : i32
        %dma_start3A_776 = tpu.memref_slice %arg15[%run_scoped3A_709, %dma_start3A] : memref<31x128xf32, #tpu.memory_space<vmem>> -> memref<1x128xf32, #tpu.memory_space<vmem>>
        %dma_start3A_777 = tpu.memref_squeeze %dma_start3A_776 : memref<1x128xf32, #tpu.memory_space<vmem>> -> memref<128xf32, #tpu.memory_space<vmem>>
        %dma_start3A_778 = arith.constant 0 : i32
        %dma_start3A_779 = tpu.memref_slice %arg14[%run_scoped3A_710, %dma_start3A_778] : memref<31x128xi32, #tpu.memory_space<vmem>> -> memref<1x128xi32, #tpu.memory_space<vmem>>
        %dma_start3A_780 = tpu.memref_squeeze %dma_start3A_779 : memref<1x128xi32, #tpu.memory_space<vmem>> -> memref<128xi32, #tpu.memory_space<vmem>>
        %dma_start3A_781 = arith.constant 0 : i32
        %dma_start3A_782 = tpu.memref_slice %arg17[%dma_start3A_781] : memref<3968xf32, #tpu.memory_space<vmem_shared>> -> memref<3968xf32, #tpu.memory_space<vmem_shared>>
        tpu.enqueue_indirect_dma source(%dma_start3A_777 : memref<128xf32, #tpu.memory_space<vmem>>) target(%dma_start3A_782 : memref<3968xf32, #tpu.memory_space<vmem_shared>>) offsets(%dma_start3A_780 : memref<128xi32, #tpu.memory_space<vmem>>) semaphore(%run_scoped3A_775 : memref<!tpu.dma_semaphore, #tpu.memory_space<semaphore_mem>>) {add = true}
        %dma_wait3A = arith.constant 0 : i32
        %dma_wait3A_783 = tpu.memref_slice %arg15[%run_scoped3A_709, %dma_wait3A] : memref<31x128xf32, #tpu.memory_space<vmem>> -> memref<1x128xf32, #tpu.memory_space<vmem>>
        %dma_wait3A_784 = tpu.memref_squeeze %dma_wait3A_783 : memref<1x128xf32, #tpu.memory_space<vmem>> -> memref<128xf32, #tpu.memory_space<vmem>>
        %dma_wait3A_785 = arith.constant 0 : i32
        %dma_wait3A_786 = tpu.memref_slice %arg14[%run_scoped3A_710, %dma_wait3A_785] : memref<31x128xi32, #tpu.memory_space<vmem>> -> memref<1x128xi32, #tpu.memory_space<vmem>>
        %dma_wait3A_787 = tpu.memref_squeeze %dma_wait3A_786 : memref<1x128xi32, #tpu.memory_space<vmem>> -> memref<128xi32, #tpu.memory_space<vmem>>
        %dma_wait3A_788 = arith.constant 0 : i32
        %dma_wait3A_789 = tpu.memref_slice %arg17[%dma_wait3A_788] : memref<3968xf32, #tpu.memory_space<vmem_shared>> -> memref<3968xf32, #tpu.memory_space<vmem_shared>>
        tpu.wait_indirect_dma semaphore(%run_scoped3A_775 : memref<!tpu.dma_semaphore, #tpu.memory_space<semaphore_mem>>) src(%dma_wait3A_784 : memref<128xf32, #tpu.memory_space<vmem>>) dst(%dma_wait3A_789 : memref<3968xf32, #tpu.memory_space<vmem_shared>>)
        tpu.yield
      }) : () -> ()
      %run_scoped3A_711 = arith.constant 15 : i32
      %run_scoped3A_712 = arith.constant 15 : i32
      "tpu.region"() ({
        %run_scoped3A_775 = tpu.sem_alloc : memref<!tpu.dma_semaphore, #tpu.memory_space<semaphore_mem>>
        %dma_start3A = arith.constant 0 : i32
        %dma_start3A_776 = tpu.memref_slice %arg13[%run_scoped3A_711, %dma_start3A] : memref<31x128xf32, #tpu.memory_space<vmem>> -> memref<1x128xf32, #tpu.memory_space<vmem>>
        %dma_start3A_777 = tpu.memref_squeeze %dma_start3A_776 : memref<1x128xf32, #tpu.memory_space<vmem>> -> memref<128xf32, #tpu.memory_space<vmem>>
        %dma_start3A_778 = arith.constant 0 : i32
        %dma_start3A_779 = tpu.memref_slice %arg12[%run_scoped3A_712, %dma_start3A_778] : memref<31x128xi32, #tpu.memory_space<vmem>> -> memref<1x128xi32, #tpu.memory_space<vmem>>
        %dma_start3A_780 = tpu.memref_squeeze %dma_start3A_779 : memref<1x128xi32, #tpu.memory_space<vmem>> -> memref<128xi32, #tpu.memory_space<vmem>>
        %dma_start3A_781 = arith.constant 0 : i32
        %dma_start3A_782 = tpu.memref_slice %arg16[%dma_start3A_781] : memref<64xf32, #tpu.memory_space<vmem_shared>> -> memref<64xf32, #tpu.memory_space<vmem_shared>>
        tpu.enqueue_indirect_dma source(%dma_start3A_777 : memref<128xf32, #tpu.memory_space<vmem>>) target(%dma_start3A_782 : memref<64xf32, #tpu.memory_space<vmem_shared>>) offsets(%dma_start3A_780 : memref<128xi32, #tpu.memory_space<vmem>>) semaphore(%run_scoped3A_775 : memref<!tpu.dma_semaphore, #tpu.memory_space<semaphore_mem>>) {add = true}
        %dma_wait3A = arith.constant 0 : i32
        %dma_wait3A_783 = tpu.memref_slice %arg13[%run_scoped3A_711, %dma_wait3A] : memref<31x128xf32, #tpu.memory_space<vmem>> -> memref<1x128xf32, #tpu.memory_space<vmem>>
        %dma_wait3A_784 = tpu.memref_squeeze %dma_wait3A_783 : memref<1x128xf32, #tpu.memory_space<vmem>> -> memref<128xf32, #tpu.memory_space<vmem>>
        %dma_wait3A_785 = arith.constant 0 : i32
        %dma_wait3A_786 = tpu.memref_slice %arg12[%run_scoped3A_712, %dma_wait3A_785] : memref<31x128xi32, #tpu.memory_space<vmem>> -> memref<1x128xi32, #tpu.memory_space<vmem>>
        %dma_wait3A_787 = tpu.memref_squeeze %dma_wait3A_786 : memref<1x128xi32, #tpu.memory_space<vmem>> -> memref<128xi32, #tpu.memory_space<vmem>>
        %dma_wait3A_788 = arith.constant 0 : i32
        %dma_wait3A_789 = tpu.memref_slice %arg16[%dma_wait3A_788] : memref<64xf32, #tpu.memory_space<vmem_shared>> -> memref<64xf32, #tpu.memory_space<vmem_shared>>
        tpu.wait_indirect_dma semaphore(%run_scoped3A_775 : memref<!tpu.dma_semaphore, #tpu.memory_space<semaphore_mem>>) src(%dma_wait3A_784 : memref<128xf32, #tpu.memory_space<vmem>>) dst(%dma_wait3A_789 : memref<64xf32, #tpu.memory_space<vmem_shared>>)
        tpu.yield
      }) : () -> ()
      %run_scoped3A_713 = arith.constant 15 : i32
      %run_scoped3A_714 = arith.constant 15 : i32
      "tpu.region"() ({
        %run_scoped3A_775 = tpu.sem_alloc : memref<!tpu.dma_semaphore, #tpu.memory_space<semaphore_mem>>
        %dma_start3A = arith.constant 0 : i32
        %dma_start3A_776 = tpu.memref_slice %arg15[%run_scoped3A_713, %dma_start3A] : memref<31x128xf32, #tpu.memory_space<vmem>> -> memref<1x128xf32, #tpu.memory_space<vmem>>
        %dma_start3A_777 = tpu.memref_squeeze %dma_start3A_776 : memref<1x128xf32, #tpu.memory_space<vmem>> -> memref<128xf32, #tpu.memory_space<vmem>>
        %dma_start3A_778 = arith.constant 0 : i32
        %dma_start3A_779 = tpu.memref_slice %arg14[%run_scoped3A_714, %dma_start3A_778] : memref<31x128xi32, #tpu.memory_space<vmem>> -> memref<1x128xi32, #tpu.memory_space<vmem>>
        %dma_start3A_780 = tpu.memref_squeeze %dma_start3A_779 : memref<1x128xi32, #tpu.memory_space<vmem>> -> memref<128xi32, #tpu.memory_space<vmem>>
        %dma_start3A_781 = arith.constant 0 : i32
        %dma_start3A_782 = tpu.memref_slice %arg17[%dma_start3A_781] : memref<3968xf32, #tpu.memory_space<vmem_shared>> -> memref<3968xf32, #tpu.memory_space<vmem_shared>>
        tpu.enqueue_indirect_dma source(%dma_start3A_777 : memref<128xf32, #tpu.memory_space<vmem>>) target(%dma_start3A_782 : memref<3968xf32, #tpu.memory_space<vmem_shared>>) offsets(%dma_start3A_780 : memref<128xi32, #tpu.memory_space<vmem>>) semaphore(%run_scoped3A_775 : memref<!tpu.dma_semaphore, #tpu.memory_space<semaphore_mem>>) {add = true}
        %dma_wait3A = arith.constant 0 : i32
        %dma_wait3A_783 = tpu.memref_slice %arg15[%run_scoped3A_713, %dma_wait3A] : memref<31x128xf32, #tpu.memory_space<vmem>> -> memref<1x128xf32, #tpu.memory_space<vmem>>
        %dma_wait3A_784 = tpu.memref_squeeze %dma_wait3A_783 : memref<1x128xf32, #tpu.memory_space<vmem>> -> memref<128xf32, #tpu.memory_space<vmem>>
        %dma_wait3A_785 = arith.constant 0 : i32
        %dma_wait3A_786 = tpu.memref_slice %arg14[%run_scoped3A_714, %dma_wait3A_785] : memref<31x128xi32, #tpu.memory_space<vmem>> -> memref<1x128xi32, #tpu.memory_space<vmem>>
        %dma_wait3A_787 = tpu.memref_squeeze %dma_wait3A_786 : memref<1x128xi32, #tpu.memory_space<vmem>> -> memref<128xi32, #tpu.memory_space<vmem>>
        %dma_wait3A_788 = arith.constant 0 : i32
        %dma_wait3A_789 = tpu.memref_slice %arg17[%dma_wait3A_788] : memref<3968xf32, #tpu.memory_space<vmem_shared>> -> memref<3968xf32, #tpu.memory_space<vmem_shared>>
        tpu.wait_indirect_dma semaphore(%run_scoped3A_775 : memref<!tpu.dma_semaphore, #tpu.memory_space<semaphore_mem>>) src(%dma_wait3A_784 : memref<128xf32, #tpu.memory_space<vmem>>) dst(%dma_wait3A_789 : memref<3968xf32, #tpu.memory_space<vmem_shared>>)
        tpu.yield
      }) : () -> ()
      %run_scoped3A_715 = arith.constant 16 : i32
      %run_scoped3A_716 = arith.constant 16 : i32
      "tpu.region"() ({
        %run_scoped3A_775 = tpu.sem_alloc : memref<!tpu.dma_semaphore, #tpu.memory_space<semaphore_mem>>
        %dma_start3A = arith.constant 0 : i32
        %dma_start3A_776 = tpu.memref_slice %arg13[%run_scoped3A_715, %dma_start3A] : memref<31x128xf32, #tpu.memory_space<vmem>> -> memref<1x128xf32, #tpu.memory_space<vmem>>
        %dma_start3A_777 = tpu.memref_squeeze %dma_start3A_776 : memref<1x128xf32, #tpu.memory_space<vmem>> -> memref<128xf32, #tpu.memory_space<vmem>>
        %dma_start3A_778 = arith.constant 0 : i32
        %dma_start3A_779 = tpu.memref_slice %arg12[%run_scoped3A_716, %dma_start3A_778] : memref<31x128xi32, #tpu.memory_space<vmem>> -> memref<1x128xi32, #tpu.memory_space<vmem>>
        %dma_start3A_780 = tpu.memref_squeeze %dma_start3A_779 : memref<1x128xi32, #tpu.memory_space<vmem>> -> memref<128xi32, #tpu.memory_space<vmem>>
        %dma_start3A_781 = arith.constant 0 : i32
        %dma_start3A_782 = tpu.memref_slice %arg16[%dma_start3A_781] : memref<64xf32, #tpu.memory_space<vmem_shared>> -> memref<64xf32, #tpu.memory_space<vmem_shared>>
        tpu.enqueue_indirect_dma source(%dma_start3A_777 : memref<128xf32, #tpu.memory_space<vmem>>) target(%dma_start3A_782 : memref<64xf32, #tpu.memory_space<vmem_shared>>) offsets(%dma_start3A_780 : memref<128xi32, #tpu.memory_space<vmem>>) semaphore(%run_scoped3A_775 : memref<!tpu.dma_semaphore, #tpu.memory_space<semaphore_mem>>) {add = true}
        %dma_wait3A = arith.constant 0 : i32
        %dma_wait3A_783 = tpu.memref_slice %arg13[%run_scoped3A_715, %dma_wait3A] : memref<31x128xf32, #tpu.memory_space<vmem>> -> memref<1x128xf32, #tpu.memory_space<vmem>>
        %dma_wait3A_784 = tpu.memref_squeeze %dma_wait3A_783 : memref<1x128xf32, #tpu.memory_space<vmem>> -> memref<128xf32, #tpu.memory_space<vmem>>
        %dma_wait3A_785 = arith.constant 0 : i32
        %dma_wait3A_786 = tpu.memref_slice %arg12[%run_scoped3A_716, %dma_wait3A_785] : memref<31x128xi32, #tpu.memory_space<vmem>> -> memref<1x128xi32, #tpu.memory_space<vmem>>
        %dma_wait3A_787 = tpu.memref_squeeze %dma_wait3A_786 : memref<1x128xi32, #tpu.memory_space<vmem>> -> memref<128xi32, #tpu.memory_space<vmem>>
        %dma_wait3A_788 = arith.constant 0 : i32
        %dma_wait3A_789 = tpu.memref_slice %arg16[%dma_wait3A_788] : memref<64xf32, #tpu.memory_space<vmem_shared>> -> memref<64xf32, #tpu.memory_space<vmem_shared>>
        tpu.wait_indirect_dma semaphore(%run_scoped3A_775 : memref<!tpu.dma_semaphore, #tpu.memory_space<semaphore_mem>>) src(%dma_wait3A_784 : memref<128xf32, #tpu.memory_space<vmem>>) dst(%dma_wait3A_789 : memref<64xf32, #tpu.memory_space<vmem_shared>>)
        tpu.yield
      }) : () -> ()
      %run_scoped3A_717 = arith.constant 16 : i32
      %run_scoped3A_718 = arith.constant 16 : i32
      "tpu.region"() ({
        %run_scoped3A_775 = tpu.sem_alloc : memref<!tpu.dma_semaphore, #tpu.memory_space<semaphore_mem>>
        %dma_start3A = arith.constant 0 : i32
        %dma_start3A_776 = tpu.memref_slice %arg15[%run_scoped3A_717, %dma_start3A] : memref<31x128xf32, #tpu.memory_space<vmem>> -> memref<1x128xf32, #tpu.memory_space<vmem>>
        %dma_start3A_777 = tpu.memref_squeeze %dma_start3A_776 : memref<1x128xf32, #tpu.memory_space<vmem>> -> memref<128xf32, #tpu.memory_space<vmem>>
        %dma_start3A_778 = arith.constant 0 : i32
        %dma_start3A_779 = tpu.memref_slice %arg14[%run_scoped3A_718, %dma_start3A_778] : memref<31x128xi32, #tpu.memory_space<vmem>> -> memref<1x128xi32, #tpu.memory_space<vmem>>
        %dma_start3A_780 = tpu.memref_squeeze %dma_start3A_779 : memref<1x128xi32, #tpu.memory_space<vmem>> -> memref<128xi32, #tpu.memory_space<vmem>>
        %dma_start3A_781 = arith.constant 0 : i32
        %dma_start3A_782 = tpu.memref_slice %arg17[%dma_start3A_781] : memref<3968xf32, #tpu.memory_space<vmem_shared>> -> memref<3968xf32, #tpu.memory_space<vmem_shared>>
        tpu.enqueue_indirect_dma source(%dma_start3A_777 : memref<128xf32, #tpu.memory_space<vmem>>) target(%dma_start3A_782 : memref<3968xf32, #tpu.memory_space<vmem_shared>>) offsets(%dma_start3A_780 : memref<128xi32, #tpu.memory_space<vmem>>) semaphore(%run_scoped3A_775 : memref<!tpu.dma_semaphore, #tpu.memory_space<semaphore_mem>>) {add = true}
        %dma_wait3A = arith.constant 0 : i32
        %dma_wait3A_783 = tpu.memref_slice %arg15[%run_scoped3A_717, %dma_wait3A] : memref<31x128xf32, #tpu.memory_space<vmem>> -> memref<1x128xf32, #tpu.memory_space<vmem>>
        %dma_wait3A_784 = tpu.memref_squeeze %dma_wait3A_783 : memref<1x128xf32, #tpu.memory_space<vmem>> -> memref<128xf32, #tpu.memory_space<vmem>>
        %dma_wait3A_785 = arith.constant 0 : i32
        %dma_wait3A_786 = tpu.memref_slice %arg14[%run_scoped3A_718, %dma_wait3A_785] : memref<31x128xi32, #tpu.memory_space<vmem>> -> memref<1x128xi32, #tpu.memory_space<vmem>>
        %dma_wait3A_787 = tpu.memref_squeeze %dma_wait3A_786 : memref<1x128xi32, #tpu.memory_space<vmem>> -> memref<128xi32, #tpu.memory_space<vmem>>
        %dma_wait3A_788 = arith.constant 0 : i32
        %dma_wait3A_789 = tpu.memref_slice %arg17[%dma_wait3A_788] : memref<3968xf32, #tpu.memory_space<vmem_shared>> -> memref<3968xf32, #tpu.memory_space<vmem_shared>>
        tpu.wait_indirect_dma semaphore(%run_scoped3A_775 : memref<!tpu.dma_semaphore, #tpu.memory_space<semaphore_mem>>) src(%dma_wait3A_784 : memref<128xf32, #tpu.memory_space<vmem>>) dst(%dma_wait3A_789 : memref<3968xf32, #tpu.memory_space<vmem_shared>>)
        tpu.yield
      }) : () -> ()
      %run_scoped3A_719 = arith.constant 17 : i32
      %run_scoped3A_720 = arith.constant 17 : i32
      "tpu.region"() ({
        %run_scoped3A_775 = tpu.sem_alloc : memref<!tpu.dma_semaphore, #tpu.memory_space<semaphore_mem>>
        %dma_start3A = arith.constant 0 : i32
        %dma_start3A_776 = tpu.memref_slice %arg13[%run_scoped3A_719, %dma_start3A] : memref<31x128xf32, #tpu.memory_space<vmem>> -> memref<1x128xf32, #tpu.memory_space<vmem>>
        %dma_start3A_777 = tpu.memref_squeeze %dma_start3A_776 : memref<1x128xf32, #tpu.memory_space<vmem>> -> memref<128xf32, #tpu.memory_space<vmem>>
        %dma_start3A_778 = arith.constant 0 : i32
        %dma_start3A_779 = tpu.memref_slice %arg12[%run_scoped3A_720, %dma_start3A_778] : memref<31x128xi32, #tpu.memory_space<vmem>> -> memref<1x128xi32, #tpu.memory_space<vmem>>
        %dma_start3A_780 = tpu.memref_squeeze %dma_start3A_779 : memref<1x128xi32, #tpu.memory_space<vmem>> -> memref<128xi32, #tpu.memory_space<vmem>>
        %dma_start3A_781 = arith.constant 0 : i32
        %dma_start3A_782 = tpu.memref_slice %arg16[%dma_start3A_781] : memref<64xf32, #tpu.memory_space<vmem_shared>> -> memref<64xf32, #tpu.memory_space<vmem_shared>>
        tpu.enqueue_indirect_dma source(%dma_start3A_777 : memref<128xf32, #tpu.memory_space<vmem>>) target(%dma_start3A_782 : memref<64xf32, #tpu.memory_space<vmem_shared>>) offsets(%dma_start3A_780 : memref<128xi32, #tpu.memory_space<vmem>>) semaphore(%run_scoped3A_775 : memref<!tpu.dma_semaphore, #tpu.memory_space<semaphore_mem>>) {add = true}
        %dma_wait3A = arith.constant 0 : i32
        %dma_wait3A_783 = tpu.memref_slice %arg13[%run_scoped3A_719, %dma_wait3A] : memref<31x128xf32, #tpu.memory_space<vmem>> -> memref<1x128xf32, #tpu.memory_space<vmem>>
        %dma_wait3A_784 = tpu.memref_squeeze %dma_wait3A_783 : memref<1x128xf32, #tpu.memory_space<vmem>> -> memref<128xf32, #tpu.memory_space<vmem>>
        %dma_wait3A_785 = arith.constant 0 : i32
        %dma_wait3A_786 = tpu.memref_slice %arg12[%run_scoped3A_720, %dma_wait3A_785] : memref<31x128xi32, #tpu.memory_space<vmem>> -> memref<1x128xi32, #tpu.memory_space<vmem>>
        %dma_wait3A_787 = tpu.memref_squeeze %dma_wait3A_786 : memref<1x128xi32, #tpu.memory_space<vmem>> -> memref<128xi32, #tpu.memory_space<vmem>>
        %dma_wait3A_788 = arith.constant 0 : i32
        %dma_wait3A_789 = tpu.memref_slice %arg16[%dma_wait3A_788] : memref<64xf32, #tpu.memory_space<vmem_shared>> -> memref<64xf32, #tpu.memory_space<vmem_shared>>
        tpu.wait_indirect_dma semaphore(%run_scoped3A_775 : memref<!tpu.dma_semaphore, #tpu.memory_space<semaphore_mem>>) src(%dma_wait3A_784 : memref<128xf32, #tpu.memory_space<vmem>>) dst(%dma_wait3A_789 : memref<64xf32, #tpu.memory_space<vmem_shared>>)
        tpu.yield
      }) : () -> ()
      %run_scoped3A_721 = arith.constant 17 : i32
      %run_scoped3A_722 = arith.constant 17 : i32
      "tpu.region"() ({
        %run_scoped3A_775 = tpu.sem_alloc : memref<!tpu.dma_semaphore, #tpu.memory_space<semaphore_mem>>
        %dma_start3A = arith.constant 0 : i32
        %dma_start3A_776 = tpu.memref_slice %arg15[%run_scoped3A_721, %dma_start3A] : memref<31x128xf32, #tpu.memory_space<vmem>> -> memref<1x128xf32, #tpu.memory_space<vmem>>
        %dma_start3A_777 = tpu.memref_squeeze %dma_start3A_776 : memref<1x128xf32, #tpu.memory_space<vmem>> -> memref<128xf32, #tpu.memory_space<vmem>>
        %dma_start3A_778 = arith.constant 0 : i32
        %dma_start3A_779 = tpu.memref_slice %arg14[%run_scoped3A_722, %dma_start3A_778] : memref<31x128xi32, #tpu.memory_space<vmem>> -> memref<1x128xi32, #tpu.memory_space<vmem>>
        %dma_start3A_780 = tpu.memref_squeeze %dma_start3A_779 : memref<1x128xi32, #tpu.memory_space<vmem>> -> memref<128xi32, #tpu.memory_space<vmem>>
        %dma_start3A_781 = arith.constant 0 : i32
        %dma_start3A_782 = tpu.memref_slice %arg17[%dma_start3A_781] : memref<3968xf32, #tpu.memory_space<vmem_shared>> -> memref<3968xf32, #tpu.memory_space<vmem_shared>>
        tpu.enqueue_indirect_dma source(%dma_start3A_777 : memref<128xf32, #tpu.memory_space<vmem>>) target(%dma_start3A_782 : memref<3968xf32, #tpu.memory_space<vmem_shared>>) offsets(%dma_start3A_780 : memref<128xi32, #tpu.memory_space<vmem>>) semaphore(%run_scoped3A_775 : memref<!tpu.dma_semaphore, #tpu.memory_space<semaphore_mem>>) {add = true}
        %dma_wait3A = arith.constant 0 : i32
        %dma_wait3A_783 = tpu.memref_slice %arg15[%run_scoped3A_721, %dma_wait3A] : memref<31x128xf32, #tpu.memory_space<vmem>> -> memref<1x128xf32, #tpu.memory_space<vmem>>
        %dma_wait3A_784 = tpu.memref_squeeze %dma_wait3A_783 : memref<1x128xf32, #tpu.memory_space<vmem>> -> memref<128xf32, #tpu.memory_space<vmem>>
        %dma_wait3A_785 = arith.constant 0 : i32
        %dma_wait3A_786 = tpu.memref_slice %arg14[%run_scoped3A_722, %dma_wait3A_785] : memref<31x128xi32, #tpu.memory_space<vmem>> -> memref<1x128xi32, #tpu.memory_space<vmem>>
        %dma_wait3A_787 = tpu.memref_squeeze %dma_wait3A_786 : memref<1x128xi32, #tpu.memory_space<vmem>> -> memref<128xi32, #tpu.memory_space<vmem>>
        %dma_wait3A_788 = arith.constant 0 : i32
        %dma_wait3A_789 = tpu.memref_slice %arg17[%dma_wait3A_788] : memref<3968xf32, #tpu.memory_space<vmem_shared>> -> memref<3968xf32, #tpu.memory_space<vmem_shared>>
        tpu.wait_indirect_dma semaphore(%run_scoped3A_775 : memref<!tpu.dma_semaphore, #tpu.memory_space<semaphore_mem>>) src(%dma_wait3A_784 : memref<128xf32, #tpu.memory_space<vmem>>) dst(%dma_wait3A_789 : memref<3968xf32, #tpu.memory_space<vmem_shared>>)
        tpu.yield
      }) : () -> ()
      %run_scoped3A_723 = arith.constant 18 : i32
      %run_scoped3A_724 = arith.constant 18 : i32
      "tpu.region"() ({
        %run_scoped3A_775 = tpu.sem_alloc : memref<!tpu.dma_semaphore, #tpu.memory_space<semaphore_mem>>
        %dma_start3A = arith.constant 0 : i32
        %dma_start3A_776 = tpu.memref_slice %arg13[%run_scoped3A_723, %dma_start3A] : memref<31x128xf32, #tpu.memory_space<vmem>> -> memref<1x128xf32, #tpu.memory_space<vmem>>
        %dma_start3A_777 = tpu.memref_squeeze %dma_start3A_776 : memref<1x128xf32, #tpu.memory_space<vmem>> -> memref<128xf32, #tpu.memory_space<vmem>>
        %dma_start3A_778 = arith.constant 0 : i32
        %dma_start3A_779 = tpu.memref_slice %arg12[%run_scoped3A_724, %dma_start3A_778] : memref<31x128xi32, #tpu.memory_space<vmem>> -> memref<1x128xi32, #tpu.memory_space<vmem>>
        %dma_start3A_780 = tpu.memref_squeeze %dma_start3A_779 : memref<1x128xi32, #tpu.memory_space<vmem>> -> memref<128xi32, #tpu.memory_space<vmem>>
        %dma_start3A_781 = arith.constant 0 : i32
        %dma_start3A_782 = tpu.memref_slice %arg16[%dma_start3A_781] : memref<64xf32, #tpu.memory_space<vmem_shared>> -> memref<64xf32, #tpu.memory_space<vmem_shared>>
        tpu.enqueue_indirect_dma source(%dma_start3A_777 : memref<128xf32, #tpu.memory_space<vmem>>) target(%dma_start3A_782 : memref<64xf32, #tpu.memory_space<vmem_shared>>) offsets(%dma_start3A_780 : memref<128xi32, #tpu.memory_space<vmem>>) semaphore(%run_scoped3A_775 : memref<!tpu.dma_semaphore, #tpu.memory_space<semaphore_mem>>) {add = true}
        %dma_wait3A = arith.constant 0 : i32
        %dma_wait3A_783 = tpu.memref_slice %arg13[%run_scoped3A_723, %dma_wait3A] : memref<31x128xf32, #tpu.memory_space<vmem>> -> memref<1x128xf32, #tpu.memory_space<vmem>>
        %dma_wait3A_784 = tpu.memref_squeeze %dma_wait3A_783 : memref<1x128xf32, #tpu.memory_space<vmem>> -> memref<128xf32, #tpu.memory_space<vmem>>
        %dma_wait3A_785 = arith.constant 0 : i32
        %dma_wait3A_786 = tpu.memref_slice %arg12[%run_scoped3A_724, %dma_wait3A_785] : memref<31x128xi32, #tpu.memory_space<vmem>> -> memref<1x128xi32, #tpu.memory_space<vmem>>
        %dma_wait3A_787 = tpu.memref_squeeze %dma_wait3A_786 : memref<1x128xi32, #tpu.memory_space<vmem>> -> memref<128xi32, #tpu.memory_space<vmem>>
        %dma_wait3A_788 = arith.constant 0 : i32
        %dma_wait3A_789 = tpu.memref_slice %arg16[%dma_wait3A_788] : memref<64xf32, #tpu.memory_space<vmem_shared>> -> memref<64xf32, #tpu.memory_space<vmem_shared>>
        tpu.wait_indirect_dma semaphore(%run_scoped3A_775 : memref<!tpu.dma_semaphore, #tpu.memory_space<semaphore_mem>>) src(%dma_wait3A_784 : memref<128xf32, #tpu.memory_space<vmem>>) dst(%dma_wait3A_789 : memref<64xf32, #tpu.memory_space<vmem_shared>>)
        tpu.yield
      }) : () -> ()
      %run_scoped3A_725 = arith.constant 18 : i32
      %run_scoped3A_726 = arith.constant 18 : i32
      "tpu.region"() ({
        %run_scoped3A_775 = tpu.sem_alloc : memref<!tpu.dma_semaphore, #tpu.memory_space<semaphore_mem>>
        %dma_start3A = arith.constant 0 : i32
        %dma_start3A_776 = tpu.memref_slice %arg15[%run_scoped3A_725, %dma_start3A] : memref<31x128xf32, #tpu.memory_space<vmem>> -> memref<1x128xf32, #tpu.memory_space<vmem>>
        %dma_start3A_777 = tpu.memref_squeeze %dma_start3A_776 : memref<1x128xf32, #tpu.memory_space<vmem>> -> memref<128xf32, #tpu.memory_space<vmem>>
        %dma_start3A_778 = arith.constant 0 : i32
        %dma_start3A_779 = tpu.memref_slice %arg14[%run_scoped3A_726, %dma_start3A_778] : memref<31x128xi32, #tpu.memory_space<vmem>> -> memref<1x128xi32, #tpu.memory_space<vmem>>
        %dma_start3A_780 = tpu.memref_squeeze %dma_start3A_779 : memref<1x128xi32, #tpu.memory_space<vmem>> -> memref<128xi32, #tpu.memory_space<vmem>>
        %dma_start3A_781 = arith.constant 0 : i32
        %dma_start3A_782 = tpu.memref_slice %arg17[%dma_start3A_781] : memref<3968xf32, #tpu.memory_space<vmem_shared>> -> memref<3968xf32, #tpu.memory_space<vmem_shared>>
        tpu.enqueue_indirect_dma source(%dma_start3A_777 : memref<128xf32, #tpu.memory_space<vmem>>) target(%dma_start3A_782 : memref<3968xf32, #tpu.memory_space<vmem_shared>>) offsets(%dma_start3A_780 : memref<128xi32, #tpu.memory_space<vmem>>) semaphore(%run_scoped3A_775 : memref<!tpu.dma_semaphore, #tpu.memory_space<semaphore_mem>>) {add = true}
        %dma_wait3A = arith.constant 0 : i32
        %dma_wait3A_783 = tpu.memref_slice %arg15[%run_scoped3A_725, %dma_wait3A] : memref<31x128xf32, #tpu.memory_space<vmem>> -> memref<1x128xf32, #tpu.memory_space<vmem>>
        %dma_wait3A_784 = tpu.memref_squeeze %dma_wait3A_783 : memref<1x128xf32, #tpu.memory_space<vmem>> -> memref<128xf32, #tpu.memory_space<vmem>>
        %dma_wait3A_785 = arith.constant 0 : i32
        %dma_wait3A_786 = tpu.memref_slice %arg14[%run_scoped3A_726, %dma_wait3A_785] : memref<31x128xi32, #tpu.memory_space<vmem>> -> memref<1x128xi32, #tpu.memory_space<vmem>>
        %dma_wait3A_787 = tpu.memref_squeeze %dma_wait3A_786 : memref<1x128xi32, #tpu.memory_space<vmem>> -> memref<128xi32, #tpu.memory_space<vmem>>
        %dma_wait3A_788 = arith.constant 0 : i32
        %dma_wait3A_789 = tpu.memref_slice %arg17[%dma_wait3A_788] : memref<3968xf32, #tpu.memory_space<vmem_shared>> -> memref<3968xf32, #tpu.memory_space<vmem_shared>>
        tpu.wait_indirect_dma semaphore(%run_scoped3A_775 : memref<!tpu.dma_semaphore, #tpu.memory_space<semaphore_mem>>) src(%dma_wait3A_784 : memref<128xf32, #tpu.memory_space<vmem>>) dst(%dma_wait3A_789 : memref<3968xf32, #tpu.memory_space<vmem_shared>>)
        tpu.yield
      }) : () -> ()
      %run_scoped3A_727 = arith.constant 19 : i32
      %run_scoped3A_728 = arith.constant 19 : i32
      "tpu.region"() ({
        %run_scoped3A_775 = tpu.sem_alloc : memref<!tpu.dma_semaphore, #tpu.memory_space<semaphore_mem>>
        %dma_start3A = arith.constant 0 : i32
        %dma_start3A_776 = tpu.memref_slice %arg13[%run_scoped3A_727, %dma_start3A] : memref<31x128xf32, #tpu.memory_space<vmem>> -> memref<1x128xf32, #tpu.memory_space<vmem>>
        %dma_start3A_777 = tpu.memref_squeeze %dma_start3A_776 : memref<1x128xf32, #tpu.memory_space<vmem>> -> memref<128xf32, #tpu.memory_space<vmem>>
        %dma_start3A_778 = arith.constant 0 : i32
        %dma_start3A_779 = tpu.memref_slice %arg12[%run_scoped3A_728, %dma_start3A_778] : memref<31x128xi32, #tpu.memory_space<vmem>> -> memref<1x128xi32, #tpu.memory_space<vmem>>
        %dma_start3A_780 = tpu.memref_squeeze %dma_start3A_779 : memref<1x128xi32, #tpu.memory_space<vmem>> -> memref<128xi32, #tpu.memory_space<vmem>>
        %dma_start3A_781 = arith.constant 0 : i32
        %dma_start3A_782 = tpu.memref_slice %arg16[%dma_start3A_781] : memref<64xf32, #tpu.memory_space<vmem_shared>> -> memref<64xf32, #tpu.memory_space<vmem_shared>>
        tpu.enqueue_indirect_dma source(%dma_start3A_777 : memref<128xf32, #tpu.memory_space<vmem>>) target(%dma_start3A_782 : memref<64xf32, #tpu.memory_space<vmem_shared>>) offsets(%dma_start3A_780 : memref<128xi32, #tpu.memory_space<vmem>>) semaphore(%run_scoped3A_775 : memref<!tpu.dma_semaphore, #tpu.memory_space<semaphore_mem>>) {add = true}
        %dma_wait3A = arith.constant 0 : i32
        %dma_wait3A_783 = tpu.memref_slice %arg13[%run_scoped3A_727, %dma_wait3A] : memref<31x128xf32, #tpu.memory_space<vmem>> -> memref<1x128xf32, #tpu.memory_space<vmem>>
        %dma_wait3A_784 = tpu.memref_squeeze %dma_wait3A_783 : memref<1x128xf32, #tpu.memory_space<vmem>> -> memref<128xf32, #tpu.memory_space<vmem>>
        %dma_wait3A_785 = arith.constant 0 : i32
        %dma_wait3A_786 = tpu.memref_slice %arg12[%run_scoped3A_728, %dma_wait3A_785] : memref<31x128xi32, #tpu.memory_space<vmem>> -> memref<1x128xi32, #tpu.memory_space<vmem>>
        %dma_wait3A_787 = tpu.memref_squeeze %dma_wait3A_786 : memref<1x128xi32, #tpu.memory_space<vmem>> -> memref<128xi32, #tpu.memory_space<vmem>>
        %dma_wait3A_788 = arith.constant 0 : i32
        %dma_wait3A_789 = tpu.memref_slice %arg16[%dma_wait3A_788] : memref<64xf32, #tpu.memory_space<vmem_shared>> -> memref<64xf32, #tpu.memory_space<vmem_shared>>
        tpu.wait_indirect_dma semaphore(%run_scoped3A_775 : memref<!tpu.dma_semaphore, #tpu.memory_space<semaphore_mem>>) src(%dma_wait3A_784 : memref<128xf32, #tpu.memory_space<vmem>>) dst(%dma_wait3A_789 : memref<64xf32, #tpu.memory_space<vmem_shared>>)
        tpu.yield
      }) : () -> ()
      %run_scoped3A_729 = arith.constant 19 : i32
      %run_scoped3A_730 = arith.constant 19 : i32
      "tpu.region"() ({
        %run_scoped3A_775 = tpu.sem_alloc : memref<!tpu.dma_semaphore, #tpu.memory_space<semaphore_mem>>
        %dma_start3A = arith.constant 0 : i32
        %dma_start3A_776 = tpu.memref_slice %arg15[%run_scoped3A_729, %dma_start3A] : memref<31x128xf32, #tpu.memory_space<vmem>> -> memref<1x128xf32, #tpu.memory_space<vmem>>
        %dma_start3A_777 = tpu.memref_squeeze %dma_start3A_776 : memref<1x128xf32, #tpu.memory_space<vmem>> -> memref<128xf32, #tpu.memory_space<vmem>>
        %dma_start3A_778 = arith.constant 0 : i32
        %dma_start3A_779 = tpu.memref_slice %arg14[%run_scoped3A_730, %dma_start3A_778] : memref<31x128xi32, #tpu.memory_space<vmem>> -> memref<1x128xi32, #tpu.memory_space<vmem>>
        %dma_start3A_780 = tpu.memref_squeeze %dma_start3A_779 : memref<1x128xi32, #tpu.memory_space<vmem>> -> memref<128xi32, #tpu.memory_space<vmem>>
        %dma_start3A_781 = arith.constant 0 : i32
        %dma_start3A_782 = tpu.memref_slice %arg17[%dma_start3A_781] : memref<3968xf32, #tpu.memory_space<vmem_shared>> -> memref<3968xf32, #tpu.memory_space<vmem_shared>>
        tpu.enqueue_indirect_dma source(%dma_start3A_777 : memref<128xf32, #tpu.memory_space<vmem>>) target(%dma_start3A_782 : memref<3968xf32, #tpu.memory_space<vmem_shared>>) offsets(%dma_start3A_780 : memref<128xi32, #tpu.memory_space<vmem>>) semaphore(%run_scoped3A_775 : memref<!tpu.dma_semaphore, #tpu.memory_space<semaphore_mem>>) {add = true}
        %dma_wait3A = arith.constant 0 : i32
        %dma_wait3A_783 = tpu.memref_slice %arg15[%run_scoped3A_729, %dma_wait3A] : memref<31x128xf32, #tpu.memory_space<vmem>> -> memref<1x128xf32, #tpu.memory_space<vmem>>
        %dma_wait3A_784 = tpu.memref_squeeze %dma_wait3A_783 : memref<1x128xf32, #tpu.memory_space<vmem>> -> memref<128xf32, #tpu.memory_space<vmem>>
        %dma_wait3A_785 = arith.constant 0 : i32
        %dma_wait3A_786 = tpu.memref_slice %arg14[%run_scoped3A_730, %dma_wait3A_785] : memref<31x128xi32, #tpu.memory_space<vmem>> -> memref<1x128xi32, #tpu.memory_space<vmem>>
        %dma_wait3A_787 = tpu.memref_squeeze %dma_wait3A_786 : memref<1x128xi32, #tpu.memory_space<vmem>> -> memref<128xi32, #tpu.memory_space<vmem>>
        %dma_wait3A_788 = arith.constant 0 : i32
        %dma_wait3A_789 = tpu.memref_slice %arg17[%dma_wait3A_788] : memref<3968xf32, #tpu.memory_space<vmem_shared>> -> memref<3968xf32, #tpu.memory_space<vmem_shared>>
        tpu.wait_indirect_dma semaphore(%run_scoped3A_775 : memref<!tpu.dma_semaphore, #tpu.memory_space<semaphore_mem>>) src(%dma_wait3A_784 : memref<128xf32, #tpu.memory_space<vmem>>) dst(%dma_wait3A_789 : memref<3968xf32, #tpu.memory_space<vmem_shared>>)
        tpu.yield
      }) : () -> ()
      %run_scoped3A_731 = arith.constant 20 : i32
      %run_scoped3A_732 = arith.constant 20 : i32
      "tpu.region"() ({
        %run_scoped3A_775 = tpu.sem_alloc : memref<!tpu.dma_semaphore, #tpu.memory_space<semaphore_mem>>
        %dma_start3A = arith.constant 0 : i32
        %dma_start3A_776 = tpu.memref_slice %arg13[%run_scoped3A_731, %dma_start3A] : memref<31x128xf32, #tpu.memory_space<vmem>> -> memref<1x128xf32, #tpu.memory_space<vmem>>
        %dma_start3A_777 = tpu.memref_squeeze %dma_start3A_776 : memref<1x128xf32, #tpu.memory_space<vmem>> -> memref<128xf32, #tpu.memory_space<vmem>>
        %dma_start3A_778 = arith.constant 0 : i32
        %dma_start3A_779 = tpu.memref_slice %arg12[%run_scoped3A_732, %dma_start3A_778] : memref<31x128xi32, #tpu.memory_space<vmem>> -> memref<1x128xi32, #tpu.memory_space<vmem>>
        %dma_start3A_780 = tpu.memref_squeeze %dma_start3A_779 : memref<1x128xi32, #tpu.memory_space<vmem>> -> memref<128xi32, #tpu.memory_space<vmem>>
        %dma_start3A_781 = arith.constant 0 : i32
        %dma_start3A_782 = tpu.memref_slice %arg16[%dma_start3A_781] : memref<64xf32, #tpu.memory_space<vmem_shared>> -> memref<64xf32, #tpu.memory_space<vmem_shared>>
        tpu.enqueue_indirect_dma source(%dma_start3A_777 : memref<128xf32, #tpu.memory_space<vmem>>) target(%dma_start3A_782 : memref<64xf32, #tpu.memory_space<vmem_shared>>) offsets(%dma_start3A_780 : memref<128xi32, #tpu.memory_space<vmem>>) semaphore(%run_scoped3A_775 : memref<!tpu.dma_semaphore, #tpu.memory_space<semaphore_mem>>) {add = true}
        %dma_wait3A = arith.constant 0 : i32
        %dma_wait3A_783 = tpu.memref_slice %arg13[%run_scoped3A_731, %dma_wait3A] : memref<31x128xf32, #tpu.memory_space<vmem>> -> memref<1x128xf32, #tpu.memory_space<vmem>>
        %dma_wait3A_784 = tpu.memref_squeeze %dma_wait3A_783 : memref<1x128xf32, #tpu.memory_space<vmem>> -> memref<128xf32, #tpu.memory_space<vmem>>
        %dma_wait3A_785 = arith.constant 0 : i32
        %dma_wait3A_786 = tpu.memref_slice %arg12[%run_scoped3A_732, %dma_wait3A_785] : memref<31x128xi32, #tpu.memory_space<vmem>> -> memref<1x128xi32, #tpu.memory_space<vmem>>
        %dma_wait3A_787 = tpu.memref_squeeze %dma_wait3A_786 : memref<1x128xi32, #tpu.memory_space<vmem>> -> memref<128xi32, #tpu.memory_space<vmem>>
        %dma_wait3A_788 = arith.constant 0 : i32
        %dma_wait3A_789 = tpu.memref_slice %arg16[%dma_wait3A_788] : memref<64xf32, #tpu.memory_space<vmem_shared>> -> memref<64xf32, #tpu.memory_space<vmem_shared>>
        tpu.wait_indirect_dma semaphore(%run_scoped3A_775 : memref<!tpu.dma_semaphore, #tpu.memory_space<semaphore_mem>>) src(%dma_wait3A_784 : memref<128xf32, #tpu.memory_space<vmem>>) dst(%dma_wait3A_789 : memref<64xf32, #tpu.memory_space<vmem_shared>>)
        tpu.yield
      }) : () -> ()
      %run_scoped3A_733 = arith.constant 20 : i32
      %run_scoped3A_734 = arith.constant 20 : i32
      "tpu.region"() ({
        %run_scoped3A_775 = tpu.sem_alloc : memref<!tpu.dma_semaphore, #tpu.memory_space<semaphore_mem>>
        %dma_start3A = arith.constant 0 : i32
        %dma_start3A_776 = tpu.memref_slice %arg15[%run_scoped3A_733, %dma_start3A] : memref<31x128xf32, #tpu.memory_space<vmem>> -> memref<1x128xf32, #tpu.memory_space<vmem>>
        %dma_start3A_777 = tpu.memref_squeeze %dma_start3A_776 : memref<1x128xf32, #tpu.memory_space<vmem>> -> memref<128xf32, #tpu.memory_space<vmem>>
        %dma_start3A_778 = arith.constant 0 : i32
        %dma_start3A_779 = tpu.memref_slice %arg14[%run_scoped3A_734, %dma_start3A_778] : memref<31x128xi32, #tpu.memory_space<vmem>> -> memref<1x128xi32, #tpu.memory_space<vmem>>
        %dma_start3A_780 = tpu.memref_squeeze %dma_start3A_779 : memref<1x128xi32, #tpu.memory_space<vmem>> -> memref<128xi32, #tpu.memory_space<vmem>>
        %dma_start3A_781 = arith.constant 0 : i32
        %dma_start3A_782 = tpu.memref_slice %arg17[%dma_start3A_781] : memref<3968xf32, #tpu.memory_space<vmem_shared>> -> memref<3968xf32, #tpu.memory_space<vmem_shared>>
        tpu.enqueue_indirect_dma source(%dma_start3A_777 : memref<128xf32, #tpu.memory_space<vmem>>) target(%dma_start3A_782 : memref<3968xf32, #tpu.memory_space<vmem_shared>>) offsets(%dma_start3A_780 : memref<128xi32, #tpu.memory_space<vmem>>) semaphore(%run_scoped3A_775 : memref<!tpu.dma_semaphore, #tpu.memory_space<semaphore_mem>>) {add = true}
        %dma_wait3A = arith.constant 0 : i32
        %dma_wait3A_783 = tpu.memref_slice %arg15[%run_scoped3A_733, %dma_wait3A] : memref<31x128xf32, #tpu.memory_space<vmem>> -> memref<1x128xf32, #tpu.memory_space<vmem>>
        %dma_wait3A_784 = tpu.memref_squeeze %dma_wait3A_783 : memref<1x128xf32, #tpu.memory_space<vmem>> -> memref<128xf32, #tpu.memory_space<vmem>>
        %dma_wait3A_785 = arith.constant 0 : i32
        %dma_wait3A_786 = tpu.memref_slice %arg14[%run_scoped3A_734, %dma_wait3A_785] : memref<31x128xi32, #tpu.memory_space<vmem>> -> memref<1x128xi32, #tpu.memory_space<vmem>>
        %dma_wait3A_787 = tpu.memref_squeeze %dma_wait3A_786 : memref<1x128xi32, #tpu.memory_space<vmem>> -> memref<128xi32, #tpu.memory_space<vmem>>
        %dma_wait3A_788 = arith.constant 0 : i32
        %dma_wait3A_789 = tpu.memref_slice %arg17[%dma_wait3A_788] : memref<3968xf32, #tpu.memory_space<vmem_shared>> -> memref<3968xf32, #tpu.memory_space<vmem_shared>>
        tpu.wait_indirect_dma semaphore(%run_scoped3A_775 : memref<!tpu.dma_semaphore, #tpu.memory_space<semaphore_mem>>) src(%dma_wait3A_784 : memref<128xf32, #tpu.memory_space<vmem>>) dst(%dma_wait3A_789 : memref<3968xf32, #tpu.memory_space<vmem_shared>>)
        tpu.yield
      }) : () -> ()
      %run_scoped3A_735 = arith.constant 21 : i32
      %run_scoped3A_736 = arith.constant 21 : i32
      "tpu.region"() ({
        %run_scoped3A_775 = tpu.sem_alloc : memref<!tpu.dma_semaphore, #tpu.memory_space<semaphore_mem>>
        %dma_start3A = arith.constant 0 : i32
        %dma_start3A_776 = tpu.memref_slice %arg13[%run_scoped3A_735, %dma_start3A] : memref<31x128xf32, #tpu.memory_space<vmem>> -> memref<1x128xf32, #tpu.memory_space<vmem>>
        %dma_start3A_777 = tpu.memref_squeeze %dma_start3A_776 : memref<1x128xf32, #tpu.memory_space<vmem>> -> memref<128xf32, #tpu.memory_space<vmem>>
        %dma_start3A_778 = arith.constant 0 : i32
        %dma_start3A_779 = tpu.memref_slice %arg12[%run_scoped3A_736, %dma_start3A_778] : memref<31x128xi32, #tpu.memory_space<vmem>> -> memref<1x128xi32, #tpu.memory_space<vmem>>
        %dma_start3A_780 = tpu.memref_squeeze %dma_start3A_779 : memref<1x128xi32, #tpu.memory_space<vmem>> -> memref<128xi32, #tpu.memory_space<vmem>>
        %dma_start3A_781 = arith.constant 0 : i32
        %dma_start3A_782 = tpu.memref_slice %arg16[%dma_start3A_781] : memref<64xf32, #tpu.memory_space<vmem_shared>> -> memref<64xf32, #tpu.memory_space<vmem_shared>>
        tpu.enqueue_indirect_dma source(%dma_start3A_777 : memref<128xf32, #tpu.memory_space<vmem>>) target(%dma_start3A_782 : memref<64xf32, #tpu.memory_space<vmem_shared>>) offsets(%dma_start3A_780 : memref<128xi32, #tpu.memory_space<vmem>>) semaphore(%run_scoped3A_775 : memref<!tpu.dma_semaphore, #tpu.memory_space<semaphore_mem>>) {add = true}
        %dma_wait3A = arith.constant 0 : i32
        %dma_wait3A_783 = tpu.memref_slice %arg13[%run_scoped3A_735, %dma_wait3A] : memref<31x128xf32, #tpu.memory_space<vmem>> -> memref<1x128xf32, #tpu.memory_space<vmem>>
        %dma_wait3A_784 = tpu.memref_squeeze %dma_wait3A_783 : memref<1x128xf32, #tpu.memory_space<vmem>> -> memref<128xf32, #tpu.memory_space<vmem>>
        %dma_wait3A_785 = arith.constant 0 : i32
        %dma_wait3A_786 = tpu.memref_slice %arg12[%run_scoped3A_736, %dma_wait3A_785] : memref<31x128xi32, #tpu.memory_space<vmem>> -> memref<1x128xi32, #tpu.memory_space<vmem>>
        %dma_wait3A_787 = tpu.memref_squeeze %dma_wait3A_786 : memref<1x128xi32, #tpu.memory_space<vmem>> -> memref<128xi32, #tpu.memory_space<vmem>>
        %dma_wait3A_788 = arith.constant 0 : i32
        %dma_wait3A_789 = tpu.memref_slice %arg16[%dma_wait3A_788] : memref<64xf32, #tpu.memory_space<vmem_shared>> -> memref<64xf32, #tpu.memory_space<vmem_shared>>
        tpu.wait_indirect_dma semaphore(%run_scoped3A_775 : memref<!tpu.dma_semaphore, #tpu.memory_space<semaphore_mem>>) src(%dma_wait3A_784 : memref<128xf32, #tpu.memory_space<vmem>>) dst(%dma_wait3A_789 : memref<64xf32, #tpu.memory_space<vmem_shared>>)
        tpu.yield
      }) : () -> ()
      %run_scoped3A_737 = arith.constant 21 : i32
      %run_scoped3A_738 = arith.constant 21 : i32
      "tpu.region"() ({
        %run_scoped3A_775 = tpu.sem_alloc : memref<!tpu.dma_semaphore, #tpu.memory_space<semaphore_mem>>
        %dma_start3A = arith.constant 0 : i32
        %dma_start3A_776 = tpu.memref_slice %arg15[%run_scoped3A_737, %dma_start3A] : memref<31x128xf32, #tpu.memory_space<vmem>> -> memref<1x128xf32, #tpu.memory_space<vmem>>
        %dma_start3A_777 = tpu.memref_squeeze %dma_start3A_776 : memref<1x128xf32, #tpu.memory_space<vmem>> -> memref<128xf32, #tpu.memory_space<vmem>>
        %dma_start3A_778 = arith.constant 0 : i32
        %dma_start3A_779 = tpu.memref_slice %arg14[%run_scoped3A_738, %dma_start3A_778] : memref<31x128xi32, #tpu.memory_space<vmem>> -> memref<1x128xi32, #tpu.memory_space<vmem>>
        %dma_start3A_780 = tpu.memref_squeeze %dma_start3A_779 : memref<1x128xi32, #tpu.memory_space<vmem>> -> memref<128xi32, #tpu.memory_space<vmem>>
        %dma_start3A_781 = arith.constant 0 : i32
        %dma_start3A_782 = tpu.memref_slice %arg17[%dma_start3A_781] : memref<3968xf32, #tpu.memory_space<vmem_shared>> -> memref<3968xf32, #tpu.memory_space<vmem_shared>>
        tpu.enqueue_indirect_dma source(%dma_start3A_777 : memref<128xf32, #tpu.memory_space<vmem>>) target(%dma_start3A_782 : memref<3968xf32, #tpu.memory_space<vmem_shared>>) offsets(%dma_start3A_780 : memref<128xi32, #tpu.memory_space<vmem>>) semaphore(%run_scoped3A_775 : memref<!tpu.dma_semaphore, #tpu.memory_space<semaphore_mem>>) {add = true}
        %dma_wait3A = arith.constant 0 : i32
        %dma_wait3A_783 = tpu.memref_slice %arg15[%run_scoped3A_737, %dma_wait3A] : memref<31x128xf32, #tpu.memory_space<vmem>> -> memref<1x128xf32, #tpu.memory_space<vmem>>
        %dma_wait3A_784 = tpu.memref_squeeze %dma_wait3A_783 : memref<1x128xf32, #tpu.memory_space<vmem>> -> memref<128xf32, #tpu.memory_space<vmem>>
        %dma_wait3A_785 = arith.constant 0 : i32
        %dma_wait3A_786 = tpu.memref_slice %arg14[%run_scoped3A_738, %dma_wait3A_785] : memref<31x128xi32, #tpu.memory_space<vmem>> -> memref<1x128xi32, #tpu.memory_space<vmem>>
        %dma_wait3A_787 = tpu.memref_squeeze %dma_wait3A_786 : memref<1x128xi32, #tpu.memory_space<vmem>> -> memref<128xi32, #tpu.memory_space<vmem>>
        %dma_wait3A_788 = arith.constant 0 : i32
        %dma_wait3A_789 = tpu.memref_slice %arg17[%dma_wait3A_788] : memref<3968xf32, #tpu.memory_space<vmem_shared>> -> memref<3968xf32, #tpu.memory_space<vmem_shared>>
        tpu.wait_indirect_dma semaphore(%run_scoped3A_775 : memref<!tpu.dma_semaphore, #tpu.memory_space<semaphore_mem>>) src(%dma_wait3A_784 : memref<128xf32, #tpu.memory_space<vmem>>) dst(%dma_wait3A_789 : memref<3968xf32, #tpu.memory_space<vmem_shared>>)
        tpu.yield
      }) : () -> ()
      %run_scoped3A_739 = arith.constant 22 : i32
      %run_scoped3A_740 = arith.constant 22 : i32
      "tpu.region"() ({
        %run_scoped3A_775 = tpu.sem_alloc : memref<!tpu.dma_semaphore, #tpu.memory_space<semaphore_mem>>
        %dma_start3A = arith.constant 0 : i32
        %dma_start3A_776 = tpu.memref_slice %arg13[%run_scoped3A_739, %dma_start3A] : memref<31x128xf32, #tpu.memory_space<vmem>> -> memref<1x128xf32, #tpu.memory_space<vmem>>
        %dma_start3A_777 = tpu.memref_squeeze %dma_start3A_776 : memref<1x128xf32, #tpu.memory_space<vmem>> -> memref<128xf32, #tpu.memory_space<vmem>>
        %dma_start3A_778 = arith.constant 0 : i32
        %dma_start3A_779 = tpu.memref_slice %arg12[%run_scoped3A_740, %dma_start3A_778] : memref<31x128xi32, #tpu.memory_space<vmem>> -> memref<1x128xi32, #tpu.memory_space<vmem>>
        %dma_start3A_780 = tpu.memref_squeeze %dma_start3A_779 : memref<1x128xi32, #tpu.memory_space<vmem>> -> memref<128xi32, #tpu.memory_space<vmem>>
        %dma_start3A_781 = arith.constant 0 : i32
        %dma_start3A_782 = tpu.memref_slice %arg16[%dma_start3A_781] : memref<64xf32, #tpu.memory_space<vmem_shared>> -> memref<64xf32, #tpu.memory_space<vmem_shared>>
        tpu.enqueue_indirect_dma source(%dma_start3A_777 : memref<128xf32, #tpu.memory_space<vmem>>) target(%dma_start3A_782 : memref<64xf32, #tpu.memory_space<vmem_shared>>) offsets(%dma_start3A_780 : memref<128xi32, #tpu.memory_space<vmem>>) semaphore(%run_scoped3A_775 : memref<!tpu.dma_semaphore, #tpu.memory_space<semaphore_mem>>) {add = true}
        %dma_wait3A = arith.constant 0 : i32
        %dma_wait3A_783 = tpu.memref_slice %arg13[%run_scoped3A_739, %dma_wait3A] : memref<31x128xf32, #tpu.memory_space<vmem>> -> memref<1x128xf32, #tpu.memory_space<vmem>>
        %dma_wait3A_784 = tpu.memref_squeeze %dma_wait3A_783 : memref<1x128xf32, #tpu.memory_space<vmem>> -> memref<128xf32, #tpu.memory_space<vmem>>
        %dma_wait3A_785 = arith.constant 0 : i32
        %dma_wait3A_786 = tpu.memref_slice %arg12[%run_scoped3A_740, %dma_wait3A_785] : memref<31x128xi32, #tpu.memory_space<vmem>> -> memref<1x128xi32, #tpu.memory_space<vmem>>
        %dma_wait3A_787 = tpu.memref_squeeze %dma_wait3A_786 : memref<1x128xi32, #tpu.memory_space<vmem>> -> memref<128xi32, #tpu.memory_space<vmem>>
        %dma_wait3A_788 = arith.constant 0 : i32
        %dma_wait3A_789 = tpu.memref_slice %arg16[%dma_wait3A_788] : memref<64xf32, #tpu.memory_space<vmem_shared>> -> memref<64xf32, #tpu.memory_space<vmem_shared>>
        tpu.wait_indirect_dma semaphore(%run_scoped3A_775 : memref<!tpu.dma_semaphore, #tpu.memory_space<semaphore_mem>>) src(%dma_wait3A_784 : memref<128xf32, #tpu.memory_space<vmem>>) dst(%dma_wait3A_789 : memref<64xf32, #tpu.memory_space<vmem_shared>>)
        tpu.yield
      }) : () -> ()
      %run_scoped3A_741 = arith.constant 22 : i32
      %run_scoped3A_742 = arith.constant 22 : i32
      "tpu.region"() ({
        %run_scoped3A_775 = tpu.sem_alloc : memref<!tpu.dma_semaphore, #tpu.memory_space<semaphore_mem>>
        %dma_start3A = arith.constant 0 : i32
        %dma_start3A_776 = tpu.memref_slice %arg15[%run_scoped3A_741, %dma_start3A] : memref<31x128xf32, #tpu.memory_space<vmem>> -> memref<1x128xf32, #tpu.memory_space<vmem>>
        %dma_start3A_777 = tpu.memref_squeeze %dma_start3A_776 : memref<1x128xf32, #tpu.memory_space<vmem>> -> memref<128xf32, #tpu.memory_space<vmem>>
        %dma_start3A_778 = arith.constant 0 : i32
        %dma_start3A_779 = tpu.memref_slice %arg14[%run_scoped3A_742, %dma_start3A_778] : memref<31x128xi32, #tpu.memory_space<vmem>> -> memref<1x128xi32, #tpu.memory_space<vmem>>
        %dma_start3A_780 = tpu.memref_squeeze %dma_start3A_779 : memref<1x128xi32, #tpu.memory_space<vmem>> -> memref<128xi32, #tpu.memory_space<vmem>>
        %dma_start3A_781 = arith.constant 0 : i32
        %dma_start3A_782 = tpu.memref_slice %arg17[%dma_start3A_781] : memref<3968xf32, #tpu.memory_space<vmem_shared>> -> memref<3968xf32, #tpu.memory_space<vmem_shared>>
        tpu.enqueue_indirect_dma source(%dma_start3A_777 : memref<128xf32, #tpu.memory_space<vmem>>) target(%dma_start3A_782 : memref<3968xf32, #tpu.memory_space<vmem_shared>>) offsets(%dma_start3A_780 : memref<128xi32, #tpu.memory_space<vmem>>) semaphore(%run_scoped3A_775 : memref<!tpu.dma_semaphore, #tpu.memory_space<semaphore_mem>>) {add = true}
        %dma_wait3A = arith.constant 0 : i32
        %dma_wait3A_783 = tpu.memref_slice %arg15[%run_scoped3A_741, %dma_wait3A] : memref<31x128xf32, #tpu.memory_space<vmem>> -> memref<1x128xf32, #tpu.memory_space<vmem>>
        %dma_wait3A_784 = tpu.memref_squeeze %dma_wait3A_783 : memref<1x128xf32, #tpu.memory_space<vmem>> -> memref<128xf32, #tpu.memory_space<vmem>>
        %dma_wait3A_785 = arith.constant 0 : i32
        %dma_wait3A_786 = tpu.memref_slice %arg14[%run_scoped3A_742, %dma_wait3A_785] : memref<31x128xi32, #tpu.memory_space<vmem>> -> memref<1x128xi32, #tpu.memory_space<vmem>>
        %dma_wait3A_787 = tpu.memref_squeeze %dma_wait3A_786 : memref<1x128xi32, #tpu.memory_space<vmem>> -> memref<128xi32, #tpu.memory_space<vmem>>
        %dma_wait3A_788 = arith.constant 0 : i32
        %dma_wait3A_789 = tpu.memref_slice %arg17[%dma_wait3A_788] : memref<3968xf32, #tpu.memory_space<vmem_shared>> -> memref<3968xf32, #tpu.memory_space<vmem_shared>>
        tpu.wait_indirect_dma semaphore(%run_scoped3A_775 : memref<!tpu.dma_semaphore, #tpu.memory_space<semaphore_mem>>) src(%dma_wait3A_784 : memref<128xf32, #tpu.memory_space<vmem>>) dst(%dma_wait3A_789 : memref<3968xf32, #tpu.memory_space<vmem_shared>>)
        tpu.yield
      }) : () -> ()
      %run_scoped3A_743 = arith.constant 23 : i32
      %run_scoped3A_744 = arith.constant 23 : i32
      "tpu.region"() ({
        %run_scoped3A_775 = tpu.sem_alloc : memref<!tpu.dma_semaphore, #tpu.memory_space<semaphore_mem>>
        %dma_start3A = arith.constant 0 : i32
        %dma_start3A_776 = tpu.memref_slice %arg13[%run_scoped3A_743, %dma_start3A] : memref<31x128xf32, #tpu.memory_space<vmem>> -> memref<1x128xf32, #tpu.memory_space<vmem>>
        %dma_start3A_777 = tpu.memref_squeeze %dma_start3A_776 : memref<1x128xf32, #tpu.memory_space<vmem>> -> memref<128xf32, #tpu.memory_space<vmem>>
        %dma_start3A_778 = arith.constant 0 : i32
        %dma_start3A_779 = tpu.memref_slice %arg12[%run_scoped3A_744, %dma_start3A_778] : memref<31x128xi32, #tpu.memory_space<vmem>> -> memref<1x128xi32, #tpu.memory_space<vmem>>
        %dma_start3A_780 = tpu.memref_squeeze %dma_start3A_779 : memref<1x128xi32, #tpu.memory_space<vmem>> -> memref<128xi32, #tpu.memory_space<vmem>>
        %dma_start3A_781 = arith.constant 0 : i32
        %dma_start3A_782 = tpu.memref_slice %arg16[%dma_start3A_781] : memref<64xf32, #tpu.memory_space<vmem_shared>> -> memref<64xf32, #tpu.memory_space<vmem_shared>>
        tpu.enqueue_indirect_dma source(%dma_start3A_777 : memref<128xf32, #tpu.memory_space<vmem>>) target(%dma_start3A_782 : memref<64xf32, #tpu.memory_space<vmem_shared>>) offsets(%dma_start3A_780 : memref<128xi32, #tpu.memory_space<vmem>>) semaphore(%run_scoped3A_775 : memref<!tpu.dma_semaphore, #tpu.memory_space<semaphore_mem>>) {add = true}
        %dma_wait3A = arith.constant 0 : i32
        %dma_wait3A_783 = tpu.memref_slice %arg13[%run_scoped3A_743, %dma_wait3A] : memref<31x128xf32, #tpu.memory_space<vmem>> -> memref<1x128xf32, #tpu.memory_space<vmem>>
        %dma_wait3A_784 = tpu.memref_squeeze %dma_wait3A_783 : memref<1x128xf32, #tpu.memory_space<vmem>> -> memref<128xf32, #tpu.memory_space<vmem>>
        %dma_wait3A_785 = arith.constant 0 : i32
        %dma_wait3A_786 = tpu.memref_slice %arg12[%run_scoped3A_744, %dma_wait3A_785] : memref<31x128xi32, #tpu.memory_space<vmem>> -> memref<1x128xi32, #tpu.memory_space<vmem>>
        %dma_wait3A_787 = tpu.memref_squeeze %dma_wait3A_786 : memref<1x128xi32, #tpu.memory_space<vmem>> -> memref<128xi32, #tpu.memory_space<vmem>>
        %dma_wait3A_788 = arith.constant 0 : i32
        %dma_wait3A_789 = tpu.memref_slice %arg16[%dma_wait3A_788] : memref<64xf32, #tpu.memory_space<vmem_shared>> -> memref<64xf32, #tpu.memory_space<vmem_shared>>
        tpu.wait_indirect_dma semaphore(%run_scoped3A_775 : memref<!tpu.dma_semaphore, #tpu.memory_space<semaphore_mem>>) src(%dma_wait3A_784 : memref<128xf32, #tpu.memory_space<vmem>>) dst(%dma_wait3A_789 : memref<64xf32, #tpu.memory_space<vmem_shared>>)
        tpu.yield
      }) : () -> ()
      %run_scoped3A_745 = arith.constant 23 : i32
      %run_scoped3A_746 = arith.constant 23 : i32
      "tpu.region"() ({
        %run_scoped3A_775 = tpu.sem_alloc : memref<!tpu.dma_semaphore, #tpu.memory_space<semaphore_mem>>
        %dma_start3A = arith.constant 0 : i32
        %dma_start3A_776 = tpu.memref_slice %arg15[%run_scoped3A_745, %dma_start3A] : memref<31x128xf32, #tpu.memory_space<vmem>> -> memref<1x128xf32, #tpu.memory_space<vmem>>
        %dma_start3A_777 = tpu.memref_squeeze %dma_start3A_776 : memref<1x128xf32, #tpu.memory_space<vmem>> -> memref<128xf32, #tpu.memory_space<vmem>>
        %dma_start3A_778 = arith.constant 0 : i32
        %dma_start3A_779 = tpu.memref_slice %arg14[%run_scoped3A_746, %dma_start3A_778] : memref<31x128xi32, #tpu.memory_space<vmem>> -> memref<1x128xi32, #tpu.memory_space<vmem>>
        %dma_start3A_780 = tpu.memref_squeeze %dma_start3A_779 : memref<1x128xi32, #tpu.memory_space<vmem>> -> memref<128xi32, #tpu.memory_space<vmem>>
        %dma_start3A_781 = arith.constant 0 : i32
        %dma_start3A_782 = tpu.memref_slice %arg17[%dma_start3A_781] : memref<3968xf32, #tpu.memory_space<vmem_shared>> -> memref<3968xf32, #tpu.memory_space<vmem_shared>>
        tpu.enqueue_indirect_dma source(%dma_start3A_777 : memref<128xf32, #tpu.memory_space<vmem>>) target(%dma_start3A_782 : memref<3968xf32, #tpu.memory_space<vmem_shared>>) offsets(%dma_start3A_780 : memref<128xi32, #tpu.memory_space<vmem>>) semaphore(%run_scoped3A_775 : memref<!tpu.dma_semaphore, #tpu.memory_space<semaphore_mem>>) {add = true}
        %dma_wait3A = arith.constant 0 : i32
        %dma_wait3A_783 = tpu.memref_slice %arg15[%run_scoped3A_745, %dma_wait3A] : memref<31x128xf32, #tpu.memory_space<vmem>> -> memref<1x128xf32, #tpu.memory_space<vmem>>
        %dma_wait3A_784 = tpu.memref_squeeze %dma_wait3A_783 : memref<1x128xf32, #tpu.memory_space<vmem>> -> memref<128xf32, #tpu.memory_space<vmem>>
        %dma_wait3A_785 = arith.constant 0 : i32
        %dma_wait3A_786 = tpu.memref_slice %arg14[%run_scoped3A_746, %dma_wait3A_785] : memref<31x128xi32, #tpu.memory_space<vmem>> -> memref<1x128xi32, #tpu.memory_space<vmem>>
        %dma_wait3A_787 = tpu.memref_squeeze %dma_wait3A_786 : memref<1x128xi32, #tpu.memory_space<vmem>> -> memref<128xi32, #tpu.memory_space<vmem>>
        %dma_wait3A_788 = arith.constant 0 : i32
        %dma_wait3A_789 = tpu.memref_slice %arg17[%dma_wait3A_788] : memref<3968xf32, #tpu.memory_space<vmem_shared>> -> memref<3968xf32, #tpu.memory_space<vmem_shared>>
        tpu.wait_indirect_dma semaphore(%run_scoped3A_775 : memref<!tpu.dma_semaphore, #tpu.memory_space<semaphore_mem>>) src(%dma_wait3A_784 : memref<128xf32, #tpu.memory_space<vmem>>) dst(%dma_wait3A_789 : memref<3968xf32, #tpu.memory_space<vmem_shared>>)
        tpu.yield
      }) : () -> ()
      %run_scoped3A_747 = arith.constant 24 : i32
      %run_scoped3A_748 = arith.constant 24 : i32
      "tpu.region"() ({
        %run_scoped3A_775 = tpu.sem_alloc : memref<!tpu.dma_semaphore, #tpu.memory_space<semaphore_mem>>
        %dma_start3A = arith.constant 0 : i32
        %dma_start3A_776 = tpu.memref_slice %arg13[%run_scoped3A_747, %dma_start3A] : memref<31x128xf32, #tpu.memory_space<vmem>> -> memref<1x128xf32, #tpu.memory_space<vmem>>
        %dma_start3A_777 = tpu.memref_squeeze %dma_start3A_776 : memref<1x128xf32, #tpu.memory_space<vmem>> -> memref<128xf32, #tpu.memory_space<vmem>>
        %dma_start3A_778 = arith.constant 0 : i32
        %dma_start3A_779 = tpu.memref_slice %arg12[%run_scoped3A_748, %dma_start3A_778] : memref<31x128xi32, #tpu.memory_space<vmem>> -> memref<1x128xi32, #tpu.memory_space<vmem>>
        %dma_start3A_780 = tpu.memref_squeeze %dma_start3A_779 : memref<1x128xi32, #tpu.memory_space<vmem>> -> memref<128xi32, #tpu.memory_space<vmem>>
        %dma_start3A_781 = arith.constant 0 : i32
        %dma_start3A_782 = tpu.memref_slice %arg16[%dma_start3A_781] : memref<64xf32, #tpu.memory_space<vmem_shared>> -> memref<64xf32, #tpu.memory_space<vmem_shared>>
        tpu.enqueue_indirect_dma source(%dma_start3A_777 : memref<128xf32, #tpu.memory_space<vmem>>) target(%dma_start3A_782 : memref<64xf32, #tpu.memory_space<vmem_shared>>) offsets(%dma_start3A_780 : memref<128xi32, #tpu.memory_space<vmem>>) semaphore(%run_scoped3A_775 : memref<!tpu.dma_semaphore, #tpu.memory_space<semaphore_mem>>) {add = true}
        %dma_wait3A = arith.constant 0 : i32
        %dma_wait3A_783 = tpu.memref_slice %arg13[%run_scoped3A_747, %dma_wait3A] : memref<31x128xf32, #tpu.memory_space<vmem>> -> memref<1x128xf32, #tpu.memory_space<vmem>>
        %dma_wait3A_784 = tpu.memref_squeeze %dma_wait3A_783 : memref<1x128xf32, #tpu.memory_space<vmem>> -> memref<128xf32, #tpu.memory_space<vmem>>
        %dma_wait3A_785 = arith.constant 0 : i32
        %dma_wait3A_786 = tpu.memref_slice %arg12[%run_scoped3A_748, %dma_wait3A_785] : memref<31x128xi32, #tpu.memory_space<vmem>> -> memref<1x128xi32, #tpu.memory_space<vmem>>
        %dma_wait3A_787 = tpu.memref_squeeze %dma_wait3A_786 : memref<1x128xi32, #tpu.memory_space<vmem>> -> memref<128xi32, #tpu.memory_space<vmem>>
        %dma_wait3A_788 = arith.constant 0 : i32
        %dma_wait3A_789 = tpu.memref_slice %arg16[%dma_wait3A_788] : memref<64xf32, #tpu.memory_space<vmem_shared>> -> memref<64xf32, #tpu.memory_space<vmem_shared>>
        tpu.wait_indirect_dma semaphore(%run_scoped3A_775 : memref<!tpu.dma_semaphore, #tpu.memory_space<semaphore_mem>>) src(%dma_wait3A_784 : memref<128xf32, #tpu.memory_space<vmem>>) dst(%dma_wait3A_789 : memref<64xf32, #tpu.memory_space<vmem_shared>>)
        tpu.yield
      }) : () -> ()
      %run_scoped3A_749 = arith.constant 24 : i32
      %run_scoped3A_750 = arith.constant 24 : i32
      "tpu.region"() ({
        %run_scoped3A_775 = tpu.sem_alloc : memref<!tpu.dma_semaphore, #tpu.memory_space<semaphore_mem>>
        %dma_start3A = arith.constant 0 : i32
        %dma_start3A_776 = tpu.memref_slice %arg15[%run_scoped3A_749, %dma_start3A] : memref<31x128xf32, #tpu.memory_space<vmem>> -> memref<1x128xf32, #tpu.memory_space<vmem>>
        %dma_start3A_777 = tpu.memref_squeeze %dma_start3A_776 : memref<1x128xf32, #tpu.memory_space<vmem>> -> memref<128xf32, #tpu.memory_space<vmem>>
        %dma_start3A_778 = arith.constant 0 : i32
        %dma_start3A_779 = tpu.memref_slice %arg14[%run_scoped3A_750, %dma_start3A_778] : memref<31x128xi32, #tpu.memory_space<vmem>> -> memref<1x128xi32, #tpu.memory_space<vmem>>
        %dma_start3A_780 = tpu.memref_squeeze %dma_start3A_779 : memref<1x128xi32, #tpu.memory_space<vmem>> -> memref<128xi32, #tpu.memory_space<vmem>>
        %dma_start3A_781 = arith.constant 0 : i32
        %dma_start3A_782 = tpu.memref_slice %arg17[%dma_start3A_781] : memref<3968xf32, #tpu.memory_space<vmem_shared>> -> memref<3968xf32, #tpu.memory_space<vmem_shared>>
        tpu.enqueue_indirect_dma source(%dma_start3A_777 : memref<128xf32, #tpu.memory_space<vmem>>) target(%dma_start3A_782 : memref<3968xf32, #tpu.memory_space<vmem_shared>>) offsets(%dma_start3A_780 : memref<128xi32, #tpu.memory_space<vmem>>) semaphore(%run_scoped3A_775 : memref<!tpu.dma_semaphore, #tpu.memory_space<semaphore_mem>>) {add = true}
        %dma_wait3A = arith.constant 0 : i32
        %dma_wait3A_783 = tpu.memref_slice %arg15[%run_scoped3A_749, %dma_wait3A] : memref<31x128xf32, #tpu.memory_space<vmem>> -> memref<1x128xf32, #tpu.memory_space<vmem>>
        %dma_wait3A_784 = tpu.memref_squeeze %dma_wait3A_783 : memref<1x128xf32, #tpu.memory_space<vmem>> -> memref<128xf32, #tpu.memory_space<vmem>>
        %dma_wait3A_785 = arith.constant 0 : i32
        %dma_wait3A_786 = tpu.memref_slice %arg14[%run_scoped3A_750, %dma_wait3A_785] : memref<31x128xi32, #tpu.memory_space<vmem>> -> memref<1x128xi32, #tpu.memory_space<vmem>>
        %dma_wait3A_787 = tpu.memref_squeeze %dma_wait3A_786 : memref<1x128xi32, #tpu.memory_space<vmem>> -> memref<128xi32, #tpu.memory_space<vmem>>
        %dma_wait3A_788 = arith.constant 0 : i32
        %dma_wait3A_789 = tpu.memref_slice %arg17[%dma_wait3A_788] : memref<3968xf32, #tpu.memory_space<vmem_shared>> -> memref<3968xf32, #tpu.memory_space<vmem_shared>>
        tpu.wait_indirect_dma semaphore(%run_scoped3A_775 : memref<!tpu.dma_semaphore, #tpu.memory_space<semaphore_mem>>) src(%dma_wait3A_784 : memref<128xf32, #tpu.memory_space<vmem>>) dst(%dma_wait3A_789 : memref<3968xf32, #tpu.memory_space<vmem_shared>>)
        tpu.yield
      }) : () -> ()
      %run_scoped3A_751 = arith.constant 25 : i32
      %run_scoped3A_752 = arith.constant 25 : i32
      "tpu.region"() ({
        %run_scoped3A_775 = tpu.sem_alloc : memref<!tpu.dma_semaphore, #tpu.memory_space<semaphore_mem>>
        %dma_start3A = arith.constant 0 : i32
        %dma_start3A_776 = tpu.memref_slice %arg13[%run_scoped3A_751, %dma_start3A] : memref<31x128xf32, #tpu.memory_space<vmem>> -> memref<1x128xf32, #tpu.memory_space<vmem>>
        %dma_start3A_777 = tpu.memref_squeeze %dma_start3A_776 : memref<1x128xf32, #tpu.memory_space<vmem>> -> memref<128xf32, #tpu.memory_space<vmem>>
        %dma_start3A_778 = arith.constant 0 : i32
        %dma_start3A_779 = tpu.memref_slice %arg12[%run_scoped3A_752, %dma_start3A_778] : memref<31x128xi32, #tpu.memory_space<vmem>> -> memref<1x128xi32, #tpu.memory_space<vmem>>
        %dma_start3A_780 = tpu.memref_squeeze %dma_start3A_779 : memref<1x128xi32, #tpu.memory_space<vmem>> -> memref<128xi32, #tpu.memory_space<vmem>>
        %dma_start3A_781 = arith.constant 0 : i32
        %dma_start3A_782 = tpu.memref_slice %arg16[%dma_start3A_781] : memref<64xf32, #tpu.memory_space<vmem_shared>> -> memref<64xf32, #tpu.memory_space<vmem_shared>>
        tpu.enqueue_indirect_dma source(%dma_start3A_777 : memref<128xf32, #tpu.memory_space<vmem>>) target(%dma_start3A_782 : memref<64xf32, #tpu.memory_space<vmem_shared>>) offsets(%dma_start3A_780 : memref<128xi32, #tpu.memory_space<vmem>>) semaphore(%run_scoped3A_775 : memref<!tpu.dma_semaphore, #tpu.memory_space<semaphore_mem>>) {add = true}
        %dma_wait3A = arith.constant 0 : i32
        %dma_wait3A_783 = tpu.memref_slice %arg13[%run_scoped3A_751, %dma_wait3A] : memref<31x128xf32, #tpu.memory_space<vmem>> -> memref<1x128xf32, #tpu.memory_space<vmem>>
        %dma_wait3A_784 = tpu.memref_squeeze %dma_wait3A_783 : memref<1x128xf32, #tpu.memory_space<vmem>> -> memref<128xf32, #tpu.memory_space<vmem>>
        %dma_wait3A_785 = arith.constant 0 : i32
        %dma_wait3A_786 = tpu.memref_slice %arg12[%run_scoped3A_752, %dma_wait3A_785] : memref<31x128xi32, #tpu.memory_space<vmem>> -> memref<1x128xi32, #tpu.memory_space<vmem>>
        %dma_wait3A_787 = tpu.memref_squeeze %dma_wait3A_786 : memref<1x128xi32, #tpu.memory_space<vmem>> -> memref<128xi32, #tpu.memory_space<vmem>>
        %dma_wait3A_788 = arith.constant 0 : i32
        %dma_wait3A_789 = tpu.memref_slice %arg16[%dma_wait3A_788] : memref<64xf32, #tpu.memory_space<vmem_shared>> -> memref<64xf32, #tpu.memory_space<vmem_shared>>
        tpu.wait_indirect_dma semaphore(%run_scoped3A_775 : memref<!tpu.dma_semaphore, #tpu.memory_space<semaphore_mem>>) src(%dma_wait3A_784 : memref<128xf32, #tpu.memory_space<vmem>>) dst(%dma_wait3A_789 : memref<64xf32, #tpu.memory_space<vmem_shared>>)
        tpu.yield
      }) : () -> ()
      %run_scoped3A_753 = arith.constant 25 : i32
      %run_scoped3A_754 = arith.constant 25 : i32
      "tpu.region"() ({
        %run_scoped3A_775 = tpu.sem_alloc : memref<!tpu.dma_semaphore, #tpu.memory_space<semaphore_mem>>
        %dma_start3A = arith.constant 0 : i32
        %dma_start3A_776 = tpu.memref_slice %arg15[%run_scoped3A_753, %dma_start3A] : memref<31x128xf32, #tpu.memory_space<vmem>> -> memref<1x128xf32, #tpu.memory_space<vmem>>
        %dma_start3A_777 = tpu.memref_squeeze %dma_start3A_776 : memref<1x128xf32, #tpu.memory_space<vmem>> -> memref<128xf32, #tpu.memory_space<vmem>>
        %dma_start3A_778 = arith.constant 0 : i32
        %dma_start3A_779 = tpu.memref_slice %arg14[%run_scoped3A_754, %dma_start3A_778] : memref<31x128xi32, #tpu.memory_space<vmem>> -> memref<1x128xi32, #tpu.memory_space<vmem>>
        %dma_start3A_780 = tpu.memref_squeeze %dma_start3A_779 : memref<1x128xi32, #tpu.memory_space<vmem>> -> memref<128xi32, #tpu.memory_space<vmem>>
        %dma_start3A_781 = arith.constant 0 : i32
        %dma_start3A_782 = tpu.memref_slice %arg17[%dma_start3A_781] : memref<3968xf32, #tpu.memory_space<vmem_shared>> -> memref<3968xf32, #tpu.memory_space<vmem_shared>>
        tpu.enqueue_indirect_dma source(%dma_start3A_777 : memref<128xf32, #tpu.memory_space<vmem>>) target(%dma_start3A_782 : memref<3968xf32, #tpu.memory_space<vmem_shared>>) offsets(%dma_start3A_780 : memref<128xi32, #tpu.memory_space<vmem>>) semaphore(%run_scoped3A_775 : memref<!tpu.dma_semaphore, #tpu.memory_space<semaphore_mem>>) {add = true}
        %dma_wait3A = arith.constant 0 : i32
        %dma_wait3A_783 = tpu.memref_slice %arg15[%run_scoped3A_753, %dma_wait3A] : memref<31x128xf32, #tpu.memory_space<vmem>> -> memref<1x128xf32, #tpu.memory_space<vmem>>
        %dma_wait3A_784 = tpu.memref_squeeze %dma_wait3A_783 : memref<1x128xf32, #tpu.memory_space<vmem>> -> memref<128xf32, #tpu.memory_space<vmem>>
        %dma_wait3A_785 = arith.constant 0 : i32
        %dma_wait3A_786 = tpu.memref_slice %arg14[%run_scoped3A_754, %dma_wait3A_785] : memref<31x128xi32, #tpu.memory_space<vmem>> -> memref<1x128xi32, #tpu.memory_space<vmem>>
        %dma_wait3A_787 = tpu.memref_squeeze %dma_wait3A_786 : memref<1x128xi32, #tpu.memory_space<vmem>> -> memref<128xi32, #tpu.memory_space<vmem>>
        %dma_wait3A_788 = arith.constant 0 : i32
        %dma_wait3A_789 = tpu.memref_slice %arg17[%dma_wait3A_788] : memref<3968xf32, #tpu.memory_space<vmem_shared>> -> memref<3968xf32, #tpu.memory_space<vmem_shared>>
        tpu.wait_indirect_dma semaphore(%run_scoped3A_775 : memref<!tpu.dma_semaphore, #tpu.memory_space<semaphore_mem>>) src(%dma_wait3A_784 : memref<128xf32, #tpu.memory_space<vmem>>) dst(%dma_wait3A_789 : memref<3968xf32, #tpu.memory_space<vmem_shared>>)
        tpu.yield
      }) : () -> ()
      %run_scoped3A_755 = arith.constant 26 : i32
      %run_scoped3A_756 = arith.constant 26 : i32
      "tpu.region"() ({
        %run_scoped3A_775 = tpu.sem_alloc : memref<!tpu.dma_semaphore, #tpu.memory_space<semaphore_mem>>
        %dma_start3A = arith.constant 0 : i32
        %dma_start3A_776 = tpu.memref_slice %arg13[%run_scoped3A_755, %dma_start3A] : memref<31x128xf32, #tpu.memory_space<vmem>> -> memref<1x128xf32, #tpu.memory_space<vmem>>
        %dma_start3A_777 = tpu.memref_squeeze %dma_start3A_776 : memref<1x128xf32, #tpu.memory_space<vmem>> -> memref<128xf32, #tpu.memory_space<vmem>>
        %dma_start3A_778 = arith.constant 0 : i32
        %dma_start3A_779 = tpu.memref_slice %arg12[%run_scoped3A_756, %dma_start3A_778] : memref<31x128xi32, #tpu.memory_space<vmem>> -> memref<1x128xi32, #tpu.memory_space<vmem>>
        %dma_start3A_780 = tpu.memref_squeeze %dma_start3A_779 : memref<1x128xi32, #tpu.memory_space<vmem>> -> memref<128xi32, #tpu.memory_space<vmem>>
        %dma_start3A_781 = arith.constant 0 : i32
        %dma_start3A_782 = tpu.memref_slice %arg16[%dma_start3A_781] : memref<64xf32, #tpu.memory_space<vmem_shared>> -> memref<64xf32, #tpu.memory_space<vmem_shared>>
        tpu.enqueue_indirect_dma source(%dma_start3A_777 : memref<128xf32, #tpu.memory_space<vmem>>) target(%dma_start3A_782 : memref<64xf32, #tpu.memory_space<vmem_shared>>) offsets(%dma_start3A_780 : memref<128xi32, #tpu.memory_space<vmem>>) semaphore(%run_scoped3A_775 : memref<!tpu.dma_semaphore, #tpu.memory_space<semaphore_mem>>) {add = true}
        %dma_wait3A = arith.constant 0 : i32
        %dma_wait3A_783 = tpu.memref_slice %arg13[%run_scoped3A_755, %dma_wait3A] : memref<31x128xf32, #tpu.memory_space<vmem>> -> memref<1x128xf32, #tpu.memory_space<vmem>>
        %dma_wait3A_784 = tpu.memref_squeeze %dma_wait3A_783 : memref<1x128xf32, #tpu.memory_space<vmem>> -> memref<128xf32, #tpu.memory_space<vmem>>
        %dma_wait3A_785 = arith.constant 0 : i32
        %dma_wait3A_786 = tpu.memref_slice %arg12[%run_scoped3A_756, %dma_wait3A_785] : memref<31x128xi32, #tpu.memory_space<vmem>> -> memref<1x128xi32, #tpu.memory_space<vmem>>
        %dma_wait3A_787 = tpu.memref_squeeze %dma_wait3A_786 : memref<1x128xi32, #tpu.memory_space<vmem>> -> memref<128xi32, #tpu.memory_space<vmem>>
        %dma_wait3A_788 = arith.constant 0 : i32
        %dma_wait3A_789 = tpu.memref_slice %arg16[%dma_wait3A_788] : memref<64xf32, #tpu.memory_space<vmem_shared>> -> memref<64xf32, #tpu.memory_space<vmem_shared>>
        tpu.wait_indirect_dma semaphore(%run_scoped3A_775 : memref<!tpu.dma_semaphore, #tpu.memory_space<semaphore_mem>>) src(%dma_wait3A_784 : memref<128xf32, #tpu.memory_space<vmem>>) dst(%dma_wait3A_789 : memref<64xf32, #tpu.memory_space<vmem_shared>>)
        tpu.yield
      }) : () -> ()
      %run_scoped3A_757 = arith.constant 26 : i32
      %run_scoped3A_758 = arith.constant 26 : i32
      "tpu.region"() ({
        %run_scoped3A_775 = tpu.sem_alloc : memref<!tpu.dma_semaphore, #tpu.memory_space<semaphore_mem>>
        %dma_start3A = arith.constant 0 : i32
        %dma_start3A_776 = tpu.memref_slice %arg15[%run_scoped3A_757, %dma_start3A] : memref<31x128xf32, #tpu.memory_space<vmem>> -> memref<1x128xf32, #tpu.memory_space<vmem>>
        %dma_start3A_777 = tpu.memref_squeeze %dma_start3A_776 : memref<1x128xf32, #tpu.memory_space<vmem>> -> memref<128xf32, #tpu.memory_space<vmem>>
        %dma_start3A_778 = arith.constant 0 : i32
        %dma_start3A_779 = tpu.memref_slice %arg14[%run_scoped3A_758, %dma_start3A_778] : memref<31x128xi32, #tpu.memory_space<vmem>> -> memref<1x128xi32, #tpu.memory_space<vmem>>
        %dma_start3A_780 = tpu.memref_squeeze %dma_start3A_779 : memref<1x128xi32, #tpu.memory_space<vmem>> -> memref<128xi32, #tpu.memory_space<vmem>>
        %dma_start3A_781 = arith.constant 0 : i32
        %dma_start3A_782 = tpu.memref_slice %arg17[%dma_start3A_781] : memref<3968xf32, #tpu.memory_space<vmem_shared>> -> memref<3968xf32, #tpu.memory_space<vmem_shared>>
        tpu.enqueue_indirect_dma source(%dma_start3A_777 : memref<128xf32, #tpu.memory_space<vmem>>) target(%dma_start3A_782 : memref<3968xf32, #tpu.memory_space<vmem_shared>>) offsets(%dma_start3A_780 : memref<128xi32, #tpu.memory_space<vmem>>) semaphore(%run_scoped3A_775 : memref<!tpu.dma_semaphore, #tpu.memory_space<semaphore_mem>>) {add = true}
        %dma_wait3A = arith.constant 0 : i32
        %dma_wait3A_783 = tpu.memref_slice %arg15[%run_scoped3A_757, %dma_wait3A] : memref<31x128xf32, #tpu.memory_space<vmem>> -> memref<1x128xf32, #tpu.memory_space<vmem>>
        %dma_wait3A_784 = tpu.memref_squeeze %dma_wait3A_783 : memref<1x128xf32, #tpu.memory_space<vmem>> -> memref<128xf32, #tpu.memory_space<vmem>>
        %dma_wait3A_785 = arith.constant 0 : i32
        %dma_wait3A_786 = tpu.memref_slice %arg14[%run_scoped3A_758, %dma_wait3A_785] : memref<31x128xi32, #tpu.memory_space<vmem>> -> memref<1x128xi32, #tpu.memory_space<vmem>>
        %dma_wait3A_787 = tpu.memref_squeeze %dma_wait3A_786 : memref<1x128xi32, #tpu.memory_space<vmem>> -> memref<128xi32, #tpu.memory_space<vmem>>
        %dma_wait3A_788 = arith.constant 0 : i32
        %dma_wait3A_789 = tpu.memref_slice %arg17[%dma_wait3A_788] : memref<3968xf32, #tpu.memory_space<vmem_shared>> -> memref<3968xf32, #tpu.memory_space<vmem_shared>>
        tpu.wait_indirect_dma semaphore(%run_scoped3A_775 : memref<!tpu.dma_semaphore, #tpu.memory_space<semaphore_mem>>) src(%dma_wait3A_784 : memref<128xf32, #tpu.memory_space<vmem>>) dst(%dma_wait3A_789 : memref<3968xf32, #tpu.memory_space<vmem_shared>>)
        tpu.yield
      }) : () -> ()
      %run_scoped3A_759 = arith.constant 27 : i32
      %run_scoped3A_760 = arith.constant 27 : i32
      "tpu.region"() ({
        %run_scoped3A_775 = tpu.sem_alloc : memref<!tpu.dma_semaphore, #tpu.memory_space<semaphore_mem>>
        %dma_start3A = arith.constant 0 : i32
        %dma_start3A_776 = tpu.memref_slice %arg13[%run_scoped3A_759, %dma_start3A] : memref<31x128xf32, #tpu.memory_space<vmem>> -> memref<1x128xf32, #tpu.memory_space<vmem>>
        %dma_start3A_777 = tpu.memref_squeeze %dma_start3A_776 : memref<1x128xf32, #tpu.memory_space<vmem>> -> memref<128xf32, #tpu.memory_space<vmem>>
        %dma_start3A_778 = arith.constant 0 : i32
        %dma_start3A_779 = tpu.memref_slice %arg12[%run_scoped3A_760, %dma_start3A_778] : memref<31x128xi32, #tpu.memory_space<vmem>> -> memref<1x128xi32, #tpu.memory_space<vmem>>
        %dma_start3A_780 = tpu.memref_squeeze %dma_start3A_779 : memref<1x128xi32, #tpu.memory_space<vmem>> -> memref<128xi32, #tpu.memory_space<vmem>>
        %dma_start3A_781 = arith.constant 0 : i32
        %dma_start3A_782 = tpu.memref_slice %arg16[%dma_start3A_781] : memref<64xf32, #tpu.memory_space<vmem_shared>> -> memref<64xf32, #tpu.memory_space<vmem_shared>>
        tpu.enqueue_indirect_dma source(%dma_start3A_777 : memref<128xf32, #tpu.memory_space<vmem>>) target(%dma_start3A_782 : memref<64xf32, #tpu.memory_space<vmem_shared>>) offsets(%dma_start3A_780 : memref<128xi32, #tpu.memory_space<vmem>>) semaphore(%run_scoped3A_775 : memref<!tpu.dma_semaphore, #tpu.memory_space<semaphore_mem>>) {add = true}
        %dma_wait3A = arith.constant 0 : i32
        %dma_wait3A_783 = tpu.memref_slice %arg13[%run_scoped3A_759, %dma_wait3A] : memref<31x128xf32, #tpu.memory_space<vmem>> -> memref<1x128xf32, #tpu.memory_space<vmem>>
        %dma_wait3A_784 = tpu.memref_squeeze %dma_wait3A_783 : memref<1x128xf32, #tpu.memory_space<vmem>> -> memref<128xf32, #tpu.memory_space<vmem>>
        %dma_wait3A_785 = arith.constant 0 : i32
        %dma_wait3A_786 = tpu.memref_slice %arg12[%run_scoped3A_760, %dma_wait3A_785] : memref<31x128xi32, #tpu.memory_space<vmem>> -> memref<1x128xi32, #tpu.memory_space<vmem>>
        %dma_wait3A_787 = tpu.memref_squeeze %dma_wait3A_786 : memref<1x128xi32, #tpu.memory_space<vmem>> -> memref<128xi32, #tpu.memory_space<vmem>>
        %dma_wait3A_788 = arith.constant 0 : i32
        %dma_wait3A_789 = tpu.memref_slice %arg16[%dma_wait3A_788] : memref<64xf32, #tpu.memory_space<vmem_shared>> -> memref<64xf32, #tpu.memory_space<vmem_shared>>
        tpu.wait_indirect_dma semaphore(%run_scoped3A_775 : memref<!tpu.dma_semaphore, #tpu.memory_space<semaphore_mem>>) src(%dma_wait3A_784 : memref<128xf32, #tpu.memory_space<vmem>>) dst(%dma_wait3A_789 : memref<64xf32, #tpu.memory_space<vmem_shared>>)
        tpu.yield
      }) : () -> ()
      %run_scoped3A_761 = arith.constant 27 : i32
      %run_scoped3A_762 = arith.constant 27 : i32
      "tpu.region"() ({
        %run_scoped3A_775 = tpu.sem_alloc : memref<!tpu.dma_semaphore, #tpu.memory_space<semaphore_mem>>
        %dma_start3A = arith.constant 0 : i32
        %dma_start3A_776 = tpu.memref_slice %arg15[%run_scoped3A_761, %dma_start3A] : memref<31x128xf32, #tpu.memory_space<vmem>> -> memref<1x128xf32, #tpu.memory_space<vmem>>
        %dma_start3A_777 = tpu.memref_squeeze %dma_start3A_776 : memref<1x128xf32, #tpu.memory_space<vmem>> -> memref<128xf32, #tpu.memory_space<vmem>>
        %dma_start3A_778 = arith.constant 0 : i32
        %dma_start3A_779 = tpu.memref_slice %arg14[%run_scoped3A_762, %dma_start3A_778] : memref<31x128xi32, #tpu.memory_space<vmem>> -> memref<1x128xi32, #tpu.memory_space<vmem>>
        %dma_start3A_780 = tpu.memref_squeeze %dma_start3A_779 : memref<1x128xi32, #tpu.memory_space<vmem>> -> memref<128xi32, #tpu.memory_space<vmem>>
        %dma_start3A_781 = arith.constant 0 : i32
        %dma_start3A_782 = tpu.memref_slice %arg17[%dma_start3A_781] : memref<3968xf32, #tpu.memory_space<vmem_shared>> -> memref<3968xf32, #tpu.memory_space<vmem_shared>>
        tpu.enqueue_indirect_dma source(%dma_start3A_777 : memref<128xf32, #tpu.memory_space<vmem>>) target(%dma_start3A_782 : memref<3968xf32, #tpu.memory_space<vmem_shared>>) offsets(%dma_start3A_780 : memref<128xi32, #tpu.memory_space<vmem>>) semaphore(%run_scoped3A_775 : memref<!tpu.dma_semaphore, #tpu.memory_space<semaphore_mem>>) {add = true}
        %dma_wait3A = arith.constant 0 : i32
        %dma_wait3A_783 = tpu.memref_slice %arg15[%run_scoped3A_761, %dma_wait3A] : memref<31x128xf32, #tpu.memory_space<vmem>> -> memref<1x128xf32, #tpu.memory_space<vmem>>
        %dma_wait3A_784 = tpu.memref_squeeze %dma_wait3A_783 : memref<1x128xf32, #tpu.memory_space<vmem>> -> memref<128xf32, #tpu.memory_space<vmem>>
        %dma_wait3A_785 = arith.constant 0 : i32
        %dma_wait3A_786 = tpu.memref_slice %arg14[%run_scoped3A_762, %dma_wait3A_785] : memref<31x128xi32, #tpu.memory_space<vmem>> -> memref<1x128xi32, #tpu.memory_space<vmem>>
        %dma_wait3A_787 = tpu.memref_squeeze %dma_wait3A_786 : memref<1x128xi32, #tpu.memory_space<vmem>> -> memref<128xi32, #tpu.memory_space<vmem>>
        %dma_wait3A_788 = arith.constant 0 : i32
        %dma_wait3A_789 = tpu.memref_slice %arg17[%dma_wait3A_788] : memref<3968xf32, #tpu.memory_space<vmem_shared>> -> memref<3968xf32, #tpu.memory_space<vmem_shared>>
        tpu.wait_indirect_dma semaphore(%run_scoped3A_775 : memref<!tpu.dma_semaphore, #tpu.memory_space<semaphore_mem>>) src(%dma_wait3A_784 : memref<128xf32, #tpu.memory_space<vmem>>) dst(%dma_wait3A_789 : memref<3968xf32, #tpu.memory_space<vmem_shared>>)
        tpu.yield
      }) : () -> ()
      %run_scoped3A_763 = arith.constant 28 : i32
      %run_scoped3A_764 = arith.constant 28 : i32
      "tpu.region"() ({
        %run_scoped3A_775 = tpu.sem_alloc : memref<!tpu.dma_semaphore, #tpu.memory_space<semaphore_mem>>
        %dma_start3A = arith.constant 0 : i32
        %dma_start3A_776 = tpu.memref_slice %arg13[%run_scoped3A_763, %dma_start3A] : memref<31x128xf32, #tpu.memory_space<vmem>> -> memref<1x128xf32, #tpu.memory_space<vmem>>
        %dma_start3A_777 = tpu.memref_squeeze %dma_start3A_776 : memref<1x128xf32, #tpu.memory_space<vmem>> -> memref<128xf32, #tpu.memory_space<vmem>>
        %dma_start3A_778 = arith.constant 0 : i32
        %dma_start3A_779 = tpu.memref_slice %arg12[%run_scoped3A_764, %dma_start3A_778] : memref<31x128xi32, #tpu.memory_space<vmem>> -> memref<1x128xi32, #tpu.memory_space<vmem>>
        %dma_start3A_780 = tpu.memref_squeeze %dma_start3A_779 : memref<1x128xi32, #tpu.memory_space<vmem>> -> memref<128xi32, #tpu.memory_space<vmem>>
        %dma_start3A_781 = arith.constant 0 : i32
        %dma_start3A_782 = tpu.memref_slice %arg16[%dma_start3A_781] : memref<64xf32, #tpu.memory_space<vmem_shared>> -> memref<64xf32, #tpu.memory_space<vmem_shared>>
        tpu.enqueue_indirect_dma source(%dma_start3A_777 : memref<128xf32, #tpu.memory_space<vmem>>) target(%dma_start3A_782 : memref<64xf32, #tpu.memory_space<vmem_shared>>) offsets(%dma_start3A_780 : memref<128xi32, #tpu.memory_space<vmem>>) semaphore(%run_scoped3A_775 : memref<!tpu.dma_semaphore, #tpu.memory_space<semaphore_mem>>) {add = true}
        %dma_wait3A = arith.constant 0 : i32
        %dma_wait3A_783 = tpu.memref_slice %arg13[%run_scoped3A_763, %dma_wait3A] : memref<31x128xf32, #tpu.memory_space<vmem>> -> memref<1x128xf32, #tpu.memory_space<vmem>>
        %dma_wait3A_784 = tpu.memref_squeeze %dma_wait3A_783 : memref<1x128xf32, #tpu.memory_space<vmem>> -> memref<128xf32, #tpu.memory_space<vmem>>
        %dma_wait3A_785 = arith.constant 0 : i32
        %dma_wait3A_786 = tpu.memref_slice %arg12[%run_scoped3A_764, %dma_wait3A_785] : memref<31x128xi32, #tpu.memory_space<vmem>> -> memref<1x128xi32, #tpu.memory_space<vmem>>
        %dma_wait3A_787 = tpu.memref_squeeze %dma_wait3A_786 : memref<1x128xi32, #tpu.memory_space<vmem>> -> memref<128xi32, #tpu.memory_space<vmem>>
        %dma_wait3A_788 = arith.constant 0 : i32
        %dma_wait3A_789 = tpu.memref_slice %arg16[%dma_wait3A_788] : memref<64xf32, #tpu.memory_space<vmem_shared>> -> memref<64xf32, #tpu.memory_space<vmem_shared>>
        tpu.wait_indirect_dma semaphore(%run_scoped3A_775 : memref<!tpu.dma_semaphore, #tpu.memory_space<semaphore_mem>>) src(%dma_wait3A_784 : memref<128xf32, #tpu.memory_space<vmem>>) dst(%dma_wait3A_789 : memref<64xf32, #tpu.memory_space<vmem_shared>>)
        tpu.yield
      }) : () -> ()
      %run_scoped3A_765 = arith.constant 28 : i32
      %run_scoped3A_766 = arith.constant 28 : i32
      "tpu.region"() ({
        %run_scoped3A_775 = tpu.sem_alloc : memref<!tpu.dma_semaphore, #tpu.memory_space<semaphore_mem>>
        %dma_start3A = arith.constant 0 : i32
        %dma_start3A_776 = tpu.memref_slice %arg15[%run_scoped3A_765, %dma_start3A] : memref<31x128xf32, #tpu.memory_space<vmem>> -> memref<1x128xf32, #tpu.memory_space<vmem>>
        %dma_start3A_777 = tpu.memref_squeeze %dma_start3A_776 : memref<1x128xf32, #tpu.memory_space<vmem>> -> memref<128xf32, #tpu.memory_space<vmem>>
        %dma_start3A_778 = arith.constant 0 : i32
        %dma_start3A_779 = tpu.memref_slice %arg14[%run_scoped3A_766, %dma_start3A_778] : memref<31x128xi32, #tpu.memory_space<vmem>> -> memref<1x128xi32, #tpu.memory_space<vmem>>
        %dma_start3A_780 = tpu.memref_squeeze %dma_start3A_779 : memref<1x128xi32, #tpu.memory_space<vmem>> -> memref<128xi32, #tpu.memory_space<vmem>>
        %dma_start3A_781 = arith.constant 0 : i32
        %dma_start3A_782 = tpu.memref_slice %arg17[%dma_start3A_781] : memref<3968xf32, #tpu.memory_space<vmem_shared>> -> memref<3968xf32, #tpu.memory_space<vmem_shared>>
        tpu.enqueue_indirect_dma source(%dma_start3A_777 : memref<128xf32, #tpu.memory_space<vmem>>) target(%dma_start3A_782 : memref<3968xf32, #tpu.memory_space<vmem_shared>>) offsets(%dma_start3A_780 : memref<128xi32, #tpu.memory_space<vmem>>) semaphore(%run_scoped3A_775 : memref<!tpu.dma_semaphore, #tpu.memory_space<semaphore_mem>>) {add = true}
        %dma_wait3A = arith.constant 0 : i32
        %dma_wait3A_783 = tpu.memref_slice %arg15[%run_scoped3A_765, %dma_wait3A] : memref<31x128xf32, #tpu.memory_space<vmem>> -> memref<1x128xf32, #tpu.memory_space<vmem>>
        %dma_wait3A_784 = tpu.memref_squeeze %dma_wait3A_783 : memref<1x128xf32, #tpu.memory_space<vmem>> -> memref<128xf32, #tpu.memory_space<vmem>>
        %dma_wait3A_785 = arith.constant 0 : i32
        %dma_wait3A_786 = tpu.memref_slice %arg14[%run_scoped3A_766, %dma_wait3A_785] : memref<31x128xi32, #tpu.memory_space<vmem>> -> memref<1x128xi32, #tpu.memory_space<vmem>>
        %dma_wait3A_787 = tpu.memref_squeeze %dma_wait3A_786 : memref<1x128xi32, #tpu.memory_space<vmem>> -> memref<128xi32, #tpu.memory_space<vmem>>
        %dma_wait3A_788 = arith.constant 0 : i32
        %dma_wait3A_789 = tpu.memref_slice %arg17[%dma_wait3A_788] : memref<3968xf32, #tpu.memory_space<vmem_shared>> -> memref<3968xf32, #tpu.memory_space<vmem_shared>>
        tpu.wait_indirect_dma semaphore(%run_scoped3A_775 : memref<!tpu.dma_semaphore, #tpu.memory_space<semaphore_mem>>) src(%dma_wait3A_784 : memref<128xf32, #tpu.memory_space<vmem>>) dst(%dma_wait3A_789 : memref<3968xf32, #tpu.memory_space<vmem_shared>>)
        tpu.yield
      }) : () -> ()
      %run_scoped3A_767 = arith.constant 29 : i32
      %run_scoped3A_768 = arith.constant 29 : i32
      "tpu.region"() ({
        %run_scoped3A_775 = tpu.sem_alloc : memref<!tpu.dma_semaphore, #tpu.memory_space<semaphore_mem>>
        %dma_start3A = arith.constant 0 : i32
        %dma_start3A_776 = tpu.memref_slice %arg13[%run_scoped3A_767, %dma_start3A] : memref<31x128xf32, #tpu.memory_space<vmem>> -> memref<1x128xf32, #tpu.memory_space<vmem>>
        %dma_start3A_777 = tpu.memref_squeeze %dma_start3A_776 : memref<1x128xf32, #tpu.memory_space<vmem>> -> memref<128xf32, #tpu.memory_space<vmem>>
        %dma_start3A_778 = arith.constant 0 : i32
        %dma_start3A_779 = tpu.memref_slice %arg12[%run_scoped3A_768, %dma_start3A_778] : memref<31x128xi32, #tpu.memory_space<vmem>> -> memref<1x128xi32, #tpu.memory_space<vmem>>
        %dma_start3A_780 = tpu.memref_squeeze %dma_start3A_779 : memref<1x128xi32, #tpu.memory_space<vmem>> -> memref<128xi32, #tpu.memory_space<vmem>>
        %dma_start3A_781 = arith.constant 0 : i32
        %dma_start3A_782 = tpu.memref_slice %arg16[%dma_start3A_781] : memref<64xf32, #tpu.memory_space<vmem_shared>> -> memref<64xf32, #tpu.memory_space<vmem_shared>>
        tpu.enqueue_indirect_dma source(%dma_start3A_777 : memref<128xf32, #tpu.memory_space<vmem>>) target(%dma_start3A_782 : memref<64xf32, #tpu.memory_space<vmem_shared>>) offsets(%dma_start3A_780 : memref<128xi32, #tpu.memory_space<vmem>>) semaphore(%run_scoped3A_775 : memref<!tpu.dma_semaphore, #tpu.memory_space<semaphore_mem>>) {add = true}
        %dma_wait3A = arith.constant 0 : i32
        %dma_wait3A_783 = tpu.memref_slice %arg13[%run_scoped3A_767, %dma_wait3A] : memref<31x128xf32, #tpu.memory_space<vmem>> -> memref<1x128xf32, #tpu.memory_space<vmem>>
        %dma_wait3A_784 = tpu.memref_squeeze %dma_wait3A_783 : memref<1x128xf32, #tpu.memory_space<vmem>> -> memref<128xf32, #tpu.memory_space<vmem>>
        %dma_wait3A_785 = arith.constant 0 : i32
        %dma_wait3A_786 = tpu.memref_slice %arg12[%run_scoped3A_768, %dma_wait3A_785] : memref<31x128xi32, #tpu.memory_space<vmem>> -> memref<1x128xi32, #tpu.memory_space<vmem>>
        %dma_wait3A_787 = tpu.memref_squeeze %dma_wait3A_786 : memref<1x128xi32, #tpu.memory_space<vmem>> -> memref<128xi32, #tpu.memory_space<vmem>>
        %dma_wait3A_788 = arith.constant 0 : i32
        %dma_wait3A_789 = tpu.memref_slice %arg16[%dma_wait3A_788] : memref<64xf32, #tpu.memory_space<vmem_shared>> -> memref<64xf32, #tpu.memory_space<vmem_shared>>
        tpu.wait_indirect_dma semaphore(%run_scoped3A_775 : memref<!tpu.dma_semaphore, #tpu.memory_space<semaphore_mem>>) src(%dma_wait3A_784 : memref<128xf32, #tpu.memory_space<vmem>>) dst(%dma_wait3A_789 : memref<64xf32, #tpu.memory_space<vmem_shared>>)
        tpu.yield
      }) : () -> ()
      %run_scoped3A_769 = arith.constant 29 : i32
      %run_scoped3A_770 = arith.constant 29 : i32
      "tpu.region"() ({
        %run_scoped3A_775 = tpu.sem_alloc : memref<!tpu.dma_semaphore, #tpu.memory_space<semaphore_mem>>
        %dma_start3A = arith.constant 0 : i32
        %dma_start3A_776 = tpu.memref_slice %arg15[%run_scoped3A_769, %dma_start3A] : memref<31x128xf32, #tpu.memory_space<vmem>> -> memref<1x128xf32, #tpu.memory_space<vmem>>
        %dma_start3A_777 = tpu.memref_squeeze %dma_start3A_776 : memref<1x128xf32, #tpu.memory_space<vmem>> -> memref<128xf32, #tpu.memory_space<vmem>>
        %dma_start3A_778 = arith.constant 0 : i32
        %dma_start3A_779 = tpu.memref_slice %arg14[%run_scoped3A_770, %dma_start3A_778] : memref<31x128xi32, #tpu.memory_space<vmem>> -> memref<1x128xi32, #tpu.memory_space<vmem>>
        %dma_start3A_780 = tpu.memref_squeeze %dma_start3A_779 : memref<1x128xi32, #tpu.memory_space<vmem>> -> memref<128xi32, #tpu.memory_space<vmem>>
        %dma_start3A_781 = arith.constant 0 : i32
        %dma_start3A_782 = tpu.memref_slice %arg17[%dma_start3A_781] : memref<3968xf32, #tpu.memory_space<vmem_shared>> -> memref<3968xf32, #tpu.memory_space<vmem_shared>>
        tpu.enqueue_indirect_dma source(%dma_start3A_777 : memref<128xf32, #tpu.memory_space<vmem>>) target(%dma_start3A_782 : memref<3968xf32, #tpu.memory_space<vmem_shared>>) offsets(%dma_start3A_780 : memref<128xi32, #tpu.memory_space<vmem>>) semaphore(%run_scoped3A_775 : memref<!tpu.dma_semaphore, #tpu.memory_space<semaphore_mem>>) {add = true}
        %dma_wait3A = arith.constant 0 : i32
        %dma_wait3A_783 = tpu.memref_slice %arg15[%run_scoped3A_769, %dma_wait3A] : memref<31x128xf32, #tpu.memory_space<vmem>> -> memref<1x128xf32, #tpu.memory_space<vmem>>
        %dma_wait3A_784 = tpu.memref_squeeze %dma_wait3A_783 : memref<1x128xf32, #tpu.memory_space<vmem>> -> memref<128xf32, #tpu.memory_space<vmem>>
        %dma_wait3A_785 = arith.constant 0 : i32
        %dma_wait3A_786 = tpu.memref_slice %arg14[%run_scoped3A_770, %dma_wait3A_785] : memref<31x128xi32, #tpu.memory_space<vmem>> -> memref<1x128xi32, #tpu.memory_space<vmem>>
        %dma_wait3A_787 = tpu.memref_squeeze %dma_wait3A_786 : memref<1x128xi32, #tpu.memory_space<vmem>> -> memref<128xi32, #tpu.memory_space<vmem>>
        %dma_wait3A_788 = arith.constant 0 : i32
        %dma_wait3A_789 = tpu.memref_slice %arg17[%dma_wait3A_788] : memref<3968xf32, #tpu.memory_space<vmem_shared>> -> memref<3968xf32, #tpu.memory_space<vmem_shared>>
        tpu.wait_indirect_dma semaphore(%run_scoped3A_775 : memref<!tpu.dma_semaphore, #tpu.memory_space<semaphore_mem>>) src(%dma_wait3A_784 : memref<128xf32, #tpu.memory_space<vmem>>) dst(%dma_wait3A_789 : memref<3968xf32, #tpu.memory_space<vmem_shared>>)
        tpu.yield
      }) : () -> ()
      %run_scoped3A_771 = arith.constant 30 : i32
      %run_scoped3A_772 = arith.constant 30 : i32
      "tpu.region"() ({
        %run_scoped3A_775 = tpu.sem_alloc : memref<!tpu.dma_semaphore, #tpu.memory_space<semaphore_mem>>
        %dma_start3A = arith.constant 0 : i32
        %dma_start3A_776 = tpu.memref_slice %arg13[%run_scoped3A_771, %dma_start3A] : memref<31x128xf32, #tpu.memory_space<vmem>> -> memref<1x128xf32, #tpu.memory_space<vmem>>
        %dma_start3A_777 = tpu.memref_squeeze %dma_start3A_776 : memref<1x128xf32, #tpu.memory_space<vmem>> -> memref<128xf32, #tpu.memory_space<vmem>>
        %dma_start3A_778 = arith.constant 0 : i32
        %dma_start3A_779 = tpu.memref_slice %arg12[%run_scoped3A_772, %dma_start3A_778] : memref<31x128xi32, #tpu.memory_space<vmem>> -> memref<1x128xi32, #tpu.memory_space<vmem>>
        %dma_start3A_780 = tpu.memref_squeeze %dma_start3A_779 : memref<1x128xi32, #tpu.memory_space<vmem>> -> memref<128xi32, #tpu.memory_space<vmem>>
        %dma_start3A_781 = arith.constant 0 : i32
        %dma_start3A_782 = tpu.memref_slice %arg16[%dma_start3A_781] : memref<64xf32, #tpu.memory_space<vmem_shared>> -> memref<64xf32, #tpu.memory_space<vmem_shared>>
        tpu.enqueue_indirect_dma source(%dma_start3A_777 : memref<128xf32, #tpu.memory_space<vmem>>) target(%dma_start3A_782 : memref<64xf32, #tpu.memory_space<vmem_shared>>) offsets(%dma_start3A_780 : memref<128xi32, #tpu.memory_space<vmem>>) semaphore(%run_scoped3A_775 : memref<!tpu.dma_semaphore, #tpu.memory_space<semaphore_mem>>) {add = true}
        %dma_wait3A = arith.constant 0 : i32
        %dma_wait3A_783 = tpu.memref_slice %arg13[%run_scoped3A_771, %dma_wait3A] : memref<31x128xf32, #tpu.memory_space<vmem>> -> memref<1x128xf32, #tpu.memory_space<vmem>>
        %dma_wait3A_784 = tpu.memref_squeeze %dma_wait3A_783 : memref<1x128xf32, #tpu.memory_space<vmem>> -> memref<128xf32, #tpu.memory_space<vmem>>
        %dma_wait3A_785 = arith.constant 0 : i32
        %dma_wait3A_786 = tpu.memref_slice %arg12[%run_scoped3A_772, %dma_wait3A_785] : memref<31x128xi32, #tpu.memory_space<vmem>> -> memref<1x128xi32, #tpu.memory_space<vmem>>
        %dma_wait3A_787 = tpu.memref_squeeze %dma_wait3A_786 : memref<1x128xi32, #tpu.memory_space<vmem>> -> memref<128xi32, #tpu.memory_space<vmem>>
        %dma_wait3A_788 = arith.constant 0 : i32
        %dma_wait3A_789 = tpu.memref_slice %arg16[%dma_wait3A_788] : memref<64xf32, #tpu.memory_space<vmem_shared>> -> memref<64xf32, #tpu.memory_space<vmem_shared>>
        tpu.wait_indirect_dma semaphore(%run_scoped3A_775 : memref<!tpu.dma_semaphore, #tpu.memory_space<semaphore_mem>>) src(%dma_wait3A_784 : memref<128xf32, #tpu.memory_space<vmem>>) dst(%dma_wait3A_789 : memref<64xf32, #tpu.memory_space<vmem_shared>>)
        tpu.yield
      }) : () -> ()
      %run_scoped3A_773 = arith.constant 30 : i32
      %run_scoped3A_774 = arith.constant 30 : i32
      "tpu.region"() ({
        %run_scoped3A_775 = tpu.sem_alloc : memref<!tpu.dma_semaphore, #tpu.memory_space<semaphore_mem>>
        %dma_start3A = arith.constant 0 : i32
        %dma_start3A_776 = tpu.memref_slice %arg15[%run_scoped3A_773, %dma_start3A] : memref<31x128xf32, #tpu.memory_space<vmem>> -> memref<1x128xf32, #tpu.memory_space<vmem>>
        %dma_start3A_777 = tpu.memref_squeeze %dma_start3A_776 : memref<1x128xf32, #tpu.memory_space<vmem>> -> memref<128xf32, #tpu.memory_space<vmem>>
        %dma_start3A_778 = arith.constant 0 : i32
        %dma_start3A_779 = tpu.memref_slice %arg14[%run_scoped3A_774, %dma_start3A_778] : memref<31x128xi32, #tpu.memory_space<vmem>> -> memref<1x128xi32, #tpu.memory_space<vmem>>
        %dma_start3A_780 = tpu.memref_squeeze %dma_start3A_779 : memref<1x128xi32, #tpu.memory_space<vmem>> -> memref<128xi32, #tpu.memory_space<vmem>>
        %dma_start3A_781 = arith.constant 0 : i32
        %dma_start3A_782 = tpu.memref_slice %arg17[%dma_start3A_781] : memref<3968xf32, #tpu.memory_space<vmem_shared>> -> memref<3968xf32, #tpu.memory_space<vmem_shared>>
        tpu.enqueue_indirect_dma source(%dma_start3A_777 : memref<128xf32, #tpu.memory_space<vmem>>) target(%dma_start3A_782 : memref<3968xf32, #tpu.memory_space<vmem_shared>>) offsets(%dma_start3A_780 : memref<128xi32, #tpu.memory_space<vmem>>) semaphore(%run_scoped3A_775 : memref<!tpu.dma_semaphore, #tpu.memory_space<semaphore_mem>>) {add = true}
        %dma_wait3A = arith.constant 0 : i32
        %dma_wait3A_783 = tpu.memref_slice %arg15[%run_scoped3A_773, %dma_wait3A] : memref<31x128xf32, #tpu.memory_space<vmem>> -> memref<1x128xf32, #tpu.memory_space<vmem>>
        %dma_wait3A_784 = tpu.memref_squeeze %dma_wait3A_783 : memref<1x128xf32, #tpu.memory_space<vmem>> -> memref<128xf32, #tpu.memory_space<vmem>>
        %dma_wait3A_785 = arith.constant 0 : i32
        %dma_wait3A_786 = tpu.memref_slice %arg14[%run_scoped3A_774, %dma_wait3A_785] : memref<31x128xi32, #tpu.memory_space<vmem>> -> memref<1x128xi32, #tpu.memory_space<vmem>>
        %dma_wait3A_787 = tpu.memref_squeeze %dma_wait3A_786 : memref<1x128xi32, #tpu.memory_space<vmem>> -> memref<128xi32, #tpu.memory_space<vmem>>
        %dma_wait3A_788 = arith.constant 0 : i32
        %dma_wait3A_789 = tpu.memref_slice %arg17[%dma_wait3A_788] : memref<3968xf32, #tpu.memory_space<vmem_shared>> -> memref<3968xf32, #tpu.memory_space<vmem_shared>>
        tpu.wait_indirect_dma semaphore(%run_scoped3A_775 : memref<!tpu.dma_semaphore, #tpu.memory_space<semaphore_mem>>) src(%dma_wait3A_784 : memref<128xf32, #tpu.memory_space<vmem>>) dst(%dma_wait3A_789 : memref<3968xf32, #tpu.memory_space<vmem_shared>>)
        tpu.yield
      }) : () -> ()
      "tpu.region"() ({
        %run_scoped3A_775 = tpu.sem_alloc : memref<!tpu.dma_semaphore, #tpu.memory_space<semaphore_mem>>
        tpu.enqueue_dma source(%arg17 : memref<3968xf32, #tpu.memory_space<vmem_shared>>) target(%arg5 : memref<3968xf32, #tpu.memory_space<hbm>>) target_semaphore(%run_scoped3A_775 : memref<!tpu.dma_semaphore, #tpu.memory_space<semaphore_mem>>)
        tpu.wait_dma2 semaphore(%run_scoped3A_775 : memref<!tpu.dma_semaphore, #tpu.memory_space<semaphore_mem>>) src(%arg17 : memref<3968xf32, #tpu.memory_space<vmem_shared>>) dst(%arg5 : memref<3968xf32, #tpu.memory_space<hbm>>)
        tpu.yield
      }) : () -> ()
      "tpu.region"() ({
        %run_scoped3A_775 = tpu.sem_alloc : memref<!tpu.dma_semaphore, #tpu.memory_space<semaphore_mem>>
        tpu.enqueue_dma source(%arg16 : memref<64xf32, #tpu.memory_space<vmem_shared>>) target(%arg10 : memref<64xf32, #tpu.memory_space<vmem>>) target_semaphore(%run_scoped3A_775 : memref<!tpu.dma_semaphore, #tpu.memory_space<semaphore_mem>>)
        tpu.wait_dma2 semaphore(%run_scoped3A_775 : memref<!tpu.dma_semaphore, #tpu.memory_space<semaphore_mem>>) src(%arg16 : memref<64xf32, #tpu.memory_space<vmem_shared>>) dst(%arg10 : memref<64xf32, #tpu.memory_space<vmem>>)
        tpu.yield
      }) : () -> ()
      "tpu.region"() ({
        %run_scoped3A_775 = tpu.sem_alloc : memref<!tpu.dma_semaphore, #tpu.memory_space<semaphore_mem>>
        tpu.enqueue_dma source(%arg10 : memref<64xf32, #tpu.memory_space<vmem>>) target(%arg6 : memref<64xf32, #tpu.memory_space<hbm>>) target_semaphore(%run_scoped3A_775 : memref<!tpu.dma_semaphore, #tpu.memory_space<semaphore_mem>>)
        tpu.wait_dma2 semaphore(%run_scoped3A_775 : memref<!tpu.dma_semaphore, #tpu.memory_space<semaphore_mem>>) src(%arg10 : memref<64xf32, #tpu.memory_space<vmem>>) dst(%arg6 : memref<64xf32, #tpu.memory_space<hbm>>)
        tpu.yield
      }) : () -> ()
    } else {
    }
    return
  }
}

module attributes {stable_mosaic.version = 14 : i64} {
  func.func @_tc_kernel(%arg0: i32, %arg1: memref<2x3844xi32, #tpu.memory_space<vmem>>, %arg2: memref<1x1953xf32, #tpu.memory_space<vmem>>, %arg3: memref<62x62xf32, #tpu.memory_space<vmem>>, %arg4: memref<64x1xf32, #tpu.memory_space<vmem>>, %arg5: memref<1x64xf32, #tpu.memory_space<vmem>>, %arg6: memref<5x64xf32, #tpu.memory_space<vmem>>, %arg7: memref<1x64xf32, #tpu.memory_space<vmem>>, %arg8: memref<64x3xf32, #tpu.memory_space<vmem>>, %arg9: memref<1x3xf32, #tpu.memory_space<vmem>>, %arg10: memref<1024x310xf32, #tpu.memory_space<vmem>>, %arg11: memref<1024x3xf32, #tpu.memory_space<vmem>>, %arg12: memref<310x3968xf32, #tpu.memory_space<vmem>>) attributes {dimension_semantics = [#tpu.dimension_semantics<arbitrary>], iteration_bounds = array<i64: 1>, scalar_prefetch = 0 : i64, scratch_operands = 1 : i64, tpu.core_type = #tpu.core_type<tc>, window_params = [{pipeline_mode = #tpu.pipeline_mode<synchronous>, transform_indices = @transform_0, window_bounds = array<i64: 2, 3844>}, {pipeline_mode = #tpu.pipeline_mode<synchronous>, transform_indices = @transform_1, window_bounds = array<i64: 1, 1953>}, {pipeline_mode = #tpu.pipeline_mode<synchronous>, transform_indices = @transform_2, window_bounds = array<i64: 62, 62>}, {pipeline_mode = #tpu.pipeline_mode<synchronous>, transform_indices = @transform_3, window_bounds = array<i64: 64, 1>}, {pipeline_mode = #tpu.pipeline_mode<synchronous>, transform_indices = @transform_4, window_bounds = array<i64: 1, 64>}, {pipeline_mode = #tpu.pipeline_mode<synchronous>, transform_indices = @transform_5, window_bounds = array<i64: 5, 64>}, {pipeline_mode = #tpu.pipeline_mode<synchronous>, transform_indices = @transform_6, window_bounds = array<i64: 1, 64>}, {pipeline_mode = #tpu.pipeline_mode<synchronous>, transform_indices = @transform_7, window_bounds = array<i64: 64, 3>}, {pipeline_mode = #tpu.pipeline_mode<synchronous>, transform_indices = @transform_8, window_bounds = array<i64: 1, 3>}, {transform_indices = @transform_9, window_bounds = array<i64: 1024, 310>}, {transform_indices = @transform_10, window_bounds = array<i64: 1024, 3>}]} {
    %eq3A = arith.constant 0 : i32
    %eq3A_0 = arith.cmpi eq, %arg0, %eq3A : i32
    %convert_element_type3A = arith.extui %eq3A_0 : i1 to i32
    %cond3A = arith.constant 0 : i32
    %cond3A_1 = arith.cmpi ne, %convert_element_type3A, %cond3A : i32
    scf.if %cond3A_1 {
      %get3A_50 = arith.constant 0 : index
      %get3A_51 = arith.constant 0 : index
      %get3A_52 = vector.load %arg1[%get3A_50, %get3A_51] : memref<2x3844xi32, #tpu.memory_space<vmem>>, vector<1x3844xi32>
      %get3A_53 = arith.constant 1 : index
      %get3A_54 = arith.constant 0 : index
      %get3A_55 = vector.load %arg1[%get3A_53, %get3A_54] : memref<2x3844xi32, #tpu.memory_space<vmem>>, vector<1x3844xi32>
      %broadcast_in_dim3A = arith.constant 0.000000e+00 : f32
      %broadcast_in_dim3A_56 = vector.broadcast %broadcast_in_dim3A : f32 to vector<1x62xf32>
      %get3A_57 = arith.constant 0 : index
      %get3A_58 = arith.constant 0 : index
      %get3A_59 = vector.load %arg2[%get3A_57, %get3A_58] : memref<1x1953xf32, #tpu.memory_space<vmem>>, vector<1x1xf32>
      %slice3A = vector.extract_strided_slice %broadcast_in_dim3A_56 {offsets = [0, 0], sizes = [1, 61], strides = [1, 1]} : vector<1x62xf32> to vector<1x61xf32>
      %concatenate3A = tpu.concatenate %get3A_59, %slice3A in 1 : vector<1x1xf32>, vector<1x61xf32> -> vector<1x62xf32>
      %get3A_60 = arith.constant 0 : index
      %get3A_61 = arith.constant 1 : index
      %get3A_62 = vector.load %arg2[%get3A_60, %get3A_61] : memref<1x1953xf32, #tpu.memory_space<vmem>>, vector<1x2xf32>
      %slice3A_63 = vector.extract_strided_slice %broadcast_in_dim3A_56 {offsets = [0, 0], sizes = [1, 60], strides = [1, 1]} : vector<1x62xf32> to vector<1x60xf32>
      %concatenate3A_64 = tpu.concatenate %get3A_62, %slice3A_63 in 1 : vector<1x2xf32>, vector<1x60xf32> -> vector<1x62xf32>
      %get3A_65 = arith.constant 0 : index
      %get3A_66 = arith.constant 3 : index
      %get3A_67 = vector.load %arg2[%get3A_65, %get3A_66] : memref<1x1953xf32, #tpu.memory_space<vmem>>, vector<1x3xf32>
      %slice3A_68 = vector.extract_strided_slice %broadcast_in_dim3A_56 {offsets = [0, 0], sizes = [1, 59], strides = [1, 1]} : vector<1x62xf32> to vector<1x59xf32>
      %concatenate3A_69 = tpu.concatenate %get3A_67, %slice3A_68 in 1 : vector<1x3xf32>, vector<1x59xf32> -> vector<1x62xf32>
      %get3A_70 = arith.constant 0 : index
      %get3A_71 = arith.constant 6 : index
      %get3A_72 = vector.load %arg2[%get3A_70, %get3A_71] : memref<1x1953xf32, #tpu.memory_space<vmem>>, vector<1x4xf32>
      %slice3A_73 = vector.extract_strided_slice %broadcast_in_dim3A_56 {offsets = [0, 0], sizes = [1, 58], strides = [1, 1]} : vector<1x62xf32> to vector<1x58xf32>
      %concatenate3A_74 = tpu.concatenate %get3A_72, %slice3A_73 in 1 : vector<1x4xf32>, vector<1x58xf32> -> vector<1x62xf32>
      %get3A_75 = arith.constant 0 : index
      %get3A_76 = arith.constant 10 : index
      %get3A_77 = vector.load %arg2[%get3A_75, %get3A_76] : memref<1x1953xf32, #tpu.memory_space<vmem>>, vector<1x5xf32>
      %slice3A_78 = vector.extract_strided_slice %broadcast_in_dim3A_56 {offsets = [0, 0], sizes = [1, 57], strides = [1, 1]} : vector<1x62xf32> to vector<1x57xf32>
      %concatenate3A_79 = tpu.concatenate %get3A_77, %slice3A_78 in 1 : vector<1x5xf32>, vector<1x57xf32> -> vector<1x62xf32>
      %get3A_80 = arith.constant 0 : index
      %get3A_81 = arith.constant 15 : index
      %get3A_82 = vector.load %arg2[%get3A_80, %get3A_81] : memref<1x1953xf32, #tpu.memory_space<vmem>>, vector<1x6xf32>
      %slice3A_83 = vector.extract_strided_slice %broadcast_in_dim3A_56 {offsets = [0, 0], sizes = [1, 56], strides = [1, 1]} : vector<1x62xf32> to vector<1x56xf32>
      %concatenate3A_84 = tpu.concatenate %get3A_82, %slice3A_83 in 1 : vector<1x6xf32>, vector<1x56xf32> -> vector<1x62xf32>
      %get3A_85 = arith.constant 0 : index
      %get3A_86 = arith.constant 21 : index
      %get3A_87 = vector.load %arg2[%get3A_85, %get3A_86] : memref<1x1953xf32, #tpu.memory_space<vmem>>, vector<1x7xf32>
      %slice3A_88 = vector.extract_strided_slice %broadcast_in_dim3A_56 {offsets = [0, 0], sizes = [1, 55], strides = [1, 1]} : vector<1x62xf32> to vector<1x55xf32>
      %concatenate3A_89 = tpu.concatenate %get3A_87, %slice3A_88 in 1 : vector<1x7xf32>, vector<1x55xf32> -> vector<1x62xf32>
      %get3A_90 = arith.constant 0 : index
      %get3A_91 = arith.constant 28 : index
      %get3A_92 = vector.load %arg2[%get3A_90, %get3A_91] : memref<1x1953xf32, #tpu.memory_space<vmem>>, vector<1x8xf32>
      %slice3A_93 = vector.extract_strided_slice %broadcast_in_dim3A_56 {offsets = [0, 0], sizes = [1, 54], strides = [1, 1]} : vector<1x62xf32> to vector<1x54xf32>
      %concatenate3A_94 = tpu.concatenate %get3A_92, %slice3A_93 in 1 : vector<1x8xf32>, vector<1x54xf32> -> vector<1x62xf32>
      %get3A_95 = arith.constant 0 : index
      %get3A_96 = arith.constant 36 : index
      %get3A_97 = vector.load %arg2[%get3A_95, %get3A_96] : memref<1x1953xf32, #tpu.memory_space<vmem>>, vector<1x9xf32>
      %slice3A_98 = vector.extract_strided_slice %broadcast_in_dim3A_56 {offsets = [0, 0], sizes = [1, 53], strides = [1, 1]} : vector<1x62xf32> to vector<1x53xf32>
      %concatenate3A_99 = tpu.concatenate %get3A_97, %slice3A_98 in 1 : vector<1x9xf32>, vector<1x53xf32> -> vector<1x62xf32>
      %get3A_100 = arith.constant 0 : index
      %get3A_101 = arith.constant 45 : index
      %get3A_102 = vector.load %arg2[%get3A_100, %get3A_101] : memref<1x1953xf32, #tpu.memory_space<vmem>>, vector<1x10xf32>
      %slice3A_103 = vector.extract_strided_slice %broadcast_in_dim3A_56 {offsets = [0, 0], sizes = [1, 52], strides = [1, 1]} : vector<1x62xf32> to vector<1x52xf32>
      %concatenate3A_104 = tpu.concatenate %get3A_102, %slice3A_103 in 1 : vector<1x10xf32>, vector<1x52xf32> -> vector<1x62xf32>
      %get3A_105 = arith.constant 0 : index
      %get3A_106 = arith.constant 55 : index
      %get3A_107 = vector.load %arg2[%get3A_105, %get3A_106] : memref<1x1953xf32, #tpu.memory_space<vmem>>, vector<1x11xf32>
      %slice3A_108 = vector.extract_strided_slice %broadcast_in_dim3A_56 {offsets = [0, 0], sizes = [1, 51], strides = [1, 1]} : vector<1x62xf32> to vector<1x51xf32>
      %concatenate3A_109 = tpu.concatenate %get3A_107, %slice3A_108 in 1 : vector<1x11xf32>, vector<1x51xf32> -> vector<1x62xf32>
      %get3A_110 = arith.constant 0 : index
      %get3A_111 = arith.constant 66 : index
      %get3A_112 = vector.load %arg2[%get3A_110, %get3A_111] : memref<1x1953xf32, #tpu.memory_space<vmem>>, vector<1x12xf32>
      %slice3A_113 = vector.extract_strided_slice %broadcast_in_dim3A_56 {offsets = [0, 0], sizes = [1, 50], strides = [1, 1]} : vector<1x62xf32> to vector<1x50xf32>
      %concatenate3A_114 = tpu.concatenate %get3A_112, %slice3A_113 in 1 : vector<1x12xf32>, vector<1x50xf32> -> vector<1x62xf32>
      %get3A_115 = arith.constant 0 : index
      %get3A_116 = arith.constant 78 : index
      %get3A_117 = vector.load %arg2[%get3A_115, %get3A_116] : memref<1x1953xf32, #tpu.memory_space<vmem>>, vector<1x13xf32>
      %slice3A_118 = vector.extract_strided_slice %broadcast_in_dim3A_56 {offsets = [0, 0], sizes = [1, 49], strides = [1, 1]} : vector<1x62xf32> to vector<1x49xf32>
      %concatenate3A_119 = tpu.concatenate %get3A_117, %slice3A_118 in 1 : vector<1x13xf32>, vector<1x49xf32> -> vector<1x62xf32>
      %get3A_120 = arith.constant 0 : index
      %get3A_121 = arith.constant 91 : index
      %get3A_122 = vector.load %arg2[%get3A_120, %get3A_121] : memref<1x1953xf32, #tpu.memory_space<vmem>>, vector<1x14xf32>
      %slice3A_123 = vector.extract_strided_slice %broadcast_in_dim3A_56 {offsets = [0, 0], sizes = [1, 48], strides = [1, 1]} : vector<1x62xf32> to vector<1x48xf32>
      %concatenate3A_124 = tpu.concatenate %get3A_122, %slice3A_123 in 1 : vector<1x14xf32>, vector<1x48xf32> -> vector<1x62xf32>
      %get3A_125 = arith.constant 0 : index
      %get3A_126 = arith.constant 105 : index
      %get3A_127 = vector.load %arg2[%get3A_125, %get3A_126] : memref<1x1953xf32, #tpu.memory_space<vmem>>, vector<1x15xf32>
      %slice3A_128 = vector.extract_strided_slice %broadcast_in_dim3A_56 {offsets = [0, 0], sizes = [1, 47], strides = [1, 1]} : vector<1x62xf32> to vector<1x47xf32>
      %concatenate3A_129 = tpu.concatenate %get3A_127, %slice3A_128 in 1 : vector<1x15xf32>, vector<1x47xf32> -> vector<1x62xf32>
      %get3A_130 = arith.constant 0 : index
      %get3A_131 = arith.constant 120 : index
      %get3A_132 = vector.load %arg2[%get3A_130, %get3A_131] : memref<1x1953xf32, #tpu.memory_space<vmem>>, vector<1x16xf32>
      %slice3A_133 = vector.extract_strided_slice %broadcast_in_dim3A_56 {offsets = [0, 0], sizes = [1, 46], strides = [1, 1]} : vector<1x62xf32> to vector<1x46xf32>
      %concatenate3A_134 = tpu.concatenate %get3A_132, %slice3A_133 in 1 : vector<1x16xf32>, vector<1x46xf32> -> vector<1x62xf32>
      %get3A_135 = arith.constant 0 : index
      %get3A_136 = arith.constant 136 : index
      %get3A_137 = vector.load %arg2[%get3A_135, %get3A_136] : memref<1x1953xf32, #tpu.memory_space<vmem>>, vector<1x17xf32>
      %slice3A_138 = vector.extract_strided_slice %broadcast_in_dim3A_56 {offsets = [0, 0], sizes = [1, 45], strides = [1, 1]} : vector<1x62xf32> to vector<1x45xf32>
      %concatenate3A_139 = tpu.concatenate %get3A_137, %slice3A_138 in 1 : vector<1x17xf32>, vector<1x45xf32> -> vector<1x62xf32>
      %get3A_140 = arith.constant 0 : index
      %get3A_141 = arith.constant 153 : index
      %get3A_142 = vector.load %arg2[%get3A_140, %get3A_141] : memref<1x1953xf32, #tpu.memory_space<vmem>>, vector<1x18xf32>
      %slice3A_143 = vector.extract_strided_slice %broadcast_in_dim3A_56 {offsets = [0, 0], sizes = [1, 44], strides = [1, 1]} : vector<1x62xf32> to vector<1x44xf32>
      %concatenate3A_144 = tpu.concatenate %get3A_142, %slice3A_143 in 1 : vector<1x18xf32>, vector<1x44xf32> -> vector<1x62xf32>
      %get3A_145 = arith.constant 0 : index
      %get3A_146 = arith.constant 171 : index
      %get3A_147 = vector.load %arg2[%get3A_145, %get3A_146] : memref<1x1953xf32, #tpu.memory_space<vmem>>, vector<1x19xf32>
      %slice3A_148 = vector.extract_strided_slice %broadcast_in_dim3A_56 {offsets = [0, 0], sizes = [1, 43], strides = [1, 1]} : vector<1x62xf32> to vector<1x43xf32>
      %concatenate3A_149 = tpu.concatenate %get3A_147, %slice3A_148 in 1 : vector<1x19xf32>, vector<1x43xf32> -> vector<1x62xf32>
      %get3A_150 = arith.constant 0 : index
      %get3A_151 = arith.constant 190 : index
      %get3A_152 = vector.load %arg2[%get3A_150, %get3A_151] : memref<1x1953xf32, #tpu.memory_space<vmem>>, vector<1x20xf32>
      %slice3A_153 = vector.extract_strided_slice %broadcast_in_dim3A_56 {offsets = [0, 0], sizes = [1, 42], strides = [1, 1]} : vector<1x62xf32> to vector<1x42xf32>
      %concatenate3A_154 = tpu.concatenate %get3A_152, %slice3A_153 in 1 : vector<1x20xf32>, vector<1x42xf32> -> vector<1x62xf32>
      %get3A_155 = arith.constant 0 : index
      %get3A_156 = arith.constant 210 : index
      %get3A_157 = vector.load %arg2[%get3A_155, %get3A_156] : memref<1x1953xf32, #tpu.memory_space<vmem>>, vector<1x21xf32>
      %slice3A_158 = vector.extract_strided_slice %broadcast_in_dim3A_56 {offsets = [0, 0], sizes = [1, 41], strides = [1, 1]} : vector<1x62xf32> to vector<1x41xf32>
      %concatenate3A_159 = tpu.concatenate %get3A_157, %slice3A_158 in 1 : vector<1x21xf32>, vector<1x41xf32> -> vector<1x62xf32>
      %get3A_160 = arith.constant 0 : index
      %get3A_161 = arith.constant 231 : index
      %get3A_162 = vector.load %arg2[%get3A_160, %get3A_161] : memref<1x1953xf32, #tpu.memory_space<vmem>>, vector<1x22xf32>
      %slice3A_163 = vector.extract_strided_slice %broadcast_in_dim3A_56 {offsets = [0, 0], sizes = [1, 40], strides = [1, 1]} : vector<1x62xf32> to vector<1x40xf32>
      %concatenate3A_164 = tpu.concatenate %get3A_162, %slice3A_163 in 1 : vector<1x22xf32>, vector<1x40xf32> -> vector<1x62xf32>
      %get3A_165 = arith.constant 0 : index
      %get3A_166 = arith.constant 253 : index
      %get3A_167 = vector.load %arg2[%get3A_165, %get3A_166] : memref<1x1953xf32, #tpu.memory_space<vmem>>, vector<1x23xf32>
      %slice3A_168 = vector.extract_strided_slice %broadcast_in_dim3A_56 {offsets = [0, 0], sizes = [1, 39], strides = [1, 1]} : vector<1x62xf32> to vector<1x39xf32>
      %concatenate3A_169 = tpu.concatenate %get3A_167, %slice3A_168 in 1 : vector<1x23xf32>, vector<1x39xf32> -> vector<1x62xf32>
      %get3A_170 = arith.constant 0 : index
      %get3A_171 = arith.constant 276 : index
      %get3A_172 = vector.load %arg2[%get3A_170, %get3A_171] : memref<1x1953xf32, #tpu.memory_space<vmem>>, vector<1x24xf32>
      %slice3A_173 = vector.extract_strided_slice %broadcast_in_dim3A_56 {offsets = [0, 0], sizes = [1, 38], strides = [1, 1]} : vector<1x62xf32> to vector<1x38xf32>
      %concatenate3A_174 = tpu.concatenate %get3A_172, %slice3A_173 in 1 : vector<1x24xf32>, vector<1x38xf32> -> vector<1x62xf32>
      %get3A_175 = arith.constant 0 : index
      %get3A_176 = arith.constant 300 : index
      %get3A_177 = vector.load %arg2[%get3A_175, %get3A_176] : memref<1x1953xf32, #tpu.memory_space<vmem>>, vector<1x25xf32>
      %slice3A_178 = vector.extract_strided_slice %broadcast_in_dim3A_56 {offsets = [0, 0], sizes = [1, 37], strides = [1, 1]} : vector<1x62xf32> to vector<1x37xf32>
      %concatenate3A_179 = tpu.concatenate %get3A_177, %slice3A_178 in 1 : vector<1x25xf32>, vector<1x37xf32> -> vector<1x62xf32>
      %get3A_180 = arith.constant 0 : index
      %get3A_181 = arith.constant 325 : index
      %get3A_182 = vector.load %arg2[%get3A_180, %get3A_181] : memref<1x1953xf32, #tpu.memory_space<vmem>>, vector<1x26xf32>
      %slice3A_183 = vector.extract_strided_slice %broadcast_in_dim3A_56 {offsets = [0, 0], sizes = [1, 36], strides = [1, 1]} : vector<1x62xf32> to vector<1x36xf32>
      %concatenate3A_184 = tpu.concatenate %get3A_182, %slice3A_183 in 1 : vector<1x26xf32>, vector<1x36xf32> -> vector<1x62xf32>
      %get3A_185 = arith.constant 0 : index
      %get3A_186 = arith.constant 351 : index
      %get3A_187 = vector.load %arg2[%get3A_185, %get3A_186] : memref<1x1953xf32, #tpu.memory_space<vmem>>, vector<1x27xf32>
      %slice3A_188 = vector.extract_strided_slice %broadcast_in_dim3A_56 {offsets = [0, 0], sizes = [1, 35], strides = [1, 1]} : vector<1x62xf32> to vector<1x35xf32>
      %concatenate3A_189 = tpu.concatenate %get3A_187, %slice3A_188 in 1 : vector<1x27xf32>, vector<1x35xf32> -> vector<1x62xf32>
      %get3A_190 = arith.constant 0 : index
      %get3A_191 = arith.constant 378 : index
      %get3A_192 = vector.load %arg2[%get3A_190, %get3A_191] : memref<1x1953xf32, #tpu.memory_space<vmem>>, vector<1x28xf32>
      %slice3A_193 = vector.extract_strided_slice %broadcast_in_dim3A_56 {offsets = [0, 0], sizes = [1, 34], strides = [1, 1]} : vector<1x62xf32> to vector<1x34xf32>
      %concatenate3A_194 = tpu.concatenate %get3A_192, %slice3A_193 in 1 : vector<1x28xf32>, vector<1x34xf32> -> vector<1x62xf32>
      %get3A_195 = arith.constant 0 : index
      %get3A_196 = arith.constant 406 : index
      %get3A_197 = vector.load %arg2[%get3A_195, %get3A_196] : memref<1x1953xf32, #tpu.memory_space<vmem>>, vector<1x29xf32>
      %slice3A_198 = vector.extract_strided_slice %broadcast_in_dim3A_56 {offsets = [0, 0], sizes = [1, 33], strides = [1, 1]} : vector<1x62xf32> to vector<1x33xf32>
      %concatenate3A_199 = tpu.concatenate %get3A_197, %slice3A_198 in 1 : vector<1x29xf32>, vector<1x33xf32> -> vector<1x62xf32>
      %get3A_200 = arith.constant 0 : index
      %get3A_201 = arith.constant 435 : index
      %get3A_202 = vector.load %arg2[%get3A_200, %get3A_201] : memref<1x1953xf32, #tpu.memory_space<vmem>>, vector<1x30xf32>
      %slice3A_203 = vector.extract_strided_slice %broadcast_in_dim3A_56 {offsets = [0, 0], sizes = [1, 32], strides = [1, 1]} : vector<1x62xf32> to vector<1x32xf32>
      %concatenate3A_204 = tpu.concatenate %get3A_202, %slice3A_203 in 1 : vector<1x30xf32>, vector<1x32xf32> -> vector<1x62xf32>
      %get3A_205 = arith.constant 0 : index
      %get3A_206 = arith.constant 465 : index
      %get3A_207 = vector.load %arg2[%get3A_205, %get3A_206] : memref<1x1953xf32, #tpu.memory_space<vmem>>, vector<1x31xf32>
      %slice3A_208 = vector.extract_strided_slice %broadcast_in_dim3A_56 {offsets = [0, 0], sizes = [1, 31], strides = [1, 1]} : vector<1x62xf32> to vector<1x31xf32>
      %concatenate3A_209 = tpu.concatenate %get3A_207, %slice3A_208 in 1 : vector<1x31xf32>, vector<1x31xf32> -> vector<1x62xf32>
      %get3A_210 = arith.constant 0 : index
      %get3A_211 = arith.constant 496 : index
      %get3A_212 = vector.load %arg2[%get3A_210, %get3A_211] : memref<1x1953xf32, #tpu.memory_space<vmem>>, vector<1x32xf32>
      %slice3A_213 = vector.extract_strided_slice %broadcast_in_dim3A_56 {offsets = [0, 0], sizes = [1, 30], strides = [1, 1]} : vector<1x62xf32> to vector<1x30xf32>
      %concatenate3A_214 = tpu.concatenate %get3A_212, %slice3A_213 in 1 : vector<1x32xf32>, vector<1x30xf32> -> vector<1x62xf32>
      %get3A_215 = arith.constant 0 : index
      %get3A_216 = arith.constant 528 : index
      %get3A_217 = vector.load %arg2[%get3A_215, %get3A_216] : memref<1x1953xf32, #tpu.memory_space<vmem>>, vector<1x33xf32>
      %slice3A_218 = vector.extract_strided_slice %broadcast_in_dim3A_56 {offsets = [0, 0], sizes = [1, 29], strides = [1, 1]} : vector<1x62xf32> to vector<1x29xf32>
      %concatenate3A_219 = tpu.concatenate %get3A_217, %slice3A_218 in 1 : vector<1x33xf32>, vector<1x29xf32> -> vector<1x62xf32>
      %get3A_220 = arith.constant 0 : index
      %get3A_221 = arith.constant 561 : index
      %get3A_222 = vector.load %arg2[%get3A_220, %get3A_221] : memref<1x1953xf32, #tpu.memory_space<vmem>>, vector<1x34xf32>
      %slice3A_223 = vector.extract_strided_slice %broadcast_in_dim3A_56 {offsets = [0, 0], sizes = [1, 28], strides = [1, 1]} : vector<1x62xf32> to vector<1x28xf32>
      %concatenate3A_224 = tpu.concatenate %get3A_222, %slice3A_223 in 1 : vector<1x34xf32>, vector<1x28xf32> -> vector<1x62xf32>
      %get3A_225 = arith.constant 0 : index
      %get3A_226 = arith.constant 595 : index
      %get3A_227 = vector.load %arg2[%get3A_225, %get3A_226] : memref<1x1953xf32, #tpu.memory_space<vmem>>, vector<1x35xf32>
      %slice3A_228 = vector.extract_strided_slice %broadcast_in_dim3A_56 {offsets = [0, 0], sizes = [1, 27], strides = [1, 1]} : vector<1x62xf32> to vector<1x27xf32>
      %concatenate3A_229 = tpu.concatenate %get3A_227, %slice3A_228 in 1 : vector<1x35xf32>, vector<1x27xf32> -> vector<1x62xf32>
      %get3A_230 = arith.constant 0 : index
      %get3A_231 = arith.constant 630 : index
      %get3A_232 = vector.load %arg2[%get3A_230, %get3A_231] : memref<1x1953xf32, #tpu.memory_space<vmem>>, vector<1x36xf32>
      %slice3A_233 = vector.extract_strided_slice %broadcast_in_dim3A_56 {offsets = [0, 0], sizes = [1, 26], strides = [1, 1]} : vector<1x62xf32> to vector<1x26xf32>
      %concatenate3A_234 = tpu.concatenate %get3A_232, %slice3A_233 in 1 : vector<1x36xf32>, vector<1x26xf32> -> vector<1x62xf32>
      %get3A_235 = arith.constant 0 : index
      %get3A_236 = arith.constant 666 : index
      %get3A_237 = vector.load %arg2[%get3A_235, %get3A_236] : memref<1x1953xf32, #tpu.memory_space<vmem>>, vector<1x37xf32>
      %slice3A_238 = vector.extract_strided_slice %broadcast_in_dim3A_56 {offsets = [0, 0], sizes = [1, 25], strides = [1, 1]} : vector<1x62xf32> to vector<1x25xf32>
      %concatenate3A_239 = tpu.concatenate %get3A_237, %slice3A_238 in 1 : vector<1x37xf32>, vector<1x25xf32> -> vector<1x62xf32>
      %get3A_240 = arith.constant 0 : index
      %get3A_241 = arith.constant 703 : index
      %get3A_242 = vector.load %arg2[%get3A_240, %get3A_241] : memref<1x1953xf32, #tpu.memory_space<vmem>>, vector<1x38xf32>
      %slice3A_243 = vector.extract_strided_slice %broadcast_in_dim3A_56 {offsets = [0, 0], sizes = [1, 24], strides = [1, 1]} : vector<1x62xf32> to vector<1x24xf32>
      %concatenate3A_244 = tpu.concatenate %get3A_242, %slice3A_243 in 1 : vector<1x38xf32>, vector<1x24xf32> -> vector<1x62xf32>
      %get3A_245 = arith.constant 0 : index
      %get3A_246 = arith.constant 741 : index
      %get3A_247 = vector.load %arg2[%get3A_245, %get3A_246] : memref<1x1953xf32, #tpu.memory_space<vmem>>, vector<1x39xf32>
      %slice3A_248 = vector.extract_strided_slice %broadcast_in_dim3A_56 {offsets = [0, 0], sizes = [1, 23], strides = [1, 1]} : vector<1x62xf32> to vector<1x23xf32>
      %concatenate3A_249 = tpu.concatenate %get3A_247, %slice3A_248 in 1 : vector<1x39xf32>, vector<1x23xf32> -> vector<1x62xf32>
      %get3A_250 = arith.constant 0 : index
      %get3A_251 = arith.constant 780 : index
      %get3A_252 = vector.load %arg2[%get3A_250, %get3A_251] : memref<1x1953xf32, #tpu.memory_space<vmem>>, vector<1x40xf32>
      %slice3A_253 = vector.extract_strided_slice %broadcast_in_dim3A_56 {offsets = [0, 0], sizes = [1, 22], strides = [1, 1]} : vector<1x62xf32> to vector<1x22xf32>
      %concatenate3A_254 = tpu.concatenate %get3A_252, %slice3A_253 in 1 : vector<1x40xf32>, vector<1x22xf32> -> vector<1x62xf32>
      %get3A_255 = arith.constant 0 : index
      %get3A_256 = arith.constant 820 : index
      %get3A_257 = vector.load %arg2[%get3A_255, %get3A_256] : memref<1x1953xf32, #tpu.memory_space<vmem>>, vector<1x41xf32>
      %slice3A_258 = vector.extract_strided_slice %broadcast_in_dim3A_56 {offsets = [0, 0], sizes = [1, 21], strides = [1, 1]} : vector<1x62xf32> to vector<1x21xf32>
      %concatenate3A_259 = tpu.concatenate %get3A_257, %slice3A_258 in 1 : vector<1x41xf32>, vector<1x21xf32> -> vector<1x62xf32>
      %get3A_260 = arith.constant 0 : index
      %get3A_261 = arith.constant 861 : index
      %get3A_262 = vector.load %arg2[%get3A_260, %get3A_261] : memref<1x1953xf32, #tpu.memory_space<vmem>>, vector<1x42xf32>
      %slice3A_263 = vector.extract_strided_slice %broadcast_in_dim3A_56 {offsets = [0, 0], sizes = [1, 20], strides = [1, 1]} : vector<1x62xf32> to vector<1x20xf32>
      %concatenate3A_264 = tpu.concatenate %get3A_262, %slice3A_263 in 1 : vector<1x42xf32>, vector<1x20xf32> -> vector<1x62xf32>
      %get3A_265 = arith.constant 0 : index
      %get3A_266 = arith.constant 903 : index
      %get3A_267 = vector.load %arg2[%get3A_265, %get3A_266] : memref<1x1953xf32, #tpu.memory_space<vmem>>, vector<1x43xf32>
      %slice3A_268 = vector.extract_strided_slice %broadcast_in_dim3A_56 {offsets = [0, 0], sizes = [1, 19], strides = [1, 1]} : vector<1x62xf32> to vector<1x19xf32>
      %concatenate3A_269 = tpu.concatenate %get3A_267, %slice3A_268 in 1 : vector<1x43xf32>, vector<1x19xf32> -> vector<1x62xf32>
      %get3A_270 = arith.constant 0 : index
      %get3A_271 = arith.constant 946 : index
      %get3A_272 = vector.load %arg2[%get3A_270, %get3A_271] : memref<1x1953xf32, #tpu.memory_space<vmem>>, vector<1x44xf32>
      %slice3A_273 = vector.extract_strided_slice %broadcast_in_dim3A_56 {offsets = [0, 0], sizes = [1, 18], strides = [1, 1]} : vector<1x62xf32> to vector<1x18xf32>
      %concatenate3A_274 = tpu.concatenate %get3A_272, %slice3A_273 in 1 : vector<1x44xf32>, vector<1x18xf32> -> vector<1x62xf32>
      %get3A_275 = arith.constant 0 : index
      %get3A_276 = arith.constant 990 : index
      %get3A_277 = vector.load %arg2[%get3A_275, %get3A_276] : memref<1x1953xf32, #tpu.memory_space<vmem>>, vector<1x45xf32>
      %slice3A_278 = vector.extract_strided_slice %broadcast_in_dim3A_56 {offsets = [0, 0], sizes = [1, 17], strides = [1, 1]} : vector<1x62xf32> to vector<1x17xf32>
      %concatenate3A_279 = tpu.concatenate %get3A_277, %slice3A_278 in 1 : vector<1x45xf32>, vector<1x17xf32> -> vector<1x62xf32>
      %get3A_280 = arith.constant 0 : index
      %get3A_281 = arith.constant 1035 : index
      %get3A_282 = vector.load %arg2[%get3A_280, %get3A_281] : memref<1x1953xf32, #tpu.memory_space<vmem>>, vector<1x46xf32>
      %slice3A_283 = vector.extract_strided_slice %broadcast_in_dim3A_56 {offsets = [0, 0], sizes = [1, 16], strides = [1, 1]} : vector<1x62xf32> to vector<1x16xf32>
      %concatenate3A_284 = tpu.concatenate %get3A_282, %slice3A_283 in 1 : vector<1x46xf32>, vector<1x16xf32> -> vector<1x62xf32>
      %get3A_285 = arith.constant 0 : index
      %get3A_286 = arith.constant 1081 : index
      %get3A_287 = vector.load %arg2[%get3A_285, %get3A_286] : memref<1x1953xf32, #tpu.memory_space<vmem>>, vector<1x47xf32>
      %slice3A_288 = vector.extract_strided_slice %broadcast_in_dim3A_56 {offsets = [0, 0], sizes = [1, 15], strides = [1, 1]} : vector<1x62xf32> to vector<1x15xf32>
      %concatenate3A_289 = tpu.concatenate %get3A_287, %slice3A_288 in 1 : vector<1x47xf32>, vector<1x15xf32> -> vector<1x62xf32>
      %get3A_290 = arith.constant 0 : index
      %get3A_291 = arith.constant 1128 : index
      %get3A_292 = vector.load %arg2[%get3A_290, %get3A_291] : memref<1x1953xf32, #tpu.memory_space<vmem>>, vector<1x48xf32>
      %slice3A_293 = vector.extract_strided_slice %broadcast_in_dim3A_56 {offsets = [0, 0], sizes = [1, 14], strides = [1, 1]} : vector<1x62xf32> to vector<1x14xf32>
      %concatenate3A_294 = tpu.concatenate %get3A_292, %slice3A_293 in 1 : vector<1x48xf32>, vector<1x14xf32> -> vector<1x62xf32>
      %get3A_295 = arith.constant 0 : index
      %get3A_296 = arith.constant 1176 : index
      %get3A_297 = vector.load %arg2[%get3A_295, %get3A_296] : memref<1x1953xf32, #tpu.memory_space<vmem>>, vector<1x49xf32>
      %slice3A_298 = vector.extract_strided_slice %broadcast_in_dim3A_56 {offsets = [0, 0], sizes = [1, 13], strides = [1, 1]} : vector<1x62xf32> to vector<1x13xf32>
      %concatenate3A_299 = tpu.concatenate %get3A_297, %slice3A_298 in 1 : vector<1x49xf32>, vector<1x13xf32> -> vector<1x62xf32>
      %get3A_300 = arith.constant 0 : index
      %get3A_301 = arith.constant 1225 : index
      %get3A_302 = vector.load %arg2[%get3A_300, %get3A_301] : memref<1x1953xf32, #tpu.memory_space<vmem>>, vector<1x50xf32>
      %slice3A_303 = vector.extract_strided_slice %broadcast_in_dim3A_56 {offsets = [0, 0], sizes = [1, 12], strides = [1, 1]} : vector<1x62xf32> to vector<1x12xf32>
      %concatenate3A_304 = tpu.concatenate %get3A_302, %slice3A_303 in 1 : vector<1x50xf32>, vector<1x12xf32> -> vector<1x62xf32>
      %get3A_305 = arith.constant 0 : index
      %get3A_306 = arith.constant 1275 : index
      %get3A_307 = vector.load %arg2[%get3A_305, %get3A_306] : memref<1x1953xf32, #tpu.memory_space<vmem>>, vector<1x51xf32>
      %slice3A_308 = vector.extract_strided_slice %broadcast_in_dim3A_56 {offsets = [0, 0], sizes = [1, 11], strides = [1, 1]} : vector<1x62xf32> to vector<1x11xf32>
      %concatenate3A_309 = tpu.concatenate %get3A_307, %slice3A_308 in 1 : vector<1x51xf32>, vector<1x11xf32> -> vector<1x62xf32>
      %get3A_310 = arith.constant 0 : index
      %get3A_311 = arith.constant 1326 : index
      %get3A_312 = vector.load %arg2[%get3A_310, %get3A_311] : memref<1x1953xf32, #tpu.memory_space<vmem>>, vector<1x52xf32>
      %slice3A_313 = vector.extract_strided_slice %broadcast_in_dim3A_56 {offsets = [0, 0], sizes = [1, 10], strides = [1, 1]} : vector<1x62xf32> to vector<1x10xf32>
      %concatenate3A_314 = tpu.concatenate %get3A_312, %slice3A_313 in 1 : vector<1x52xf32>, vector<1x10xf32> -> vector<1x62xf32>
      %get3A_315 = arith.constant 0 : index
      %get3A_316 = arith.constant 1378 : index
      %get3A_317 = vector.load %arg2[%get3A_315, %get3A_316] : memref<1x1953xf32, #tpu.memory_space<vmem>>, vector<1x53xf32>
      %slice3A_318 = vector.extract_strided_slice %broadcast_in_dim3A_56 {offsets = [0, 0], sizes = [1, 9], strides = [1, 1]} : vector<1x62xf32> to vector<1x9xf32>
      %concatenate3A_319 = tpu.concatenate %get3A_317, %slice3A_318 in 1 : vector<1x53xf32>, vector<1x9xf32> -> vector<1x62xf32>
      %get3A_320 = arith.constant 0 : index
      %get3A_321 = arith.constant 1431 : index
      %get3A_322 = vector.load %arg2[%get3A_320, %get3A_321] : memref<1x1953xf32, #tpu.memory_space<vmem>>, vector<1x54xf32>
      %slice3A_323 = vector.extract_strided_slice %broadcast_in_dim3A_56 {offsets = [0, 0], sizes = [1, 8], strides = [1, 1]} : vector<1x62xf32> to vector<1x8xf32>
      %concatenate3A_324 = tpu.concatenate %get3A_322, %slice3A_323 in 1 : vector<1x54xf32>, vector<1x8xf32> -> vector<1x62xf32>
      %get3A_325 = arith.constant 0 : index
      %get3A_326 = arith.constant 1485 : index
      %get3A_327 = vector.load %arg2[%get3A_325, %get3A_326] : memref<1x1953xf32, #tpu.memory_space<vmem>>, vector<1x55xf32>
      %slice3A_328 = vector.extract_strided_slice %broadcast_in_dim3A_56 {offsets = [0, 0], sizes = [1, 7], strides = [1, 1]} : vector<1x62xf32> to vector<1x7xf32>
      %concatenate3A_329 = tpu.concatenate %get3A_327, %slice3A_328 in 1 : vector<1x55xf32>, vector<1x7xf32> -> vector<1x62xf32>
      %get3A_330 = arith.constant 0 : index
      %get3A_331 = arith.constant 1540 : index
      %get3A_332 = vector.load %arg2[%get3A_330, %get3A_331] : memref<1x1953xf32, #tpu.memory_space<vmem>>, vector<1x56xf32>
      %slice3A_333 = vector.extract_strided_slice %broadcast_in_dim3A_56 {offsets = [0, 0], sizes = [1, 6], strides = [1, 1]} : vector<1x62xf32> to vector<1x6xf32>
      %concatenate3A_334 = tpu.concatenate %get3A_332, %slice3A_333 in 1 : vector<1x56xf32>, vector<1x6xf32> -> vector<1x62xf32>
      %get3A_335 = arith.constant 0 : index
      %get3A_336 = arith.constant 1596 : index
      %get3A_337 = vector.load %arg2[%get3A_335, %get3A_336] : memref<1x1953xf32, #tpu.memory_space<vmem>>, vector<1x57xf32>
      %slice3A_338 = vector.extract_strided_slice %broadcast_in_dim3A_56 {offsets = [0, 0], sizes = [1, 5], strides = [1, 1]} : vector<1x62xf32> to vector<1x5xf32>
      %concatenate3A_339 = tpu.concatenate %get3A_337, %slice3A_338 in 1 : vector<1x57xf32>, vector<1x5xf32> -> vector<1x62xf32>
      %get3A_340 = arith.constant 0 : index
      %get3A_341 = arith.constant 1653 : index
      %get3A_342 = vector.load %arg2[%get3A_340, %get3A_341] : memref<1x1953xf32, #tpu.memory_space<vmem>>, vector<1x58xf32>
      %slice3A_343 = vector.extract_strided_slice %broadcast_in_dim3A_56 {offsets = [0, 0], sizes = [1, 4], strides = [1, 1]} : vector<1x62xf32> to vector<1x4xf32>
      %concatenate3A_344 = tpu.concatenate %get3A_342, %slice3A_343 in 1 : vector<1x58xf32>, vector<1x4xf32> -> vector<1x62xf32>
      %get3A_345 = arith.constant 0 : index
      %get3A_346 = arith.constant 1711 : index
      %get3A_347 = vector.load %arg2[%get3A_345, %get3A_346] : memref<1x1953xf32, #tpu.memory_space<vmem>>, vector<1x59xf32>
      %slice3A_348 = vector.extract_strided_slice %broadcast_in_dim3A_56 {offsets = [0, 0], sizes = [1, 3], strides = [1, 1]} : vector<1x62xf32> to vector<1x3xf32>
      %concatenate3A_349 = tpu.concatenate %get3A_347, %slice3A_348 in 1 : vector<1x59xf32>, vector<1x3xf32> -> vector<1x62xf32>
      %get3A_350 = arith.constant 0 : index
      %get3A_351 = arith.constant 1770 : index
      %get3A_352 = vector.load %arg2[%get3A_350, %get3A_351] : memref<1x1953xf32, #tpu.memory_space<vmem>>, vector<1x60xf32>
      %slice3A_353 = vector.extract_strided_slice %broadcast_in_dim3A_56 {offsets = [0, 0], sizes = [1, 2], strides = [1, 1]} : vector<1x62xf32> to vector<1x2xf32>
      %concatenate3A_354 = tpu.concatenate %get3A_352, %slice3A_353 in 1 : vector<1x60xf32>, vector<1x2xf32> -> vector<1x62xf32>
      %get3A_355 = arith.constant 0 : index
      %get3A_356 = arith.constant 1830 : index
      %get3A_357 = vector.load %arg2[%get3A_355, %get3A_356] : memref<1x1953xf32, #tpu.memory_space<vmem>>, vector<1x61xf32>
      %slice3A_358 = vector.extract_strided_slice %broadcast_in_dim3A_56 {offsets = [0, 0], sizes = [1, 1], strides = [1, 1]} : vector<1x62xf32> to vector<1x1xf32>
      %concatenate3A_359 = tpu.concatenate %get3A_357, %slice3A_358 in 1 : vector<1x61xf32>, vector<1x1xf32> -> vector<1x62xf32>
      %get3A_360 = arith.constant 0 : index
      %get3A_361 = arith.constant 1891 : index
      %get3A_362 = vector.load %arg2[%get3A_360, %get3A_361] : memref<1x1953xf32, #tpu.memory_space<vmem>>, vector<1x62xf32>
      %concatenate3A_363 = tpu.concatenate %concatenate3A, %concatenate3A_64, %concatenate3A_69, %concatenate3A_74, %concatenate3A_79, %concatenate3A_84, %concatenate3A_89, %concatenate3A_94, %concatenate3A_99, %concatenate3A_104, %concatenate3A_109, %concatenate3A_114, %concatenate3A_119, %concatenate3A_124, %concatenate3A_129, %concatenate3A_134, %concatenate3A_139, %concatenate3A_144, %concatenate3A_149, %concatenate3A_154, %concatenate3A_159, %concatenate3A_164, %concatenate3A_169, %concatenate3A_174, %concatenate3A_179, %concatenate3A_184, %concatenate3A_189, %concatenate3A_194, %concatenate3A_199, %concatenate3A_204, %concatenate3A_209, %concatenate3A_214, %concatenate3A_219, %concatenate3A_224, %concatenate3A_229, %concatenate3A_234, %concatenate3A_239, %concatenate3A_244, %concatenate3A_249, %concatenate3A_254, %concatenate3A_259, %concatenate3A_264, %concatenate3A_269, %concatenate3A_274, %concatenate3A_279, %concatenate3A_284, %concatenate3A_289, %concatenate3A_294, %concatenate3A_299, %concatenate3A_304, %concatenate3A_309, %concatenate3A_314, %concatenate3A_319, %concatenate3A_324, %concatenate3A_329, %concatenate3A_334, %concatenate3A_339, %concatenate3A_344, %concatenate3A_349, %concatenate3A_354, %concatenate3A_359, %get3A_362 in 0 : vector<1x62xf32>, vector<1x62xf32>, vector<1x62xf32>, vector<1x62xf32>, vector<1x62xf32>, vector<1x62xf32>, vector<1x62xf32>, vector<1x62xf32>, vector<1x62xf32>, vector<1x62xf32>, vector<1x62xf32>, vector<1x62xf32>, vector<1x62xf32>, vector<1x62xf32>, vector<1x62xf32>, vector<1x62xf32>, vector<1x62xf32>, vector<1x62xf32>, vector<1x62xf32>, vector<1x62xf32>, vector<1x62xf32>, vector<1x62xf32>, vector<1x62xf32>, vector<1x62xf32>, vector<1x62xf32>, vector<1x62xf32>, vector<1x62xf32>, vector<1x62xf32>, vector<1x62xf32>, vector<1x62xf32>, vector<1x62xf32>, vector<1x62xf32>, vector<1x62xf32>, vector<1x62xf32>, vector<1x62xf32>, vector<1x62xf32>, vector<1x62xf32>, vector<1x62xf32>, vector<1x62xf32>, vector<1x62xf32>, vector<1x62xf32>, vector<1x62xf32>, vector<1x62xf32>, vector<1x62xf32>, vector<1x62xf32>, vector<1x62xf32>, vector<1x62xf32>, vector<1x62xf32>, vector<1x62xf32>, vector<1x62xf32>, vector<1x62xf32>, vector<1x62xf32>, vector<1x62xf32>, vector<1x62xf32>, vector<1x62xf32>, vector<1x62xf32>, vector<1x62xf32>, vector<1x62xf32>, vector<1x62xf32>, vector<1x62xf32>, vector<1x62xf32>, vector<1x62xf32> -> vector<62x62xf32>
      %iota3A_364 = tpu.iota {dimensions = array<i32: 0>} : vector<62x62xi32>
      %iota3A_365 = tpu.iota {dimensions = array<i32: 1>} : vector<62x62xi32>
      %eq3A_366 = arith.cmpi eq, %iota3A_364, %iota3A_365 : vector<62x62xi32>
      %convert_element_type3A_367 = arith.extui %eq3A_366 : vector<62x62xi1> to vector<62x62xi32>
      %convert_element_type3A_368 = arith.sitofp %convert_element_type3A_367 : vector<62x62xi32> to vector<62x62xf32>
      %transpose3A = tpu.transpose %concatenate3A_363, [1, 0] : vector<62x62xf32> -> vector<62x62xf32>
      %add3A_369 = arith.addf %concatenate3A_363, %transpose3A : vector<62x62xf32>
      %mul3A = arith.mulf %concatenate3A_363, %convert_element_type3A_368 : vector<62x62xf32>
      %sub3A = arith.subf %add3A_369, %mul3A : vector<62x62xf32>
      %slice3A_370 = vector.extract_strided_slice %sub3A {offsets = [0, 0], sizes = [1, 62], strides = [1, 1]} : vector<62x62xf32> to vector<1x62xf32>
      %slice3A_371 = vector.extract_strided_slice %sub3A {offsets = [1, 0], sizes = [1, 62], strides = [1, 1]} : vector<62x62xf32> to vector<1x62xf32>
      %slice3A_372 = vector.extract_strided_slice %sub3A {offsets = [2, 0], sizes = [1, 62], strides = [1, 1]} : vector<62x62xf32> to vector<1x62xf32>
      %slice3A_373 = vector.extract_strided_slice %sub3A {offsets = [3, 0], sizes = [1, 62], strides = [1, 1]} : vector<62x62xf32> to vector<1x62xf32>
      %slice3A_374 = vector.extract_strided_slice %sub3A {offsets = [4, 0], sizes = [1, 62], strides = [1, 1]} : vector<62x62xf32> to vector<1x62xf32>
      %slice3A_375 = vector.extract_strided_slice %sub3A {offsets = [5, 0], sizes = [1, 62], strides = [1, 1]} : vector<62x62xf32> to vector<1x62xf32>
      %slice3A_376 = vector.extract_strided_slice %sub3A {offsets = [6, 0], sizes = [1, 62], strides = [1, 1]} : vector<62x62xf32> to vector<1x62xf32>
      %slice3A_377 = vector.extract_strided_slice %sub3A {offsets = [7, 0], sizes = [1, 62], strides = [1, 1]} : vector<62x62xf32> to vector<1x62xf32>
      %slice3A_378 = vector.extract_strided_slice %sub3A {offsets = [8, 0], sizes = [1, 62], strides = [1, 1]} : vector<62x62xf32> to vector<1x62xf32>
      %slice3A_379 = vector.extract_strided_slice %sub3A {offsets = [9, 0], sizes = [1, 62], strides = [1, 1]} : vector<62x62xf32> to vector<1x62xf32>
      %slice3A_380 = vector.extract_strided_slice %sub3A {offsets = [10, 0], sizes = [1, 62], strides = [1, 1]} : vector<62x62xf32> to vector<1x62xf32>
      %slice3A_381 = vector.extract_strided_slice %sub3A {offsets = [11, 0], sizes = [1, 62], strides = [1, 1]} : vector<62x62xf32> to vector<1x62xf32>
      %slice3A_382 = vector.extract_strided_slice %sub3A {offsets = [12, 0], sizes = [1, 62], strides = [1, 1]} : vector<62x62xf32> to vector<1x62xf32>
      %slice3A_383 = vector.extract_strided_slice %sub3A {offsets = [13, 0], sizes = [1, 62], strides = [1, 1]} : vector<62x62xf32> to vector<1x62xf32>
      %slice3A_384 = vector.extract_strided_slice %sub3A {offsets = [14, 0], sizes = [1, 62], strides = [1, 1]} : vector<62x62xf32> to vector<1x62xf32>
      %slice3A_385 = vector.extract_strided_slice %sub3A {offsets = [15, 0], sizes = [1, 62], strides = [1, 1]} : vector<62x62xf32> to vector<1x62xf32>
      %slice3A_386 = vector.extract_strided_slice %sub3A {offsets = [16, 0], sizes = [1, 62], strides = [1, 1]} : vector<62x62xf32> to vector<1x62xf32>
      %slice3A_387 = vector.extract_strided_slice %sub3A {offsets = [17, 0], sizes = [1, 62], strides = [1, 1]} : vector<62x62xf32> to vector<1x62xf32>
      %slice3A_388 = vector.extract_strided_slice %sub3A {offsets = [18, 0], sizes = [1, 62], strides = [1, 1]} : vector<62x62xf32> to vector<1x62xf32>
      %slice3A_389 = vector.extract_strided_slice %sub3A {offsets = [19, 0], sizes = [1, 62], strides = [1, 1]} : vector<62x62xf32> to vector<1x62xf32>
      %slice3A_390 = vector.extract_strided_slice %sub3A {offsets = [20, 0], sizes = [1, 62], strides = [1, 1]} : vector<62x62xf32> to vector<1x62xf32>
      %slice3A_391 = vector.extract_strided_slice %sub3A {offsets = [21, 0], sizes = [1, 62], strides = [1, 1]} : vector<62x62xf32> to vector<1x62xf32>
      %slice3A_392 = vector.extract_strided_slice %sub3A {offsets = [22, 0], sizes = [1, 62], strides = [1, 1]} : vector<62x62xf32> to vector<1x62xf32>
      %slice3A_393 = vector.extract_strided_slice %sub3A {offsets = [23, 0], sizes = [1, 62], strides = [1, 1]} : vector<62x62xf32> to vector<1x62xf32>
      %slice3A_394 = vector.extract_strided_slice %sub3A {offsets = [24, 0], sizes = [1, 62], strides = [1, 1]} : vector<62x62xf32> to vector<1x62xf32>
      %slice3A_395 = vector.extract_strided_slice %sub3A {offsets = [25, 0], sizes = [1, 62], strides = [1, 1]} : vector<62x62xf32> to vector<1x62xf32>
      %slice3A_396 = vector.extract_strided_slice %sub3A {offsets = [26, 0], sizes = [1, 62], strides = [1, 1]} : vector<62x62xf32> to vector<1x62xf32>
      %slice3A_397 = vector.extract_strided_slice %sub3A {offsets = [27, 0], sizes = [1, 62], strides = [1, 1]} : vector<62x62xf32> to vector<1x62xf32>
      %slice3A_398 = vector.extract_strided_slice %sub3A {offsets = [28, 0], sizes = [1, 62], strides = [1, 1]} : vector<62x62xf32> to vector<1x62xf32>
      %slice3A_399 = vector.extract_strided_slice %sub3A {offsets = [29, 0], sizes = [1, 62], strides = [1, 1]} : vector<62x62xf32> to vector<1x62xf32>
      %slice3A_400 = vector.extract_strided_slice %sub3A {offsets = [30, 0], sizes = [1, 62], strides = [1, 1]} : vector<62x62xf32> to vector<1x62xf32>
      %slice3A_401 = vector.extract_strided_slice %sub3A {offsets = [31, 0], sizes = [1, 62], strides = [1, 1]} : vector<62x62xf32> to vector<1x62xf32>
      %slice3A_402 = vector.extract_strided_slice %sub3A {offsets = [32, 0], sizes = [1, 62], strides = [1, 1]} : vector<62x62xf32> to vector<1x62xf32>
      %slice3A_403 = vector.extract_strided_slice %sub3A {offsets = [33, 0], sizes = [1, 62], strides = [1, 1]} : vector<62x62xf32> to vector<1x62xf32>
      %slice3A_404 = vector.extract_strided_slice %sub3A {offsets = [34, 0], sizes = [1, 62], strides = [1, 1]} : vector<62x62xf32> to vector<1x62xf32>
      %slice3A_405 = vector.extract_strided_slice %sub3A {offsets = [35, 0], sizes = [1, 62], strides = [1, 1]} : vector<62x62xf32> to vector<1x62xf32>
      %slice3A_406 = vector.extract_strided_slice %sub3A {offsets = [36, 0], sizes = [1, 62], strides = [1, 1]} : vector<62x62xf32> to vector<1x62xf32>
      %slice3A_407 = vector.extract_strided_slice %sub3A {offsets = [37, 0], sizes = [1, 62], strides = [1, 1]} : vector<62x62xf32> to vector<1x62xf32>
      %slice3A_408 = vector.extract_strided_slice %sub3A {offsets = [38, 0], sizes = [1, 62], strides = [1, 1]} : vector<62x62xf32> to vector<1x62xf32>
      %slice3A_409 = vector.extract_strided_slice %sub3A {offsets = [39, 0], sizes = [1, 62], strides = [1, 1]} : vector<62x62xf32> to vector<1x62xf32>
      %slice3A_410 = vector.extract_strided_slice %sub3A {offsets = [40, 0], sizes = [1, 62], strides = [1, 1]} : vector<62x62xf32> to vector<1x62xf32>
      %slice3A_411 = vector.extract_strided_slice %sub3A {offsets = [41, 0], sizes = [1, 62], strides = [1, 1]} : vector<62x62xf32> to vector<1x62xf32>
      %slice3A_412 = vector.extract_strided_slice %sub3A {offsets = [42, 0], sizes = [1, 62], strides = [1, 1]} : vector<62x62xf32> to vector<1x62xf32>
      %slice3A_413 = vector.extract_strided_slice %sub3A {offsets = [43, 0], sizes = [1, 62], strides = [1, 1]} : vector<62x62xf32> to vector<1x62xf32>
      %slice3A_414 = vector.extract_strided_slice %sub3A {offsets = [44, 0], sizes = [1, 62], strides = [1, 1]} : vector<62x62xf32> to vector<1x62xf32>
      %slice3A_415 = vector.extract_strided_slice %sub3A {offsets = [45, 0], sizes = [1, 62], strides = [1, 1]} : vector<62x62xf32> to vector<1x62xf32>
      %slice3A_416 = vector.extract_strided_slice %sub3A {offsets = [46, 0], sizes = [1, 62], strides = [1, 1]} : vector<62x62xf32> to vector<1x62xf32>
      %slice3A_417 = vector.extract_strided_slice %sub3A {offsets = [47, 0], sizes = [1, 62], strides = [1, 1]} : vector<62x62xf32> to vector<1x62xf32>
      %slice3A_418 = vector.extract_strided_slice %sub3A {offsets = [48, 0], sizes = [1, 62], strides = [1, 1]} : vector<62x62xf32> to vector<1x62xf32>
      %slice3A_419 = vector.extract_strided_slice %sub3A {offsets = [49, 0], sizes = [1, 62], strides = [1, 1]} : vector<62x62xf32> to vector<1x62xf32>
      %slice3A_420 = vector.extract_strided_slice %sub3A {offsets = [50, 0], sizes = [1, 62], strides = [1, 1]} : vector<62x62xf32> to vector<1x62xf32>
      %slice3A_421 = vector.extract_strided_slice %sub3A {offsets = [51, 0], sizes = [1, 62], strides = [1, 1]} : vector<62x62xf32> to vector<1x62xf32>
      %slice3A_422 = vector.extract_strided_slice %sub3A {offsets = [52, 0], sizes = [1, 62], strides = [1, 1]} : vector<62x62xf32> to vector<1x62xf32>
      %slice3A_423 = vector.extract_strided_slice %sub3A {offsets = [53, 0], sizes = [1, 62], strides = [1, 1]} : vector<62x62xf32> to vector<1x62xf32>
      %slice3A_424 = vector.extract_strided_slice %sub3A {offsets = [54, 0], sizes = [1, 62], strides = [1, 1]} : vector<62x62xf32> to vector<1x62xf32>
      %slice3A_425 = vector.extract_strided_slice %sub3A {offsets = [55, 0], sizes = [1, 62], strides = [1, 1]} : vector<62x62xf32> to vector<1x62xf32>
      %slice3A_426 = vector.extract_strided_slice %sub3A {offsets = [56, 0], sizes = [1, 62], strides = [1, 1]} : vector<62x62xf32> to vector<1x62xf32>
      %slice3A_427 = vector.extract_strided_slice %sub3A {offsets = [57, 0], sizes = [1, 62], strides = [1, 1]} : vector<62x62xf32> to vector<1x62xf32>
      %slice3A_428 = vector.extract_strided_slice %sub3A {offsets = [58, 0], sizes = [1, 62], strides = [1, 1]} : vector<62x62xf32> to vector<1x62xf32>
      %slice3A_429 = vector.extract_strided_slice %sub3A {offsets = [59, 0], sizes = [1, 62], strides = [1, 1]} : vector<62x62xf32> to vector<1x62xf32>
      %slice3A_430 = vector.extract_strided_slice %sub3A {offsets = [60, 0], sizes = [1, 62], strides = [1, 1]} : vector<62x62xf32> to vector<1x62xf32>
      %slice3A_431 = vector.extract_strided_slice %sub3A {offsets = [61, 0], sizes = [1, 62], strides = [1, 1]} : vector<62x62xf32> to vector<1x62xf32>
      %concatenate3A_432 = tpu.concatenate %slice3A_370, %slice3A_371, %slice3A_372, %slice3A_373, %slice3A_374, %slice3A_375, %slice3A_376, %slice3A_377, %slice3A_378, %slice3A_379, %slice3A_380, %slice3A_381, %slice3A_382, %slice3A_383, %slice3A_384, %slice3A_385, %slice3A_386, %slice3A_387, %slice3A_388, %slice3A_389, %slice3A_390, %slice3A_391, %slice3A_392, %slice3A_393, %slice3A_394, %slice3A_395, %slice3A_396, %slice3A_397, %slice3A_398, %slice3A_399, %slice3A_400, %slice3A_401, %slice3A_402, %slice3A_403, %slice3A_404, %slice3A_405, %slice3A_406, %slice3A_407, %slice3A_408, %slice3A_409, %slice3A_410, %slice3A_411, %slice3A_412, %slice3A_413, %slice3A_414, %slice3A_415, %slice3A_416, %slice3A_417, %slice3A_418, %slice3A_419, %slice3A_420, %slice3A_421, %slice3A_422, %slice3A_423, %slice3A_424, %slice3A_425, %slice3A_426, %slice3A_427, %slice3A_428, %slice3A_429, %slice3A_430, %slice3A_431 in 1 : vector<1x62xf32>, vector<1x62xf32>, vector<1x62xf32>, vector<1x62xf32>, vector<1x62xf32>, vector<1x62xf32>, vector<1x62xf32>, vector<1x62xf32>, vector<1x62xf32>, vector<1x62xf32>, vector<1x62xf32>, vector<1x62xf32>, vector<1x62xf32>, vector<1x62xf32>, vector<1x62xf32>, vector<1x62xf32>, vector<1x62xf32>, vector<1x62xf32>, vector<1x62xf32>, vector<1x62xf32>, vector<1x62xf32>, vector<1x62xf32>, vector<1x62xf32>, vector<1x62xf32>, vector<1x62xf32>, vector<1x62xf32>, vector<1x62xf32>, vector<1x62xf32>, vector<1x62xf32>, vector<1x62xf32>, vector<1x62xf32>, vector<1x62xf32>, vector<1x62xf32>, vector<1x62xf32>, vector<1x62xf32>, vector<1x62xf32>, vector<1x62xf32>, vector<1x62xf32>, vector<1x62xf32>, vector<1x62xf32>, vector<1x62xf32>, vector<1x62xf32>, vector<1x62xf32>, vector<1x62xf32>, vector<1x62xf32>, vector<1x62xf32>, vector<1x62xf32>, vector<1x62xf32>, vector<1x62xf32>, vector<1x62xf32>, vector<1x62xf32>, vector<1x62xf32>, vector<1x62xf32>, vector<1x62xf32>, vector<1x62xf32>, vector<1x62xf32>, vector<1x62xf32>, vector<1x62xf32>, vector<1x62xf32>, vector<1x62xf32>, vector<1x62xf32>, vector<1x62xf32> -> vector<1x3844xf32>
      %iota3A_433 = tpu.iota {dimensions = array<i32: 0>} : vector<62x3844xi32>
      %eq3A_434 = vector.broadcast %get3A_52 : vector<1x3844xi32> to vector<62x3844xi32>
      %eq3A_435 = arith.cmpi eq, %eq3A_434, %iota3A_433 : vector<62x3844xi32>
      %eq3A_436 = arith.cmpi eq, %get3A_52, %get3A_55 : vector<1x3844xi32>
      %iota3A_437 = tpu.iota {dimensions = array<i32: 1>} : vector<62x3844xi32>
      %and3A_438 = vector.broadcast %eq3A_436 : vector<1x3844xi1> to vector<62x3844xi1>
      %and3A_439 = arith.andi %eq3A_435, %and3A_438 : vector<62x3844xi1>
      %jit3A_440 = arith.constant -1 : i32
      %broadcast_in_dim3A_441 = vector.broadcast %jit3A_440 : i32 to vector<62x3844xi32>
      %select_n3A_442 = arith.select %and3A_439, %iota3A_437, %broadcast_in_dim3A_441 : vector<62x3844xi1>, vector<62x3844xi32>
      %reduce_max3A = arith.constant dense<-2147483648> : vector<62xi32>
      %reduce_max3A_443 = vector.multi_reduction <maxsi>, %select_n3A_442, %reduce_max3A [1] : vector<62x3844xi32> to vector<62xi32>
      %broadcast_in_dim3A_444 = vector.shape_cast %reduce_max3A_443 : vector<62xi32> to vector<62x1xi32>
      %ge3A = arith.constant 0 : i32
      %ge3A_445 = vector.broadcast %ge3A : i32 to vector<62x1xi32>
      %ge3A_446 = arith.cmpi sge, %broadcast_in_dim3A_444, %ge3A_445 : vector<62x1xi32>
      %eq3A_447 = vector.broadcast %broadcast_in_dim3A_444 : vector<62x1xi32> to vector<62x3844xi32>
      %eq3A_448 = arith.cmpi eq, %iota3A_437, %eq3A_447 : vector<62x3844xi32>
      %and3A_449 = arith.andi %eq3A_448, %and3A_439 : vector<62x3844xi1>
      %jit3A_450 = arith.constant 0.000000e+00 : f32
      %broadcast_in_dim3A_451 = vector.shape_cast %concatenate3A_432 : vector<1x3844xf32> to vector<1x3844xf32>
      %broadcast_in_dim3A_452 = vector.broadcast %broadcast_in_dim3A_451 : vector<1x3844xf32> to vector<62x3844xf32>
      %broadcast_in_dim3A_453 = vector.broadcast %jit3A_450 : f32 to vector<62x3844xf32>
      %select_n3A_454 = arith.select %and3A_449, %broadcast_in_dim3A_452, %broadcast_in_dim3A_453 : vector<62x3844xi1>, vector<62x3844xf32>
      %reduce_sum3A = arith.constant dense<0.000000e+00> : vector<62xf32>
      %reduce_sum3A_455 = vector.multi_reduction <add>, %select_n3A_454, %reduce_sum3A [1] : vector<62x3844xf32> to vector<62xf32>
      %broadcast_in_dim3A_456 = vector.shape_cast %reduce_sum3A_455 : vector<62xf32> to vector<62x1xf32>
      %jit3A_457 = arith.constant 1.000000e+00 : f32
      %broadcast_in_dim3A_458 = vector.broadcast %jit3A_457 : f32 to vector<62x1xf32>
      %select_n3A_459 = arith.select %ge3A_446, %broadcast_in_dim3A_456, %broadcast_in_dim3A_458 : vector<62x1xi1>, vector<62x1xf32>
      %get3A_460 = arith.constant 0 : index
      %get3A_461 = arith.constant 0 : index
      %get3A_462 = vector.load %arg4[%get3A_460, %get3A_461] : memref<64x1xf32, #tpu.memory_space<vmem>>, vector<62x1xf32>
      %abs3A = math.absf %select_n3A_459 : vector<62x1xf32>
      %add3A_463 = arith.addf %get3A_462, %abs3A : vector<62x1xf32>
      %eq3A_464 = arith.constant 0.000000e+00 : f32
      %eq3A_465 = vector.broadcast %eq3A_464 : f32 to vector<62x1xf32>
      %eq3A_466 = arith.cmpf oeq, %add3A_463, %eq3A_465 : vector<62x1xf32>
      %rsqrt3A = math.rsqrt %add3A_463 : vector<62x1xf32>
      %jit3A_467 = arith.constant 0.000000e+00 : f32
      %broadcast_in_dim3A_468 = vector.broadcast %jit3A_467 : f32 to vector<62x1xf32>
      %select_n3A_469 = arith.select %eq3A_466, %broadcast_in_dim3A_468, %rsqrt3A : vector<62x1xi1>, vector<62x1xf32>
      %get3A_470 = arith.constant 0 : index
      %get3A_471 = arith.constant 0 : index
      %get3A_472 = vector.load %arg5[%get3A_470, %get3A_471] : memref<1x64xf32, #tpu.memory_space<vmem>>, vector<1x62xf32>
      %abs3A_473 = math.absf %select_n3A_459 : vector<62x1xf32>
      %transpose3A_474 = tpu.transpose %abs3A_473, [1, 0] : vector<62x1xf32> -> vector<1x62xf32>
      %add3A_475 = arith.addf %get3A_472, %transpose3A_474 : vector<1x62xf32>
      %eq3A_476 = arith.constant 0.000000e+00 : f32
      %eq3A_477 = vector.broadcast %eq3A_476 : f32 to vector<1x62xf32>
      %eq3A_478 = arith.cmpf oeq, %add3A_475, %eq3A_477 : vector<1x62xf32>
      %rsqrt3A_479 = math.rsqrt %add3A_475 : vector<1x62xf32>
      %jit3A_480 = arith.constant 0.000000e+00 : f32
      %broadcast_in_dim3A_481 = vector.broadcast %jit3A_480 : f32 to vector<1x62xf32>
      %select_n3A_482 = arith.select %eq3A_478, %broadcast_in_dim3A_481, %rsqrt3A_479 : vector<1x62xi1>, vector<1x62xf32>
      %get3A_483 = arith.constant 0 : index
      %get3A_484 = arith.constant 0 : index
      %get3A_485 = vector.load %arg3[%get3A_483, %get3A_484] : memref<62x62xf32, #tpu.memory_space<vmem>>, vector<62x62xf32>
      %mul3A_486 = vector.broadcast %select_n3A_469 : vector<62x1xf32> to vector<62x62xf32>
      %mul3A_487 = arith.mulf %mul3A_486, %get3A_485 : vector<62x62xf32>
      %mul3A_488 = vector.broadcast %select_n3A_482 : vector<1x62xf32> to vector<62x62xf32>
      %mul3A_489 = arith.mulf %mul3A_487, %mul3A_488 : vector<62x62xf32>
      %mul3A_490 = arith.mulf %select_n3A_469, %select_n3A_469 : vector<62x1xf32>
      %mul3A_491 = arith.mulf %mul3A_490, %select_n3A_459 : vector<62x1xf32>
      %mul3A_492 = vector.broadcast %mul3A_491 : vector<62x1xf32> to vector<62x62xf32>
      %mul3A_493 = arith.mulf %convert_element_type3A_368, %mul3A_492 : vector<62x62xf32>
      %add3A_494 = arith.addf %mul3A_489, %mul3A_493 : vector<62x62xf32>
      %dot_general3A_495 = arith.constant dense<0.000000e+00> : vector<62x62xf32>
      %dot_general3A_496 = tpu.matmul %add3A_494, %add3A_494, %dot_general3A_495 {dimension_numbers = #tpu.dot_dimension_numbers<[1], [0], [0], [1], [0, 0, 1, 1], [], []>, transpose_lhs_hint = false} : vector<62x62xf32>, vector<62x62xf32>, vector<62x62xf32> -> vector<62x62xf32>
      %iota3A_497 = tpu.iota {dimensions = array<i32: 0>} : vector<310x62xi32>
      %jit3A_498 = arith.constant 5 : i32
      %div3A = vector.broadcast %jit3A_498 : i32 to vector<310x62xi32>
      %div3A_499 = arith.divsi %iota3A_497, %div3A : vector<310x62xi32>
      %sign3A = arith.constant 0 : i32
      %sign3A_500 = vector.broadcast %sign3A : i32 to vector<310x62xi32>
      %sign3A_501 = arith.cmpi sgt, %iota3A_497, %sign3A_500 : vector<310x62xi32>
      %sign3A_502 = arith.extui %sign3A_501 : vector<310x62xi1> to vector<310x62xi32>
      %sign3A_503 = arith.constant 0 : i32
      %sign3A_504 = vector.broadcast %sign3A_503 : i32 to vector<310x62xi32>
      %sign3A_505 = arith.cmpi slt, %iota3A_497, %sign3A_504 : vector<310x62xi32>
      %sign3A_506 = arith.extui %sign3A_505 : vector<310x62xi1> to vector<310x62xi32>
      %sign3A_507 = arith.subi %sign3A_502, %sign3A_506 : vector<310x62xi32>
      %sign3A_508 = arith.constant 0 : i32
      %sign3A_509 = arith.cmpi sgt, %jit3A_498, %sign3A_508 : i32
      %sign3A_510 = arith.extui %sign3A_509 : i1 to i32
      %sign3A_511 = arith.constant 0 : i32
      %sign3A_512 = arith.cmpi slt, %jit3A_498, %sign3A_511 : i32
      %sign3A_513 = arith.extui %sign3A_512 : i1 to i32
      %sign3A_514 = arith.subi %sign3A_510, %sign3A_513 : i32
      %ne3A_515 = vector.broadcast %sign3A_514 : i32 to vector<310x62xi32>
      %ne3A_516 = arith.cmpi ne, %sign3A_507, %ne3A_515 : vector<310x62xi32>
      %rem3A_517 = vector.broadcast %jit3A_498 : i32 to vector<310x62xi32>
      %rem3A_518 = arith.remsi %iota3A_497, %rem3A_517 : vector<310x62xi32>
      %ne3A_519 = arith.constant 0 : i32
      %ne3A_520 = vector.broadcast %ne3A_519 : i32 to vector<310x62xi32>
      %ne3A_521 = arith.cmpi ne, %rem3A_518, %ne3A_520 : vector<310x62xi32>
      %and3A_522 = arith.andi %ne3A_516, %ne3A_521 : vector<310x62xi1>
      %sub3A_523 = arith.constant 1 : i32
      %sub3A_524 = vector.broadcast %sub3A_523 : i32 to vector<310x62xi32>
      %sub3A_525 = arith.subi %div3A_499, %sub3A_524 : vector<310x62xi32>
      %select_n3A_526 = arith.select %and3A_522, %sub3A_525, %div3A_499 : vector<310x62xi1>, vector<310x62xi32>
      %iota3A_527 = tpu.iota {dimensions = array<i32: 1>} : vector<310x62xi32>
      %eq3A_528 = arith.cmpi eq, %select_n3A_526, %iota3A_527 : vector<310x62xi32>
      %convert_element_type3A_529 = arith.extui %eq3A_528 : vector<310x62xi1> to vector<310x62xi32>
      %convert_element_type3A_530 = arith.sitofp %convert_element_type3A_529 : vector<310x62xi32> to vector<310x62xf32>
      %iota3A_531 = tpu.iota {dimensions = array<i32: 0>} : vector<62x3968xi32>
      %iota3A_532 = tpu.iota {dimensions = array<i32: 1>} : vector<62x3968xi32>
      %jit3A_533 = arith.constant 64 : i32
      %div3A_534 = vector.broadcast %jit3A_533 : i32 to vector<62x3968xi32>
      %div3A_535 = arith.divsi %iota3A_532, %div3A_534 : vector<62x3968xi32>
      %sign3A_536 = arith.constant 0 : i32
      %sign3A_537 = vector.broadcast %sign3A_536 : i32 to vector<62x3968xi32>
      %sign3A_538 = arith.cmpi sgt, %iota3A_532, %sign3A_537 : vector<62x3968xi32>
      %sign3A_539 = arith.extui %sign3A_538 : vector<62x3968xi1> to vector<62x3968xi32>
      %sign3A_540 = arith.constant 0 : i32
      %sign3A_541 = vector.broadcast %sign3A_540 : i32 to vector<62x3968xi32>
      %sign3A_542 = arith.cmpi slt, %iota3A_532, %sign3A_541 : vector<62x3968xi32>
      %sign3A_543 = arith.extui %sign3A_542 : vector<62x3968xi1> to vector<62x3968xi32>
      %sign3A_544 = arith.subi %sign3A_539, %sign3A_543 : vector<62x3968xi32>
      %sign3A_545 = arith.constant 0 : i32
      %sign3A_546 = arith.cmpi sgt, %jit3A_533, %sign3A_545 : i32
      %sign3A_547 = arith.extui %sign3A_546 : i1 to i32
      %sign3A_548 = arith.constant 0 : i32
      %sign3A_549 = arith.cmpi slt, %jit3A_533, %sign3A_548 : i32
      %sign3A_550 = arith.extui %sign3A_549 : i1 to i32
      %sign3A_551 = arith.subi %sign3A_547, %sign3A_550 : i32
      %ne3A_552 = vector.broadcast %sign3A_551 : i32 to vector<62x3968xi32>
      %ne3A_553 = arith.cmpi ne, %sign3A_544, %ne3A_552 : vector<62x3968xi32>
      %rem3A_554 = vector.broadcast %jit3A_533 : i32 to vector<62x3968xi32>
      %rem3A_555 = arith.remsi %iota3A_532, %rem3A_554 : vector<62x3968xi32>
      %ne3A_556 = arith.constant 0 : i32
      %ne3A_557 = vector.broadcast %ne3A_556 : i32 to vector<62x3968xi32>
      %ne3A_558 = arith.cmpi ne, %rem3A_555, %ne3A_557 : vector<62x3968xi32>
      %and3A_559 = arith.andi %ne3A_553, %ne3A_558 : vector<62x3968xi1>
      %sub3A_560 = arith.constant 1 : i32
      %sub3A_561 = vector.broadcast %sub3A_560 : i32 to vector<62x3968xi32>
      %sub3A_562 = arith.subi %div3A_535, %sub3A_561 : vector<62x3968xi32>
      %select_n3A_563 = arith.select %and3A_559, %sub3A_562, %div3A_535 : vector<62x3968xi1>, vector<62x3968xi32>
      %eq3A_564 = arith.cmpi eq, %iota3A_531, %select_n3A_563 : vector<62x3968xi32>
      %convert_element_type3A_565 = arith.extui %eq3A_564 : vector<62x3968xi1> to vector<62x3968xi32>
      %convert_element_type3A_566 = arith.sitofp %convert_element_type3A_565 : vector<62x3968xi32> to vector<62x3968xf32>
      %transpose3A_567 = tpu.transpose %dot_general3A_496, [1, 0] : vector<62x62xf32> -> vector<62x62xf32>
      %dot_general3A_568 = arith.constant dense<0.000000e+00> : vector<310x62xf32>
      %dot_general3A_569 = tpu.matmul %convert_element_type3A_530, %transpose3A_567, %dot_general3A_568 {dimension_numbers = #tpu.dot_dimension_numbers<[1], [0], [0], [1], [0, 0, 1, 1], [], []>, transpose_lhs_hint = false} : vector<310x62xf32>, vector<62x62xf32>, vector<310x62xf32> -> vector<310x62xf32>
      %dot_general3A_570 = arith.constant dense<0.000000e+00> : vector<310x3968xf32>
      %dot_general3A_571 = tpu.matmul %dot_general3A_569, %convert_element_type3A_566, %dot_general3A_570 {dimension_numbers = #tpu.dot_dimension_numbers<[1], [0], [0], [1], [0, 0, 1, 1], [], []>, transpose_lhs_hint = false} : vector<310x62xf32>, vector<62x3968xf32>, vector<310x3968xf32> -> vector<310x3968xf32>
      %iota3A_572 = tpu.iota {dimensions = array<i32: 0>} : vector<310x5xi32>
      %jit3A_573 = arith.constant 5 : i32
      %eq3A_574 = arith.constant 0 : i32
      %eq3A_575 = arith.cmpi eq, %jit3A_573, %eq3A_574 : i32
      %jit3A_576 = arith.constant 1 : i32
      %select_n3A_577 = arith.select %eq3A_575, %jit3A_576, %jit3A_573 : i32
      %rem3A_578 = vector.broadcast %select_n3A_577 : i32 to vector<310x5xi32>
      %rem3A_579 = arith.remsi %iota3A_572, %rem3A_578 : vector<310x5xi32>
      %ne3A_580 = arith.constant 0 : i32
      %ne3A_581 = vector.broadcast %ne3A_580 : i32 to vector<310x5xi32>
      %ne3A_582 = arith.cmpi ne, %rem3A_579, %ne3A_581 : vector<310x5xi32>
      %lt3A_583 = arith.constant 0 : i32
      %lt3A_584 = vector.broadcast %lt3A_583 : i32 to vector<310x5xi32>
      %lt3A_585 = arith.cmpi slt, %rem3A_579, %lt3A_584 : vector<310x5xi32>
      %lt3A_586 = arith.constant 0 : i32
      %lt3A_587 = arith.cmpi slt, %select_n3A_577, %lt3A_586 : i32
      %ne3A_588 = vector.broadcast %lt3A_587 : i1 to vector<310x5xi1>
      %ne3A_589 = vector.broadcast %ne3A_588 : vector<310x5xi1> to vector<310x5xi1>
      %ne3A_590 = arith.xori %lt3A_585, %ne3A_589 : vector<310x5xi1>
      %and3A_591 = arith.andi %ne3A_590, %ne3A_582 : vector<310x5xi1>
      %add3A_592 = vector.broadcast %select_n3A_577 : i32 to vector<310x5xi32>
      %add3A_593 = arith.addi %rem3A_579, %add3A_592 : vector<310x5xi32>
      %select_n3A_594 = arith.select %and3A_591, %add3A_593, %rem3A_579 : vector<310x5xi1>, vector<310x5xi32>
      %iota3A_595 = tpu.iota {dimensions = array<i32: 1>} : vector<310x5xi32>
      %eq3A_596 = arith.cmpi eq, %select_n3A_594, %iota3A_595 : vector<310x5xi32>
      %convert_element_type3A_597 = arith.extui %eq3A_596 : vector<310x5xi1> to vector<310x5xi32>
      %convert_element_type3A_598 = arith.sitofp %convert_element_type3A_597 : vector<310x5xi32> to vector<310x5xf32>
      %iota3A_599 = tpu.iota {dimensions = array<i32: 0>} : vector<64x3968xi32>
      %iota3A_600 = tpu.iota {dimensions = array<i32: 1>} : vector<64x3968xi32>
      %jit3A_601 = arith.constant 64 : i32
      %eq3A_602 = arith.constant 0 : i32
      %eq3A_603 = arith.cmpi eq, %jit3A_601, %eq3A_602 : i32
      %jit3A_604 = arith.constant 1 : i32
      %select_n3A_605 = arith.select %eq3A_603, %jit3A_604, %jit3A_601 : i32
      %rem3A_606 = vector.broadcast %select_n3A_605 : i32 to vector<64x3968xi32>
      %rem3A_607 = arith.remsi %iota3A_600, %rem3A_606 : vector<64x3968xi32>
      %ne3A_608 = arith.constant 0 : i32
      %ne3A_609 = vector.broadcast %ne3A_608 : i32 to vector<64x3968xi32>
      %ne3A_610 = arith.cmpi ne, %rem3A_607, %ne3A_609 : vector<64x3968xi32>
      %lt3A_611 = arith.constant 0 : i32
      %lt3A_612 = vector.broadcast %lt3A_611 : i32 to vector<64x3968xi32>
      %lt3A_613 = arith.cmpi slt, %rem3A_607, %lt3A_612 : vector<64x3968xi32>
      %lt3A_614 = arith.constant 0 : i32
      %lt3A_615 = arith.cmpi slt, %select_n3A_605, %lt3A_614 : i32
      %ne3A_616 = vector.broadcast %lt3A_615 : i1 to vector<64x3968xi1>
      %ne3A_617 = vector.broadcast %ne3A_616 : vector<64x3968xi1> to vector<64x3968xi1>
      %ne3A_618 = arith.xori %lt3A_613, %ne3A_617 : vector<64x3968xi1>
      %and3A_619 = arith.andi %ne3A_618, %ne3A_610 : vector<64x3968xi1>
      %add3A_620 = vector.broadcast %select_n3A_605 : i32 to vector<64x3968xi32>
      %add3A_621 = arith.addi %rem3A_607, %add3A_620 : vector<64x3968xi32>
      %select_n3A_622 = arith.select %and3A_619, %add3A_621, %rem3A_607 : vector<64x3968xi1>, vector<64x3968xi32>
      %eq3A_623 = arith.cmpi eq, %iota3A_599, %select_n3A_622 : vector<64x3968xi32>
      %convert_element_type3A_624 = arith.extui %eq3A_623 : vector<64x3968xi1> to vector<64x3968xi32>
      %convert_element_type3A_625 = arith.sitofp %convert_element_type3A_624 : vector<64x3968xi32> to vector<64x3968xf32>
      %get3A_626 = arith.constant 0 : index
      %get3A_627 = arith.constant 0 : index
      %get3A_628 = vector.load %arg6[%get3A_626, %get3A_627] : memref<5x64xf32, #tpu.memory_space<vmem>>, vector<5x64xf32>
      %dot_general3A_629 = arith.constant dense<0.000000e+00> : vector<310x64xf32>
      %dot_general3A_630 = tpu.matmul %convert_element_type3A_598, %get3A_628, %dot_general3A_629 {dimension_numbers = #tpu.dot_dimension_numbers<[1], [0], [0], [1], [0, 0, 1, 1], [], []>, transpose_lhs_hint = false} : vector<310x5xf32>, vector<5x64xf32>, vector<310x64xf32> -> vector<310x64xf32>
      %dot_general3A_631 = arith.constant dense<0.000000e+00> : vector<310x3968xf32>
      %dot_general3A_632 = tpu.matmul %dot_general3A_630, %convert_element_type3A_625, %dot_general3A_631 {dimension_numbers = #tpu.dot_dimension_numbers<[1], [0], [0], [1], [0, 0, 1, 1], [], []>, transpose_lhs_hint = false} : vector<310x64xf32>, vector<64x3968xf32>, vector<310x3968xf32> -> vector<310x3968xf32>
      %mul3A_633 = arith.mulf %dot_general3A_571, %dot_general3A_632 : vector<310x3968xf32>
      %swap3A_634 = arith.constant 0 : index
      %swap3A_635 = arith.constant 0 : index
      %swap3A_636 = vector.load %arg12[%swap3A_634, %swap3A_635] : memref<310x3968xf32, #tpu.memory_space<vmem>>, vector<310x3968xf32>
      tpu.vector_store %arg12[%swap3A_634, %swap3A_635], %mul3A_633 {strides = array<i32>} : memref<310x3968xf32, #tpu.memory_space<vmem>>, vector<310x3968xf32>,
    } else {
    }
    %iota3A = tpu.iota {dimensions = array<i32: 0>} : vector<3968x64xi32>
    %jit3A = arith.constant 64 : i32
    %eq3A_2 = arith.constant 0 : i32
    %eq3A_3 = arith.cmpi eq, %jit3A, %eq3A_2 : i32
    %jit3A_4 = arith.constant 1 : i32
    %select_n3A = arith.select %eq3A_3, %jit3A_4, %jit3A : i32
    %rem3A = vector.broadcast %select_n3A : i32 to vector<3968x64xi32>
    %rem3A_5 = arith.remsi %iota3A, %rem3A : vector<3968x64xi32>
    %ne3A = arith.constant 0 : i32
    %ne3A_6 = vector.broadcast %ne3A : i32 to vector<3968x64xi32>
    %ne3A_7 = arith.cmpi ne, %rem3A_5, %ne3A_6 : vector<3968x64xi32>
    %lt3A = arith.constant 0 : i32
    %lt3A_8 = vector.broadcast %lt3A : i32 to vector<3968x64xi32>
    %lt3A_9 = arith.cmpi slt, %rem3A_5, %lt3A_8 : vector<3968x64xi32>
    %lt3A_10 = arith.constant 0 : i32
    %lt3A_11 = arith.cmpi slt, %select_n3A, %lt3A_10 : i32
    %ne3A_12 = vector.broadcast %lt3A_11 : i1 to vector<3968x64xi1>
    %ne3A_13 = vector.broadcast %ne3A_12 : vector<3968x64xi1> to vector<3968x64xi1>
    %ne3A_14 = arith.xori %lt3A_9, %ne3A_13 : vector<3968x64xi1>
    %and3A = arith.andi %ne3A_14, %ne3A_7 : vector<3968x64xi1>
    %add3A = vector.broadcast %select_n3A : i32 to vector<3968x64xi32>
    %add3A_15 = arith.addi %rem3A_5, %add3A : vector<3968x64xi32>
    %select_n3A_16 = arith.select %and3A, %add3A_15, %rem3A_5 : vector<3968x64xi1>, vector<3968x64xi32>
    %iota3A_17 = tpu.iota {dimensions = array<i32: 1>} : vector<3968x64xi32>
    %eq3A_18 = arith.cmpi eq, %select_n3A_16, %iota3A_17 : vector<3968x64xi32>
    %convert_element_type3A_19 = arith.extui %eq3A_18 : vector<3968x64xi1> to vector<3968x64xi32>
    %convert_element_type3A_20 = arith.sitofp %convert_element_type3A_19 : vector<3968x64xi32> to vector<3968x64xf32>
    %get3A = arith.constant 0 : index
    %get3A_21 = arith.constant 0 : index
    %get3A_22 = vector.load %arg7[%get3A, %get3A_21] : memref<1x64xf32, #tpu.memory_space<vmem>>, vector<1x64xf32>
    %dot_general3A = arith.constant dense<0.000000e+00> : vector<1x3968xf32>
    %dot_general3A_23 = tpu.matmul %get3A_22, %convert_element_type3A_20, %dot_general3A {dimension_numbers = #tpu.dot_dimension_numbers<[1], [1], [0], [0], [0, 0, 1, 0], [], []>, transpose_lhs_hint = false} : vector<1x64xf32>, vector<3968x64xf32>, vector<1x3968xf32> -> vector<1x3968xf32>
    %get3A_24 = arith.constant 0 : index
    %get3A_25 = arith.constant 0 : index
    %get3A_26 = vector.load %arg8[%get3A_24, %get3A_25] : memref<64x3xf32, #tpu.memory_space<vmem>>, vector<64x3xf32>
    %dot_general3A_27 = arith.constant dense<0.000000e+00> : vector<3968x3xf32>
    %dot_general3A_28 = tpu.matmul %convert_element_type3A_20, %get3A_26, %dot_general3A_27 {dimension_numbers = #tpu.dot_dimension_numbers<[1], [0], [0], [1], [0, 0, 1, 1], [], []>, transpose_lhs_hint = false} : vector<3968x64xf32>, vector<64x3xf32>, vector<3968x3xf32> -> vector<3968x3xf32>
    %get3A_29 = arith.constant 0 : index
    %get3A_30 = arith.constant 0 : index
    %get3A_31 = vector.load %arg10[%get3A_29, %get3A_30] : memref<1024x310xf32, #tpu.memory_space<vmem>>, vector<1024x310xf32>
    %get3A_32 = arith.constant 0 : index
    %get3A_33 = arith.constant 0 : index
    %get3A_34 = vector.load %arg12[%get3A_32, %get3A_33] : memref<310x3968xf32, #tpu.memory_space<vmem>>, vector<310x3968xf32>
    %dot_general3A_35 = arith.constant dense<0.000000e+00> : vector<1024x3968xf32>
    %dot_general3A_36 = tpu.matmul %get3A_31, %get3A_34, %dot_general3A_35 {dimension_numbers = #tpu.dot_dimension_numbers<[1], [0], [0], [1], [0, 0, 1, 1], [], []>, transpose_lhs_hint = false} : vector<1024x310xf32>, vector<310x3968xf32>, vector<1024x3968xf32> -> vector<1024x3968xf32>
    %add3A_37 = vector.broadcast %dot_general3A_23 : vector<1x3968xf32> to vector<1024x3968xf32>
    %add3A_38 = arith.addf %dot_general3A_36, %add3A_37 : vector<1024x3968xf32>
    %max3A = arith.constant 0.000000e+00 : f32
    %max3A_39 = vector.broadcast %max3A : f32 to vector<1024x3968xf32>
    %max3A_40 = arith.maximumf %add3A_38, %max3A_39 : vector<1024x3968xf32>
    %dot_general3A_41 = arith.constant dense<0.000000e+00> : vector<1024x3xf32>
    %dot_general3A_42 = tpu.matmul %max3A_40, %dot_general3A_28, %dot_general3A_41 {dimension_numbers = #tpu.dot_dimension_numbers<[1], [0], [0], [1], [0, 0, 1, 1], [], []>, transpose_lhs_hint = false} : vector<1024x3968xf32>, vector<3968x3xf32>, vector<1024x3xf32> -> vector<1024x3xf32>
    %get3A_43 = arith.constant 0 : index
    %get3A_44 = arith.constant 0 : index
    %get3A_45 = vector.load %arg9[%get3A_43, %get3A_44] : memref<1x3xf32, #tpu.memory_space<vmem>>, vector<1x3xf32>
    %add3A_46 = vector.broadcast %get3A_45 : vector<1x3xf32> to vector<1024x3xf32>
    %add3A_47 = arith.addf %dot_general3A_42, %add3A_46 : vector<1024x3xf32>
    %swap3A = arith.constant 0 : index
    %swap3A_48 = arith.constant 0 : index
    %swap3A_49 = vector.load %arg11[%swap3A, %swap3A_48] : memref<1024x3xf32, #tpu.memory_space<vmem>>, vector<1024x3xf32>
    tpu.vector_store %arg11[%swap3A, %swap3A_48], %add3A_47 {strides = array<i32>} : memref<1024x3xf32, #tpu.memory_space<vmem>>, vector<1024x3xf32>,
    return
  }
  func.func @transform_0(%arg0: i32) -> (i32, i32) {
    %c0_i32 = arith.constant 0 : i32
    %c0_i32_0 = arith.constant 0 : i32
    %c0_i32_1 = arith.constant 0 : i32
    return %c0_i32, %c0_i32_0 : i32, i32
  }
  func.func @transform_1(%arg0: i32) -> (i32, i32) {
    %c0_i32 = arith.constant 0 : i32
    %c0_i32_0 = arith.constant 0 : i32
    %c0_i32_1 = arith.constant 0 : i32
    return %c0_i32, %c0_i32_0 : i32, i32
  }
  func.func @transform_2(%arg0: i32) -> (i32, i32) {
    %c0_i32 = arith.constant 0 : i32
    %c0_i32_0 = arith.constant 0 : i32
    %c0_i32_1 = arith.constant 0 : i32
    return %c0_i32, %c0_i32_0 : i32, i32
  }
  func.func @transform_3(%arg0: i32) -> (i32, i32) {
    %c0_i32 = arith.constant 0 : i32
    %c0_i32_0 = arith.constant 0 : i32
    %c0_i32_1 = arith.constant 0 : i32
    return %c0_i32, %c0_i32_0 : i32, i32
  }
  func.func @transform_4(%arg0: i32) -> (i32, i32) {
    %c0_i32 = arith.constant 0 : i32
    %c0_i32_0 = arith.constant 0 : i32
    %c0_i32_1 = arith.constant 0 : i32
    return %c0_i32, %c0_i32_0 : i32, i32
  }
  func.func @transform_5(%arg0: i32) -> (i32, i32) {
    %c0_i32 = arith.constant 0 : i32
    %c0_i32_0 = arith.constant 0 : i32
    %c0_i32_1 = arith.constant 0 : i32
    return %c0_i32, %c0_i32_0 : i32, i32
  }
  func.func @transform_6(%arg0: i32) -> (i32, i32) {
    %c0_i32 = arith.constant 0 : i32
    %c0_i32_0 = arith.constant 0 : i32
    %c0_i32_1 = arith.constant 0 : i32
    return %c0_i32, %c0_i32_0 : i32, i32
  }
  func.func @transform_7(%arg0: i32) -> (i32, i32) {
    %c0_i32 = arith.constant 0 : i32
    %c0_i32_0 = arith.constant 0 : i32
    %c0_i32_1 = arith.constant 0 : i32
    return %c0_i32, %c0_i32_0 : i32, i32
  }
  func.func @transform_8(%arg0: i32) -> (i32, i32) {
    %c0_i32 = arith.constant 0 : i32
    %c0_i32_0 = arith.constant 0 : i32
    %c0_i32_1 = arith.constant 0 : i32
    return %c0_i32, %c0_i32_0 : i32, i32
  }
  func.func @transform_9(%arg0: i32) -> (i32, i32) {
    %c0_i32 = arith.constant 0 : i32
    %c0_i32_0 = arith.constant 0 : i32
    return %arg0, %c0_i32 : i32, i32
  }
  func.func @transform_10(%arg0: i32) -> (i32, i32) {
    %c0_i32 = arith.constant 0 : i32
    %c0_i32_0 = arith.constant 0 : i32
    return %arg0, %c0_i32 : i32, i32
  }
}

</mosaic_0001>

<sc_bundles>
// kernel: kernel.4.cloned.1.call-start
scs
__scs_entry_jumppad:
0x0: {  	(pc) =	sbr.rel $0x88, $3  }
0x1: {  	(tag) =	ssettag $0x0;
	lr =	simm.s32 $0x1  }
0x2: {  	[smem:$0x3F9A] =	sst lr;
	_ =	strace $0xD0000000  }
0x3: {  	_ = 	snop  }
0x4: {  	_ = 	snop  }
0x5: {  	_ = 	snop  }
0x6: {  	_ = 	snop  }
0x7: {  	_ = 	snop  }
__scs_overlays_trampoline_lowered:
0x8: {  	[smem:$0x3FA9] =	sst s0  }
0x9: {  	[smem:$0x3FAA] =	sst s1  }
0xa: {  	[smem:$0x3FAB] =	sst s2  }
0xb: {  	[smem:$0x3FAC] =	sst s3  }
0xc: {  	[smem:$0x3FAD] =	sst s4  }
0xd: {  	[smem:$0x3FAE] =	sst s5  }
0xe: {  	[smem:$0x3FAF] =	sst s6  }
0xf: {  	[smem:$0x3FB0] =	sst s7  }
0x10: {  	[smem:$0x3FB1] =	sst s8  }
0x11: {  	[smem:$0x3FB2] =	sst s9;
	s0 =	simm.s32 @!p0 $0x0  }
0x12: {  	s1 =	sld [smem:$0x3F98];
	s0 =	simm.s32 @p0 $0x1  }
0x13: {  	[smem:$0x3FB3] =	sst s0;
	s0 =	simm.s32 @!p1 $0x0  }
0x14: {  	s2 =	sld [smem:$0x3F97];
	s0 =	simm.s32 @p1 $0x1  }
0x15: {  	[smem:$0x3FB4] =	sst s0;
	s0 =	simm.s32 @!p2 $0x0  }
0x16: {  	s3 =	sld [smem:$0x3FDB];
	s0 =	simm.s32 @p2 $0x1  }
0x17: {  	s4 =	simm.s32 $0x1BF5;
	[smem:$0x3FB6] =	sst s0  }
0x18: {  	s0 =	sld [smem:$0x3F99];
	_ =	swait.ge [sflag:s4], $0x0  }
0x19: {  	s7 =	sld [smem:$0x3F9A]  }
0x1a: {  	s8 =	sadd.s32 $0xFFFFE003, lr  }
0x1b: {  	s9 =	sadd.s32 $0xFFFFFEF7, lr;
	s5 =	simm.s32 $0xFFFFFFFF;
	p2 =	slt.u32 s8, $0xFFFFF086  }
0x1c: {  	p1 =	slt.u32 s9, $0xF7A;
	s5 =	simm.s32 @!p2 $0x0  }
0x1d: {  	s5 =	simm.s32 @p1 $0x1;
	p0 =	seq.s32 s7, s2  }
0x1e: {  	s7 =	smul.u32 @!p0 $0xF7A, s2;
	p2 =	seq.s32 @!p0 s5, $0x0  }
0x1f: {  	s9 =	smul.u32 $0xF7A, s1;
	s8 =	simm.s32 @!p0 $0x1BF5;
	p2 =	por !p2, p0  }
0x20: {  	[sflag:s8] =	ssyncset.s32 @!p0 $0xFFFFF086;
	s6 =	sadd.s32 @!p0 s3, s7;
	s7 =	simm.s32 @!p0 $0x108  }
0x21: {  	s3 =	sadd.s32 s3, s9;
	s6 =	sadd.s32 @!p0 $0x88, s6;
	s7 =	simm.s32 @p2 $0x1082  }
0x22: {  	[simem:s7], [sflag:s8] =	dma.local @!p0 [hbm:s6], $0xF7A  }
0x23: {  	s9 =	sor.u32 $0xD0000000, s2;
	s6 =	simm.s32 $0x108;
	_ =	swait.ge @!p0 [sflag:s8], $0x0  }
0x24: {  	s3 =	sadd.s32 $0x88, s3;
	s6 =	simm.s32 @!p1 $0x1082;
	[sflag:s4] =	ssyncset.s32 $0xFFFFF086  }
0x25: {  	[simem:s6], [sflag:s4] =	dma.local [hbm:s3], $0xF7A  }
0x26: {  	[smem:$0x3F9A] =	sst s1;
	(tag) =	ssettag s2;
	_ =	strace s9  }
0x27: {  	s1 =	sld [smem:$0x3FAA]  }
0x28: {  	s2 =	sld [smem:$0x3FAB]  }
0x29: {  	s4 =	sld [smem:$0x3FAD]  }
0x2a: {  	p0 =	seq.s32 s5, $0x0;
	s5 =	sld [smem:$0x3FAE]  }
0x2b: {  	s6 =	sld [smem:$0x3FAF]  }
0x2c: {  	s7 =	sld [smem:$0x3FB0]  }
0x2d: {  	s3 =	simm.s32 $0x108;
	s8 =	sld [smem:$0x3FB1]  }
0x2e: {  	s3 =	simm.s32 @!p0 $0x1082;
	s9 =	sld [smem:$0x3FB2]  }
0x2f: {  	lr =	sadd.s32 s0, s3;
	s0 =	sld [smem:$0x3FA9]  }
0x30: {  	s3 =	sld [smem:$0x3FAC]  }
0x31: {  	[smem:$0x3FB5] =	sst s10  }
0x32: {  	s10 =	sld [smem:$0x3FB3];
	_ =	sdelay $0x3  }
0x33: {  	p0 =	seq.s32 s10, $0x1;
	s10 =	sld [smem:$0x3FB5];
	_ =	sdelay $0x3  }
0x34: {  	[smem:$0x3FB5] =	sst s10  }
0x35: {  	s10 =	sld [smem:$0x3FB4];
	_ =	sdelay $0x3  }
0x36: {  	p1 =	seq.s32 s10, $0x1;
	s10 =	sld [smem:$0x3FB5];
	_ =	sdelay $0x3  }
0x37: {  	[smem:$0x3FB5] =	sst s10  }
0x38: {  	s10 =	sld [smem:$0x3FB6]  }
0x39: {  	_ = 	snop;
	(pc) =	sbr.ind lr, $3  }
0x3a: {  	_ = 	snop  }
0x3b: {  	_ = 	snop  }
0x3c: {  	p2 =	seq.s32 s10, $0x1;
	s10 =	sld [smem:$0x3FB5]  }
0x3d: {  	_ =	shalt  }
0x3e: {  	_ =	shalt  }
0x3f: {  	_ =	shalt  }
0x40: {  	_ =	shalt  }
0x41: {  	_ =	shalt  }
0x42: {  	_ =	shalt  }
0x43: {  	_ =	shalt  }
0x44: {  	_ =	shalt  }
0x45: {  	_ =	shalt  }
0x46: {  	_ =	shalt  }
0x47: {  	_ =	shalt  }
0x48: {  	_ =	shalt  }
0x49: {  	_ =	shalt  }
0x4a: {  	_ =	shalt  }
0x4b: {  	_ =	shalt  }
0x4c: {  	_ =	shalt  }
0x4d: {  	_ =	shalt  }
0x4e: {  	_ =	shalt  }
0x4f: {  	_ =	shalt  }
0x50: {  	_ =	shalt  }
0x51: {  	_ =	shalt  }
0x52: {  	_ =	shalt  }
0x53: {  	_ =	shalt  }
0x54: {  	_ =	shalt  }
0x55: {  	_ =	shalt  }
0x56: {  	_ =	shalt  }
0x57: {  	_ =	shalt  }
0x58: {  	_ =	shalt  }
0x59: {  	_ =	shalt  }
0x5a: {  	_ =	shalt  }
0x5b: {  	_ =	shalt  }
0x5c: {  	_ =	shalt  }
0x5d: {  	_ =	shalt  }
0x5e: {  	_ =	shalt  }
0x5f: {  	_ =	shalt  }
0x60: {  	_ =	shalt  }
0x61: {  	_ =	shalt  }
0x62: {  	_ =	shalt  }
0x63: {  	_ =	shalt  }
0x64: {  	_ =	shalt  }
0x65: {  	_ =	shalt  }
0x66: {  	_ =	shalt  }
0x67: {  	_ =	shalt  }
0x68: {  	_ =	shalt  }
0x69: {  	_ =	shalt  }
0x6a: {  	_ =	shalt  }
0x6b: {  	_ =	shalt  }
0x6c: {  	_ =	shalt  }
0x6d: {  	_ =	shalt  }
0x6e: {  	_ =	shalt  }
0x6f: {  	_ =	shalt  }
0x70: {  	_ =	shalt  }
0x71: {  	_ =	shalt  }
0x72: {  	_ =	shalt  }
0x73: {  	_ =	shalt  }
0x74: {  	_ =	shalt  }
0x75: {  	_ =	shalt  }
0x76: {  	_ =	shalt  }
0x77: {  	_ =	shalt  }
0x78: {  	_ =	shalt  }
0x79: {  	_ =	shalt  }
0x7a: {  	_ =	shalt  }
0x7b: {  	_ =	shalt  }
0x7c: {  	_ =	shalt  }
0x7d: {  	_ =	shalt  }
0x7e: {  	_ =	shalt  }
0x7f: {  	_ =	shalt  }
0x80: {  	_ =	shalt  }
0x81: {  	_ =	shalt  }
0x82: {  	_ =	shalt  }
0x83: {  	_ =	shalt  }
0x84: {  	_ =	shalt  }
0x85: {  	_ =	shalt  }
0x86: {  	_ =	shalt  }
0x87: {  	_ =	shalt  }
.Lfunc_end0:
.L_simem_size_0:
called_computation_lowered:
.L_overlay_start_0:
0x88: {  	s2 =	sld [smem:$0x3FD9]  }
0x89: {  	s3 =	sld [smem:$0x3FFE];
	_ =	sdelay $0x1  }
0x8a: {  	s1 =	srdreg.scid  }
0x8b: {  	s0 =	sand.u32 $0x1, s1  }
0x8c: {  	s17 =	sshll.u32 s0, $0xA;
	s2 =	sadd.s32 s3, s2  }
0x8d: {  	s2 =	sadd.s32 s2, s17  }
0x8e: {  	[smem:$0x3FC1] =	sst s2  }
0x8f: {  	_ = 	snop  }
0x90: {  	s2 =	sld [smem:$0x3FD0];
	(tm) =	ssettm $0x1  }
0x91: {  	s18 =	sld [smem:$0x3FFB];
	_ =	sdelay $0x3  }
0x92: {  	_ =	strace s18  }
0x93: {  	s3 =	sld [smem:$0x3FFC];
	_ =	sdelay $0x3  }
0x94: {  	_ =	strace s3  }
0x95: {  	s3 =	sld [smem:$0x3FFD];
	_ =	sdelay $0x3  }
0x96: {  	_ =	strace s3  }
0x97: {  	_ =	strace $0x8FFFFFFF  }
0x98: {  	s19 =	sld [smem:$0x3FDB];
	_ =	sdelay $0x1  }
0x99: {  	s4 =	simm.s32 $_scs_section_size  }
0x9a: {  	s5 =	simm.s32 $_size__tile_overlayer_lowered;
	s6 =	simm.s32 $_tile_overlayer_lowered  }
0x9b: {  	s22 =	simm.s32 $0x1BFF;
	s21 =	sshll.u32 s6, $0x1;
	s3 =	sadd.s32 s4, s19  }
0x9c: {  	s7 =	simm.s32 $0x0;
	s20 =	sshll.u32 s5, $0x1;
	s5 =	sadd.s32 s21, s3  }
0x9d: {  	[timem:s7], [sflag:s22] =	dma.local [hbm:s5], s20  }
0x9e: {  	_ =	swait.ge [sflag:s22], s20  }
0x9f: {  	s4 =	ssub.s32 $0x0, s20;
	[sflag:s22] =	ssyncset.done $0x0  }
0xa0: {  	[sflag:s22] =	ssyncadd.s32 s4;
	_ =	sdelay $0x1  }
0xa1: {  	s23 =	simm.s32 $0x1B8B  }
0xa2: {  	_ =	swait.ge [sflag:s23], $0x1  }
0xa3: {  	[sflag:s23] =	ssyncset.done $0x0  }
0xa4: {  	s25 =	simm.s32 $0x1B8E;
	s24 =	sld [smem:$0x3FFE];
	[sflag:s23] =	ssyncadd.s32 $0xFFFFFFFF  }
0xa5: {  	s26 =	simm.s32 $execute0_lowered;
	[smem:$0x3FD2] =	sst s25  }
0xa6: {  	s5 =	sshll.u32 s26, $0x1;
	_ =	strace $0x80000046;
	[dreg:$0x1] =	wrdreg $0xFFFFFFFF  }
0xa7: {  	s28 =	simm.s32 $_size_execute0_lowered;
	s3 =	sadd.s32 s3, s5;
	[dreg:$0x0] =	wrdreg $0x0  }
0xa8: {  	s5 =	sshll.u32 s28, $0x1;
	[dreg:$0x2] =	wrdreg s3  }
0xa9: {  	[dreg:$0x3] =	wrdreg s5  }
0xaa: {  	[dreg:$0x4] =	wrdreg $0xC0  }
0xab: {  	_ =	task [dreg:s7], $0x5FFFF  }
0xac: {  	[dreg:$0x1] =	wrdreg $0xFFFFFFFF  }
0xad: {  	[dreg:$0x0] =	wrdreg $0x60  }
0xae: {  	[dreg:$0x2] =	wrdreg s2  }
0xaf: {  	[dreg:$0x3] =	wrdreg s24  }
0xb0: {  	[dreg:$0x4] =	wrdreg $0x77000  }
0xb1: {  	[dreg:$0x5] =	wrdreg $0x77080  }
0xb2: {  	[dreg:$0x6] =	wrdreg $0x9  }
0xb3: {  	_ =	task.clear_ibuf [dreg:s7], $0x7FFFF;
	_ =	strace $0x90000046  }
0xb4: {  	s29 =	simm.s32 $0x9;
	_ =	strace $0x80000048  }
0xb5: {  	_ =	swait.ge [sflag:s29], $0x1  }
0xb6: {  	[sflag:s29] =	ssyncadd.s32 $0xFFFFFFFF  }
0xb7: {  	_ =	strace $0x90000048  }
0xb8: {  	_ =	sfence  }
0xb9: {  	s30 =	sld [smem:$0x0];
	_ =	sdelay $0x2  }
0xba: {  	s31 =	sshll.u32 s1, $0xD;
	s1 =	sshrl.u32 s1, $0x2  }
0xbb: {  	s3 =	sand.u32 $0x4000, s31;
	s1 =	sadd.s32 s1, s30  }
0xbc: {  	s0 =	sor.u32 s3, s0;
	s1 =	sshll.u32 s1, $0x11  }
0xbd: {  	s0 =	sor.u32 s1, s0  }
0xbe: {  	s0 =	sadd.s32 $0x8F2B, s0  }
0xbf: {  	[sflag:s0] =	ssyncadd.remote.s32 $0x1  }
0xc0: {  	_ =	sfence.sel $0xFFFF  }
0xc1: {  	[dreg:$0x0] =	wrdreg $0xFFFFFFFF;
	(pc) =	sbr.abs _section_cstart, $3  }
0xc2: {  	[dreg:$0x1] =	wrdreg $0xFFFFFFFF  }
0xc3: {  	_ =	task.clear_ibuf [dreg:s7], $0x2FFFF;
	_ =	strace $0x9FFFFFFF  }
0xc4: {  	(tm) =	ssettm $0x7FFFFFFF  }
0xc5: {  	_ =	shalt  }
tec
execute0_lowered:
.L_overlay_start_1:
0x0: {  	(tag) =	ssettag $0x1  }
0x1: {  	s1 =	srdreg.scid  }
0x2: {  	s2 =	stileid.u32;
	s1 =	sand.u32 $0x1, s1  }
0x3: {  	s2 =	sshll.u32 s2, $0x1;
	s5 =	ssub.s32 $0x0, s1  }
0x4: {  	p0 =	sne.s32 s2, s5  }
.Ltmp0:
0x5: {  	_ = 	snop;
	(pc) =	sbr.rel @p0 .LBB2_5-.Ltmp0, $4  }
0x6: {  	_ = 	snop  }
0x7: {  	s0 =	rddreg [dreg:$0x1]  }
0x8: {  	s3 =	rddreg [dreg:$0x2]  }
0x9: {  	s4 =	rddreg [dreg:$0x3];
	_ =	strace $0x80000047  }
0xa: {  	s1 =	ssub.s32 $0x2, s1  }
0xb: {  	s5 =	sadd.s32 $0xE00, s0;
	s6 =	sadd.s32 $0x1000, s0;
	s7 =	sadd.s32 $0x1200, s0  }
0xc: {  	s8 =	sadd.s32 $0x1400, s0;
	s10 =	simm.s32 $0x0;
	s11 =	simm.s32 $0x1  }
0xd: {  	s12 =	simm.s32 $0x1F00;
	s13 =	simm.s32 $0x2700;
	s15 =	simm.s32 $0x80  }
0xe: {  	s16 =	simm.s32 $0x3700;
	s17 =	simm.s32 $0x4700;
	s18 =	simm.s32 $0x5700  }
0xf: {  	s19 =	simm.s32 $0x6700;
	s20 =	simm.s32 $0x5580;
	s21 =	simm.s32 $0x6580  }
0x10: {  	v0 =	vlaneseq.u32;
	s22 =	simm.s32 $0x7580;
	s23 =	simm.s32 $0x4600;
	s2 =	sshrl.u32 s1, $0x1  }
0x11: {  	s24 =	simm.s32 $0x5600;
	s25 =	simm.s32 $0x6600;
	v2 =	vmul.u32 $0xFFFFFFFF, v0;
	s31 =	ssub.s32 s1, s2  }
0x12: {  	v1 =	vimm.f32 $0.0e+00;
	v3 =	vimm.s32 $0x0;
	s26 =	simm.s32 $0x7600;
	s28 =	simm.s32 $0x0;
	s9 =	smax.u32 s31, $0x1  }
.LBB2_2:
0x13: {  	s0 =	rddreg [dreg:$0x0]  }
0x14: {  	[tilespmem:s10], [sflag:$0x1] =	stream.linear.gather [hbm4b:s0+s10], $0xF80, $0x38;
	[tilespmem:$0x7800] =	vst v63  }
0x15: {  	_ =	swait.ge [sflag:s11], $0xF80  }
0x16: {  	[sflag:s11] =	ssyncset.done $0x0  }
0x17: {  	s29 =	simm.s32 $0xF80;
	[sflag:s11] =	ssyncadd.s32 $0xFFFFF080  }
0x18: {  	[tilespmem:s29], [sflag:$0x1] =	stream.linear.gather [hbm4b:s5+s10], $0xF80, $0x38;
	[tilespmem:$0x7800] =	vst v63  }
0x19: {  	_ =	swait.ge [sflag:s11], $0xF80  }
0x1a: {  	[sflag:s11] =	ssyncset.done $0x0  }
0x1b: {  	[sflag:s11] =	ssyncadd.s32 $0xFFFFF080  }
0x1c: {  	[tilespmem:s12], [sflag:$0x1] =	stream.linear.gather [hbm4b:s6+s10], $0x800, $0x38;
	[tilespmem:$0x7800] =	vst v63  }
0x1d: {  	_ =	swait.ge [sflag:s11], $0x800  }
0x1e: {  	[sflag:s11] =	ssyncset.done $0x0  }
0x1f: {  	[sflag:s11] =	ssyncadd.s32 $0xFFFFF800  }
0x20: {  	[tilespmem:$0x2700] =	vst v1  }
0x21: {  	[tilespmem:$0x2710] =	vst v1  }
0x22: {  	[tilespmem:$0x2720] =	vst v1  }
0x23: {  	[tilespmem:$0x2730] =	vst v1  }
0x24: {  	[tilespmem:$0x2780] =	vst v1  }
0x25: {  	[tilespmem:$0x2790] =	vst v1  }
0x26: {  	[tilespmem:$0x27A0] =	vst v1  }
0x27: {  	[tilespmem:$0x27B0] =	vst v1  }
0x28: {  	[tilespmem:$0x27C0] =	vst v1  }
0x29: {  	[tilespmem:$0x27D0] =	vst v1  }
0x2a: {  	[tilespmem:$0x27E0] =	vst v1  }
0x2b: {  	[tilespmem:$0x27F0] =	vst v1  }
0x2c: {  	[tilespmem:$0x2800] =	vst v1  }
0x2d: {  	[tilespmem:$0x2810] =	vst v1  }
0x2e: {  	[tilespmem:$0x2820] =	vst v1  }
0x2f: {  	[tilespmem:$0x2830] =	vst v1  }
0x30: {  	[tilespmem:$0x2840] =	vst v1  }
0x31: {  	[tilespmem:$0x2850] =	vst v1  }
0x32: {  	[tilespmem:$0x2860] =	vst v1  }
0x33: {  	[tilespmem:$0x2870] =	vst v1  }
0x34: {  	[tilespmem:$0x2880] =	vst v1  }
0x35: {  	[tilespmem:$0x2890] =	vst v1  }
0x36: {  	[tilespmem:$0x28A0] =	vst v1  }
0x37: {  	[tilespmem:$0x28B0] =	vst v1  }
0x38: {  	[tilespmem:$0x28C0] =	vst v1  }
0x39: {  	[tilespmem:$0x28D0] =	vst v1  }
0x3a: {  	[tilespmem:$0x28E0] =	vst v1  }
0x3b: {  	[tilespmem:$0x28F0] =	vst v1  }
0x3c: {  	[tilespmem:$0x2900] =	vst v1  }
0x3d: {  	[tilespmem:$0x2910] =	vst v1  }
0x3e: {  	[tilespmem:$0x2920] =	vst v1  }
0x3f: {  	[tilespmem:$0x2930] =	vst v1  }
0x40: {  	[tilespmem:$0x2940] =	vst v1  }
0x41: {  	[tilespmem:$0x2950] =	vst v1  }
0x42: {  	[tilespmem:$0x2960] =	vst v1  }
0x43: {  	[tilespmem:$0x2970] =	vst v1  }
0x44: {  	[tilespmem:$0x2980] =	vst v1  }
0x45: {  	[tilespmem:$0x2990] =	vst v1  }
0x46: {  	[tilespmem:$0x29A0] =	vst v1  }
0x47: {  	[tilespmem:$0x29B0] =	vst v1  }
0x48: {  	[tilespmem:$0x29C0] =	vst v1  }
0x49: {  	[tilespmem:$0x29D0] =	vst v1  }
0x4a: {  	[tilespmem:$0x29E0] =	vst v1  }
0x4b: {  	[tilespmem:$0x29F0] =	vst v1  }
0x4c: {  	[tilespmem:$0x2A00] =	vst v1  }
0x4d: {  	[tilespmem:$0x2A10] =	vst v1  }
0x4e: {  	[tilespmem:$0x2A20] =	vst v1  }
0x4f: {  	[tilespmem:$0x2A30] =	vst v1  }
0x50: {  	[tilespmem:$0x2A40] =	vst v1  }
0x51: {  	[tilespmem:$0x2A50] =	vst v1  }
0x52: {  	[tilespmem:$0x2A60] =	vst v1  }
0x53: {  	[tilespmem:$0x2A70] =	vst v1  }
0x54: {  	[tilespmem:$0x2A80] =	vst v1  }
0x55: {  	[tilespmem:$0x2A90] =	vst v1  }
0x56: {  	[tilespmem:$0x2AA0] =	vst v1  }
0x57: {  	[tilespmem:$0x2AB0] =	vst v1  }
0x58: {  	[tilespmem:$0x2AC0] =	vst v1  }
0x59: {  	[tilespmem:$0x2AD0] =	vst v1  }
0x5a: {  	[tilespmem:$0x2AE0] =	vst v1  }
0x5b: {  	[tilespmem:$0x2AF0] =	vst v1  }
0x5c: {  	[tilespmem:$0x2B00] =	vst v1  }
0x5d: {  	[tilespmem:$0x2B10] =	vst v1  }
0x5e: {  	[tilespmem:$0x2B20] =	vst v1  }
0x5f: {  	[tilespmem:$0x2B30] =	vst v1  }
0x60: {  	[tilespmem:$0x2B40] =	vst v1  }
0x61: {  	[tilespmem:$0x2B50] =	vst v1  }
0x62: {  	[tilespmem:$0x2B60] =	vst v1  }
0x63: {  	[tilespmem:$0x2B70] =	vst v1  }
0x64: {  	[tilespmem:$0x2B80] =	vst v1  }
0x65: {  	[tilespmem:$0x2B90] =	vst v1  }
0x66: {  	[tilespmem:$0x2BA0] =	vst v1  }
0x67: {  	[tilespmem:$0x2BB0] =	vst v1  }
0x68: {  	[tilespmem:$0x2BC0] =	vst v1  }
0x69: {  	[tilespmem:$0x2BD0] =	vst v1  }
0x6a: {  	[tilespmem:$0x2BE0] =	vst v1  }
0x6b: {  	[tilespmem:$0x2BF0] =	vst v1  }
0x6c: {  	[tilespmem:$0x2C00] =	vst v1  }
0x6d: {  	[tilespmem:$0x2C10] =	vst v1  }
0x6e: {  	[tilespmem:$0x2C20] =	vst v1  }
0x6f: {  	[tilespmem:$0x2C30] =	vst v1  }
0x70: {  	[tilespmem:$0x2C40] =	vst v1  }
0x71: {  	[tilespmem:$0x2C50] =	vst v1  }
0x72: {  	[tilespmem:$0x2C60] =	vst v1  }
0x73: {  	[tilespmem:$0x2C70] =	vst v1  }
0x74: {  	[tilespmem:$0x2C80] =	vst v1  }
0x75: {  	[tilespmem:$0x2C90] =	vst v1  }
0x76: {  	[tilespmem:$0x2CA0] =	vst v1  }
0x77: {  	[tilespmem:$0x2CB0] =	vst v1  }
0x78: {  	[tilespmem:$0x2CC0] =	vst v1  }
0x79: {  	[tilespmem:$0x2CD0] =	vst v1  }
0x7a: {  	[tilespmem:$0x2CE0] =	vst v1  }
0x7b: {  	[tilespmem:$0x2CF0] =	vst v1  }
0x7c: {  	[tilespmem:$0x2D00] =	vst v1  }
0x7d: {  	[tilespmem:$0x2D10] =	vst v1  }
0x7e: {  	[tilespmem:$0x2D20] =	vst v1  }
0x7f: {  	[tilespmem:$0x2D30] =	vst v1  }
0x80: {  	[tilespmem:$0x2D40] =	vst v1  }
0x81: {  	[tilespmem:$0x2D50] =	vst v1  }
0x82: {  	[tilespmem:$0x2D60] =	vst v1  }
0x83: {  	[tilespmem:$0x2D70] =	vst v1  }
0x84: {  	[tilespmem:$0x2D80] =	vst v1  }
0x85: {  	[tilespmem:$0x2D90] =	vst v1  }
0x86: {  	[tilespmem:$0x2DA0] =	vst v1  }
0x87: {  	[tilespmem:$0x2DB0] =	vst v1  }
0x88: {  	[tilespmem:$0x2DC0] =	vst v1  }
0x89: {  	[tilespmem:$0x2DD0] =	vst v1  }
0x8a: {  	[tilespmem:$0x2DE0] =	vst v1  }
0x8b: {  	[tilespmem:$0x2DF0] =	vst v1  }
0x8c: {  	[tilespmem:$0x2E00] =	vst v1  }
0x8d: {  	[tilespmem:$0x2E10] =	vst v1  }
0x8e: {  	[tilespmem:$0x2E20] =	vst v1  }
0x8f: {  	[tilespmem:$0x2E30] =	vst v1  }
0x90: {  	[tilespmem:$0x2E40] =	vst v1  }
0x91: {  	[tilespmem:$0x2E50] =	vst v1  }
0x92: {  	[tilespmem:$0x2E60] =	vst v1  }
0x93: {  	[tilespmem:$0x2E70] =	vst v1  }
0x94: {  	[tilespmem:$0x2E80] =	vst v1  }
0x95: {  	[tilespmem:$0x2E90] =	vst v1  }
0x96: {  	[tilespmem:$0x2EA0] =	vst v1  }
0x97: {  	[tilespmem:$0x2EB0] =	vst v1  }
0x98: {  	[tilespmem:$0x2EC0] =	vst v1  }
0x99: {  	[tilespmem:$0x2ED0] =	vst v1  }
0x9a: {  	[tilespmem:$0x2EE0] =	vst v1  }
0x9b: {  	[tilespmem:$0x2EF0] =	vst v1  }
0x9c: {  	[tilespmem:$0x2F00] =	vst v1  }
0x9d: {  	[tilespmem:$0x2F10] =	vst v1  }
0x9e: {  	[tilespmem:$0x2F20] =	vst v1  }
0x9f: {  	[tilespmem:$0x2F30] =	vst v1  }
0xa0: {  	[tilespmem:$0x2F40] =	vst v1  }
0xa1: {  	[tilespmem:$0x2F50] =	vst v1  }
0xa2: {  	[tilespmem:$0x2F60] =	vst v1  }
0xa3: {  	[tilespmem:$0x2F70] =	vst v1  }
0xa4: {  	[tilespmem:$0x2F80] =	vst v1  }
0xa5: {  	[tilespmem:$0x2F90] =	vst v1  }
0xa6: {  	[tilespmem:$0x2FA0] =	vst v1  }
0xa7: {  	[tilespmem:$0x2FB0] =	vst v1  }
0xa8: {  	[tilespmem:$0x2FC0] =	vst v1  }
0xa9: {  	[tilespmem:$0x2FD0] =	vst v1  }
0xaa: {  	[tilespmem:$0x2FE0] =	vst v1  }
0xab: {  	[tilespmem:$0x2FF0] =	vst v1  }
0xac: {  	[tilespmem:$0x3000] =	vst v1  }
0xad: {  	[tilespmem:$0x3010] =	vst v1  }
0xae: {  	[tilespmem:$0x3020] =	vst v1  }
0xaf: {  	[tilespmem:$0x3030] =	vst v1  }
0xb0: {  	[tilespmem:$0x3040] =	vst v1  }
0xb1: {  	[tilespmem:$0x3050] =	vst v1  }
0xb2: {  	[tilespmem:$0x3060] =	vst v1  }
0xb3: {  	[tilespmem:$0x3070] =	vst v1  }
0xb4: {  	[tilespmem:$0x3080] =	vst v1  }
0xb5: {  	[tilespmem:$0x3090] =	vst v1  }
0xb6: {  	[tilespmem:$0x30A0] =	vst v1  }
0xb7: {  	[tilespmem:$0x30B0] =	vst v1  }
0xb8: {  	[tilespmem:$0x30C0] =	vst v1  }
0xb9: {  	[tilespmem:$0x30D0] =	vst v1  }
0xba: {  	[tilespmem:$0x30E0] =	vst v1  }
0xbb: {  	[tilespmem:$0x30F0] =	vst v1  }
0xbc: {  	[tilespmem:$0x3100] =	vst v1  }
0xbd: {  	[tilespmem:$0x3110] =	vst v1  }
0xbe: {  	[tilespmem:$0x3120] =	vst v1  }
0xbf: {  	[tilespmem:$0x3130] =	vst v1  }
0xc0: {  	[tilespmem:$0x3140] =	vst v1  }
0xc1: {  	[tilespmem:$0x3150] =	vst v1  }
0xc2: {  	[tilespmem:$0x3160] =	vst v1  }
0xc3: {  	[tilespmem:$0x3170] =	vst v1  }
0xc4: {  	[tilespmem:$0x3180] =	vst v1  }
0xc5: {  	[tilespmem:$0x3190] =	vst v1  }
0xc6: {  	[tilespmem:$0x31A0] =	vst v1  }
0xc7: {  	[tilespmem:$0x31B0] =	vst v1  }
0xc8: {  	[tilespmem:$0x31C0] =	vst v1  }
0xc9: {  	[tilespmem:$0x31D0] =	vst v1  }
0xca: {  	[tilespmem:$0x31E0] =	vst v1  }
0xcb: {  	[tilespmem:$0x31F0] =	vst v1  }
0xcc: {  	[tilespmem:$0x3200] =	vst v1  }
0xcd: {  	[tilespmem:$0x3210] =	vst v1  }
0xce: {  	[tilespmem:$0x3220] =	vst v1  }
0xcf: {  	[tilespmem:$0x3230] =	vst v1  }
0xd0: {  	[tilespmem:$0x3240] =	vst v1  }
0xd1: {  	[tilespmem:$0x3250] =	vst v1  }
0xd2: {  	[tilespmem:$0x3260] =	vst v1  }
0xd3: {  	[tilespmem:$0x3270] =	vst v1  }
0xd4: {  	[tilespmem:$0x3280] =	vst v1  }
0xd5: {  	[tilespmem:$0x3290] =	vst v1  }
0xd6: {  	[tilespmem:$0x32A0] =	vst v1  }
0xd7: {  	[tilespmem:$0x32B0] =	vst v1  }
0xd8: {  	[tilespmem:$0x32C0] =	vst v1  }
0xd9: {  	[tilespmem:$0x32D0] =	vst v1  }
0xda: {  	[tilespmem:$0x32E0] =	vst v1  }
0xdb: {  	[tilespmem:$0x32F0] =	vst v1  }
0xdc: {  	[tilespmem:$0x3300] =	vst v1  }
0xdd: {  	[tilespmem:$0x3310] =	vst v1  }
0xde: {  	[tilespmem:$0x3320] =	vst v1  }
0xdf: {  	[tilespmem:$0x3330] =	vst v1  }
0xe0: {  	[tilespmem:$0x3340] =	vst v1  }
0xe1: {  	[tilespmem:$0x3350] =	vst v1  }
0xe2: {  	[tilespmem:$0x3360] =	vst v1  }
0xe3: {  	[tilespmem:$0x3370] =	vst v1  }
0xe4: {  	[tilespmem:$0x3380] =	vst v1  }
0xe5: {  	[tilespmem:$0x3390] =	vst v1  }
0xe6: {  	[tilespmem:$0x33A0] =	vst v1  }
0xe7: {  	[tilespmem:$0x33B0] =	vst v1  }
0xe8: {  	[tilespmem:$0x33C0] =	vst v1  }
0xe9: {  	[tilespmem:$0x33D0] =	vst v1  }
0xea: {  	[tilespmem:$0x33E0] =	vst v1  }
0xeb: {  	[tilespmem:$0x33F0] =	vst v1  }
0xec: {  	[tilespmem:$0x3400] =	vst v1  }
0xed: {  	[tilespmem:$0x3410] =	vst v1  }
0xee: {  	[tilespmem:$0x3420] =	vst v1  }
0xef: {  	[tilespmem:$0x3430] =	vst v1  }
0xf0: {  	[tilespmem:$0x3440] =	vst v1  }
0xf1: {  	[tilespmem:$0x3450] =	vst v1  }
0xf2: {  	[tilespmem:$0x3460] =	vst v1  }
0xf3: {  	[tilespmem:$0x3470] =	vst v1  }
0xf4: {  	[tilespmem:$0x3480] =	vst v1  }
0xf5: {  	[tilespmem:$0x3490] =	vst v1  }
0xf6: {  	[tilespmem:$0x34A0] =	vst v1  }
0xf7: {  	[tilespmem:$0x34B0] =	vst v1  }
0xf8: {  	[tilespmem:$0x34C0] =	vst v1  }
0xf9: {  	[tilespmem:$0x34D0] =	vst v1  }
0xfa: {  	[tilespmem:$0x34E0] =	vst v1  }
0xfb: {  	[tilespmem:$0x34F0] =	vst v1  }
0xfc: {  	[tilespmem:$0x3500] =	vst v1  }
0xfd: {  	[tilespmem:$0x3510] =	vst v1  }
0xfe: {  	[tilespmem:$0x3520] =	vst v1  }
0xff: {  	[tilespmem:$0x3530] =	vst v1  }
0x100: {  	[tilespmem:$0x3540] =	vst v1  }
0x101: {  	[tilespmem:$0x3550] =	vst v1  }
0x102: {  	[tilespmem:$0x3560] =	vst v1  }
0x103: {  	[tilespmem:$0x3570] =	vst v1  }
0x104: {  	[tilespmem:$0x3580] =	vst v1  }
0x105: {  	[tilespmem:$0x3590] =	vst v1  }
0x106: {  	v5 =	vor.u32 s10, v0;
	[tilespmem:$0x35A0] =	vst v1  }
0x107: {  	v4 =	vshrl.u32 v5, $0x1;
	[tilespmem:$0x35B0] =	vst v1  }
0x108: {  	v4 =	vmulhi.u32 $0x84210843, v4;
	[tilespmem:$0x35C0] =	vst v1  }
0x109: {  	[tilespmem:$0x35D0] =	vst v1  }
0x10a: {  	v4 =	vshrl.u32 v4, $0x4;
	[tilespmem:$0x35E0] =	vst v1  }
0x10b: {  	v6 =	vmov s10;
	v7 =	vmul.u32 $0xFFFFFFC2, v4;
	[tilespmem:$0x35F0] =	vst v1  }
0x10c: {  	v8 =	vsub.s32 v2, v6;
	[tilespmem:$0x3600] =	vst v1  }
0x10d: {  	vm0 =	veq.s32 v6, v0;
	vm1 =	vne.s32 v7, v8;
	[tilespmem:$0x3610] =	vst v1  }
0x10e: {  	vm0 =	vmand vm0, vm1;
	[tilespmem:$0x3620] =	vst v1  }
0x10f: {  	v6 =	vsel vm0, $0xFFFFFFFF, v3;
	[tilespmem:$0x3630] =	vst v1  }
0x110: {  	v4 =	vadd.s32 v6, v4;
	[tilespmem:$0x3640] =	vst v1  }
0x111: {  	s30 =	simm.s32 $0x10;
	v6 =	vmul.u32 $0xFFFFFFC2, v4;
	[tilespmem:$0x3650] =	vst v1  }
0x112: {  	v11 =	vor.u32 s30, v0;
	[tilespmem:$0x3660] =	vst v1  }
0x113: {  	v7 =	vshrl.u32 v11, $0x1;
	[tilespmem:$0x3670] =	vst v1;
	v6 =	vadd.s32 v5, v6  }
0x114: {  	v7 =	vmulhi.u32 $0x84210843, v7;
	[tilespmem:$0x3680] =	vst v1;
	vm0 =	vlt.s32 v4, v6  }
0x115: {  	[tilespmem:$0x3690] =	vst v1;
	v8 =	vsel vm0, v6, v4  }
0x116: {  	v7 =	vshrl.u32 v7, $0x4;
	[tilespmem:$0x36A0] =	vst v1;
	v9 =	vadd.s32 $0x1, v8  }
0x117: {  	v10 =	vmov s30;
	[tilespmem:$0x36B0] =	vst v1;
	v8 =	vmul.u32 v8, v9;
	v9 =	vmul.u32 $0xFFFFFFC2, v7  }
0x118: {  	vm1 =	veq.s32 v10, v0;
	v10 =	vsub.s32 v2, v10;
	[tilespmem:$0x36C0] =	vst v1  }
0x119: {  	[tilespmem:$0x36D0] =	vst v1;
	v4 =	vsel vm0, v4, v6;
	v6 =	vshra.s32 v8, $0x1;
	vm0 =	vne.s32 v9, v10  }
0x11a: {  	[tilespmem:$0x36E0] =	vst v1;
	v6 =	vadd.s32 v4, v6;
	vm0 =	vmand vm1, vm0  }
0x11b: {  	[tilespmem:$0x36F0] =	vst v1;
	v4 =	vsel vm0, $0xFFFFFFFF, v3  }
0x11c: {  	s2 =	simm.s32 $0x20;
	v8 =	vld [tilespmem:s29+$0x0];
	v7 =	vadd.s32 v4, v7  }
0x11d: {  	v10 =	vld [tilespmem:s10+$0x0];
	v4 =	vor.u32 s2, v0;
	v9 =	vmul.u32 $0xFFFFFFC2, v7  }
0x11e: {  	v12 =	vshrl.u32 v4, $0x1  }
0x11f: {  	v12 =	vmulhi.u32 $0x84210843, v12;
	v6 =	vld.idx.msk [tilespmem:v6+s12+$0x0], $0xffff;
	v9 =	vadd.s32 v11, v9  }
0x120: {  	v13 =	vmov s2;
	vm0 =	vlt.s32 v7, v9  }
0x121: {  	vm1 =	vgt.u32 v5, $0xF03;
	v5 =	vshrl.u32 v12, $0x4;
	v12 =	vsel vm0, v9, v7  }
0x122: {  	vm2 =	veq.s32 v13, v0;
	vm3 =	veq.s32 v10, v8;
	v15 =	vadd.s32 $0x1, v12  }
0x123: {  	v13 =	vsub.s32 v2, v13;
	vm1 =	vmor vm1, vm3;
	v12 =	vmul.u32 v12, v15  }
0x124: {  	v8 =	vmul.u32 $0x3E, v8;
	v14 =	vmul.u32 $0xFFFFFFC2, v5;
	v6 =	vsel vm1, $0x0, v6  }
0x125: {  	[tilespmem:s16+$0x0] =	vst v10;
	v7 =	vsel vm0, v7, v9;
	v9 =	vshra.s32 v12, $0x1;
	v12 =	vand.u32 $0x7FFFFFFF, v6  }
0x126: {  	v8 =	vadd.s32 v10, v8;
	vm1 =	vne.s32 v14, v13;
	[tilespmem:s17+$0x0] =	vst v12  }
0x127: {  	vm0 =	vmand vm2, vm1;
	v14 =	vadd.s32 v7, v9;
	[tilespmem:s18+$0x0] =	vst v8  }
0x128: {  	s29 =	simm.s32 $0xF90;
	v13 =	vsel vm0, $0xFFFFFFFF, v3;
	[tilespmem:s19+$0x0] =	vst v6  }
0x129: {  	v7 =	vadd.s32 v13, v5;
	v8 =	vld [tilespmem:s29+$0x0]  }
0x12a: {  	v9 =	vmul.u32 $0xFFFFFFC2, v7;
	v6 =	vld [tilespmem:s30+$0x0]  }
0x12b: {  	s14 =	simm.s32 $0x30  }
0x12c: {  	vm2 =	vgt.u32 v11, $0xF03;
	v5 =	vor.u32 s14, v0;
	v9 =	vadd.s32 v4, v9;
	v11 =	vld.idx.msk [tilespmem:v14+s12+$0x0], $0xffff  }
0x12d: {  	s1 =	simm.s32 $0x4700;
	s31 =	simm.s32 $0x6700;
	v10 =	vmov s14;
	v12 =	vshrl.u32 v5, $0x1;
	vm1 =	vlt.s32 v7, v9  }
0x12e: {  	s0 =	simm.s32 $0x40;
	s2 =	simm.s32 $0x5700;
	vm0 =	veq.s32 v10, v0;
	s14 =	simm.s32 $0x3700;
	v12 =	vmulhi.u32 $0x84210843, v12;
	v13 =	vsel vm1, v9, v7  }
.LBB2_3:
0x12f: {  	p0 =	sne.s32 s0, $0xF00;
	v10 =	vsub.s32 v2, v10;
	v14 =	vadd.s32 $0x1, v13;
	vm3 =	veq.s32 v6, v8  }
0x130: {  	v12 =	vshrl.u32 v12, $0x4;
	v13 =	vmul.u32 v13, v14;
	vm2 =	vmor vm2, vm3  }
0x131: {  	v8 =	vmul.u32 $0x3E, v8;
	s14 =	sadd.s32 $0x10, s14;
	v14 =	vmul.u32 $0xFFFFFFC2, v12;
	v11 =	vsel vm2, $0x0, v11  }
0x132: {  	v7 =	vsel vm1, v7, v9;
	s1 =	sadd.s32 $0x10, s1;
	v9 =	vshra.s32 v13, $0x1;
	[tilespmem:s14+$0x0] =	vst v6;
	v13 =	vand.u32 $0x7FFFFFFF, v11  }
0x133: {  	s2 =	sadd.s32 $0x10, s2;
	v6 =	vadd.s32 v6, v8;
	vm1 =	vne.s32 v14, v10;
	v9 =	vadd.s32 v7, v9;
	[tilespmem:s1+$0x0] =	vst v13  }
0x134: {  	s31 =	sadd.s32 $0x10, s31;
	vm0 =	vmand vm0, vm1;
	[tilespmem:s2+$0x0] =	vst v6  }
0x135: {  	s29 =	sadd.s32 $0x10, s29;
	v6 =	vsel vm0, $0xFFFFFFFF, v3;
	[tilespmem:s31+$0x0] =	vst v11  }
0x136: {  	s30 =	sadd.s32 $0x10, s30;
	v7 =	vadd.s32 v6, v12;
	v8 =	vld [tilespmem:s29+$0x0]  }
.Ltmp1:
0x137: {  	v12 =	vmul.u32 $0xFFFFFFC2, v7;
	v6 =	vld [tilespmem:s30+$0x0];
	(pc) =	sbr.rel @p0 .LBB2_3-.Ltmp1, $4  }
0x138: {  	v11 =	vld.idx.msk [tilespmem:v9+s12+$0x0], $0xffff  }
0x139: {  	v10 =	vmov s0;
	v13 =	vor.u32 s0, v0;
	v9 =	vadd.s32 v5, v12  }
0x13a: {  	vm2 =	vgt.u32 v4, $0xF03;
	v4 =	vmovc v5;
	v12 =	vshrl.u32 v13, $0x1;
	v5 =	vmovc v13;
	vm1 =	vlt.s32 v7, v9  }
0x13b: {  	s0 =	sadd.s32 $0x10, s0;
	vm0 =	veq.s32 v10, v0;
	v12 =	vmulhi.u32 $0x84210843, v12;
	v13 =	vsel vm1, v9, v7  }
0x13c: {  	vm3 =	veq.s32 v6, v8  }
0x13d: {  	v14 =	vadd.s32 $0x1, v13;
	v53 =	vmul.u32 $0x3E, v8;
	vm2 =	vmor vm2, vm3  }
0x13e: {  	s0 =	sadd.s32 $0x10, s14;
	v12 =	vshrl.u32 v12, $0x4;
	v13 =	vmul.u32 v13, v14;
	v11 =	vsel vm2, $0x0, v11  }
0x13f: {  	v7 =	vsel vm1, v7, v9;
	s1 =	sadd.s32 $0x10, s1;
	[tilespmem:s0+$0x0] =	vst v6;
	v54 =	vmul.u32 $0xFFFFFFC2, v12;
	v55 =	vand.u32 $0x7FFFFFFF, v11  }
0x140: {  	v10 =	vsub.s32 v2, v10;
	s2 =	sadd.s32 $0x10, s2;
	v56 =	vadd.s32 v6, v53;
	v13 =	vshra.s32 v13, $0x1;
	[tilespmem:s1+$0x0] =	vst v55  }
0x141: {  	s31 =	sadd.s32 $0x10, s31;
	vm10 =	vne.s32 v54, v10;
	v7 =	vadd.s32 v7, v13;
	[tilespmem:s2+$0x0] =	vst v56  }
0x142: {  	s29 =	sadd.s32 $0x10, s29;
	vm0 =	vmand vm0, vm10;
	[tilespmem:s31+$0x0] =	vst v11  }
0x143: {  	s30 =	sadd.s32 $0x10, s30;
	v57 =	vsel vm0, $0xFFFFFFFF, v3;
	v58 =	vld [tilespmem:s29+$0x0]  }
0x144: {  	v6 =	vadd.s32 v57, v12;
	v9 =	vld [tilespmem:s30+$0x0]  }
0x145: {  	v59 =	vmul.u32 $0xFFFFFFC2, v6  }
0x146: {  	v7 =	vld.idx.msk [tilespmem:v7+s12+$0x0], $0xffff  }
0x147: {  	v10 =	vadd.s32 v5, v59  }
0x148: {  	vm11 =	vlt.s32 v6, v10  }
0x149: {  	vm12 =	vgt.u32 v4, $0xF03;
	v4 =	vsel vm11, v10, v6;
	vm13 =	veq.s32 v9, v58  }
0x14a: {  	v60 =	vadd.s32 $0x1, v4;
	vm1 =	vmor vm12, vm13  }
0x14b: {  	s0 =	sadd.s32 $0x10, s0;
	v8 =	vmul.u32 $0x3E, v58;
	v4 =	vmul.u32 v4, v60;
	v7 =	vsel vm1, $0x0, v7  }
0x14c: {  	s1 =	sadd.s32 $0x10, s1;
	[tilespmem:s0+$0x0] =	vst v9;
	v61 =	vand.u32 $0x7FFFFFFF, v7  }
0x14d: {  	s2 =	sadd.s32 $0x10, s2;
	v6 =	vsel vm11, v6, v10;
	v8 =	vadd.s32 v9, v8;
	v4 =	vshra.s32 v4, $0x1;
	[tilespmem:s1+$0x0] =	vst v61  }
0x14e: {  	s14 =	sadd.s32 $0x10, s31;
	v4 =	vadd.s32 v6, v4;
	[tilespmem:s2+$0x0] =	vst v8  }
0x14f: {  	s29 =	sadd.s32 $0x10, s29;
	[tilespmem:s14+$0x0] =	vst v7  }
0x150: {  	s31 =	sadd.s32 $0x10, s30;
	v62 =	vld [tilespmem:s29+$0x0]  }
0x151: {  	v7 =	vld [tilespmem:s31+$0x0];
	_ =	sdelay $0x1  }
0x152: {  	v4 =	vld.idx.msk [tilespmem:v4+s12+$0x0], $0xffff;
	_ =	sdelay $0x2  }
0x153: {  	vm14 =	vgt.u32 v5, $0xF03;
	vm15 =	veq.s32 v7, v62  }
0x154: {  	vm0 =	vmor vm14, vm15  }
0x155: {  	s0 =	sadd.s32 $0x10, s0;
	v5 =	vmul.u32 $0x3E, v62;
	v4 =	vsel vm0, $0x0, v4  }
0x156: {  	s1 =	sadd.s32 $0x10, s1;
	[tilespmem:s0+$0x0] =	vst v7;
	v63 =	vand.u32 $0x7FFFFFFF, v4  }
0x157: {  	s2 =	sadd.s32 $0x10, s2;
	v5 =	vadd.s32 v7, v5;
	[tilespmem:s1+$0x0] =	vst v63  }
0x158: {  	s14 =	sadd.s32 $0x10, s14;
	[tilespmem:s2+$0x0] =	vst v5  }
0x159: {  	[tilespmem:s14+$0x0] =	vst v4  }
0x15a: {  	[tilespmem:$0x4610] =	vst v3  }
0x15b: {  	[tilespmem:$0x5610] =	vst v1  }
0x15c: {  	[tilespmem:$0x6610] =	vst v3  }
0x15d: {  	[tilespmem:$0x7610] =	vst v1  }
0x15e: {  	[tilespmem:$0x4620] =	vst v3  }
0x15f: {  	[tilespmem:$0x5620] =	vst v1  }
0x160: {  	[tilespmem:$0x6620] =	vst v3  }
0x161: {  	[tilespmem:$0x7620] =	vst v1  }
0x162: {  	[tilespmem:$0x4630] =	vst v3  }
0x163: {  	[tilespmem:$0x5630] =	vst v1  }
0x164: {  	[tilespmem:$0x6630] =	vst v3  }
0x165: {  	[tilespmem:$0x7630] =	vst v1  }
0x166: {  	[tilespmem:$0x4640] =	vst v3  }
0x167: {  	[tilespmem:$0x5640] =	vst v1  }
0x168: {  	[tilespmem:$0x6640] =	vst v3  }
0x169: {  	[tilespmem:$0x7640] =	vst v1  }
0x16a: {  	[tilespmem:$0x4650] =	vst v3  }
0x16b: {  	[tilespmem:$0x5650] =	vst v1  }
0x16c: {  	[tilespmem:$0x6650] =	vst v3  }
0x16d: {  	[tilespmem:$0x7650] =	vst v1  }
0x16e: {  	[tilespmem:$0x4660] =	vst v3  }
0x16f: {  	[tilespmem:$0x5660] =	vst v1  }
0x170: {  	[tilespmem:$0x6660] =	vst v3  }
0x171: {  	[tilespmem:$0x7660] =	vst v1  }
0x172: {  	[tilespmem:$0x4670] =	vst v3  }
0x173: {  	[tilespmem:$0x5670] =	vst v1  }
0x174: {  	[tilespmem:$0x6670] =	vst v3  }
0x175: {  	[tilespmem:$0x7670] =	vst v1  }
0x176: {  	[spmem:s3] =	stream.linear.scatter [tilespmem:s13], [sflag:$0x1], $0x80, $0x38;
	[tilespmem:$0x7800] =	vst v63  }
0x177: {  	_ =	swait.ge [sflag:s11], $0x80  }
0x178: {  	[sflag:s11] =	ssyncset.done $0x0  }
0x179: {  	s29 =	simm.s32 $0x2780;
	[sflag:s11] =	ssyncadd.s32 $0xFFFFFF80  }
0x17a: {  	[spmem:s4] =	stream.linear.scatter [tilespmem:s29], [sflag:$0x1], $0xF80, $0x38;
	[tilespmem:$0x7800] =	vst v63  }
0x17b: {  	_ =	swait.ge [sflag:s11], $0xF80  }
0x17c: {  	[sflag:s11] =	ssyncset.done $0x0  }
0x17d: {  	[sflag:s11] =	ssyncadd.s32 $0xFFFFF080  }
0x17e: {  	[spmem:s3] =	stream.indirect.scatter.add.f32 [tilespmem:s17], [sflag:$0x1], $0x1, s16, s15, $0xb8;
	[tilespmem:$0x7800] =	vst v63  }
0x17f: {  	_ =	swait.ge [sflag:s11], $0x80  }
0x180: {  	[sflag:s11] =	ssyncset.done $0x0  }
0x181: {  	[sflag:s11] =	ssyncadd.s32 $0xFFFFFF80  }
0x182: {  	[spmem:s4] =	stream.indirect.scatter.add.f32 [tilespmem:s19], [sflag:$0x1], $0x1, s18, s15, $0xb8;
	[tilespmem:$0x7800] =	vst v63  }
0x183: {  	_ =	swait.ge [sflag:s11], $0x80  }
0x184: {  	[sflag:s11] =	ssyncset.done $0x0  }
0x185: {  	s30 =	simm.s32 $0x3780;
	s31 =	simm.s32 $0x4780;
	[sflag:s11] =	ssyncadd.s32 $0xFFFFFF80  }
0x186: {  	[spmem:s3] =	stream.indirect.scatter.add.f32 [tilespmem:s31], [sflag:$0x1], $0x1, s30, s15, $0xb8;
	[tilespmem:$0x7800] =	vst v63  }
0x187: {  	_ =	swait.ge [sflag:s11], $0x80  }
0x188: {  	[sflag:s11] =	ssyncset.done $0x0  }
0x189: {  	s1 =	simm.s32 $0x5780;
	s2 =	simm.s32 $0x6780;
	[sflag:s11] =	ssyncadd.s32 $0xFFFFFF80  }
0x18a: {  	[spmem:s4] =	stream.indirect.scatter.add.f32 [tilespmem:s2], [sflag:$0x1], $0x1, s1, s15, $0xb8;
	[tilespmem:$0x7800] =	vst v63  }
0x18b: {  	_ =	swait.ge [sflag:s11], $0x80  }
0x18c: {  	[sflag:s11] =	ssyncset.done $0x0  }
0x18d: {  	s14 =	simm.s32 $0x3800;
	s29 =	simm.s32 $0x4800;
	[sflag:s11] =	ssyncadd.s32 $0xFFFFFF80  }
0x18e: {  	[spmem:s3] =	stream.indirect.scatter.add.f32 [tilespmem:s29], [sflag:$0x1], $0x1, s14, s15, $0xb8;
	[tilespmem:$0x7800] =	vst v63  }
0x18f: {  	_ =	swait.ge [sflag:s11], $0x80  }
0x190: {  	[sflag:s11] =	ssyncset.done $0x0  }
0x191: {  	s30 =	simm.s32 $0x5800;
	s31 =	simm.s32 $0x6800;
	[sflag:s11] =	ssyncadd.s32 $0xFFFFFF80  }
0x192: {  	[spmem:s4] =	stream.indirect.scatter.add.f32 [tilespmem:s31], [sflag:$0x1], $0x1, s30, s15, $0xb8;
	[tilespmem:$0x7800] =	vst v63  }
0x193: {  	_ =	swait.ge [sflag:s11], $0x80  }
0x194: {  	[sflag:s11] =	ssyncset.done $0x0  }
0x195: {  	s1 =	simm.s32 $0x3880;
	s2 =	simm.s32 $0x4880;
	[sflag:s11] =	ssyncadd.s32 $0xFFFFFF80  }
0x196: {  	[spmem:s3] =	stream.indirect.scatter.add.f32 [tilespmem:s2], [sflag:$0x1], $0x1, s1, s15, $0xb8;
	[tilespmem:$0x7800] =	vst v63  }
0x197: {  	_ =	swait.ge [sflag:s11], $0x80  }
0x198: {  	[sflag:s11] =	ssyncset.done $0x0  }
0x199: {  	s14 =	simm.s32 $0x5880;
	s29 =	simm.s32 $0x6880;
	[sflag:s11] =	ssyncadd.s32 $0xFFFFFF80  }
0x19a: {  	[spmem:s4] =	stream.indirect.scatter.add.f32 [tilespmem:s29], [sflag:$0x1], $0x1, s14, s15, $0xb8;
	[tilespmem:$0x7800] =	vst v63  }
0x19b: {  	_ =	swait.ge [sflag:s11], $0x80  }
0x19c: {  	[sflag:s11] =	ssyncset.done $0x0  }
0x19d: {  	s30 =	simm.s32 $0x3900;
	s31 =	simm.s32 $0x4900;
	[sflag:s11] =	ssyncadd.s32 $0xFFFFFF80  }
0x19e: {  	[spmem:s3] =	stream.indirect.scatter.add.f32 [tilespmem:s31], [sflag:$0x1], $0x1, s30, s15, $0xb8;
	[tilespmem:$0x7800] =	vst v63  }
0x19f: {  	_ =	swait.ge [sflag:s11], $0x80  }
0x1a0: {  	[sflag:s11] =	ssyncset.done $0x0  }
0x1a1: {  	s1 =	simm.s32 $0x5900;
	s2 =	simm.s32 $0x6900;
	[sflag:s11] =	ssyncadd.s32 $0xFFFFFF80  }
0x1a2: {  	[spmem:s4] =	stream.indirect.scatter.add.f32 [tilespmem:s2], [sflag:$0x1], $0x1, s1, s15, $0xb8;
	[tilespmem:$0x7800] =	vst v63  }
0x1a3: {  	_ =	swait.ge [sflag:s11], $0x80  }
0x1a4: {  	[sflag:s11] =	ssyncset.done $0x0  }
0x1a5: {  	s14 =	simm.s32 $0x3980;
	s29 =	simm.s32 $0x4980;
	[sflag:s11] =	ssyncadd.s32 $0xFFFFFF80  }
0x1a6: {  	[spmem:s3] =	stream.indirect.scatter.add.f32 [tilespmem:s29], [sflag:$0x1], $0x1, s14, s15, $0xb8;
	[tilespmem:$0x7800] =	vst v63  }
0x1a7: {  	_ =	swait.ge [sflag:s11], $0x80  }
0x1a8: {  	[sflag:s11] =	ssyncset.done $0x0  }
0x1a9: {  	s30 =	simm.s32 $0x5980;
	s31 =	simm.s32 $0x6980;
	[sflag:s11] =	ssyncadd.s32 $0xFFFFFF80  }
0x1aa: {  	[spmem:s4] =	stream.indirect.scatter.add.f32 [tilespmem:s31], [sflag:$0x1], $0x1, s30, s15, $0xb8;
	[tilespmem:$0x7800] =	vst v63  }
0x1ab: {  	_ =	swait.ge [sflag:s11], $0x80  }
0x1ac: {  	[sflag:s11] =	ssyncset.done $0x0  }
0x1ad: {  	s1 =	simm.s32 $0x3A00;
	s2 =	simm.s32 $0x4A00;
	[sflag:s11] =	ssyncadd.s32 $0xFFFFFF80  }
0x1ae: {  	[spmem:s3] =	stream.indirect.scatter.add.f32 [tilespmem:s2], [sflag:$0x1], $0x1, s1, s15, $0xb8;
	[tilespmem:$0x7800] =	vst v63  }
0x1af: {  	_ =	swait.ge [sflag:s11], $0x80  }
0x1b0: {  	[sflag:s11] =	ssyncset.done $0x0  }
0x1b1: {  	s14 =	simm.s32 $0x5A00;
	s29 =	simm.s32 $0x6A00;
	[sflag:s11] =	ssyncadd.s32 $0xFFFFFF80  }
0x1b2: {  	[spmem:s4] =	stream.indirect.scatter.add.f32 [tilespmem:s29], [sflag:$0x1], $0x1, s14, s15, $0xb8;
	[tilespmem:$0x7800] =	vst v63  }
0x1b3: {  	_ =	swait.ge [sflag:s11], $0x80  }
0x1b4: {  	[sflag:s11] =	ssyncset.done $0x0  }
0x1b5: {  	s30 =	simm.s32 $0x3A80;
	s31 =	simm.s32 $0x4A80;
	[sflag:s11] =	ssyncadd.s32 $0xFFFFFF80  }
0x1b6: {  	[spmem:s3] =	stream.indirect.scatter.add.f32 [tilespmem:s31], [sflag:$0x1], $0x1, s30, s15, $0xb8;
	[tilespmem:$0x7800] =	vst v63  }
0x1b7: {  	_ =	swait.ge [sflag:s11], $0x80  }
0x1b8: {  	[sflag:s11] =	ssyncset.done $0x0  }
0x1b9: {  	s1 =	simm.s32 $0x5A80;
	s2 =	simm.s32 $0x6A80;
	[sflag:s11] =	ssyncadd.s32 $0xFFFFFF80  }
0x1ba: {  	[spmem:s4] =	stream.indirect.scatter.add.f32 [tilespmem:s2], [sflag:$0x1], $0x1, s1, s15, $0xb8;
	[tilespmem:$0x7800] =	vst v63  }
0x1bb: {  	_ =	swait.ge [sflag:s11], $0x80  }
0x1bc: {  	[sflag:s11] =	ssyncset.done $0x0  }
0x1bd: {  	s14 =	simm.s32 $0x3B00;
	s29 =	simm.s32 $0x4B00;
	[sflag:s11] =	ssyncadd.s32 $0xFFFFFF80  }
0x1be: {  	[spmem:s3] =	stream.indirect.scatter.add.f32 [tilespmem:s29], [sflag:$0x1], $0x1, s14, s15, $0xb8;
	[tilespmem:$0x7800] =	vst v63  }
0x1bf: {  	_ =	swait.ge [sflag:s11], $0x80  }
0x1c0: {  	[sflag:s11] =	ssyncset.done $0x0  }
0x1c1: {  	s30 =	simm.s32 $0x5B00;
	s31 =	simm.s32 $0x6B00;
	[sflag:s11] =	ssyncadd.s32 $0xFFFFFF80  }
0x1c2: {  	[spmem:s4] =	stream.indirect.scatter.add.f32 [tilespmem:s31], [sflag:$0x1], $0x1, s30, s15, $0xb8;
	[tilespmem:$0x7800] =	vst v63  }
0x1c3: {  	_ =	swait.ge [sflag:s11], $0x80  }
0x1c4: {  	[sflag:s11] =	ssyncset.done $0x0  }
0x1c5: {  	s1 =	simm.s32 $0x3B80;
	s2 =	simm.s32 $0x4B80;
	[sflag:s11] =	ssyncadd.s32 $0xFFFFFF80  }
0x1c6: {  	[spmem:s3] =	stream.indirect.scatter.add.f32 [tilespmem:s2], [sflag:$0x1], $0x1, s1, s15, $0xb8;
	[tilespmem:$0x7800] =	vst v63  }
0x1c7: {  	_ =	swait.ge [sflag:s11], $0x80  }
0x1c8: {  	[sflag:s11] =	ssyncset.done $0x0  }
0x1c9: {  	s14 =	simm.s32 $0x5B80;
	s29 =	simm.s32 $0x6B80;
	[sflag:s11] =	ssyncadd.s32 $0xFFFFFF80  }
0x1ca: {  	[spmem:s4] =	stream.indirect.scatter.add.f32 [tilespmem:s29], [sflag:$0x1], $0x1, s14, s15, $0xb8;
	[tilespmem:$0x7800] =	vst v63  }
0x1cb: {  	_ =	swait.ge [sflag:s11], $0x80  }
0x1cc: {  	[sflag:s11] =	ssyncset.done $0x0  }
0x1cd: {  	s30 =	simm.s32 $0x3C00;
	s31 =	simm.s32 $0x4C00;
	[sflag:s11] =	ssyncadd.s32 $0xFFFFFF80  }
0x1ce: {  	[spmem:s3] =	stream.indirect.scatter.add.f32 [tilespmem:s31], [sflag:$0x1], $0x1, s30, s15, $0xb8;
	[tilespmem:$0x7800] =	vst v63  }
0x1cf: {  	_ =	swait.ge [sflag:s11], $0x80  }
0x1d0: {  	[sflag:s11] =	ssyncset.done $0x0  }
0x1d1: {  	s1 =	simm.s32 $0x5C00;
	s2 =	simm.s32 $0x6C00;
	[sflag:s11] =	ssyncadd.s32 $0xFFFFFF80  }
0x1d2: {  	[spmem:s4] =	stream.indirect.scatter.add.f32 [tilespmem:s2], [sflag:$0x1], $0x1, s1, s15, $0xb8;
	[tilespmem:$0x7800] =	vst v63  }
0x1d3: {  	_ =	swait.ge [sflag:s11], $0x80  }
0x1d4: {  	[sflag:s11] =	ssyncset.done $0x0  }
0x1d5: {  	s14 =	simm.s32 $0x3C80;
	s29 =	simm.s32 $0x4C80;
	[sflag:s11] =	ssyncadd.s32 $0xFFFFFF80  }
0x1d6: {  	[spmem:s3] =	stream.indirect.scatter.add.f32 [tilespmem:s29], [sflag:$0x1], $0x1, s14, s15, $0xb8;
	[tilespmem:$0x7800] =	vst v63  }
0x1d7: {  	_ =	swait.ge [sflag:s11], $0x80  }
0x1d8: {  	[sflag:s11] =	ssyncset.done $0x0  }
0x1d9: {  	s30 =	simm.s32 $0x5C80;
	s31 =	simm.s32 $0x6C80;
	[sflag:s11] =	ssyncadd.s32 $0xFFFFFF80  }
0x1da: {  	[spmem:s4] =	stream.indirect.scatter.add.f32 [tilespmem:s31], [sflag:$0x1], $0x1, s30, s15, $0xb8;
	[tilespmem:$0x7800] =	vst v63  }
0x1db: {  	_ =	swait.ge [sflag:s11], $0x80  }
0x1dc: {  	[sflag:s11] =	ssyncset.done $0x0  }
0x1dd: {  	s1 =	simm.s32 $0x3D00;
	s2 =	simm.s32 $0x4D00;
	[sflag:s11] =	ssyncadd.s32 $0xFFFFFF80  }
0x1de: {  	[spmem:s3] =	stream.indirect.scatter.add.f32 [tilespmem:s2], [sflag:$0x1], $0x1, s1, s15, $0xb8;
	[tilespmem:$0x7800] =	vst v63  }
0x1df: {  	_ =	swait.ge [sflag:s11], $0x80  }
0x1e0: {  	[sflag:s11] =	ssyncset.done $0x0  }
0x1e1: {  	s14 =	simm.s32 $0x5D00;
	s29 =	simm.s32 $0x6D00;
	[sflag:s11] =	ssyncadd.s32 $0xFFFFFF80  }
0x1e2: {  	[spmem:s4] =	stream.indirect.scatter.add.f32 [tilespmem:s29], [sflag:$0x1], $0x1, s14, s15, $0xb8;
	[tilespmem:$0x7800] =	vst v63  }
0x1e3: {  	_ =	swait.ge [sflag:s11], $0x80  }
0x1e4: {  	[sflag:s11] =	ssyncset.done $0x0  }
0x1e5: {  	s30 =	simm.s32 $0x3D80;
	s31 =	simm.s32 $0x4D80;
	[sflag:s11] =	ssyncadd.s32 $0xFFFFFF80  }
0x1e6: {  	[spmem:s3] =	stream.indirect.scatter.add.f32 [tilespmem:s31], [sflag:$0x1], $0x1, s30, s15, $0xb8;
	[tilespmem:$0x7800] =	vst v63  }
0x1e7: {  	_ =	swait.ge [sflag:s11], $0x80  }
0x1e8: {  	[sflag:s11] =	ssyncset.done $0x0  }
0x1e9: {  	s1 =	simm.s32 $0x5D80;
	s2 =	simm.s32 $0x6D80;
	[sflag:s11] =	ssyncadd.s32 $0xFFFFFF80  }
0x1ea: {  	[spmem:s4] =	stream.indirect.scatter.add.f32 [tilespmem:s2], [sflag:$0x1], $0x1, s1, s15, $0xb8;
	[tilespmem:$0x7800] =	vst v63  }
0x1eb: {  	_ =	swait.ge [sflag:s11], $0x80  }
0x1ec: {  	[sflag:s11] =	ssyncset.done $0x0  }
0x1ed: {  	s14 =	simm.s32 $0x3E00;
	s29 =	simm.s32 $0x4E00;
	[sflag:s11] =	ssyncadd.s32 $0xFFFFFF80  }
0x1ee: {  	[spmem:s3] =	stream.indirect.scatter.add.f32 [tilespmem:s29], [sflag:$0x1], $0x1, s14, s15, $0xb8;
	[tilespmem:$0x7800] =	vst v63  }
0x1ef: {  	_ =	swait.ge [sflag:s11], $0x80  }
0x1f0: {  	[sflag:s11] =	ssyncset.done $0x0  }
0x1f1: {  	s30 =	simm.s32 $0x5E00;
	s31 =	simm.s32 $0x6E00;
	[sflag:s11] =	ssyncadd.s32 $0xFFFFFF80  }
0x1f2: {  	[spmem:s4] =	stream.indirect.scatter.add.f32 [tilespmem:s31], [sflag:$0x1], $0x1, s30, s15, $0xb8;
	[tilespmem:$0x7800] =	vst v63  }
0x1f3: {  	_ =	swait.ge [sflag:s11], $0x80  }
0x1f4: {  	[sflag:s11] =	ssyncset.done $0x0  }
0x1f5: {  	s1 =	simm.s32 $0x3E80;
	s2 =	simm.s32 $0x4E80;
	[sflag:s11] =	ssyncadd.s32 $0xFFFFFF80  }
0x1f6: {  	[spmem:s3] =	stream.indirect.scatter.add.f32 [tilespmem:s2], [sflag:$0x1], $0x1, s1, s15, $0xb8;
	[tilespmem:$0x7800] =	vst v63  }
0x1f7: {  	_ =	swait.ge [sflag:s11], $0x80  }
0x1f8: {  	[sflag:s11] =	ssyncset.done $0x0  }
0x1f9: {  	s14 =	simm.s32 $0x5E80;
	s29 =	simm.s32 $0x6E80;
	[sflag:s11] =	ssyncadd.s32 $0xFFFFFF80  }
0x1fa: {  	[spmem:s4] =	stream.indirect.scatter.add.f32 [tilespmem:s29], [sflag:$0x1], $0x1, s14, s15, $0xb8;
	[tilespmem:$0x7800] =	vst v63  }
0x1fb: {  	_ =	swait.ge [sflag:s11], $0x80  }
0x1fc: {  	[sflag:s11] =	ssyncset.done $0x0  }
0x1fd: {  	s30 =	simm.s32 $0x3F00;
	s31 =	simm.s32 $0x4F00;
	[sflag:s11] =	ssyncadd.s32 $0xFFFFFF80  }
0x1fe: {  	[spmem:s3] =	stream.indirect.scatter.add.f32 [tilespmem:s31], [sflag:$0x1], $0x1, s30, s15, $0xb8;
	[tilespmem:$0x7800] =	vst v63  }
0x1ff: {  	_ =	swait.ge [sflag:s11], $0x80  }
0x200: {  	[sflag:s11] =	ssyncset.done $0x0  }
0x201: {  	s1 =	simm.s32 $0x5F00;
	s2 =	simm.s32 $0x6F00;
	[sflag:s11] =	ssyncadd.s32 $0xFFFFFF80  }
0x202: {  	[spmem:s4] =	stream.indirect.scatter.add.f32 [tilespmem:s2], [sflag:$0x1], $0x1, s1, s15, $0xb8;
	[tilespmem:$0x7800] =	vst v63  }
0x203: {  	_ =	swait.ge [sflag:s11], $0x80  }
0x204: {  	[sflag:s11] =	ssyncset.done $0x0  }
0x205: {  	s14 =	simm.s32 $0x3F80;
	s29 =	simm.s32 $0x4F80;
	[sflag:s11] =	ssyncadd.s32 $0xFFFFFF80  }
0x206: {  	[spmem:s3] =	stream.indirect.scatter.add.f32 [tilespmem:s29], [sflag:$0x1], $0x1, s14, s15, $0xb8;
	[tilespmem:$0x7800] =	vst v63  }
0x207: {  	_ =	swait.ge [sflag:s11], $0x80  }
0x208: {  	[sflag:s11] =	ssyncset.done $0x0  }
0x209: {  	s30 =	simm.s32 $0x5F80;
	s31 =	simm.s32 $0x6F80;
	[sflag:s11] =	ssyncadd.s32 $0xFFFFFF80  }
0x20a: {  	[spmem:s4] =	stream.indirect.scatter.add.f32 [tilespmem:s31], [sflag:$0x1], $0x1, s30, s15, $0xb8;
	[tilespmem:$0x7800] =	vst v63  }
0x20b: {  	_ =	swait.ge [sflag:s11], $0x80  }
0x20c: {  	[sflag:s11] =	ssyncset.done $0x0  }
0x20d: {  	s1 =	simm.s32 $0x4000;
	s2 =	simm.s32 $0x5000;
	[sflag:s11] =	ssyncadd.s32 $0xFFFFFF80  }
0x20e: {  	[spmem:s3] =	stream.indirect.scatter.add.f32 [tilespmem:s2], [sflag:$0x1], $0x1, s1, s15, $0xb8;
	[tilespmem:$0x7800] =	vst v63  }
0x20f: {  	_ =	swait.ge [sflag:s11], $0x80  }
0x210: {  	[sflag:s11] =	ssyncset.done $0x0  }
0x211: {  	s14 =	simm.s32 $0x6000;
	s29 =	simm.s32 $0x7000;
	[sflag:s11] =	ssyncadd.s32 $0xFFFFFF80  }
0x212: {  	[spmem:s4] =	stream.indirect.scatter.add.f32 [tilespmem:s29], [sflag:$0x1], $0x1, s14, s15, $0xb8;
	[tilespmem:$0x7800] =	vst v63  }
0x213: {  	_ =	swait.ge [sflag:s11], $0x80  }
0x214: {  	[sflag:s11] =	ssyncset.done $0x0  }
0x215: {  	s30 =	simm.s32 $0x4080;
	s31 =	simm.s32 $0x5080;
	[sflag:s11] =	ssyncadd.s32 $0xFFFFFF80  }
0x216: {  	[spmem:s3] =	stream.indirect.scatter.add.f32 [tilespmem:s31], [sflag:$0x1], $0x1, s30, s15, $0xb8;
	[tilespmem:$0x7800] =	vst v63  }
0x217: {  	_ =	swait.ge [sflag:s11], $0x80  }
0x218: {  	[sflag:s11] =	ssyncset.done $0x0  }
0x219: {  	s1 =	simm.s32 $0x6080;
	s2 =	simm.s32 $0x7080;
	[sflag:s11] =	ssyncadd.s32 $0xFFFFFF80  }
0x21a: {  	[spmem:s4] =	stream.indirect.scatter.add.f32 [tilespmem:s2], [sflag:$0x1], $0x1, s1, s15, $0xb8;
	[tilespmem:$0x7800] =	vst v63  }
0x21b: {  	_ =	swait.ge [sflag:s11], $0x80  }
0x21c: {  	[sflag:s11] =	ssyncset.done $0x0  }
0x21d: {  	s14 =	simm.s32 $0x4100;
	s29 =	simm.s32 $0x5100;
	[sflag:s11] =	ssyncadd.s32 $0xFFFFFF80  }
0x21e: {  	[spmem:s3] =	stream.indirect.scatter.add.f32 [tilespmem:s29], [sflag:$0x1], $0x1, s14, s15, $0xb8;
	[tilespmem:$0x7800] =	vst v63  }
0x21f: {  	_ =	swait.ge [sflag:s11], $0x80  }
0x220: {  	[sflag:s11] =	ssyncset.done $0x0  }
0x221: {  	s30 =	simm.s32 $0x6100;
	s31 =	simm.s32 $0x7100;
	[sflag:s11] =	ssyncadd.s32 $0xFFFFFF80  }
0x222: {  	[spmem:s4] =	stream.indirect.scatter.add.f32 [tilespmem:s31], [sflag:$0x1], $0x1, s30, s15, $0xb8;
	[tilespmem:$0x7800] =	vst v63  }
0x223: {  	_ =	swait.ge [sflag:s11], $0x80  }
0x224: {  	[sflag:s11] =	ssyncset.done $0x0  }
0x225: {  	s1 =	simm.s32 $0x4180;
	s2 =	simm.s32 $0x5180;
	[sflag:s11] =	ssyncadd.s32 $0xFFFFFF80  }
0x226: {  	[spmem:s3] =	stream.indirect.scatter.add.f32 [tilespmem:s2], [sflag:$0x1], $0x1, s1, s15, $0xb8;
	[tilespmem:$0x7800] =	vst v63  }
0x227: {  	_ =	swait.ge [sflag:s11], $0x80  }
0x228: {  	[sflag:s11] =	ssyncset.done $0x0  }
0x229: {  	s14 =	simm.s32 $0x6180;
	s29 =	simm.s32 $0x7180;
	[sflag:s11] =	ssyncadd.s32 $0xFFFFFF80  }
0x22a: {  	[spmem:s4] =	stream.indirect.scatter.add.f32 [tilespmem:s29], [sflag:$0x1], $0x1, s14, s15, $0xb8;
	[tilespmem:$0x7800] =	vst v63  }
0x22b: {  	_ =	swait.ge [sflag:s11], $0x80  }
0x22c: {  	[sflag:s11] =	ssyncset.done $0x0  }
0x22d: {  	s30 =	simm.s32 $0x4200;
	s31 =	simm.s32 $0x5200;
	[sflag:s11] =	ssyncadd.s32 $0xFFFFFF80  }
0x22e: {  	[spmem:s3] =	stream.indirect.scatter.add.f32 [tilespmem:s31], [sflag:$0x1], $0x1, s30, s15, $0xb8;
	[tilespmem:$0x7800] =	vst v63  }
0x22f: {  	_ =	swait.ge [sflag:s11], $0x80  }
0x230: {  	[sflag:s11] =	ssyncset.done $0x0  }
0x231: {  	s1 =	simm.s32 $0x6200;
	s2 =	simm.s32 $0x7200;
	[sflag:s11] =	ssyncadd.s32 $0xFFFFFF80  }
0x232: {  	[spmem:s4] =	stream.indirect.scatter.add.f32 [tilespmem:s2], [sflag:$0x1], $0x1, s1, s15, $0xb8;
	[tilespmem:$0x7800] =	vst v63  }
0x233: {  	_ =	swait.ge [sflag:s11], $0x80  }
0x234: {  	[sflag:s11] =	ssyncset.done $0x0  }
0x235: {  	s14 =	simm.s32 $0x4280;
	s29 =	simm.s32 $0x5280;
	[sflag:s11] =	ssyncadd.s32 $0xFFFFFF80  }
0x236: {  	[spmem:s3] =	stream.indirect.scatter.add.f32 [tilespmem:s29], [sflag:$0x1], $0x1, s14, s15, $0xb8;
	[tilespmem:$0x7800] =	vst v63  }
0x237: {  	_ =	swait.ge [sflag:s11], $0x80  }
0x238: {  	[sflag:s11] =	ssyncset.done $0x0  }
0x239: {  	s30 =	simm.s32 $0x6280;
	s31 =	simm.s32 $0x7280;
	[sflag:s11] =	ssyncadd.s32 $0xFFFFFF80  }
0x23a: {  	[spmem:s4] =	stream.indirect.scatter.add.f32 [tilespmem:s31], [sflag:$0x1], $0x1, s30, s15, $0xb8;
	[tilespmem:$0x7800] =	vst v63  }
0x23b: {  	_ =	swait.ge [sflag:s11], $0x80  }
0x23c: {  	[sflag:s11] =	ssyncset.done $0x0  }
0x23d: {  	s1 =	simm.s32 $0x4300;
	s2 =	simm.s32 $0x5300;
	[sflag:s11] =	ssyncadd.s32 $0xFFFFFF80  }
0x23e: {  	[spmem:s3] =	stream.indirect.scatter.add.f32 [tilespmem:s2], [sflag:$0x1], $0x1, s1, s15, $0xb8;
	[tilespmem:$0x7800] =	vst v63  }
0x23f: {  	_ =	swait.ge [sflag:s11], $0x80  }
0x240: {  	[sflag:s11] =	ssyncset.done $0x0  }
0x241: {  	s14 =	simm.s32 $0x6300;
	s29 =	simm.s32 $0x7300;
	[sflag:s11] =	ssyncadd.s32 $0xFFFFFF80  }
0x242: {  	[spmem:s4] =	stream.indirect.scatter.add.f32 [tilespmem:s29], [sflag:$0x1], $0x1, s14, s15, $0xb8;
	[tilespmem:$0x7800] =	vst v63  }
0x243: {  	_ =	swait.ge [sflag:s11], $0x80  }
0x244: {  	[sflag:s11] =	ssyncset.done $0x0  }
0x245: {  	s30 =	simm.s32 $0x4380;
	s31 =	simm.s32 $0x5380;
	[sflag:s11] =	ssyncadd.s32 $0xFFFFFF80  }
0x246: {  	[spmem:s3] =	stream.indirect.scatter.add.f32 [tilespmem:s31], [sflag:$0x1], $0x1, s30, s15, $0xb8;
	[tilespmem:$0x7800] =	vst v63  }
0x247: {  	_ =	swait.ge [sflag:s11], $0x80  }
0x248: {  	[sflag:s11] =	ssyncset.done $0x0  }
0x249: {  	s1 =	simm.s32 $0x6380;
	s2 =	simm.s32 $0x7380;
	[sflag:s11] =	ssyncadd.s32 $0xFFFFFF80  }
0x24a: {  	[spmem:s4] =	stream.indirect.scatter.add.f32 [tilespmem:s2], [sflag:$0x1], $0x1, s1, s15, $0xb8;
	[tilespmem:$0x7800] =	vst v63  }
0x24b: {  	_ =	swait.ge [sflag:s11], $0x80  }
0x24c: {  	[sflag:s11] =	ssyncset.done $0x0  }
0x24d: {  	s14 =	simm.s32 $0x4400;
	s29 =	simm.s32 $0x5400;
	[sflag:s11] =	ssyncadd.s32 $0xFFFFFF80  }
0x24e: {  	[spmem:s3] =	stream.indirect.scatter.add.f32 [tilespmem:s29], [sflag:$0x1], $0x1, s14, s15, $0xb8;
	[tilespmem:$0x7800] =	vst v63  }
0x24f: {  	_ =	swait.ge [sflag:s11], $0x80  }
0x250: {  	[sflag:s11] =	ssyncset.done $0x0  }
0x251: {  	s30 =	simm.s32 $0x6400;
	s31 =	simm.s32 $0x7400;
	[sflag:s11] =	ssyncadd.s32 $0xFFFFFF80  }
0x252: {  	[spmem:s4] =	stream.indirect.scatter.add.f32 [tilespmem:s31], [sflag:$0x1], $0x1, s30, s15, $0xb8;
	[tilespmem:$0x7800] =	vst v63  }
0x253: {  	_ =	swait.ge [sflag:s11], $0x80  }
0x254: {  	[sflag:s11] =	ssyncset.done $0x0  }
0x255: {  	s1 =	simm.s32 $0x4480;
	s2 =	simm.s32 $0x5480;
	[sflag:s11] =	ssyncadd.s32 $0xFFFFFF80  }
0x256: {  	[spmem:s3] =	stream.indirect.scatter.add.f32 [tilespmem:s2], [sflag:$0x1], $0x1, s1, s15, $0xb8;
	[tilespmem:$0x7800] =	vst v63  }
0x257: {  	_ =	swait.ge [sflag:s11], $0x80  }
0x258: {  	[sflag:s11] =	ssyncset.done $0x0  }
0x259: {  	s14 =	simm.s32 $0x6480;
	s29 =	simm.s32 $0x7480;
	[sflag:s11] =	ssyncadd.s32 $0xFFFFFF80  }
0x25a: {  	[spmem:s4] =	stream.indirect.scatter.add.f32 [tilespmem:s29], [sflag:$0x1], $0x1, s14, s15, $0xb8;
	[tilespmem:$0x7800] =	vst v63  }
0x25b: {  	_ =	swait.ge [sflag:s11], $0x80  }
0x25c: {  	[sflag:s11] =	ssyncset.done $0x0  }
0x25d: {  	s30 =	simm.s32 $0x4500;
	s31 =	simm.s32 $0x5500;
	[sflag:s11] =	ssyncadd.s32 $0xFFFFFF80  }
0x25e: {  	[spmem:s3] =	stream.indirect.scatter.add.f32 [tilespmem:s31], [sflag:$0x1], $0x1, s30, s15, $0xb8;
	[tilespmem:$0x7800] =	vst v63  }
0x25f: {  	_ =	swait.ge [sflag:s11], $0x80  }
0x260: {  	[sflag:s11] =	ssyncset.done $0x0  }
0x261: {  	s2 =	simm.s32 $0x6500;
	s14 =	simm.s32 $0x7500;
	[sflag:s11] =	ssyncadd.s32 $0xFFFFFF80  }
0x262: {  	[spmem:s4] =	stream.indirect.scatter.add.f32 [tilespmem:s14], [sflag:$0x1], $0x1, s2, s15, $0xb8;
	[tilespmem:$0x7800] =	vst v63  }
0x263: {  	_ =	swait.ge [sflag:s11], $0x80  }
0x264: {  	[sflag:s11] =	ssyncset.done $0x0  }
0x265: {  	s29 =	simm.s32 $0x4580;
	[sflag:s11] =	ssyncadd.s32 $0xFFFFFF80  }
0x266: {  	[spmem:s3] =	stream.indirect.scatter.add.f32 [tilespmem:s20], [sflag:$0x1], $0x1, s29, s15, $0xb8;
	[tilespmem:$0x7800] =	vst v63  }
0x267: {  	_ =	swait.ge [sflag:s11], $0x80  }
0x268: {  	[sflag:s11] =	ssyncset.done $0x0  }
0x269: {  	[sflag:s11] =	ssyncadd.s32 $0xFFFFFF80  }
0x26a: {  	[spmem:s4] =	stream.indirect.scatter.add.f32 [tilespmem:s22], [sflag:$0x1], $0x1, s21, s15, $0xb8;
	[tilespmem:$0x7800] =	vst v63  }
0x26b: {  	_ =	swait.ge [sflag:s11], $0x80  }
0x26c: {  	[sflag:s11] =	ssyncset.done $0x0  }
0x26d: {  	[sflag:s11] =	ssyncadd.s32 $0xFFFFFF80  }
0x26e: {  	[spmem:s3] =	stream.indirect.scatter.add.f32 [tilespmem:s24], [sflag:$0x1], $0x1, s23, s15, $0xb8;
	[tilespmem:$0x7800] =	vst v63  }
0x26f: {  	_ =	swait.ge [sflag:s11], $0x80  }
0x270: {  	[sflag:s11] =	ssyncset.done $0x0  }
0x271: {  	[sflag:s11] =	ssyncadd.s32 $0xFFFFFF80  }
0x272: {  	[spmem:s4] =	stream.indirect.scatter.add.f32 [tilespmem:s26], [sflag:$0x1], $0x1, s25, s15, $0xb8;
	[tilespmem:$0x7800] =	vst v63  }
0x273: {  	s30 =	stileid.u32;
	_ =	swait.ge [sflag:s11], $0x80  }
0x274: {  	s0 =	sshll.u32 s30, $0x6;
	[sflag:s11] =	ssyncset.done $0x0  }
0x275: {  	s31 =	sshrl.u32 s4, $0x3;
	s0 =	sor.u32 $0x1C01, s0;
	[sflag:s11] =	ssyncadd.s32 $0xFFFFFF80  }
0x276: {  	[hbm:s7], [sflag:s0] =	dma.local [spmem:s31], $0x1F0  }
0x277: {  	_ =	swait.ge [sflag:s11], $0x1F0  }
0x278: {  	[sflag:s11] =	ssyncset.done $0x0  }
0x279: {  	[sflag:s11] =	ssyncadd.s32 $0xFFFFFE10  }
0x27a: {  	[tilespmem:s13], [sflag:$0x1] =	stream.linear.gather [spmem:s3], $0x80, $0x38;
	[tilespmem:$0x7800] =	vst v63  }
0x27b: {  	s28 =	sadd.s32 $0x1, s28;
	_ =	swait.ge [sflag:s11], $0x80  }
0x27c: {  	p0 =	sne.s32 s28, s9;
	[sflag:s11] =	ssyncset.done $0x0  }
.Ltmp2:
0x27d: {  	[sflag:s11] =	ssyncadd.s32 $0xFFFFFF80;
	(pc) =	sbr.rel @p0 .LBB2_2-.Ltmp2, $4  }
0x27e: {  	[hbm4b:s8+s10] =	stream.linear.scatter [tilespmem:s13], [sflag:$0x1], $0x80, $0x38;
	[tilespmem:$0x7800] =	vst v63  }
0x27f: {  	_ =	swait.ge [sflag:s11], $0x80  }
0x280: {  	[sflag:s11] =	ssyncset.done $0x0  }
0x281: {  	[sflag:s11] =	ssyncadd.s32 $0xFFFFFF80  }
.LBB2_5:
0x282: {  	_ =	sfence.sel $0x180000  }
0x283: {  	[bflag:$0x0] =	sbarrier.arrive $0xFFFF  }
0x284: {  	_ =	strace $0x90000047  }
0x285: {  	s0 =	stileid.u32;
	[bflag:$0x2] =	sbarrier.arrive $0xFFFF  }
0x286: {  	p0 =	sne.s32 s0, $0x0;
	s0 =	rddreg [dreg:$0x4]  }
0x287: {  	s0 =	sadd.s32 @!p0 $0x100000, s0  }
0x288: {  	[sflag:s0] =	ssyncadd.tile.s32 @!p0 $0x1;
	_ =	shalt  }
.Lfunc_end2:
_tile_overlayer_lowered:
.L_overlay_start_2:
0x289: {  	(tag) =	ssettag $0x2  }
0x28a: {  	s0 =	rddreg [dreg:$0x0];
	s2 =	stileid.u32  }
0x28b: {  	s1 =	rddreg [dreg:$0x1];
	p0 =	sne.s32 s2, $0x0  }
0x28c: {  	s3 =	rddreg [dreg:$0x2];
	[bflag:$0x3] =	sbarrier.arrive $0xFFFF;
	s2 =	simm.s32 @!p0 $0x1C01  }
0x28d: {  	[timem:s3], [sflag:s2] =	dma.local @!p0 [hbm:s0], s1  }
0x28e: {  	s0 =	simm.s32 @!p0 $0x1  }
0x28f: {  	_ =	swait.ge @!p0 [sflag:s0], s1  }
0x290: {  	s1 =	ssub.s32 @!p0 $0x0, s1;
	[sflag:s0] =	ssyncset.done @!p0 $0x0  }
0x291: {  	[sflag:s0] =	ssyncadd.s32 @!p0 s1  }
0x292: {  	[bflag:$0x3] =	sbarrier.arrive $0xFFFF  }
0x293: {  	_ =	shalt  }

</sc_bundles>
